<compile_context>
chip_gen: v7x
topology: tpu7x:2x2x1
jax: 0.10.2.dev20260603
libtpu: 0.0.44.dev20260713+nightly
codegen_flags: <defaults>
</compile_context>

<pallas_src>
import functools

import jax
import jax.numpy as jnp
from jax import lax
from jax.experimental import pallas as pl
from jax.experimental.pallas import tpu as pltpu
from jax.experimental.pallas import tpu_sc as plsc

EMB_DIM = 32
IDX_ROW = 128
ROWS_PER_CHUNK = 8
CHUNK = IDX_ROW * ROWS_PER_CHUNK
NBUF = 3
QROWS = 250112
QB = QROWS // 256
BATCH = 16384
HIST = 200


def _tc_transpose_body(t0, t1, t2, t3, out_ref):
    parts = [jnp.transpose(t[...], (1, 0)) for t in (t0, t1, t2, t3)]
    out_ref[...] = jnp.concatenate(parts, axis=1)


@functools.lru_cache(maxsize=None)
def _make_tc_transpose():
    def _imap(m, i):
        if m == 3:
            i = jnp.minimum(i, QB - 2)
        return (0, m * QB + i)

    specs = [pl.BlockSpec((32, 256), functools.partial(_imap, m))
             for m in range(4)]
    return pl.pallas_call(
        _tc_transpose_body,
        grid=(QB,),
        in_specs=specs,
        out_specs=pl.BlockSpec((256, 128), lambda i: (i, 0)),
        out_shape=jax.ShapeDtypeStruct((QROWS, 128), jnp.float32),
    )


@functools.lru_cache(maxsize=None)
def _make_sc_gather(num_idx, vocab_pad):
    info = plsc.get_sparse_core_info()
    nc, ns = info.num_cores, info.num_subcores
    nw = nc * ns
    assert num_idx % (nw * CHUNK) == 0
    per_w = num_idx // nw
    rows_w = per_w // IDX_ROW
    chunks = per_w // CHUNK
    assert chunks >= NBUF + 1 and (chunks - NBUF - 1) % NBUF == 0

    mesh = plsc.VectorSubcoreMesh(core_axis_name="c", subcore_axis_name="s")

    @functools.partial(
        pl.kernel,
        out_type=jax.ShapeDtypeStruct((num_idx, EMB_DIM), jnp.float32),
        mesh=mesh,
        compiler_params=pltpu.CompilerParams(use_tc_tiling_on_sc=False),
        scratch_types=[
            pltpu.VMEM((NBUF, ROWS_PER_CHUNK, IDX_ROW), jnp.int32),
            pltpu.VMEM((NBUF, CHUNK, EMB_DIM), jnp.float32),
            pltpu.SemaphoreType.DMA((NBUF,)),
            pltpu.SemaphoreType.DMA((NBUF,)),
            pltpu.SemaphoreType.DMA((NBUF,)),
        ],
    )
    def gather_kernel(x_hbm, table_hbm, out_hbm, idx_v, rows_v,
                      isem, gsem, wsem):
        wid = lax.axis_index("s") * nc + lax.axis_index("c")
        row_base = wid * rows_w
        out_base = wid * per_w
        last = chunks - 1

        def idx_copy(g, s):
            return pltpu.make_async_copy(
                x_hbm.at[pl.ds(row_base + g * ROWS_PER_CHUNK, ROWS_PER_CHUNK)],
                idx_v.at[s], isem.at[s])

        def gath_copy(s, j):
            return pltpu.make_async_copy(
                table_hbm.at[idx_v.at[s, j]],
                rows_v.at[s, pl.ds(j * IDX_ROW, IDX_ROW)], gsem.at[s])

        def wb_copy(g, s):
            return pltpu.make_async_copy(
                rows_v.at[s], out_hbm.at[pl.ds(out_base + g * CHUNK, CHUNK)],
                wsem.at[s])

        def fire_gathers(s):
            for j in range(ROWS_PER_CHUNK):
                gath_copy(s, j).start()

        def drain_gathers(s):
            for j in range(ROWS_PER_CHUNK):
                gath_copy(s, j).wait()

        idx_copy(0, 0).start()
        idx_copy(1, 1).start()
        idx_copy(0, 0).wait()
        fire_gathers(0)
        idx_copy(2, 2).start()
        idx_copy(1, 1).wait()
        fire_gathers(1)
        drain_gathers(0)
        wb_copy(0, 0).start()
        idx_copy(3, 0).start()
        idx_copy(2, 2).wait()
        fire_gathers(2)
        drain_gathers(1)
        wb_copy(1, 1).start()
        idx_copy(4, 1).start()

        def body(k, carry):
            for b in range(NBUF):
                g = NBUF + k * NBUF + b
                sp = (b + NBUF - 1) % NBUF
                idx_copy(g, b).wait()
                wb_copy(g - NBUF, b).wait()
                fire_gathers(b)
                drain_gathers(sp)
                wb_copy(g - 1, sp).start()
                idx_copy(jnp.minimum(g + 2, last), sp).start()
            return carry

        lax.fori_loop(0, (chunks - NBUF - 1) // NBUF, body, 0)

        g = last
        s = last % NBUF
        sp = (s + NBUF - 1) % NBUF
        idx_copy(g, s).wait()
        wb_copy(g - NBUF, s).wait()
        fire_gathers(s)
        drain_gathers(sp)
        wb_copy(g - 1, sp).start()
        drain_gathers(s)
        wb_copy(g, s).start()
        wb_copy(g - 2, (s + 1) % NBUF).wait()
        wb_copy(g - 1, sp).wait()
        wb_copy(g, s).wait()
        idx_copy(last, (s + 1) % NBUF).wait()

    return gather_kernel


def kernel(x, table):
    tt = table.T
    t128 = _make_tc_transpose()(tt, tt, tt, tt)
    t_rm = t128.reshape(4 * QROWS, EMB_DIM)
    m = ((x >= QROWS).astype(jnp.int32)
         + (x >= 2 * QROWS).astype(jnp.int32)
         + (x >= 3 * QROWS).astype(jnp.int32))
    iv = x * 4 - m * (4 * QROWS - 1)
    iv_rows = (iv.T.reshape(HIST // 8, 8, BATCH // 128, 128)
               .transpose(0, 2, 1, 3)
               .reshape(BATCH * HIST // 128, 128))
    y = _make_sc_gather(BATCH * HIST, 4 * QROWS)(iv_rows, t_rm)
    return (y.reshape(HIST // 8, BATCH // 128, 8, 128, EMB_DIM)
            .transpose(1, 3, 0, 2, 4)
            .reshape(BATCH, HIST, EMB_DIM))

# --- scband reference (transcript-rebuilt; emitter-appended) ---
"""Pipeline reference for scband-encoder-33045478375696 (READ-ONLY COPY).

The authoritative reference and input builder live on the scoring server;
editing this copy changes nothing except your own understanding.
"""

import jax, jax.numpy as jnp
import numpy as np

VOCAB_SIZE = 1000000
VOCAB_OFFSET = 1
NUM_EMB = VOCAB_SIZE + VOCAB_OFFSET  # 1000001
EMB_DIM = 32
BATCH = 16384
HIST_LEN = 200


def setup_inputs(seed: int = 0) -> dict:
    key = jax.random.key(seed)
    k_tab, k_idx = jax.random.split(key)
    # Embedding table (nn.Embedding default init ~ N(0,1)); padding_idx=0 row is zero.
    table = jax.random.normal(k_tab, (NUM_EMB, EMB_DIM), dtype=jnp.float32)
    table = table.at[0].set(0.0)
    x = jax.random.randint(k_idx, (BATCH, HIST_LEN), 0, NUM_EMB, dtype=jnp.int32)
    return {"x": x, "table": table}


def reference(x, table):
    # Encoder.forward: x = self.embeddings(x)
    return jnp.take(table, x, axis=0)

if __name__ == "__main__":
    import jax
    _d = setup_inputs()
    print(jax.jit(kernel)(*tuple(_d.values())))

</pallas_src>

<mosaic_0001>
#map = affine_map<(d0, d1) -> (0, 0)>
module attributes {stable_mosaic.version = 14 : i64} {
  func.func @gather_kernel(%arg0: i32, %arg1: i32, %arg2: memref<25600x128xi32, #tpu.memory_space<hbm>>, %arg3: memref<1000448x32xf32, #tpu.memory_space<hbm>>, %arg4: memref<3276800x32xf32, #tpu.memory_space<hbm>>, %arg5: memref<3x8x128xi32, #tpu.memory_space<vmem>>, %arg6: memref<3x1024x32xf32, #tpu.memory_space<vmem>>, %arg7: memref<3x!tpu.dma_semaphore, #tpu.memory_space<semaphore_mem>>, %arg8: memref<3x!tpu.dma_semaphore, #tpu.memory_space<semaphore_mem>>, %arg9: memref<3x!tpu.dma_semaphore, #tpu.memory_space<semaphore_mem>>) attributes {dimension_semantics = [#tpu.dimension_semantics<core_parallel>, #tpu.dimension_semantics<subcore_parallel>], iteration_bounds = array<i64: 2, 16>, scalar_prefetch = 0 : i64, scratch_operands = 5 : i64, tpu.core_type = #tpu.core_type<sc_vector_subcore>, window_params = [{transform_indices = #map}, {transform_indices = #map}, {transform_indices = #map}]} {
    %mul3A = arith.constant 2 : i32
    %mul3A_0 = arith.muli %arg1, %mul3A : i32
    %add3A = arith.addi %mul3A_0, %arg0 : i32
    %mul3A_1 = arith.constant 800 : i32
    %mul3A_2 = arith.muli %add3A, %mul3A_1 : i32
    %mul3A_3 = arith.constant 102400 : i32
    %mul3A_4 = arith.muli %add3A, %mul3A_3 : i32
    %add3A_5 = arith.constant 0 : i32
    %add3A_6 = arith.addi %mul3A_2, %add3A_5 : i32
    %dma_start3A = arith.constant 0 : i32
    %dma_start3A_7 = arith.constant 0 : i32
    %dma_start3A_8 = arith.constant 0 : i32
    %dma_start3A_9 = arith.constant 0 : i32
    %dma_start3A_10 = tpu.memref_slice %arg5[%dma_start3A, %dma_start3A_8, %dma_start3A_9] : memref<3x8x128xi32, #tpu.memory_space<vmem>> -> memref<1x8x128xi32, #tpu.memory_space<vmem>>
    %dma_start3A_11 = tpu.memref_squeeze %dma_start3A_10 : memref<1x8x128xi32, #tpu.memory_space<vmem>> -> memref<8x128xi32, #tpu.memory_space<vmem>>
    %dma_start3A_12 = arith.constant 0 : i32
    %dma_start3A_13 = tpu.memref_slice %arg2[%add3A_6, %dma_start3A_12] : memref<25600x128xi32, #tpu.memory_space<hbm>> -> memref<8x128xi32, #tpu.memory_space<hbm>>
    %dma_start3A_14 = tpu.memref_slice %arg7[%dma_start3A_7] : memref<3x!tpu.dma_semaphore, #tpu.memory_space<semaphore_mem>> -> memref<1x!tpu.dma_semaphore, #tpu.memory_space<semaphore_mem>>
    %dma_start3A_15 = tpu.memref_squeeze %dma_start3A_14 : memref<1x!tpu.dma_semaphore, #tpu.memory_space<semaphore_mem>> -> memref<!tpu.dma_semaphore, #tpu.memory_space<semaphore_mem>>
    %dma_start3A_16 = arith.constant 0 : i32
    %dma_start3A_17 = arith.constant 0 : i32
    %dma_start3A_18 = tpu.memref_slice %arg5[%dma_start3A, %dma_start3A_16, %dma_start3A_17] : memref<3x8x128xi32, #tpu.memory_space<vmem>> -> memref<1x8x128xi32, #tpu.memory_space<vmem>>
    %dma_start3A_19 = tpu.memref_squeeze %dma_start3A_18 : memref<1x8x128xi32, #tpu.memory_space<vmem>> -> memref<8x128xi32, #tpu.memory_space<vmem>>
    %dma_start3A_20 = arith.constant 0 : i32
    %dma_start3A_21 = tpu.memref_slice %arg2[%add3A_6, %dma_start3A_20] : memref<25600x128xi32, #tpu.memory_space<hbm>> -> memref<8x128xi32, #tpu.memory_space<hbm>>
    tpu.enqueue_dma source(%dma_start3A_21 : memref<8x128xi32, #tpu.memory_space<hbm>>) target(%dma_start3A_19 : memref<8x128xi32, #tpu.memory_space<vmem>>) target_semaphore(%dma_start3A_15 : memref<!tpu.dma_semaphore, #tpu.memory_space<semaphore_mem>>)
    %add3A_22 = arith.constant 8 : i32
    %add3A_23 = arith.addi %mul3A_2, %add3A_22 : i32
    %dma_start3A_24 = arith.constant 1 : i32
    %dma_start3A_25 = arith.constant 1 : i32
    %dma_start3A_26 = arith.constant 0 : i32
    %dma_start3A_27 = arith.constant 0 : i32
    %dma_start3A_28 = tpu.memref_slice %arg5[%dma_start3A_24, %dma_start3A_26, %dma_start3A_27] : memref<3x8x128xi32, #tpu.memory_space<vmem>> -> memref<1x8x128xi32, #tpu.memory_space<vmem>>
    %dma_start3A_29 = tpu.memref_squeeze %dma_start3A_28 : memref<1x8x128xi32, #tpu.memory_space<vmem>> -> memref<8x128xi32, #tpu.memory_space<vmem>>
    %dma_start3A_30 = arith.constant 0 : i32
    %dma_start3A_31 = tpu.memref_slice %arg2[%add3A_23, %dma_start3A_30] : memref<25600x128xi32, #tpu.memory_space<hbm>> -> memref<8x128xi32, #tpu.memory_space<hbm>>
    %dma_start3A_32 = tpu.memref_slice %arg7[%dma_start3A_25] : memref<3x!tpu.dma_semaphore, #tpu.memory_space<semaphore_mem>> -> memref<1x!tpu.dma_semaphore, #tpu.memory_space<semaphore_mem>>
    %dma_start3A_33 = tpu.memref_squeeze %dma_start3A_32 : memref<1x!tpu.dma_semaphore, #tpu.memory_space<semaphore_mem>> -> memref<!tpu.dma_semaphore, #tpu.memory_space<semaphore_mem>>
    %dma_start3A_34 = arith.constant 0 : i32
    %dma_start3A_35 = arith.constant 0 : i32
    %dma_start3A_36 = tpu.memref_slice %arg5[%dma_start3A_24, %dma_start3A_34, %dma_start3A_35] : memref<3x8x128xi32, #tpu.memory_space<vmem>> -> memref<1x8x128xi32, #tpu.memory_space<vmem>>
    %dma_start3A_37 = tpu.memref_squeeze %dma_start3A_36 : memref<1x8x128xi32, #tpu.memory_space<vmem>> -> memref<8x128xi32, #tpu.memory_space<vmem>>
    %dma_start3A_38 = arith.constant 0 : i32
    %dma_start3A_39 = tpu.memref_slice %arg2[%add3A_23, %dma_start3A_38] : memref<25600x128xi32, #tpu.memory_space<hbm>> -> memref<8x128xi32, #tpu.memory_space<hbm>>
    tpu.enqueue_dma source(%dma_start3A_39 : memref<8x128xi32, #tpu.memory_space<hbm>>) target(%dma_start3A_37 : memref<8x128xi32, #tpu.memory_space<vmem>>) target_semaphore(%dma_start3A_33 : memref<!tpu.dma_semaphore, #tpu.memory_space<semaphore_mem>>)
    %add3A_40 = arith.constant 0 : i32
    %add3A_41 = arith.addi %mul3A_2, %add3A_40 : i32
    %dma_wait3A = arith.constant 0 : i32
    %dma_wait3A_42 = arith.constant 0 : i32
    %dma_wait3A_43 = arith.constant 0 : i32
    %dma_wait3A_44 = arith.constant 0 : i32
    %dma_wait3A_45 = tpu.memref_slice %arg5[%dma_wait3A, %dma_wait3A_43, %dma_wait3A_44] : memref<3x8x128xi32, #tpu.memory_space<vmem>> -> memref<1x8x128xi32, #tpu.memory_space<vmem>>
    %dma_wait3A_46 = tpu.memref_squeeze %dma_wait3A_45 : memref<1x8x128xi32, #tpu.memory_space<vmem>> -> memref<8x128xi32, #tpu.memory_space<vmem>>
    %dma_wait3A_47 = arith.constant 0 : i32
    %dma_wait3A_48 = tpu.memref_slice %arg2[%add3A_41, %dma_wait3A_47] : memref<25600x128xi32, #tpu.memory_space<hbm>> -> memref<8x128xi32, #tpu.memory_space<hbm>>
    %dma_wait3A_49 = tpu.memref_slice %arg7[%dma_wait3A_42] : memref<3x!tpu.dma_semaphore, #tpu.memory_space<semaphore_mem>> -> memref<1x!tpu.dma_semaphore, #tpu.memory_space<semaphore_mem>>
    %dma_wait3A_50 = tpu.memref_squeeze %dma_wait3A_49 : memref<1x!tpu.dma_semaphore, #tpu.memory_space<semaphore_mem>> -> memref<!tpu.dma_semaphore, #tpu.memory_space<semaphore_mem>>
    %dma_wait3A_51 = arith.constant 0 : i32
    %dma_wait3A_52 = arith.constant 0 : i32
    %dma_wait3A_53 = tpu.memref_slice %arg5[%dma_wait3A, %dma_wait3A_51, %dma_wait3A_52] : memref<3x8x128xi32, #tpu.memory_space<vmem>> -> memref<1x8x128xi32, #tpu.memory_space<vmem>>
    %dma_wait3A_54 = tpu.memref_squeeze %dma_wait3A_53 : memref<1x8x128xi32, #tpu.memory_space<vmem>> -> memref<8x128xi32, #tpu.memory_space<vmem>>
    %dma_wait3A_55 = arith.constant 0 : i32
    %dma_wait3A_56 = tpu.memref_slice %arg2[%add3A_41, %dma_wait3A_55] : memref<25600x128xi32, #tpu.memory_space<hbm>> -> memref<8x128xi32, #tpu.memory_space<hbm>>
    tpu.wait_dma2 semaphore(%dma_wait3A_50 : memref<!tpu.dma_semaphore, #tpu.memory_space<semaphore_mem>>) src(%dma_wait3A_56 : memref<8x128xi32, #tpu.memory_space<hbm>>) dst(%dma_wait3A_54 : memref<8x128xi32, #tpu.memory_space<vmem>>)
    %dma_start3A_57 = arith.constant 0 : i32
    %dma_start3A_58 = arith.constant 0 : i32
    %dma_start3A_59 = arith.constant 0 : i32
    %dma_start3A_60 = arith.constant 0 : i32
    %dma_start3A_61 = arith.constant 0 : i32
    %dma_start3A_62 = arith.constant 0 : i32
    %dma_start3A_63 = tpu.memref_slice %arg6[%dma_start3A_59, %dma_start3A_61, %dma_start3A_62] : memref<3x1024x32xf32, #tpu.memory_space<vmem>> -> memref<1x128x32xf32, #tpu.memory_space<vmem>>
    %dma_start3A_64 = tpu.memref_squeeze %dma_start3A_63 : memref<1x128x32xf32, #tpu.memory_space<vmem>> -> memref<128x32xf32, #tpu.memory_space<vmem>>
    %dma_start3A_65 = arith.constant 0 : i32
    %dma_start3A_66 = tpu.memref_slice %arg5[%dma_start3A_57, %dma_start3A_58, %dma_start3A_65] : memref<3x8x128xi32, #tpu.memory_space<vmem>> -> memref<1x1x128xi32, #tpu.memory_space<vmem>>
    %dma_start3A_67 = tpu.memref_squeeze %dma_start3A_66 : memref<1x1x128xi32, #tpu.memory_space<vmem>> -> memref<128xi32, #tpu.memory_space<vmem>>
    %dma_start3A_68 = arith.constant 0 : i32
    %dma_start3A_69 = arith.constant 0 : i32
    %dma_start3A_70 = tpu.memref_slice %arg3[%dma_start3A_68, %dma_start3A_69] : memref<1000448x32xf32, #tpu.memory_space<hbm>> -> memref<1000448x32xf32, #tpu.memory_space<hbm>>
    %dma_start3A_71 = tpu.memref_slice %arg8[%dma_start3A_60] : memref<3x!tpu.dma_semaphore, #tpu.memory_space<semaphore_mem>> -> memref<1x!tpu.dma_semaphore, #tpu.memory_space<semaphore_mem>>
    %dma_start3A_72 = tpu.memref_squeeze %dma_start3A_71 : memref<1x!tpu.dma_semaphore, #tpu.memory_space<semaphore_mem>> -> memref<!tpu.dma_semaphore, #tpu.memory_space<semaphore_mem>>
    tpu.enqueue_indirect_dma source(%dma_start3A_70 : memref<1000448x32xf32, #tpu.memory_space<hbm>>) target(%dma_start3A_64 : memref<128x32xf32, #tpu.memory_space<vmem>>) offsets(%dma_start3A_67 : memref<128xi32, #tpu.memory_space<vmem>>) semaphore(%dma_start3A_72 : memref<!tpu.dma_semaphore, #tpu.memory_space<semaphore_mem>>)
    %dma_start3A_73 = arith.constant 0 : i32
    %dma_start3A_74 = arith.constant 1 : i32
    %dma_start3A_75 = arith.constant 0 : i32
    %dma_start3A_76 = arith.constant 0 : i32
    %dma_start3A_77 = arith.constant 128 : i32
    %dma_start3A_78 = arith.constant 0 : i32
    %dma_start3A_79 = tpu.memref_slice %arg6[%dma_start3A_75, %dma_start3A_77, %dma_start3A_78] : memref<3x1024x32xf32, #tpu.memory_space<vmem>> -> memref<1x128x32xf32, #tpu.memory_space<vmem>>
    %dma_start3A_80 = tpu.memref_squeeze %dma_start3A_79 : memref<1x128x32xf32, #tpu.memory_space<vmem>> -> memref<128x32xf32, #tpu.memory_space<vmem>>
    %dma_start3A_81 = arith.constant 0 : i32
    %dma_start3A_82 = tpu.memref_slice %arg5[%dma_start3A_73, %dma_start3A_74, %dma_start3A_81] : memref<3x8x128xi32, #tpu.memory_space<vmem>> -> memref<1x1x128xi32, #tpu.memory_space<vmem>>
    %dma_start3A_83 = tpu.memref_squeeze %dma_start3A_82 : memref<1x1x128xi32, #tpu.memory_space<vmem>> -> memref<128xi32, #tpu.memory_space<vmem>>
    %dma_start3A_84 = arith.constant 0 : i32
    %dma_start3A_85 = arith.constant 0 : i32
    %dma_start3A_86 = tpu.memref_slice %arg3[%dma_start3A_84, %dma_start3A_85] : memref<1000448x32xf32, #tpu.memory_space<hbm>> -> memref<1000448x32xf32, #tpu.memory_space<hbm>>
    %dma_start3A_87 = tpu.memref_slice %arg8[%dma_start3A_76] : memref<3x!tpu.dma_semaphore, #tpu.memory_space<semaphore_mem>> -> memref<1x!tpu.dma_semaphore, #tpu.memory_space<semaphore_mem>>
    %dma_start3A_88 = tpu.memref_squeeze %dma_start3A_87 : memref<1x!tpu.dma_semaphore, #tpu.memory_space<semaphore_mem>> -> memref<!tpu.dma_semaphore, #tpu.memory_space<semaphore_mem>>
    tpu.enqueue_indirect_dma source(%dma_start3A_86 : memref<1000448x32xf32, #tpu.memory_space<hbm>>) target(%dma_start3A_80 : memref<128x32xf32, #tpu.memory_space<vmem>>) offsets(%dma_start3A_83 : memref<128xi32, #tpu.memory_space<vmem>>) semaphore(%dma_start3A_88 : memref<!tpu.dma_semaphore, #tpu.memory_space<semaphore_mem>>)
    %dma_start3A_89 = arith.constant 0 : i32
    %dma_start3A_90 = arith.constant 2 : i32
    %dma_start3A_91 = arith.constant 0 : i32
    %dma_start3A_92 = arith.constant 0 : i32
    %dma_start3A_93 = arith.constant 256 : i32
    %dma_start3A_94 = arith.constant 0 : i32
    %dma_start3A_95 = tpu.memref_slice %arg6[%dma_start3A_91, %dma_start3A_93, %dma_start3A_94] : memref<3x1024x32xf32, #tpu.memory_space<vmem>> -> memref<1x128x32xf32, #tpu.memory_space<vmem>>
    %dma_start3A_96 = tpu.memref_squeeze %dma_start3A_95 : memref<1x128x32xf32, #tpu.memory_space<vmem>> -> memref<128x32xf32, #tpu.memory_space<vmem>>
    %dma_start3A_97 = arith.constant 0 : i32
    %dma_start3A_98 = tpu.memref_slice %arg5[%dma_start3A_89, %dma_start3A_90, %dma_start3A_97] : memref<3x8x128xi32, #tpu.memory_space<vmem>> -> memref<1x1x128xi32, #tpu.memory_space<vmem>>
    %dma_start3A_99 = tpu.memref_squeeze %dma_start3A_98 : memref<1x1x128xi32, #tpu.memory_space<vmem>> -> memref<128xi32, #tpu.memory_space<vmem>>
    %dma_start3A_100 = arith.constant 0 : i32
    %dma_start3A_101 = arith.constant 0 : i32
    %dma_start3A_102 = tpu.memref_slice %arg3[%dma_start3A_100, %dma_start3A_101] : memref<1000448x32xf32, #tpu.memory_space<hbm>> -> memref<1000448x32xf32, #tpu.memory_space<hbm>>
    %dma_start3A_103 = tpu.memref_slice %arg8[%dma_start3A_92] : memref<3x!tpu.dma_semaphore, #tpu.memory_space<semaphore_mem>> -> memref<1x!tpu.dma_semaphore, #tpu.memory_space<semaphore_mem>>
    %dma_start3A_104 = tpu.memref_squeeze %dma_start3A_103 : memref<1x!tpu.dma_semaphore, #tpu.memory_space<semaphore_mem>> -> memref<!tpu.dma_semaphore, #tpu.memory_space<semaphore_mem>>
    tpu.enqueue_indirect_dma source(%dma_start3A_102 : memref<1000448x32xf32, #tpu.memory_space<hbm>>) target(%dma_start3A_96 : memref<128x32xf32, #tpu.memory_space<vmem>>) offsets(%dma_start3A_99 : memref<128xi32, #tpu.memory_space<vmem>>) semaphore(%dma_start3A_104 : memref<!tpu.dma_semaphore, #tpu.memory_space<semaphore_mem>>)
    %dma_start3A_105 = arith.constant 0 : i32
    %dma_start3A_106 = arith.constant 3 : i32
    %dma_start3A_107 = arith.constant 0 : i32
    %dma_start3A_108 = arith.constant 0 : i32
    %dma_start3A_109 = arith.constant 384 : i32
    %dma_start3A_110 = arith.constant 0 : i32
    %dma_start3A_111 = tpu.memref_slice %arg6[%dma_start3A_107, %dma_start3A_109, %dma_start3A_110] : memref<3x1024x32xf32, #tpu.memory_space<vmem>> -> memref<1x128x32xf32, #tpu.memory_space<vmem>>
    %dma_start3A_112 = tpu.memref_squeeze %dma_start3A_111 : memref<1x128x32xf32, #tpu.memory_space<vmem>> -> memref<128x32xf32, #tpu.memory_space<vmem>>
    %dma_start3A_113 = arith.constant 0 : i32
    %dma_start3A_114 = tpu.memref_slice %arg5[%dma_start3A_105, %dma_start3A_106, %dma_start3A_113] : memref<3x8x128xi32, #tpu.memory_space<vmem>> -> memref<1x1x128xi32, #tpu.memory_space<vmem>>
    %dma_start3A_115 = tpu.memref_squeeze %dma_start3A_114 : memref<1x1x128xi32, #tpu.memory_space<vmem>> -> memref<128xi32, #tpu.memory_space<vmem>>
    %dma_start3A_116 = arith.constant 0 : i32
    %dma_start3A_117 = arith.constant 0 : i32
    %dma_start3A_118 = tpu.memref_slice %arg3[%dma_start3A_116, %dma_start3A_117] : memref<1000448x32xf32, #tpu.memory_space<hbm>> -> memref<1000448x32xf32, #tpu.memory_space<hbm>>
    %dma_start3A_119 = tpu.memref_slice %arg8[%dma_start3A_108] : memref<3x!tpu.dma_semaphore, #tpu.memory_space<semaphore_mem>> -> memref<1x!tpu.dma_semaphore, #tpu.memory_space<semaphore_mem>>
    %dma_start3A_120 = tpu.memref_squeeze %dma_start3A_119 : memref<1x!tpu.dma_semaphore, #tpu.memory_space<semaphore_mem>> -> memref<!tpu.dma_semaphore, #tpu.memory_space<semaphore_mem>>
    tpu.enqueue_indirect_dma source(%dma_start3A_118 : memref<1000448x32xf32, #tpu.memory_space<hbm>>) target(%dma_start3A_112 : memref<128x32xf32, #tpu.memory_space<vmem>>) offsets(%dma_start3A_115 : memref<128xi32, #tpu.memory_space<vmem>>) semaphore(%dma_start3A_120 : memref<!tpu.dma_semaphore, #tpu.memory_space<semaphore_mem>>)
    %dma_start3A_121 = arith.constant 0 : i32
    %dma_start3A_122 = arith.constant 4 : i32
    %dma_start3A_123 = arith.constant 0 : i32
    %dma_start3A_124 = arith.constant 0 : i32
    %dma_start3A_125 = arith.constant 512 : i32
    %dma_start3A_126 = arith.constant 0 : i32
    %dma_start3A_127 = tpu.memref_slice %arg6[%dma_start3A_123, %dma_start3A_125, %dma_start3A_126] : memref<3x1024x32xf32, #tpu.memory_space<vmem>> -> memref<1x128x32xf32, #tpu.memory_space<vmem>>
    %dma_start3A_128 = tpu.memref_squeeze %dma_start3A_127 : memref<1x128x32xf32, #tpu.memory_space<vmem>> -> memref<128x32xf32, #tpu.memory_space<vmem>>
    %dma_start3A_129 = arith.constant 0 : i32
    %dma_start3A_130 = tpu.memref_slice %arg5[%dma_start3A_121, %dma_start3A_122, %dma_start3A_129] : memref<3x8x128xi32, #tpu.memory_space<vmem>> -> memref<1x1x128xi32, #tpu.memory_space<vmem>>
    %dma_start3A_131 = tpu.memref_squeeze %dma_start3A_130 : memref<1x1x128xi32, #tpu.memory_space<vmem>> -> memref<128xi32, #tpu.memory_space<vmem>>
    %dma_start3A_132 = arith.constant 0 : i32
    %dma_start3A_133 = arith.constant 0 : i32
    %dma_start3A_134 = tpu.memref_slice %arg3[%dma_start3A_132, %dma_start3A_133] : memref<1000448x32xf32, #tpu.memory_space<hbm>> -> memref<1000448x32xf32, #tpu.memory_space<hbm>>
    %dma_start3A_135 = tpu.memref_slice %arg8[%dma_start3A_124] : memref<3x!tpu.dma_semaphore, #tpu.memory_space<semaphore_mem>> -> memref<1x!tpu.dma_semaphore, #tpu.memory_space<semaphore_mem>>
    %dma_start3A_136 = tpu.memref_squeeze %dma_start3A_135 : memref<1x!tpu.dma_semaphore, #tpu.memory_space<semaphore_mem>> -> memref<!tpu.dma_semaphore, #tpu.memory_space<semaphore_mem>>
    tpu.enqueue_indirect_dma source(%dma_start3A_134 : memref<1000448x32xf32, #tpu.memory_space<hbm>>) target(%dma_start3A_128 : memref<128x32xf32, #tpu.memory_space<vmem>>) offsets(%dma_start3A_131 : memref<128xi32, #tpu.memory_space<vmem>>) semaphore(%dma_start3A_136 : memref<!tpu.dma_semaphore, #tpu.memory_space<semaphore_mem>>)
    %dma_start3A_137 = arith.constant 0 : i32
    %dma_start3A_138 = arith.constant 5 : i32
    %dma_start3A_139 = arith.constant 0 : i32
    %dma_start3A_140 = arith.constant 0 : i32
    %dma_start3A_141 = arith.constant 640 : i32
    %dma_start3A_142 = arith.constant 0 : i32
    %dma_start3A_143 = tpu.memref_slice %arg6[%dma_start3A_139, %dma_start3A_141, %dma_start3A_142] : memref<3x1024x32xf32, #tpu.memory_space<vmem>> -> memref<1x128x32xf32, #tpu.memory_space<vmem>>
    %dma_start3A_144 = tpu.memref_squeeze %dma_start3A_143 : memref<1x128x32xf32, #tpu.memory_space<vmem>> -> memref<128x32xf32, #tpu.memory_space<vmem>>
    %dma_start3A_145 = arith.constant 0 : i32
    %dma_start3A_146 = tpu.memref_slice %arg5[%dma_start3A_137, %dma_start3A_138, %dma_start3A_145] : memref<3x8x128xi32, #tpu.memory_space<vmem>> -> memref<1x1x128xi32, #tpu.memory_space<vmem>>
    %dma_start3A_147 = tpu.memref_squeeze %dma_start3A_146 : memref<1x1x128xi32, #tpu.memory_space<vmem>> -> memref<128xi32, #tpu.memory_space<vmem>>
    %dma_start3A_148 = arith.constant 0 : i32
    %dma_start3A_149 = arith.constant 0 : i32
    %dma_start3A_150 = tpu.memref_slice %arg3[%dma_start3A_148, %dma_start3A_149] : memref<1000448x32xf32, #tpu.memory_space<hbm>> -> memref<1000448x32xf32, #tpu.memory_space<hbm>>
    %dma_start3A_151 = tpu.memref_slice %arg8[%dma_start3A_140] : memref<3x!tpu.dma_semaphore, #tpu.memory_space<semaphore_mem>> -> memref<1x!tpu.dma_semaphore, #tpu.memory_space<semaphore_mem>>
    %dma_start3A_152 = tpu.memref_squeeze %dma_start3A_151 : memref<1x!tpu.dma_semaphore, #tpu.memory_space<semaphore_mem>> -> memref<!tpu.dma_semaphore, #tpu.memory_space<semaphore_mem>>
    tpu.enqueue_indirect_dma source(%dma_start3A_150 : memref<1000448x32xf32, #tpu.memory_space<hbm>>) target(%dma_start3A_144 : memref<128x32xf32, #tpu.memory_space<vmem>>) offsets(%dma_start3A_147 : memref<128xi32, #tpu.memory_space<vmem>>) semaphore(%dma_start3A_152 : memref<!tpu.dma_semaphore, #tpu.memory_space<semaphore_mem>>)
    %dma_start3A_153 = arith.constant 0 : i32
    %dma_start3A_154 = arith.constant 6 : i32
    %dma_start3A_155 = arith.constant 0 : i32
    %dma_start3A_156 = arith.constant 0 : i32
    %dma_start3A_157 = arith.constant 768 : i32
    %dma_start3A_158 = arith.constant 0 : i32
    %dma_start3A_159 = tpu.memref_slice %arg6[%dma_start3A_155, %dma_start3A_157, %dma_start3A_158] : memref<3x1024x32xf32, #tpu.memory_space<vmem>> -> memref<1x128x32xf32, #tpu.memory_space<vmem>>
    %dma_start3A_160 = tpu.memref_squeeze %dma_start3A_159 : memref<1x128x32xf32, #tpu.memory_space<vmem>> -> memref<128x32xf32, #tpu.memory_space<vmem>>
    %dma_start3A_161 = arith.constant 0 : i32
    %dma_start3A_162 = tpu.memref_slice %arg5[%dma_start3A_153, %dma_start3A_154, %dma_start3A_161] : memref<3x8x128xi32, #tpu.memory_space<vmem>> -> memref<1x1x128xi32, #tpu.memory_space<vmem>>
    %dma_start3A_163 = tpu.memref_squeeze %dma_start3A_162 : memref<1x1x128xi32, #tpu.memory_space<vmem>> -> memref<128xi32, #tpu.memory_space<vmem>>
    %dma_start3A_164 = arith.constant 0 : i32
    %dma_start3A_165 = arith.constant 0 : i32
    %dma_start3A_166 = tpu.memref_slice %arg3[%dma_start3A_164, %dma_start3A_165] : memref<1000448x32xf32, #tpu.memory_space<hbm>> -> memref<1000448x32xf32, #tpu.memory_space<hbm>>
    %dma_start3A_167 = tpu.memref_slice %arg8[%dma_start3A_156] : memref<3x!tpu.dma_semaphore, #tpu.memory_space<semaphore_mem>> -> memref<1x!tpu.dma_semaphore, #tpu.memory_space<semaphore_mem>>
    %dma_start3A_168 = tpu.memref_squeeze %dma_start3A_167 : memref<1x!tpu.dma_semaphore, #tpu.memory_space<semaphore_mem>> -> memref<!tpu.dma_semaphore, #tpu.memory_space<semaphore_mem>>
    tpu.enqueue_indirect_dma source(%dma_start3A_166 : memref<1000448x32xf32, #tpu.memory_space<hbm>>) target(%dma_start3A_160 : memref<128x32xf32, #tpu.memory_space<vmem>>) offsets(%dma_start3A_163 : memref<128xi32, #tpu.memory_space<vmem>>) semaphore(%dma_start3A_168 : memref<!tpu.dma_semaphore, #tpu.memory_space<semaphore_mem>>)
    %dma_start3A_169 = arith.constant 0 : i32
    %dma_start3A_170 = arith.constant 7 : i32
    %dma_start3A_171 = arith.constant 0 : i32
    %dma_start3A_172 = arith.constant 0 : i32
    %dma_start3A_173 = arith.constant 896 : i32
    %dma_start3A_174 = arith.constant 0 : i32
    %dma_start3A_175 = tpu.memref_slice %arg6[%dma_start3A_171, %dma_start3A_173, %dma_start3A_174] : memref<3x1024x32xf32, #tpu.memory_space<vmem>> -> memref<1x128x32xf32, #tpu.memory_space<vmem>>
    %dma_start3A_176 = tpu.memref_squeeze %dma_start3A_175 : memref<1x128x32xf32, #tpu.memory_space<vmem>> -> memref<128x32xf32, #tpu.memory_space<vmem>>
    %dma_start3A_177 = arith.constant 0 : i32
    %dma_start3A_178 = tpu.memref_slice %arg5[%dma_start3A_169, %dma_start3A_170, %dma_start3A_177] : memref<3x8x128xi32, #tpu.memory_space<vmem>> -> memref<1x1x128xi32, #tpu.memory_space<vmem>>
    %dma_start3A_179 = tpu.memref_squeeze %dma_start3A_178 : memref<1x1x128xi32, #tpu.memory_space<vmem>> -> memref<128xi32, #tpu.memory_space<vmem>>
    %dma_start3A_180 = arith.constant 0 : i32
    %dma_start3A_181 = arith.constant 0 : i32
    %dma_start3A_182 = tpu.memref_slice %arg3[%dma_start3A_180, %dma_start3A_181] : memref<1000448x32xf32, #tpu.memory_space<hbm>> -> memref<1000448x32xf32, #tpu.memory_space<hbm>>
    %dma_start3A_183 = tpu.memref_slice %arg8[%dma_start3A_172] : memref<3x!tpu.dma_semaphore, #tpu.memory_space<semaphore_mem>> -> memref<1x!tpu.dma_semaphore, #tpu.memory_space<semaphore_mem>>
    %dma_start3A_184 = tpu.memref_squeeze %dma_start3A_183 : memref<1x!tpu.dma_semaphore, #tpu.memory_space<semaphore_mem>> -> memref<!tpu.dma_semaphore, #tpu.memory_space<semaphore_mem>>
    tpu.enqueue_indirect_dma source(%dma_start3A_182 : memref<1000448x32xf32, #tpu.memory_space<hbm>>) target(%dma_start3A_176 : memref<128x32xf32, #tpu.memory_space<vmem>>) offsets(%dma_start3A_179 : memref<128xi32, #tpu.memory_space<vmem>>) semaphore(%dma_start3A_184 : memref<!tpu.dma_semaphore, #tpu.memory_space<semaphore_mem>>)
    %add3A_185 = arith.constant 16 : i32
    %add3A_186 = arith.addi %mul3A_2, %add3A_185 : i32
    %dma_start3A_187 = arith.constant 2 : i32
    %dma_start3A_188 = arith.constant 2 : i32
    %dma_start3A_189 = arith.constant 0 : i32
    %dma_start3A_190 = arith.constant 0 : i32
    %dma_start3A_191 = tpu.memref_slice %arg5[%dma_start3A_187, %dma_start3A_189, %dma_start3A_190] : memref<3x8x128xi32, #tpu.memory_space<vmem>> -> memref<1x8x128xi32, #tpu.memory_space<vmem>>
    %dma_start3A_192 = tpu.memref_squeeze %dma_start3A_191 : memref<1x8x128xi32, #tpu.memory_space<vmem>> -> memref<8x128xi32, #tpu.memory_space<vmem>>
    %dma_start3A_193 = arith.constant 0 : i32
    %dma_start3A_194 = tpu.memref_slice %arg2[%add3A_186, %dma_start3A_193] : memref<25600x128xi32, #tpu.memory_space<hbm>> -> memref<8x128xi32, #tpu.memory_space<hbm>>
    %dma_start3A_195 = tpu.memref_slice %arg7[%dma_start3A_188] : memref<3x!tpu.dma_semaphore, #tpu.memory_space<semaphore_mem>> -> memref<1x!tpu.dma_semaphore, #tpu.memory_space<semaphore_mem>>
    %dma_start3A_196 = tpu.memref_squeeze %dma_start3A_195 : memref<1x!tpu.dma_semaphore, #tpu.memory_space<semaphore_mem>> -> memref<!tpu.dma_semaphore, #tpu.memory_space<semaphore_mem>>
    %dma_start3A_197 = arith.constant 0 : i32
    %dma_start3A_198 = arith.constant 0 : i32
    %dma_start3A_199 = tpu.memref_slice %arg5[%dma_start3A_187, %dma_start3A_197, %dma_start3A_198] : memref<3x8x128xi32, #tpu.memory_space<vmem>> -> memref<1x8x128xi32, #tpu.memory_space<vmem>>
    %dma_start3A_200 = tpu.memref_squeeze %dma_start3A_199 : memref<1x8x128xi32, #tpu.memory_space<vmem>> -> memref<8x128xi32, #tpu.memory_space<vmem>>
    %dma_start3A_201 = arith.constant 0 : i32
    %dma_start3A_202 = tpu.memref_slice %arg2[%add3A_186, %dma_start3A_201] : memref<25600x128xi32, #tpu.memory_space<hbm>> -> memref<8x128xi32, #tpu.memory_space<hbm>>
    tpu.enqueue_dma source(%dma_start3A_202 : memref<8x128xi32, #tpu.memory_space<hbm>>) target(%dma_start3A_200 : memref<8x128xi32, #tpu.memory_space<vmem>>) target_semaphore(%dma_start3A_196 : memref<!tpu.dma_semaphore, #tpu.memory_space<semaphore_mem>>)
    %add3A_203 = arith.constant 8 : i32
    %add3A_204 = arith.addi %mul3A_2, %add3A_203 : i32
    %dma_wait3A_205 = arith.constant 1 : i32
    %dma_wait3A_206 = arith.constant 1 : i32
    %dma_wait3A_207 = arith.constant 0 : i32
    %dma_wait3A_208 = arith.constant 0 : i32
    %dma_wait3A_209 = tpu.memref_slice %arg5[%dma_wait3A_205, %dma_wait3A_207, %dma_wait3A_208] : memref<3x8x128xi32, #tpu.memory_space<vmem>> -> memref<1x8x128xi32, #tpu.memory_space<vmem>>
    %dma_wait3A_210 = tpu.memref_squeeze %dma_wait3A_209 : memref<1x8x128xi32, #tpu.memory_space<vmem>> -> memref<8x128xi32, #tpu.memory_space<vmem>>
    %dma_wait3A_211 = arith.constant 0 : i32
    %dma_wait3A_212 = tpu.memref_slice %arg2[%add3A_204, %dma_wait3A_211] : memref<25600x128xi32, #tpu.memory_space<hbm>> -> memref<8x128xi32, #tpu.memory_space<hbm>>
    %dma_wait3A_213 = tpu.memref_slice %arg7[%dma_wait3A_206] : memref<3x!tpu.dma_semaphore, #tpu.memory_space<semaphore_mem>> -> memref<1x!tpu.dma_semaphore, #tpu.memory_space<semaphore_mem>>
    %dma_wait3A_214 = tpu.memref_squeeze %dma_wait3A_213 : memref<1x!tpu.dma_semaphore, #tpu.memory_space<semaphore_mem>> -> memref<!tpu.dma_semaphore, #tpu.memory_space<semaphore_mem>>
    %dma_wait3A_215 = arith.constant 0 : i32
    %dma_wait3A_216 = arith.constant 0 : i32
    %dma_wait3A_217 = tpu.memref_slice %arg5[%dma_wait3A_205, %dma_wait3A_215, %dma_wait3A_216] : memref<3x8x128xi32, #tpu.memory_space<vmem>> -> memref<1x8x128xi32, #tpu.memory_space<vmem>>
    %dma_wait3A_218 = tpu.memref_squeeze %dma_wait3A_217 : memref<1x8x128xi32, #tpu.memory_space<vmem>> -> memref<8x128xi32, #tpu.memory_space<vmem>>
    %dma_wait3A_219 = arith.constant 0 : i32
    %dma_wait3A_220 = tpu.memref_slice %arg2[%add3A_204, %dma_wait3A_219] : memref<25600x128xi32, #tpu.memory_space<hbm>> -> memref<8x128xi32, #tpu.memory_space<hbm>>
    tpu.wait_dma2 semaphore(%dma_wait3A_214 : memref<!tpu.dma_semaphore, #tpu.memory_space<semaphore_mem>>) src(%dma_wait3A_220 : memref<8x128xi32, #tpu.memory_space<hbm>>) dst(%dma_wait3A_218 : memref<8x128xi32, #tpu.memory_space<vmem>>)
    %dma_start3A_221 = arith.constant 1 : i32
    %dma_start3A_222 = arith.constant 0 : i32
    %dma_start3A_223 = arith.constant 1 : i32
    %dma_start3A_224 = arith.constant 1 : i32
    %dma_start3A_225 = arith.constant 0 : i32
    %dma_start3A_226 = arith.constant 0 : i32
    %dma_start3A_227 = tpu.memref_slice %arg6[%dma_start3A_223, %dma_start3A_225, %dma_start3A_226] : memref<3x1024x32xf32, #tpu.memory_space<vmem>> -> memref<1x128x32xf32, #tpu.memory_space<vmem>>
    %dma_start3A_228 = tpu.memref_squeeze %dma_start3A_227 : memref<1x128x32xf32, #tpu.memory_space<vmem>> -> memref<128x32xf32, #tpu.memory_space<vmem>>
    %dma_start3A_229 = arith.constant 0 : i32
    %dma_start3A_230 = tpu.memref_slice %arg5[%dma_start3A_221, %dma_start3A_222, %dma_start3A_229] : memref<3x8x128xi32, #tpu.memory_space<vmem>> -> memref<1x1x128xi32, #tpu.memory_space<vmem>>
    %dma_start3A_231 = tpu.memref_squeeze %dma_start3A_230 : memref<1x1x128xi32, #tpu.memory_space<vmem>> -> memref<128xi32, #tpu.memory_space<vmem>>
    %dma_start3A_232 = arith.constant 0 : i32
    %dma_start3A_233 = arith.constant 0 : i32
    %dma_start3A_234 = tpu.memref_slice %arg3[%dma_start3A_232, %dma_start3A_233] : memref<1000448x32xf32, #tpu.memory_space<hbm>> -> memref<1000448x32xf32, #tpu.memory_space<hbm>>
    %dma_start3A_235 = tpu.memref_slice %arg8[%dma_start3A_224] : memref<3x!tpu.dma_semaphore, #tpu.memory_space<semaphore_mem>> -> memref<1x!tpu.dma_semaphore, #tpu.memory_space<semaphore_mem>>
    %dma_start3A_236 = tpu.memref_squeeze %dma_start3A_235 : memref<1x!tpu.dma_semaphore, #tpu.memory_space<semaphore_mem>> -> memref<!tpu.dma_semaphore, #tpu.memory_space<semaphore_mem>>
    tpu.enqueue_indirect_dma source(%dma_start3A_234 : memref<1000448x32xf32, #tpu.memory_space<hbm>>) target(%dma_start3A_228 : memref<128x32xf32, #tpu.memory_space<vmem>>) offsets(%dma_start3A_231 : memref<128xi32, #tpu.memory_space<vmem>>) semaphore(%dma_start3A_236 : memref<!tpu.dma_semaphore, #tpu.memory_space<semaphore_mem>>)
    %dma_start3A_237 = arith.constant 1 : i32
    %dma_start3A_238 = arith.constant 1 : i32
    %dma_start3A_239 = arith.constant 1 : i32
    %dma_start3A_240 = arith.constant 1 : i32
    %dma_start3A_241 = arith.constant 128 : i32
    %dma_start3A_242 = arith.constant 0 : i32
    %dma_start3A_243 = tpu.memref_slice %arg6[%dma_start3A_239, %dma_start3A_241, %dma_start3A_242] : memref<3x1024x32xf32, #tpu.memory_space<vmem>> -> memref<1x128x32xf32, #tpu.memory_space<vmem>>
    %dma_start3A_244 = tpu.memref_squeeze %dma_start3A_243 : memref<1x128x32xf32, #tpu.memory_space<vmem>> -> memref<128x32xf32, #tpu.memory_space<vmem>>
    %dma_start3A_245 = arith.constant 0 : i32
    %dma_start3A_246 = tpu.memref_slice %arg5[%dma_start3A_237, %dma_start3A_238, %dma_start3A_245] : memref<3x8x128xi32, #tpu.memory_space<vmem>> -> memref<1x1x128xi32, #tpu.memory_space<vmem>>
    %dma_start3A_247 = tpu.memref_squeeze %dma_start3A_246 : memref<1x1x128xi32, #tpu.memory_space<vmem>> -> memref<128xi32, #tpu.memory_space<vmem>>
    %dma_start3A_248 = arith.constant 0 : i32
    %dma_start3A_249 = arith.constant 0 : i32
    %dma_start3A_250 = tpu.memref_slice %arg3[%dma_start3A_248, %dma_start3A_249] : memref<1000448x32xf32, #tpu.memory_space<hbm>> -> memref<1000448x32xf32, #tpu.memory_space<hbm>>
    %dma_start3A_251 = tpu.memref_slice %arg8[%dma_start3A_240] : memref<3x!tpu.dma_semaphore, #tpu.memory_space<semaphore_mem>> -> memref<1x!tpu.dma_semaphore, #tpu.memory_space<semaphore_mem>>
    %dma_start3A_252 = tpu.memref_squeeze %dma_start3A_251 : memref<1x!tpu.dma_semaphore, #tpu.memory_space<semaphore_mem>> -> memref<!tpu.dma_semaphore, #tpu.memory_space<semaphore_mem>>
    tpu.enqueue_indirect_dma source(%dma_start3A_250 : memref<1000448x32xf32, #tpu.memory_space<hbm>>) target(%dma_start3A_244 : memref<128x32xf32, #tpu.memory_space<vmem>>) offsets(%dma_start3A_247 : memref<128xi32, #tpu.memory_space<vmem>>) semaphore(%dma_start3A_252 : memref<!tpu.dma_semaphore, #tpu.memory_space<semaphore_mem>>)
    %dma_start3A_253 = arith.constant 1 : i32
    %dma_start3A_254 = arith.constant 2 : i32
    %dma_start3A_255 = arith.constant 1 : i32
    %dma_start3A_256 = arith.constant 1 : i32
    %dma_start3A_257 = arith.constant 256 : i32
    %dma_start3A_258 = arith.constant 0 : i32
    %dma_start3A_259 = tpu.memref_slice %arg6[%dma_start3A_255, %dma_start3A_257, %dma_start3A_258] : memref<3x1024x32xf32, #tpu.memory_space<vmem>> -> memref<1x128x32xf32, #tpu.memory_space<vmem>>
    %dma_start3A_260 = tpu.memref_squeeze %dma_start3A_259 : memref<1x128x32xf32, #tpu.memory_space<vmem>> -> memref<128x32xf32, #tpu.memory_space<vmem>>
    %dma_start3A_261 = arith.constant 0 : i32
    %dma_start3A_262 = tpu.memref_slice %arg5[%dma_start3A_253, %dma_start3A_254, %dma_start3A_261] : memref<3x8x128xi32, #tpu.memory_space<vmem>> -> memref<1x1x128xi32, #tpu.memory_space<vmem>>
    %dma_start3A_263 = tpu.memref_squeeze %dma_start3A_262 : memref<1x1x128xi32, #tpu.memory_space<vmem>> -> memref<128xi32, #tpu.memory_space<vmem>>
    %dma_start3A_264 = arith.constant 0 : i32
    %dma_start3A_265 = arith.constant 0 : i32
    %dma_start3A_266 = tpu.memref_slice %arg3[%dma_start3A_264, %dma_start3A_265] : memref<1000448x32xf32, #tpu.memory_space<hbm>> -> memref<1000448x32xf32, #tpu.memory_space<hbm>>
    %dma_start3A_267 = tpu.memref_slice %arg8[%dma_start3A_256] : memref<3x!tpu.dma_semaphore, #tpu.memory_space<semaphore_mem>> -> memref<1x!tpu.dma_semaphore, #tpu.memory_space<semaphore_mem>>
    %dma_start3A_268 = tpu.memref_squeeze %dma_start3A_267 : memref<1x!tpu.dma_semaphore, #tpu.memory_space<semaphore_mem>> -> memref<!tpu.dma_semaphore, #tpu.memory_space<semaphore_mem>>
    tpu.enqueue_indirect_dma source(%dma_start3A_266 : memref<1000448x32xf32, #tpu.memory_space<hbm>>) target(%dma_start3A_260 : memref<128x32xf32, #tpu.memory_space<vmem>>) offsets(%dma_start3A_263 : memref<128xi32, #tpu.memory_space<vmem>>) semaphore(%dma_start3A_268 : memref<!tpu.dma_semaphore, #tpu.memory_space<semaphore_mem>>)
    %dma_start3A_269 = arith.constant 1 : i32
    %dma_start3A_270 = arith.constant 3 : i32
    %dma_start3A_271 = arith.constant 1 : i32
    %dma_start3A_272 = arith.constant 1 : i32
    %dma_start3A_273 = arith.constant 384 : i32
    %dma_start3A_274 = arith.constant 0 : i32
    %dma_start3A_275 = tpu.memref_slice %arg6[%dma_start3A_271, %dma_start3A_273, %dma_start3A_274] : memref<3x1024x32xf32, #tpu.memory_space<vmem>> -> memref<1x128x32xf32, #tpu.memory_space<vmem>>
    %dma_start3A_276 = tpu.memref_squeeze %dma_start3A_275 : memref<1x128x32xf32, #tpu.memory_space<vmem>> -> memref<128x32xf32, #tpu.memory_space<vmem>>
    %dma_start3A_277 = arith.constant 0 : i32
    %dma_start3A_278 = tpu.memref_slice %arg5[%dma_start3A_269, %dma_start3A_270, %dma_start3A_277] : memref<3x8x128xi32, #tpu.memory_space<vmem>> -> memref<1x1x128xi32, #tpu.memory_space<vmem>>
    %dma_start3A_279 = tpu.memref_squeeze %dma_start3A_278 : memref<1x1x128xi32, #tpu.memory_space<vmem>> -> memref<128xi32, #tpu.memory_space<vmem>>
    %dma_start3A_280 = arith.constant 0 : i32
    %dma_start3A_281 = arith.constant 0 : i32
    %dma_start3A_282 = tpu.memref_slice %arg3[%dma_start3A_280, %dma_start3A_281] : memref<1000448x32xf32, #tpu.memory_space<hbm>> -> memref<1000448x32xf32, #tpu.memory_space<hbm>>
    %dma_start3A_283 = tpu.memref_slice %arg8[%dma_start3A_272] : memref<3x!tpu.dma_semaphore, #tpu.memory_space<semaphore_mem>> -> memref<1x!tpu.dma_semaphore, #tpu.memory_space<semaphore_mem>>
    %dma_start3A_284 = tpu.memref_squeeze %dma_start3A_283 : memref<1x!tpu.dma_semaphore, #tpu.memory_space<semaphore_mem>> -> memref<!tpu.dma_semaphore, #tpu.memory_space<semaphore_mem>>
    tpu.enqueue_indirect_dma source(%dma_start3A_282 : memref<1000448x32xf32, #tpu.memory_space<hbm>>) target(%dma_start3A_276 : memref<128x32xf32, #tpu.memory_space<vmem>>) offsets(%dma_start3A_279 : memref<128xi32, #tpu.memory_space<vmem>>) semaphore(%dma_start3A_284 : memref<!tpu.dma_semaphore, #tpu.memory_space<semaphore_mem>>)
    %dma_start3A_285 = arith.constant 1 : i32
    %dma_start3A_286 = arith.constant 4 : i32
    %dma_start3A_287 = arith.constant 1 : i32
    %dma_start3A_288 = arith.constant 1 : i32
    %dma_start3A_289 = arith.constant 512 : i32
    %dma_start3A_290 = arith.constant 0 : i32
    %dma_start3A_291 = tpu.memref_slice %arg6[%dma_start3A_287, %dma_start3A_289, %dma_start3A_290] : memref<3x1024x32xf32, #tpu.memory_space<vmem>> -> memref<1x128x32xf32, #tpu.memory_space<vmem>>
    %dma_start3A_292 = tpu.memref_squeeze %dma_start3A_291 : memref<1x128x32xf32, #tpu.memory_space<vmem>> -> memref<128x32xf32, #tpu.memory_space<vmem>>
    %dma_start3A_293 = arith.constant 0 : i32
    %dma_start3A_294 = tpu.memref_slice %arg5[%dma_start3A_285, %dma_start3A_286, %dma_start3A_293] : memref<3x8x128xi32, #tpu.memory_space<vmem>> -> memref<1x1x128xi32, #tpu.memory_space<vmem>>
    %dma_start3A_295 = tpu.memref_squeeze %dma_start3A_294 : memref<1x1x128xi32, #tpu.memory_space<vmem>> -> memref<128xi32, #tpu.memory_space<vmem>>
    %dma_start3A_296 = arith.constant 0 : i32
    %dma_start3A_297 = arith.constant 0 : i32
    %dma_start3A_298 = tpu.memref_slice %arg3[%dma_start3A_296, %dma_start3A_297] : memref<1000448x32xf32, #tpu.memory_space<hbm>> -> memref<1000448x32xf32, #tpu.memory_space<hbm>>
    %dma_start3A_299 = tpu.memref_slice %arg8[%dma_start3A_288] : memref<3x!tpu.dma_semaphore, #tpu.memory_space<semaphore_mem>> -> memref<1x!tpu.dma_semaphore, #tpu.memory_space<semaphore_mem>>
    %dma_start3A_300 = tpu.memref_squeeze %dma_start3A_299 : memref<1x!tpu.dma_semaphore, #tpu.memory_space<semaphore_mem>> -> memref<!tpu.dma_semaphore, #tpu.memory_space<semaphore_mem>>
    tpu.enqueue_indirect_dma source(%dma_start3A_298 : memref<1000448x32xf32, #tpu.memory_space<hbm>>) target(%dma_start3A_292 : memref<128x32xf32, #tpu.memory_space<vmem>>) offsets(%dma_start3A_295 : memref<128xi32, #tpu.memory_space<vmem>>) semaphore(%dma_start3A_300 : memref<!tpu.dma_semaphore, #tpu.memory_space<semaphore_mem>>)
    %dma_start3A_301 = arith.constant 1 : i32
    %dma_start3A_302 = arith.constant 5 : i32
    %dma_start3A_303 = arith.constant 1 : i32
    %dma_start3A_304 = arith.constant 1 : i32
    %dma_start3A_305 = arith.constant 640 : i32
    %dma_start3A_306 = arith.constant 0 : i32
    %dma_start3A_307 = tpu.memref_slice %arg6[%dma_start3A_303, %dma_start3A_305, %dma_start3A_306] : memref<3x1024x32xf32, #tpu.memory_space<vmem>> -> memref<1x128x32xf32, #tpu.memory_space<vmem>>
    %dma_start3A_308 = tpu.memref_squeeze %dma_start3A_307 : memref<1x128x32xf32, #tpu.memory_space<vmem>> -> memref<128x32xf32, #tpu.memory_space<vmem>>
    %dma_start3A_309 = arith.constant 0 : i32
    %dma_start3A_310 = tpu.memref_slice %arg5[%dma_start3A_301, %dma_start3A_302, %dma_start3A_309] : memref<3x8x128xi32, #tpu.memory_space<vmem>> -> memref<1x1x128xi32, #tpu.memory_space<vmem>>
    %dma_start3A_311 = tpu.memref_squeeze %dma_start3A_310 : memref<1x1x128xi32, #tpu.memory_space<vmem>> -> memref<128xi32, #tpu.memory_space<vmem>>
    %dma_start3A_312 = arith.constant 0 : i32
    %dma_start3A_313 = arith.constant 0 : i32
    %dma_start3A_314 = tpu.memref_slice %arg3[%dma_start3A_312, %dma_start3A_313] : memref<1000448x32xf32, #tpu.memory_space<hbm>> -> memref<1000448x32xf32, #tpu.memory_space<hbm>>
    %dma_start3A_315 = tpu.memref_slice %arg8[%dma_start3A_304] : memref<3x!tpu.dma_semaphore, #tpu.memory_space<semaphore_mem>> -> memref<1x!tpu.dma_semaphore, #tpu.memory_space<semaphore_mem>>
    %dma_start3A_316 = tpu.memref_squeeze %dma_start3A_315 : memref<1x!tpu.dma_semaphore, #tpu.memory_space<semaphore_mem>> -> memref<!tpu.dma_semaphore, #tpu.memory_space<semaphore_mem>>
    tpu.enqueue_indirect_dma source(%dma_start3A_314 : memref<1000448x32xf32, #tpu.memory_space<hbm>>) target(%dma_start3A_308 : memref<128x32xf32, #tpu.memory_space<vmem>>) offsets(%dma_start3A_311 : memref<128xi32, #tpu.memory_space<vmem>>) semaphore(%dma_start3A_316 : memref<!tpu.dma_semaphore, #tpu.memory_space<semaphore_mem>>)
    %dma_start3A_317 = arith.constant 1 : i32
    %dma_start3A_318 = arith.constant 6 : i32
    %dma_start3A_319 = arith.constant 1 : i32
    %dma_start3A_320 = arith.constant 1 : i32
    %dma_start3A_321 = arith.constant 768 : i32
    %dma_start3A_322 = arith.constant 0 : i32
    %dma_start3A_323 = tpu.memref_slice %arg6[%dma_start3A_319, %dma_start3A_321, %dma_start3A_322] : memref<3x1024x32xf32, #tpu.memory_space<vmem>> -> memref<1x128x32xf32, #tpu.memory_space<vmem>>
    %dma_start3A_324 = tpu.memref_squeeze %dma_start3A_323 : memref<1x128x32xf32, #tpu.memory_space<vmem>> -> memref<128x32xf32, #tpu.memory_space<vmem>>
    %dma_start3A_325 = arith.constant 0 : i32
    %dma_start3A_326 = tpu.memref_slice %arg5[%dma_start3A_317, %dma_start3A_318, %dma_start3A_325] : memref<3x8x128xi32, #tpu.memory_space<vmem>> -> memref<1x1x128xi32, #tpu.memory_space<vmem>>
    %dma_start3A_327 = tpu.memref_squeeze %dma_start3A_326 : memref<1x1x128xi32, #tpu.memory_space<vmem>> -> memref<128xi32, #tpu.memory_space<vmem>>
    %dma_start3A_328 = arith.constant 0 : i32
    %dma_start3A_329 = arith.constant 0 : i32
    %dma_start3A_330 = tpu.memref_slice %arg3[%dma_start3A_328, %dma_start3A_329] : memref<1000448x32xf32, #tpu.memory_space<hbm>> -> memref<1000448x32xf32, #tpu.memory_space<hbm>>
    %dma_start3A_331 = tpu.memref_slice %arg8[%dma_start3A_320] : memref<3x!tpu.dma_semaphore, #tpu.memory_space<semaphore_mem>> -> memref<1x!tpu.dma_semaphore, #tpu.memory_space<semaphore_mem>>
    %dma_start3A_332 = tpu.memref_squeeze %dma_start3A_331 : memref<1x!tpu.dma_semaphore, #tpu.memory_space<semaphore_mem>> -> memref<!tpu.dma_semaphore, #tpu.memory_space<semaphore_mem>>
    tpu.enqueue_indirect_dma source(%dma_start3A_330 : memref<1000448x32xf32, #tpu.memory_space<hbm>>) target(%dma_start3A_324 : memref<128x32xf32, #tpu.memory_space<vmem>>) offsets(%dma_start3A_327 : memref<128xi32, #tpu.memory_space<vmem>>) semaphore(%dma_start3A_332 : memref<!tpu.dma_semaphore, #tpu.memory_space<semaphore_mem>>)
    %dma_start3A_333 = arith.constant 1 : i32
    %dma_start3A_334 = arith.constant 7 : i32
    %dma_start3A_335 = arith.constant 1 : i32
    %dma_start3A_336 = arith.constant 1 : i32
    %dma_start3A_337 = arith.constant 896 : i32
    %dma_start3A_338 = arith.constant 0 : i32
    %dma_start3A_339 = tpu.memref_slice %arg6[%dma_start3A_335, %dma_start3A_337, %dma_start3A_338] : memref<3x1024x32xf32, #tpu.memory_space<vmem>> -> memref<1x128x32xf32, #tpu.memory_space<vmem>>
    %dma_start3A_340 = tpu.memref_squeeze %dma_start3A_339 : memref<1x128x32xf32, #tpu.memory_space<vmem>> -> memref<128x32xf32, #tpu.memory_space<vmem>>
    %dma_start3A_341 = arith.constant 0 : i32
    %dma_start3A_342 = tpu.memref_slice %arg5[%dma_start3A_333, %dma_start3A_334, %dma_start3A_341] : memref<3x8x128xi32, #tpu.memory_space<vmem>> -> memref<1x1x128xi32, #tpu.memory_space<vmem>>
    %dma_start3A_343 = tpu.memref_squeeze %dma_start3A_342 : memref<1x1x128xi32, #tpu.memory_space<vmem>> -> memref<128xi32, #tpu.memory_space<vmem>>
    %dma_start3A_344 = arith.constant 0 : i32
    %dma_start3A_345 = arith.constant 0 : i32
    %dma_start3A_346 = tpu.memref_slice %arg3[%dma_start3A_344, %dma_start3A_345] : memref<1000448x32xf32, #tpu.memory_space<hbm>> -> memref<1000448x32xf32, #tpu.memory_space<hbm>>
    %dma_start3A_347 = tpu.memref_slice %arg8[%dma_start3A_336] : memref<3x!tpu.dma_semaphore, #tpu.memory_space<semaphore_mem>> -> memref<1x!tpu.dma_semaphore, #tpu.memory_space<semaphore_mem>>
    %dma_start3A_348 = tpu.memref_squeeze %dma_start3A_347 : memref<1x!tpu.dma_semaphore, #tpu.memory_space<semaphore_mem>> -> memref<!tpu.dma_semaphore, #tpu.memory_space<semaphore_mem>>
    tpu.enqueue_indirect_dma source(%dma_start3A_346 : memref<1000448x32xf32, #tpu.memory_space<hbm>>) target(%dma_start3A_340 : memref<128x32xf32, #tpu.memory_space<vmem>>) offsets(%dma_start3A_343 : memref<128xi32, #tpu.memory_space<vmem>>) semaphore(%dma_start3A_348 : memref<!tpu.dma_semaphore, #tpu.memory_space<semaphore_mem>>)
    %dma_wait3A_349 = arith.constant 0 : i32
    %dma_wait3A_350 = arith.constant 0 : i32
    %dma_wait3A_351 = arith.constant 0 : i32
    %dma_wait3A_352 = arith.constant 0 : i32
    %dma_wait3A_353 = arith.constant 0 : i32
    %dma_wait3A_354 = arith.constant 0 : i32
    %dma_wait3A_355 = tpu.memref_slice %arg6[%dma_wait3A_351, %dma_wait3A_353, %dma_wait3A_354] : memref<3x1024x32xf32, #tpu.memory_space<vmem>> -> memref<1x128x32xf32, #tpu.memory_space<vmem>>
    %dma_wait3A_356 = tpu.memref_squeeze %dma_wait3A_355 : memref<1x128x32xf32, #tpu.memory_space<vmem>> -> memref<128x32xf32, #tpu.memory_space<vmem>>
    %dma_wait3A_357 = arith.constant 0 : i32
    %dma_wait3A_358 = tpu.memref_slice %arg5[%dma_wait3A_349, %dma_wait3A_350, %dma_wait3A_357] : memref<3x8x128xi32, #tpu.memory_space<vmem>> -> memref<1x1x128xi32, #tpu.memory_space<vmem>>
    %dma_wait3A_359 = tpu.memref_squeeze %dma_wait3A_358 : memref<1x1x128xi32, #tpu.memory_space<vmem>> -> memref<128xi32, #tpu.memory_space<vmem>>
    %dma_wait3A_360 = arith.constant 0 : i32
    %dma_wait3A_361 = arith.constant 0 : i32
    %dma_wait3A_362 = tpu.memref_slice %arg3[%dma_wait3A_360, %dma_wait3A_361] : memref<1000448x32xf32, #tpu.memory_space<hbm>> -> memref<1000448x32xf32, #tpu.memory_space<hbm>>
    %dma_wait3A_363 = tpu.memref_slice %arg8[%dma_wait3A_352] : memref<3x!tpu.dma_semaphore, #tpu.memory_space<semaphore_mem>> -> memref<1x!tpu.dma_semaphore, #tpu.memory_space<semaphore_mem>>
    %dma_wait3A_364 = tpu.memref_squeeze %dma_wait3A_363 : memref<1x!tpu.dma_semaphore, #tpu.memory_space<semaphore_mem>> -> memref<!tpu.dma_semaphore, #tpu.memory_space<semaphore_mem>>
    tpu.wait_indirect_dma semaphore(%dma_wait3A_364 : memref<!tpu.dma_semaphore, #tpu.memory_space<semaphore_mem>>) src(%dma_wait3A_362 : memref<1000448x32xf32, #tpu.memory_space<hbm>>) dst(%dma_wait3A_356 : memref<128x32xf32, #tpu.memory_space<vmem>>)
    %dma_wait3A_365 = arith.constant 0 : i32
    %dma_wait3A_366 = arith.constant 1 : i32
    %dma_wait3A_367 = arith.constant 0 : i32
    %dma_wait3A_368 = arith.constant 0 : i32
    %dma_wait3A_369 = arith.constant 128 : i32
    %dma_wait3A_370 = arith.constant 0 : i32
    %dma_wait3A_371 = tpu.memref_slice %arg6[%dma_wait3A_367, %dma_wait3A_369, %dma_wait3A_370] : memref<3x1024x32xf32, #tpu.memory_space<vmem>> -> memref<1x128x32xf32, #tpu.memory_space<vmem>>
    %dma_wait3A_372 = tpu.memref_squeeze %dma_wait3A_371 : memref<1x128x32xf32, #tpu.memory_space<vmem>> -> memref<128x32xf32, #tpu.memory_space<vmem>>
    %dma_wait3A_373 = arith.constant 0 : i32
    %dma_wait3A_374 = tpu.memref_slice %arg5[%dma_wait3A_365, %dma_wait3A_366, %dma_wait3A_373] : memref<3x8x128xi32, #tpu.memory_space<vmem>> -> memref<1x1x128xi32, #tpu.memory_space<vmem>>
    %dma_wait3A_375 = tpu.memref_squeeze %dma_wait3A_374 : memref<1x1x128xi32, #tpu.memory_space<vmem>> -> memref<128xi32, #tpu.memory_space<vmem>>
    %dma_wait3A_376 = arith.constant 0 : i32
    %dma_wait3A_377 = arith.constant 0 : i32
    %dma_wait3A_378 = tpu.memref_slice %arg3[%dma_wait3A_376, %dma_wait3A_377] : memref<1000448x32xf32, #tpu.memory_space<hbm>> -> memref<1000448x32xf32, #tpu.memory_space<hbm>>
    %dma_wait3A_379 = tpu.memref_slice %arg8[%dma_wait3A_368] : memref<3x!tpu.dma_semaphore, #tpu.memory_space<semaphore_mem>> -> memref<1x!tpu.dma_semaphore, #tpu.memory_space<semaphore_mem>>
    %dma_wait3A_380 = tpu.memref_squeeze %dma_wait3A_379 : memref<1x!tpu.dma_semaphore, #tpu.memory_space<semaphore_mem>> -> memref<!tpu.dma_semaphore, #tpu.memory_space<semaphore_mem>>
    tpu.wait_indirect_dma semaphore(%dma_wait3A_380 : memref<!tpu.dma_semaphore, #tpu.memory_space<semaphore_mem>>) src(%dma_wait3A_378 : memref<1000448x32xf32, #tpu.memory_space<hbm>>) dst(%dma_wait3A_372 : memref<128x32xf32, #tpu.memory_space<vmem>>)
    %dma_wait3A_381 = arith.constant 0 : i32
    %dma_wait3A_382 = arith.constant 2 : i32
    %dma_wait3A_383 = arith.constant 0 : i32
    %dma_wait3A_384 = arith.constant 0 : i32
    %dma_wait3A_385 = arith.constant 256 : i32
    %dma_wait3A_386 = arith.constant 0 : i32
    %dma_wait3A_387 = tpu.memref_slice %arg6[%dma_wait3A_383, %dma_wait3A_385, %dma_wait3A_386] : memref<3x1024x32xf32, #tpu.memory_space<vmem>> -> memref<1x128x32xf32, #tpu.memory_space<vmem>>
    %dma_wait3A_388 = tpu.memref_squeeze %dma_wait3A_387 : memref<1x128x32xf32, #tpu.memory_space<vmem>> -> memref<128x32xf32, #tpu.memory_space<vmem>>
    %dma_wait3A_389 = arith.constant 0 : i32
    %dma_wait3A_390 = tpu.memref_slice %arg5[%dma_wait3A_381, %dma_wait3A_382, %dma_wait3A_389] : memref<3x8x128xi32, #tpu.memory_space<vmem>> -> memref<1x1x128xi32, #tpu.memory_space<vmem>>
    %dma_wait3A_391 = tpu.memref_squeeze %dma_wait3A_390 : memref<1x1x128xi32, #tpu.memory_space<vmem>> -> memref<128xi32, #tpu.memory_space<vmem>>
    %dma_wait3A_392 = arith.constant 0 : i32
    %dma_wait3A_393 = arith.constant 0 : i32
    %dma_wait3A_394 = tpu.memref_slice %arg3[%dma_wait3A_392, %dma_wait3A_393] : memref<1000448x32xf32, #tpu.memory_space<hbm>> -> memref<1000448x32xf32, #tpu.memory_space<hbm>>
    %dma_wait3A_395 = tpu.memref_slice %arg8[%dma_wait3A_384] : memref<3x!tpu.dma_semaphore, #tpu.memory_space<semaphore_mem>> -> memref<1x!tpu.dma_semaphore, #tpu.memory_space<semaphore_mem>>
    %dma_wait3A_396 = tpu.memref_squeeze %dma_wait3A_395 : memref<1x!tpu.dma_semaphore, #tpu.memory_space<semaphore_mem>> -> memref<!tpu.dma_semaphore, #tpu.memory_space<semaphore_mem>>
    tpu.wait_indirect_dma semaphore(%dma_wait3A_396 : memref<!tpu.dma_semaphore, #tpu.memory_space<semaphore_mem>>) src(%dma_wait3A_394 : memref<1000448x32xf32, #tpu.memory_space<hbm>>) dst(%dma_wait3A_388 : memref<128x32xf32, #tpu.memory_space<vmem>>)
    %dma_wait3A_397 = arith.constant 0 : i32
    %dma_wait3A_398 = arith.constant 3 : i32
    %dma_wait3A_399 = arith.constant 0 : i32
    %dma_wait3A_400 = arith.constant 0 : i32
    %dma_wait3A_401 = arith.constant 384 : i32
    %dma_wait3A_402 = arith.constant 0 : i32
    %dma_wait3A_403 = tpu.memref_slice %arg6[%dma_wait3A_399, %dma_wait3A_401, %dma_wait3A_402] : memref<3x1024x32xf32, #tpu.memory_space<vmem>> -> memref<1x128x32xf32, #tpu.memory_space<vmem>>
    %dma_wait3A_404 = tpu.memref_squeeze %dma_wait3A_403 : memref<1x128x32xf32, #tpu.memory_space<vmem>> -> memref<128x32xf32, #tpu.memory_space<vmem>>
    %dma_wait3A_405 = arith.constant 0 : i32
    %dma_wait3A_406 = tpu.memref_slice %arg5[%dma_wait3A_397, %dma_wait3A_398, %dma_wait3A_405] : memref<3x8x128xi32, #tpu.memory_space<vmem>> -> memref<1x1x128xi32, #tpu.memory_space<vmem>>
    %dma_wait3A_407 = tpu.memref_squeeze %dma_wait3A_406 : memref<1x1x128xi32, #tpu.memory_space<vmem>> -> memref<128xi32, #tpu.memory_space<vmem>>
    %dma_wait3A_408 = arith.constant 0 : i32
    %dma_wait3A_409 = arith.constant 0 : i32
    %dma_wait3A_410 = tpu.memref_slice %arg3[%dma_wait3A_408, %dma_wait3A_409] : memref<1000448x32xf32, #tpu.memory_space<hbm>> -> memref<1000448x32xf32, #tpu.memory_space<hbm>>
    %dma_wait3A_411 = tpu.memref_slice %arg8[%dma_wait3A_400] : memref<3x!tpu.dma_semaphore, #tpu.memory_space<semaphore_mem>> -> memref<1x!tpu.dma_semaphore, #tpu.memory_space<semaphore_mem>>
    %dma_wait3A_412 = tpu.memref_squeeze %dma_wait3A_411 : memref<1x!tpu.dma_semaphore, #tpu.memory_space<semaphore_mem>> -> memref<!tpu.dma_semaphore, #tpu.memory_space<semaphore_mem>>
    tpu.wait_indirect_dma semaphore(%dma_wait3A_412 : memref<!tpu.dma_semaphore, #tpu.memory_space<semaphore_mem>>) src(%dma_wait3A_410 : memref<1000448x32xf32, #tpu.memory_space<hbm>>) dst(%dma_wait3A_404 : memref<128x32xf32, #tpu.memory_space<vmem>>)
    %dma_wait3A_413 = arith.constant 0 : i32
    %dma_wait3A_414 = arith.constant 4 : i32
    %dma_wait3A_415 = arith.constant 0 : i32
    %dma_wait3A_416 = arith.constant 0 : i32
    %dma_wait3A_417 = arith.constant 512 : i32
    %dma_wait3A_418 = arith.constant 0 : i32
    %dma_wait3A_419 = tpu.memref_slice %arg6[%dma_wait3A_415, %dma_wait3A_417, %dma_wait3A_418] : memref<3x1024x32xf32, #tpu.memory_space<vmem>> -> memref<1x128x32xf32, #tpu.memory_space<vmem>>
    %dma_wait3A_420 = tpu.memref_squeeze %dma_wait3A_419 : memref<1x128x32xf32, #tpu.memory_space<vmem>> -> memref<128x32xf32, #tpu.memory_space<vmem>>
    %dma_wait3A_421 = arith.constant 0 : i32
    %dma_wait3A_422 = tpu.memref_slice %arg5[%dma_wait3A_413, %dma_wait3A_414, %dma_wait3A_421] : memref<3x8x128xi32, #tpu.memory_space<vmem>> -> memref<1x1x128xi32, #tpu.memory_space<vmem>>
    %dma_wait3A_423 = tpu.memref_squeeze %dma_wait3A_422 : memref<1x1x128xi32, #tpu.memory_space<vmem>> -> memref<128xi32, #tpu.memory_space<vmem>>
    %dma_wait3A_424 = arith.constant 0 : i32
    %dma_wait3A_425 = arith.constant 0 : i32
    %dma_wait3A_426 = tpu.memref_slice %arg3[%dma_wait3A_424, %dma_wait3A_425] : memref<1000448x32xf32, #tpu.memory_space<hbm>> -> memref<1000448x32xf32, #tpu.memory_space<hbm>>
    %dma_wait3A_427 = tpu.memref_slice %arg8[%dma_wait3A_416] : memref<3x!tpu.dma_semaphore, #tpu.memory_space<semaphore_mem>> -> memref<1x!tpu.dma_semaphore, #tpu.memory_space<semaphore_mem>>
    %dma_wait3A_428 = tpu.memref_squeeze %dma_wait3A_427 : memref<1x!tpu.dma_semaphore, #tpu.memory_space<semaphore_mem>> -> memref<!tpu.dma_semaphore, #tpu.memory_space<semaphore_mem>>
    tpu.wait_indirect_dma semaphore(%dma_wait3A_428 : memref<!tpu.dma_semaphore, #tpu.memory_space<semaphore_mem>>) src(%dma_wait3A_426 : memref<1000448x32xf32, #tpu.memory_space<hbm>>) dst(%dma_wait3A_420 : memref<128x32xf32, #tpu.memory_space<vmem>>)
    %dma_wait3A_429 = arith.constant 0 : i32
    %dma_wait3A_430 = arith.constant 5 : i32
    %dma_wait3A_431 = arith.constant 0 : i32
    %dma_wait3A_432 = arith.constant 0 : i32
    %dma_wait3A_433 = arith.constant 640 : i32
    %dma_wait3A_434 = arith.constant 0 : i32
    %dma_wait3A_435 = tpu.memref_slice %arg6[%dma_wait3A_431, %dma_wait3A_433, %dma_wait3A_434] : memref<3x1024x32xf32, #tpu.memory_space<vmem>> -> memref<1x128x32xf32, #tpu.memory_space<vmem>>
    %dma_wait3A_436 = tpu.memref_squeeze %dma_wait3A_435 : memref<1x128x32xf32, #tpu.memory_space<vmem>> -> memref<128x32xf32, #tpu.memory_space<vmem>>
    %dma_wait3A_437 = arith.constant 0 : i32
    %dma_wait3A_438 = tpu.memref_slice %arg5[%dma_wait3A_429, %dma_wait3A_430, %dma_wait3A_437] : memref<3x8x128xi32, #tpu.memory_space<vmem>> -> memref<1x1x128xi32, #tpu.memory_space<vmem>>
    %dma_wait3A_439 = tpu.memref_squeeze %dma_wait3A_438 : memref<1x1x128xi32, #tpu.memory_space<vmem>> -> memref<128xi32, #tpu.memory_space<vmem>>
    %dma_wait3A_440 = arith.constant 0 : i32
    %dma_wait3A_441 = arith.constant 0 : i32
    %dma_wait3A_442 = tpu.memref_slice %arg3[%dma_wait3A_440, %dma_wait3A_441] : memref<1000448x32xf32, #tpu.memory_space<hbm>> -> memref<1000448x32xf32, #tpu.memory_space<hbm>>
    %dma_wait3A_443 = tpu.memref_slice %arg8[%dma_wait3A_432] : memref<3x!tpu.dma_semaphore, #tpu.memory_space<semaphore_mem>> -> memref<1x!tpu.dma_semaphore, #tpu.memory_space<semaphore_mem>>
    %dma_wait3A_444 = tpu.memref_squeeze %dma_wait3A_443 : memref<1x!tpu.dma_semaphore, #tpu.memory_space<semaphore_mem>> -> memref<!tpu.dma_semaphore, #tpu.memory_space<semaphore_mem>>
    tpu.wait_indirect_dma semaphore(%dma_wait3A_444 : memref<!tpu.dma_semaphore, #tpu.memory_space<semaphore_mem>>) src(%dma_wait3A_442 : memref<1000448x32xf32, #tpu.memory_space<hbm>>) dst(%dma_wait3A_436 : memref<128x32xf32, #tpu.memory_space<vmem>>)
    %dma_wait3A_445 = arith.constant 0 : i32
    %dma_wait3A_446 = arith.constant 6 : i32
    %dma_wait3A_447 = arith.constant 0 : i32
    %dma_wait3A_448 = arith.constant 0 : i32
    %dma_wait3A_449 = arith.constant 768 : i32
    %dma_wait3A_450 = arith.constant 0 : i32
    %dma_wait3A_451 = tpu.memref_slice %arg6[%dma_wait3A_447, %dma_wait3A_449, %dma_wait3A_450] : memref<3x1024x32xf32, #tpu.memory_space<vmem>> -> memref<1x128x32xf32, #tpu.memory_space<vmem>>
    %dma_wait3A_452 = tpu.memref_squeeze %dma_wait3A_451 : memref<1x128x32xf32, #tpu.memory_space<vmem>> -> memref<128x32xf32, #tpu.memory_space<vmem>>
    %dma_wait3A_453 = arith.constant 0 : i32
    %dma_wait3A_454 = tpu.memref_slice %arg5[%dma_wait3A_445, %dma_wait3A_446, %dma_wait3A_453] : memref<3x8x128xi32, #tpu.memory_space<vmem>> -> memref<1x1x128xi32, #tpu.memory_space<vmem>>
    %dma_wait3A_455 = tpu.memref_squeeze %dma_wait3A_454 : memref<1x1x128xi32, #tpu.memory_space<vmem>> -> memref<128xi32, #tpu.memory_space<vmem>>
    %dma_wait3A_456 = arith.constant 0 : i32
    %dma_wait3A_457 = arith.constant 0 : i32
    %dma_wait3A_458 = tpu.memref_slice %arg3[%dma_wait3A_456, %dma_wait3A_457] : memref<1000448x32xf32, #tpu.memory_space<hbm>> -> memref<1000448x32xf32, #tpu.memory_space<hbm>>
    %dma_wait3A_459 = tpu.memref_slice %arg8[%dma_wait3A_448] : memref<3x!tpu.dma_semaphore, #tpu.memory_space<semaphore_mem>> -> memref<1x!tpu.dma_semaphore, #tpu.memory_space<semaphore_mem>>
    %dma_wait3A_460 = tpu.memref_squeeze %dma_wait3A_459 : memref<1x!tpu.dma_semaphore, #tpu.memory_space<semaphore_mem>> -> memref<!tpu.dma_semaphore, #tpu.memory_space<semaphore_mem>>
    tpu.wait_indirect_dma semaphore(%dma_wait3A_460 : memref<!tpu.dma_semaphore, #tpu.memory_space<semaphore_mem>>) src(%dma_wait3A_458 : memref<1000448x32xf32, #tpu.memory_space<hbm>>) dst(%dma_wait3A_452 : memref<128x32xf32, #tpu.memory_space<vmem>>)
    %dma_wait3A_461 = arith.constant 0 : i32
    %dma_wait3A_462 = arith.constant 7 : i32
    %dma_wait3A_463 = arith.constant 0 : i32
    %dma_wait3A_464 = arith.constant 0 : i32
    %dma_wait3A_465 = arith.constant 896 : i32
    %dma_wait3A_466 = arith.constant 0 : i32
    %dma_wait3A_467 = tpu.memref_slice %arg6[%dma_wait3A_463, %dma_wait3A_465, %dma_wait3A_466] : memref<3x1024x32xf32, #tpu.memory_space<vmem>> -> memref<1x128x32xf32, #tpu.memory_space<vmem>>
    %dma_wait3A_468 = tpu.memref_squeeze %dma_wait3A_467 : memref<1x128x32xf32, #tpu.memory_space<vmem>> -> memref<128x32xf32, #tpu.memory_space<vmem>>
    %dma_wait3A_469 = arith.constant 0 : i32
    %dma_wait3A_470 = tpu.memref_slice %arg5[%dma_wait3A_461, %dma_wait3A_462, %dma_wait3A_469] : memref<3x8x128xi32, #tpu.memory_space<vmem>> -> memref<1x1x128xi32, #tpu.memory_space<vmem>>
    %dma_wait3A_471 = tpu.memref_squeeze %dma_wait3A_470 : memref<1x1x128xi32, #tpu.memory_space<vmem>> -> memref<128xi32, #tpu.memory_space<vmem>>
    %dma_wait3A_472 = arith.constant 0 : i32
    %dma_wait3A_473 = arith.constant 0 : i32
    %dma_wait3A_474 = tpu.memref_slice %arg3[%dma_wait3A_472, %dma_wait3A_473] : memref<1000448x32xf32, #tpu.memory_space<hbm>> -> memref<1000448x32xf32, #tpu.memory_space<hbm>>
    %dma_wait3A_475 = tpu.memref_slice %arg8[%dma_wait3A_464] : memref<3x!tpu.dma_semaphore, #tpu.memory_space<semaphore_mem>> -> memref<1x!tpu.dma_semaphore, #tpu.memory_space<semaphore_mem>>
    %dma_wait3A_476 = tpu.memref_squeeze %dma_wait3A_475 : memref<1x!tpu.dma_semaphore, #tpu.memory_space<semaphore_mem>> -> memref<!tpu.dma_semaphore, #tpu.memory_space<semaphore_mem>>
    tpu.wait_indirect_dma semaphore(%dma_wait3A_476 : memref<!tpu.dma_semaphore, #tpu.memory_space<semaphore_mem>>) src(%dma_wait3A_474 : memref<1000448x32xf32, #tpu.memory_space<hbm>>) dst(%dma_wait3A_468 : memref<128x32xf32, #tpu.memory_space<vmem>>)
    %add3A_477 = arith.constant 0 : i32
    %add3A_478 = arith.addi %mul3A_4, %add3A_477 : i32
    %dma_start3A_479 = arith.constant 0 : i32
    %dma_start3A_480 = arith.constant 0 : i32
    %dma_start3A_481 = arith.constant 0 : i32
    %dma_start3A_482 = arith.constant 0 : i32
    %dma_start3A_483 = tpu.memref_slice %arg6[%dma_start3A_479, %dma_start3A_481, %dma_start3A_482] : memref<3x1024x32xf32, #tpu.memory_space<vmem>> -> memref<1x1024x32xf32, #tpu.memory_space<vmem>>
    %dma_start3A_484 = tpu.memref_squeeze %dma_start3A_483 : memref<1x1024x32xf32, #tpu.memory_space<vmem>> -> memref<1024x32xf32, #tpu.memory_space<vmem>>
    %dma_start3A_485 = arith.constant 0 : i32
    %dma_start3A_486 = tpu.memref_slice %arg4[%add3A_478, %dma_start3A_485] : memref<3276800x32xf32, #tpu.memory_space<hbm>> -> memref<1024x32xf32, #tpu.memory_space<hbm>>
    %dma_start3A_487 = tpu.memref_slice %arg9[%dma_start3A_480] : memref<3x!tpu.dma_semaphore, #tpu.memory_space<semaphore_mem>> -> memref<1x!tpu.dma_semaphore, #tpu.memory_space<semaphore_mem>>
    %dma_start3A_488 = tpu.memref_squeeze %dma_start3A_487 : memref<1x!tpu.dma_semaphore, #tpu.memory_space<semaphore_mem>> -> memref<!tpu.dma_semaphore, #tpu.memory_space<semaphore_mem>>
    %dma_start3A_489 = arith.constant 0 : i32
    %dma_start3A_490 = tpu.memref_slice %arg4[%add3A_478, %dma_start3A_489] : memref<3276800x32xf32, #tpu.memory_space<hbm>> -> memref<1024x32xf32, #tpu.memory_space<hbm>>
    %dma_start3A_491 = arith.constant 0 : i32
    %dma_start3A_492 = arith.constant 0 : i32
    %dma_start3A_493 = tpu.memref_slice %arg6[%dma_start3A_479, %dma_start3A_491, %dma_start3A_492] : memref<3x1024x32xf32, #tpu.memory_space<vmem>> -> memref<1x1024x32xf32, #tpu.memory_space<vmem>>
    %dma_start3A_494 = tpu.memref_squeeze %dma_start3A_493 : memref<1x1024x32xf32, #tpu.memory_space<vmem>> -> memref<1024x32xf32, #tpu.memory_space<vmem>>
    tpu.enqueue_dma source(%dma_start3A_494 : memref<1024x32xf32, #tpu.memory_space<vmem>>) target(%dma_start3A_490 : memref<1024x32xf32, #tpu.memory_space<hbm>>) target_semaphore(%dma_start3A_488 : memref<!tpu.dma_semaphore, #tpu.memory_space<semaphore_mem>>)
    %add3A_495 = arith.constant 24 : i32
    %add3A_496 = arith.addi %mul3A_2, %add3A_495 : i32
    %dma_start3A_497 = arith.constant 0 : i32
    %dma_start3A_498 = arith.constant 0 : i32
    %dma_start3A_499 = arith.constant 0 : i32
    %dma_start3A_500 = arith.constant 0 : i32
    %dma_start3A_501 = tpu.memref_slice %arg5[%dma_start3A_497, %dma_start3A_499, %dma_start3A_500] : memref<3x8x128xi32, #tpu.memory_space<vmem>> -> memref<1x8x128xi32, #tpu.memory_space<vmem>>
    %dma_start3A_502 = tpu.memref_squeeze %dma_start3A_501 : memref<1x8x128xi32, #tpu.memory_space<vmem>> -> memref<8x128xi32, #tpu.memory_space<vmem>>
    %dma_start3A_503 = arith.constant 0 : i32
    %dma_start3A_504 = tpu.memref_slice %arg2[%add3A_496, %dma_start3A_503] : memref<25600x128xi32, #tpu.memory_space<hbm>> -> memref<8x128xi32, #tpu.memory_space<hbm>>
    %dma_start3A_505 = tpu.memref_slice %arg7[%dma_start3A_498] : memref<3x!tpu.dma_semaphore, #tpu.memory_space<semaphore_mem>> -> memref<1x!tpu.dma_semaphore, #tpu.memory_space<semaphore_mem>>
    %dma_start3A_506 = tpu.memref_squeeze %dma_start3A_505 : memref<1x!tpu.dma_semaphore, #tpu.memory_space<semaphore_mem>> -> memref<!tpu.dma_semaphore, #tpu.memory_space<semaphore_mem>>
    %dma_start3A_507 = arith.constant 0 : i32
    %dma_start3A_508 = arith.constant 0 : i32
    %dma_start3A_509 = tpu.memref_slice %arg5[%dma_start3A_497, %dma_start3A_507, %dma_start3A_508] : memref<3x8x128xi32, #tpu.memory_space<vmem>> -> memref<1x8x128xi32, #tpu.memory_space<vmem>>
    %dma_start3A_510 = tpu.memref_squeeze %dma_start3A_509 : memref<1x8x128xi32, #tpu.memory_space<vmem>> -> memref<8x128xi32, #tpu.memory_space<vmem>>
    %dma_start3A_511 = arith.constant 0 : i32
    %dma_start3A_512 = tpu.memref_slice %arg2[%add3A_496, %dma_start3A_511] : memref<25600x128xi32, #tpu.memory_space<hbm>> -> memref<8x128xi32, #tpu.memory_space<hbm>>
    tpu.enqueue_dma source(%dma_start3A_512 : memref<8x128xi32, #tpu.memory_space<hbm>>) target(%dma_start3A_510 : memref<8x128xi32, #tpu.memory_space<vmem>>) target_semaphore(%dma_start3A_506 : memref<!tpu.dma_semaphore, #tpu.memory_space<semaphore_mem>>)
    %add3A_513 = arith.constant 16 : i32
    %add3A_514 = arith.addi %mul3A_2, %add3A_513 : i32
    %dma_wait3A_515 = arith.constant 2 : i32
    %dma_wait3A_516 = arith.constant 2 : i32
    %dma_wait3A_517 = arith.constant 0 : i32
    %dma_wait3A_518 = arith.constant 0 : i32
    %dma_wait3A_519 = tpu.memref_slice %arg5[%dma_wait3A_515, %dma_wait3A_517, %dma_wait3A_518] : memref<3x8x128xi32, #tpu.memory_space<vmem>> -> memref<1x8x128xi32, #tpu.memory_space<vmem>>
    %dma_wait3A_520 = tpu.memref_squeeze %dma_wait3A_519 : memref<1x8x128xi32, #tpu.memory_space<vmem>> -> memref<8x128xi32, #tpu.memory_space<vmem>>
    %dma_wait3A_521 = arith.constant 0 : i32
    %dma_wait3A_522 = tpu.memref_slice %arg2[%add3A_514, %dma_wait3A_521] : memref<25600x128xi32, #tpu.memory_space<hbm>> -> memref<8x128xi32, #tpu.memory_space<hbm>>
    %dma_wait3A_523 = tpu.memref_slice %arg7[%dma_wait3A_516] : memref<3x!tpu.dma_semaphore, #tpu.memory_space<semaphore_mem>> -> memref<1x!tpu.dma_semaphore, #tpu.memory_space<semaphore_mem>>
    %dma_wait3A_524 = tpu.memref_squeeze %dma_wait3A_523 : memref<1x!tpu.dma_semaphore, #tpu.memory_space<semaphore_mem>> -> memref<!tpu.dma_semaphore, #tpu.memory_space<semaphore_mem>>
    %dma_wait3A_525 = arith.constant 0 : i32
    %dma_wait3A_526 = arith.constant 0 : i32
    %dma_wait3A_527 = tpu.memref_slice %arg5[%dma_wait3A_515, %dma_wait3A_525, %dma_wait3A_526] : memref<3x8x128xi32, #tpu.memory_space<vmem>> -> memref<1x8x128xi32, #tpu.memory_space<vmem>>
    %dma_wait3A_528 = tpu.memref_squeeze %dma_wait3A_527 : memref<1x8x128xi32, #tpu.memory_space<vmem>> -> memref<8x128xi32, #tpu.memory_space<vmem>>
    %dma_wait3A_529 = arith.constant 0 : i32
    %dma_wait3A_530 = tpu.memref_slice %arg2[%add3A_514, %dma_wait3A_529] : memref<25600x128xi32, #tpu.memory_space<hbm>> -> memref<8x128xi32, #tpu.memory_space<hbm>>
    tpu.wait_dma2 semaphore(%dma_wait3A_524 : memref<!tpu.dma_semaphore, #tpu.memory_space<semaphore_mem>>) src(%dma_wait3A_530 : memref<8x128xi32, #tpu.memory_space<hbm>>) dst(%dma_wait3A_528 : memref<8x128xi32, #tpu.memory_space<vmem>>)
    %dma_start3A_531 = arith.constant 2 : i32
    %dma_start3A_532 = arith.constant 0 : i32
    %dma_start3A_533 = arith.constant 2 : i32
    %dma_start3A_534 = arith.constant 2 : i32
    %dma_start3A_535 = arith.constant 0 : i32
    %dma_start3A_536 = arith.constant 0 : i32
    %dma_start3A_537 = tpu.memref_slice %arg6[%dma_start3A_533, %dma_start3A_535, %dma_start3A_536] : memref<3x1024x32xf32, #tpu.memory_space<vmem>> -> memref<1x128x32xf32, #tpu.memory_space<vmem>>
    %dma_start3A_538 = tpu.memref_squeeze %dma_start3A_537 : memref<1x128x32xf32, #tpu.memory_space<vmem>> -> memref<128x32xf32, #tpu.memory_space<vmem>>
    %dma_start3A_539 = arith.constant 0 : i32
    %dma_start3A_540 = tpu.memref_slice %arg5[%dma_start3A_531, %dma_start3A_532, %dma_start3A_539] : memref<3x8x128xi32, #tpu.memory_space<vmem>> -> memref<1x1x128xi32, #tpu.memory_space<vmem>>
    %dma_start3A_541 = tpu.memref_squeeze %dma_start3A_540 : memref<1x1x128xi32, #tpu.memory_space<vmem>> -> memref<128xi32, #tpu.memory_space<vmem>>
    %dma_start3A_542 = arith.constant 0 : i32
    %dma_start3A_543 = arith.constant 0 : i32
    %dma_start3A_544 = tpu.memref_slice %arg3[%dma_start3A_542, %dma_start3A_543] : memref<1000448x32xf32, #tpu.memory_space<hbm>> -> memref<1000448x32xf32, #tpu.memory_space<hbm>>
    %dma_start3A_545 = tpu.memref_slice %arg8[%dma_start3A_534] : memref<3x!tpu.dma_semaphore, #tpu.memory_space<semaphore_mem>> -> memref<1x!tpu.dma_semaphore, #tpu.memory_space<semaphore_mem>>
    %dma_start3A_546 = tpu.memref_squeeze %dma_start3A_545 : memref<1x!tpu.dma_semaphore, #tpu.memory_space<semaphore_mem>> -> memref<!tpu.dma_semaphore, #tpu.memory_space<semaphore_mem>>
    tpu.enqueue_indirect_dma source(%dma_start3A_544 : memref<1000448x32xf32, #tpu.memory_space<hbm>>) target(%dma_start3A_538 : memref<128x32xf32, #tpu.memory_space<vmem>>) offsets(%dma_start3A_541 : memref<128xi32, #tpu.memory_space<vmem>>) semaphore(%dma_start3A_546 : memref<!tpu.dma_semaphore, #tpu.memory_space<semaphore_mem>>)
    %dma_start3A_547 = arith.constant 2 : i32
    %dma_start3A_548 = arith.constant 1 : i32
    %dma_start3A_549 = arith.constant 2 : i32
    %dma_start3A_550 = arith.constant 2 : i32
    %dma_start3A_551 = arith.constant 128 : i32
    %dma_start3A_552 = arith.constant 0 : i32
    %dma_start3A_553 = tpu.memref_slice %arg6[%dma_start3A_549, %dma_start3A_551, %dma_start3A_552] : memref<3x1024x32xf32, #tpu.memory_space<vmem>> -> memref<1x128x32xf32, #tpu.memory_space<vmem>>
    %dma_start3A_554 = tpu.memref_squeeze %dma_start3A_553 : memref<1x128x32xf32, #tpu.memory_space<vmem>> -> memref<128x32xf32, #tpu.memory_space<vmem>>
    %dma_start3A_555 = arith.constant 0 : i32
    %dma_start3A_556 = tpu.memref_slice %arg5[%dma_start3A_547, %dma_start3A_548, %dma_start3A_555] : memref<3x8x128xi32, #tpu.memory_space<vmem>> -> memref<1x1x128xi32, #tpu.memory_space<vmem>>
    %dma_start3A_557 = tpu.memref_squeeze %dma_start3A_556 : memref<1x1x128xi32, #tpu.memory_space<vmem>> -> memref<128xi32, #tpu.memory_space<vmem>>
    %dma_start3A_558 = arith.constant 0 : i32
    %dma_start3A_559 = arith.constant 0 : i32
    %dma_start3A_560 = tpu.memref_slice %arg3[%dma_start3A_558, %dma_start3A_559] : memref<1000448x32xf32, #tpu.memory_space<hbm>> -> memref<1000448x32xf32, #tpu.memory_space<hbm>>
    %dma_start3A_561 = tpu.memref_slice %arg8[%dma_start3A_550] : memref<3x!tpu.dma_semaphore, #tpu.memory_space<semaphore_mem>> -> memref<1x!tpu.dma_semaphore, #tpu.memory_space<semaphore_mem>>
    %dma_start3A_562 = tpu.memref_squeeze %dma_start3A_561 : memref<1x!tpu.dma_semaphore, #tpu.memory_space<semaphore_mem>> -> memref<!tpu.dma_semaphore, #tpu.memory_space<semaphore_mem>>
    tpu.enqueue_indirect_dma source(%dma_start3A_560 : memref<1000448x32xf32, #tpu.memory_space<hbm>>) target(%dma_start3A_554 : memref<128x32xf32, #tpu.memory_space<vmem>>) offsets(%dma_start3A_557 : memref<128xi32, #tpu.memory_space<vmem>>) semaphore(%dma_start3A_562 : memref<!tpu.dma_semaphore, #tpu.memory_space<semaphore_mem>>)
    %dma_start3A_563 = arith.constant 2 : i32
    %dma_start3A_564 = arith.constant 2 : i32
    %dma_start3A_565 = arith.constant 2 : i32
    %dma_start3A_566 = arith.constant 2 : i32
    %dma_start3A_567 = arith.constant 256 : i32
    %dma_start3A_568 = arith.constant 0 : i32
    %dma_start3A_569 = tpu.memref_slice %arg6[%dma_start3A_565, %dma_start3A_567, %dma_start3A_568] : memref<3x1024x32xf32, #tpu.memory_space<vmem>> -> memref<1x128x32xf32, #tpu.memory_space<vmem>>
    %dma_start3A_570 = tpu.memref_squeeze %dma_start3A_569 : memref<1x128x32xf32, #tpu.memory_space<vmem>> -> memref<128x32xf32, #tpu.memory_space<vmem>>
    %dma_start3A_571 = arith.constant 0 : i32
    %dma_start3A_572 = tpu.memref_slice %arg5[%dma_start3A_563, %dma_start3A_564, %dma_start3A_571] : memref<3x8x128xi32, #tpu.memory_space<vmem>> -> memref<1x1x128xi32, #tpu.memory_space<vmem>>
    %dma_start3A_573 = tpu.memref_squeeze %dma_start3A_572 : memref<1x1x128xi32, #tpu.memory_space<vmem>> -> memref<128xi32, #tpu.memory_space<vmem>>
    %dma_start3A_574 = arith.constant 0 : i32
    %dma_start3A_575 = arith.constant 0 : i32
    %dma_start3A_576 = tpu.memref_slice %arg3[%dma_start3A_574, %dma_start3A_575] : memref<1000448x32xf32, #tpu.memory_space<hbm>> -> memref<1000448x32xf32, #tpu.memory_space<hbm>>
    %dma_start3A_577 = tpu.memref_slice %arg8[%dma_start3A_566] : memref<3x!tpu.dma_semaphore, #tpu.memory_space<semaphore_mem>> -> memref<1x!tpu.dma_semaphore, #tpu.memory_space<semaphore_mem>>
    %dma_start3A_578 = tpu.memref_squeeze %dma_start3A_577 : memref<1x!tpu.dma_semaphore, #tpu.memory_space<semaphore_mem>> -> memref<!tpu.dma_semaphore, #tpu.memory_space<semaphore_mem>>
    tpu.enqueue_indirect_dma source(%dma_start3A_576 : memref<1000448x32xf32, #tpu.memory_space<hbm>>) target(%dma_start3A_570 : memref<128x32xf32, #tpu.memory_space<vmem>>) offsets(%dma_start3A_573 : memref<128xi32, #tpu.memory_space<vmem>>) semaphore(%dma_start3A_578 : memref<!tpu.dma_semaphore, #tpu.memory_space<semaphore_mem>>)
    %dma_start3A_579 = arith.constant 2 : i32
    %dma_start3A_580 = arith.constant 3 : i32
    %dma_start3A_581 = arith.constant 2 : i32
    %dma_start3A_582 = arith.constant 2 : i32
    %dma_start3A_583 = arith.constant 384 : i32
    %dma_start3A_584 = arith.constant 0 : i32
    %dma_start3A_585 = tpu.memref_slice %arg6[%dma_start3A_581, %dma_start3A_583, %dma_start3A_584] : memref<3x1024x32xf32, #tpu.memory_space<vmem>> -> memref<1x128x32xf32, #tpu.memory_space<vmem>>
    %dma_start3A_586 = tpu.memref_squeeze %dma_start3A_585 : memref<1x128x32xf32, #tpu.memory_space<vmem>> -> memref<128x32xf32, #tpu.memory_space<vmem>>
    %dma_start3A_587 = arith.constant 0 : i32
    %dma_start3A_588 = tpu.memref_slice %arg5[%dma_start3A_579, %dma_start3A_580, %dma_start3A_587] : memref<3x8x128xi32, #tpu.memory_space<vmem>> -> memref<1x1x128xi32, #tpu.memory_space<vmem>>
    %dma_start3A_589 = tpu.memref_squeeze %dma_start3A_588 : memref<1x1x128xi32, #tpu.memory_space<vmem>> -> memref<128xi32, #tpu.memory_space<vmem>>
    %dma_start3A_590 = arith.constant 0 : i32
    %dma_start3A_591 = arith.constant 0 : i32
    %dma_start3A_592 = tpu.memref_slice %arg3[%dma_start3A_590, %dma_start3A_591] : memref<1000448x32xf32, #tpu.memory_space<hbm>> -> memref<1000448x32xf32, #tpu.memory_space<hbm>>
    %dma_start3A_593 = tpu.memref_slice %arg8[%dma_start3A_582] : memref<3x!tpu.dma_semaphore, #tpu.memory_space<semaphore_mem>> -> memref<1x!tpu.dma_semaphore, #tpu.memory_space<semaphore_mem>>
    %dma_start3A_594 = tpu.memref_squeeze %dma_start3A_593 : memref<1x!tpu.dma_semaphore, #tpu.memory_space<semaphore_mem>> -> memref<!tpu.dma_semaphore, #tpu.memory_space<semaphore_mem>>
    tpu.enqueue_indirect_dma source(%dma_start3A_592 : memref<1000448x32xf32, #tpu.memory_space<hbm>>) target(%dma_start3A_586 : memref<128x32xf32, #tpu.memory_space<vmem>>) offsets(%dma_start3A_589 : memref<128xi32, #tpu.memory_space<vmem>>) semaphore(%dma_start3A_594 : memref<!tpu.dma_semaphore, #tpu.memory_space<semaphore_mem>>)
    %dma_start3A_595 = arith.constant 2 : i32
    %dma_start3A_596 = arith.constant 4 : i32
    %dma_start3A_597 = arith.constant 2 : i32
    %dma_start3A_598 = arith.constant 2 : i32
    %dma_start3A_599 = arith.constant 512 : i32
    %dma_start3A_600 = arith.constant 0 : i32
    %dma_start3A_601 = tpu.memref_slice %arg6[%dma_start3A_597, %dma_start3A_599, %dma_start3A_600] : memref<3x1024x32xf32, #tpu.memory_space<vmem>> -> memref<1x128x32xf32, #tpu.memory_space<vmem>>
    %dma_start3A_602 = tpu.memref_squeeze %dma_start3A_601 : memref<1x128x32xf32, #tpu.memory_space<vmem>> -> memref<128x32xf32, #tpu.memory_space<vmem>>
    %dma_start3A_603 = arith.constant 0 : i32
    %dma_start3A_604 = tpu.memref_slice %arg5[%dma_start3A_595, %dma_start3A_596, %dma_start3A_603] : memref<3x8x128xi32, #tpu.memory_space<vmem>> -> memref<1x1x128xi32, #tpu.memory_space<vmem>>
    %dma_start3A_605 = tpu.memref_squeeze %dma_start3A_604 : memref<1x1x128xi32, #tpu.memory_space<vmem>> -> memref<128xi32, #tpu.memory_space<vmem>>
    %dma_start3A_606 = arith.constant 0 : i32
    %dma_start3A_607 = arith.constant 0 : i32
    %dma_start3A_608 = tpu.memref_slice %arg3[%dma_start3A_606, %dma_start3A_607] : memref<1000448x32xf32, #tpu.memory_space<hbm>> -> memref<1000448x32xf32, #tpu.memory_space<hbm>>
    %dma_start3A_609 = tpu.memref_slice %arg8[%dma_start3A_598] : memref<3x!tpu.dma_semaphore, #tpu.memory_space<semaphore_mem>> -> memref<1x!tpu.dma_semaphore, #tpu.memory_space<semaphore_mem>>
    %dma_start3A_610 = tpu.memref_squeeze %dma_start3A_609 : memref<1x!tpu.dma_semaphore, #tpu.memory_space<semaphore_mem>> -> memref<!tpu.dma_semaphore, #tpu.memory_space<semaphore_mem>>
    tpu.enqueue_indirect_dma source(%dma_start3A_608 : memref<1000448x32xf32, #tpu.memory_space<hbm>>) target(%dma_start3A_602 : memref<128x32xf32, #tpu.memory_space<vmem>>) offsets(%dma_start3A_605 : memref<128xi32, #tpu.memory_space<vmem>>) semaphore(%dma_start3A_610 : memref<!tpu.dma_semaphore, #tpu.memory_space<semaphore_mem>>)
    %dma_start3A_611 = arith.constant 2 : i32
    %dma_start3A_612 = arith.constant 5 : i32
    %dma_start3A_613 = arith.constant 2 : i32
    %dma_start3A_614 = arith.constant 2 : i32
    %dma_start3A_615 = arith.constant 640 : i32
    %dma_start3A_616 = arith.constant 0 : i32
    %dma_start3A_617 = tpu.memref_slice %arg6[%dma_start3A_613, %dma_start3A_615, %dma_start3A_616] : memref<3x1024x32xf32, #tpu.memory_space<vmem>> -> memref<1x128x32xf32, #tpu.memory_space<vmem>>
    %dma_start3A_618 = tpu.memref_squeeze %dma_start3A_617 : memref<1x128x32xf32, #tpu.memory_space<vmem>> -> memref<128x32xf32, #tpu.memory_space<vmem>>
    %dma_start3A_619 = arith.constant 0 : i32
    %dma_start3A_620 = tpu.memref_slice %arg5[%dma_start3A_611, %dma_start3A_612, %dma_start3A_619] : memref<3x8x128xi32, #tpu.memory_space<vmem>> -> memref<1x1x128xi32, #tpu.memory_space<vmem>>
    %dma_start3A_621 = tpu.memref_squeeze %dma_start3A_620 : memref<1x1x128xi32, #tpu.memory_space<vmem>> -> memref<128xi32, #tpu.memory_space<vmem>>
    %dma_start3A_622 = arith.constant 0 : i32
    %dma_start3A_623 = arith.constant 0 : i32
    %dma_start3A_624 = tpu.memref_slice %arg3[%dma_start3A_622, %dma_start3A_623] : memref<1000448x32xf32, #tpu.memory_space<hbm>> -> memref<1000448x32xf32, #tpu.memory_space<hbm>>
    %dma_start3A_625 = tpu.memref_slice %arg8[%dma_start3A_614] : memref<3x!tpu.dma_semaphore, #tpu.memory_space<semaphore_mem>> -> memref<1x!tpu.dma_semaphore, #tpu.memory_space<semaphore_mem>>
    %dma_start3A_626 = tpu.memref_squeeze %dma_start3A_625 : memref<1x!tpu.dma_semaphore, #tpu.memory_space<semaphore_mem>> -> memref<!tpu.dma_semaphore, #tpu.memory_space<semaphore_mem>>
    tpu.enqueue_indirect_dma source(%dma_start3A_624 : memref<1000448x32xf32, #tpu.memory_space<hbm>>) target(%dma_start3A_618 : memref<128x32xf32, #tpu.memory_space<vmem>>) offsets(%dma_start3A_621 : memref<128xi32, #tpu.memory_space<vmem>>) semaphore(%dma_start3A_626 : memref<!tpu.dma_semaphore, #tpu.memory_space<semaphore_mem>>)
    %dma_start3A_627 = arith.constant 2 : i32
    %dma_start3A_628 = arith.constant 6 : i32
    %dma_start3A_629 = arith.constant 2 : i32
    %dma_start3A_630 = arith.constant 2 : i32
    %dma_start3A_631 = arith.constant 768 : i32
    %dma_start3A_632 = arith.constant 0 : i32
    %dma_start3A_633 = tpu.memref_slice %arg6[%dma_start3A_629, %dma_start3A_631, %dma_start3A_632] : memref<3x1024x32xf32, #tpu.memory_space<vmem>> -> memref<1x128x32xf32, #tpu.memory_space<vmem>>
    %dma_start3A_634 = tpu.memref_squeeze %dma_start3A_633 : memref<1x128x32xf32, #tpu.memory_space<vmem>> -> memref<128x32xf32, #tpu.memory_space<vmem>>
    %dma_start3A_635 = arith.constant 0 : i32
    %dma_start3A_636 = tpu.memref_slice %arg5[%dma_start3A_627, %dma_start3A_628, %dma_start3A_635] : memref<3x8x128xi32, #tpu.memory_space<vmem>> -> memref<1x1x128xi32, #tpu.memory_space<vmem>>
    %dma_start3A_637 = tpu.memref_squeeze %dma_start3A_636 : memref<1x1x128xi32, #tpu.memory_space<vmem>> -> memref<128xi32, #tpu.memory_space<vmem>>
    %dma_start3A_638 = arith.constant 0 : i32
    %dma_start3A_639 = arith.constant 0 : i32
    %dma_start3A_640 = tpu.memref_slice %arg3[%dma_start3A_638, %dma_start3A_639] : memref<1000448x32xf32, #tpu.memory_space<hbm>> -> memref<1000448x32xf32, #tpu.memory_space<hbm>>
    %dma_start3A_641 = tpu.memref_slice %arg8[%dma_start3A_630] : memref<3x!tpu.dma_semaphore, #tpu.memory_space<semaphore_mem>> -> memref<1x!tpu.dma_semaphore, #tpu.memory_space<semaphore_mem>>
    %dma_start3A_642 = tpu.memref_squeeze %dma_start3A_641 : memref<1x!tpu.dma_semaphore, #tpu.memory_space<semaphore_mem>> -> memref<!tpu.dma_semaphore, #tpu.memory_space<semaphore_mem>>
    tpu.enqueue_indirect_dma source(%dma_start3A_640 : memref<1000448x32xf32, #tpu.memory_space<hbm>>) target(%dma_start3A_634 : memref<128x32xf32, #tpu.memory_space<vmem>>) offsets(%dma_start3A_637 : memref<128xi32, #tpu.memory_space<vmem>>) semaphore(%dma_start3A_642 : memref<!tpu.dma_semaphore, #tpu.memory_space<semaphore_mem>>)
    %dma_start3A_643 = arith.constant 2 : i32
    %dma_start3A_644 = arith.constant 7 : i32
    %dma_start3A_645 = arith.constant 2 : i32
    %dma_start3A_646 = arith.constant 2 : i32
    %dma_start3A_647 = arith.constant 896 : i32
    %dma_start3A_648 = arith.constant 0 : i32
    %dma_start3A_649 = tpu.memref_slice %arg6[%dma_start3A_645, %dma_start3A_647, %dma_start3A_648] : memref<3x1024x32xf32, #tpu.memory_space<vmem>> -> memref<1x128x32xf32, #tpu.memory_space<vmem>>
    %dma_start3A_650 = tpu.memref_squeeze %dma_start3A_649 : memref<1x128x32xf32, #tpu.memory_space<vmem>> -> memref<128x32xf32, #tpu.memory_space<vmem>>
    %dma_start3A_651 = arith.constant 0 : i32
    %dma_start3A_652 = tpu.memref_slice %arg5[%dma_start3A_643, %dma_start3A_644, %dma_start3A_651] : memref<3x8x128xi32, #tpu.memory_space<vmem>> -> memref<1x1x128xi32, #tpu.memory_space<vmem>>
    %dma_start3A_653 = tpu.memref_squeeze %dma_start3A_652 : memref<1x1x128xi32, #tpu.memory_space<vmem>> -> memref<128xi32, #tpu.memory_space<vmem>>
    %dma_start3A_654 = arith.constant 0 : i32
    %dma_start3A_655 = arith.constant 0 : i32
    %dma_start3A_656 = tpu.memref_slice %arg3[%dma_start3A_654, %dma_start3A_655] : memref<1000448x32xf32, #tpu.memory_space<hbm>> -> memref<1000448x32xf32, #tpu.memory_space<hbm>>
    %dma_start3A_657 = tpu.memref_slice %arg8[%dma_start3A_646] : memref<3x!tpu.dma_semaphore, #tpu.memory_space<semaphore_mem>> -> memref<1x!tpu.dma_semaphore, #tpu.memory_space<semaphore_mem>>
    %dma_start3A_658 = tpu.memref_squeeze %dma_start3A_657 : memref<1x!tpu.dma_semaphore, #tpu.memory_space<semaphore_mem>> -> memref<!tpu.dma_semaphore, #tpu.memory_space<semaphore_mem>>
    tpu.enqueue_indirect_dma source(%dma_start3A_656 : memref<1000448x32xf32, #tpu.memory_space<hbm>>) target(%dma_start3A_650 : memref<128x32xf32, #tpu.memory_space<vmem>>) offsets(%dma_start3A_653 : memref<128xi32, #tpu.memory_space<vmem>>) semaphore(%dma_start3A_658 : memref<!tpu.dma_semaphore, #tpu.memory_space<semaphore_mem>>)
    %dma_wait3A_659 = arith.constant 1 : i32
    %dma_wait3A_660 = arith.constant 0 : i32
    %dma_wait3A_661 = arith.constant 1 : i32
    %dma_wait3A_662 = arith.constant 1 : i32
    %dma_wait3A_663 = arith.constant 0 : i32
    %dma_wait3A_664 = arith.constant 0 : i32
    %dma_wait3A_665 = tpu.memref_slice %arg6[%dma_wait3A_661, %dma_wait3A_663, %dma_wait3A_664] : memref<3x1024x32xf32, #tpu.memory_space<vmem>> -> memref<1x128x32xf32, #tpu.memory_space<vmem>>
    %dma_wait3A_666 = tpu.memref_squeeze %dma_wait3A_665 : memref<1x128x32xf32, #tpu.memory_space<vmem>> -> memref<128x32xf32, #tpu.memory_space<vmem>>
    %dma_wait3A_667 = arith.constant 0 : i32
    %dma_wait3A_668 = tpu.memref_slice %arg5[%dma_wait3A_659, %dma_wait3A_660, %dma_wait3A_667] : memref<3x8x128xi32, #tpu.memory_space<vmem>> -> memref<1x1x128xi32, #tpu.memory_space<vmem>>
    %dma_wait3A_669 = tpu.memref_squeeze %dma_wait3A_668 : memref<1x1x128xi32, #tpu.memory_space<vmem>> -> memref<128xi32, #tpu.memory_space<vmem>>
    %dma_wait3A_670 = arith.constant 0 : i32
    %dma_wait3A_671 = arith.constant 0 : i32
    %dma_wait3A_672 = tpu.memref_slice %arg3[%dma_wait3A_670, %dma_wait3A_671] : memref<1000448x32xf32, #tpu.memory_space<hbm>> -> memref<1000448x32xf32, #tpu.memory_space<hbm>>
    %dma_wait3A_673 = tpu.memref_slice %arg8[%dma_wait3A_662] : memref<3x!tpu.dma_semaphore, #tpu.memory_space<semaphore_mem>> -> memref<1x!tpu.dma_semaphore, #tpu.memory_space<semaphore_mem>>
    %dma_wait3A_674 = tpu.memref_squeeze %dma_wait3A_673 : memref<1x!tpu.dma_semaphore, #tpu.memory_space<semaphore_mem>> -> memref<!tpu.dma_semaphore, #tpu.memory_space<semaphore_mem>>
    tpu.wait_indirect_dma semaphore(%dma_wait3A_674 : memref<!tpu.dma_semaphore, #tpu.memory_space<semaphore_mem>>) src(%dma_wait3A_672 : memref<1000448x32xf32, #tpu.memory_space<hbm>>) dst(%dma_wait3A_666 : memref<128x32xf32, #tpu.memory_space<vmem>>)
    %dma_wait3A_675 = arith.constant 1 : i32
    %dma_wait3A_676 = arith.constant 1 : i32
    %dma_wait3A_677 = arith.constant 1 : i32
    %dma_wait3A_678 = arith.constant 1 : i32
    %dma_wait3A_679 = arith.constant 128 : i32
    %dma_wait3A_680 = arith.constant 0 : i32
    %dma_wait3A_681 = tpu.memref_slice %arg6[%dma_wait3A_677, %dma_wait3A_679, %dma_wait3A_680] : memref<3x1024x32xf32, #tpu.memory_space<vmem>> -> memref<1x128x32xf32, #tpu.memory_space<vmem>>
    %dma_wait3A_682 = tpu.memref_squeeze %dma_wait3A_681 : memref<1x128x32xf32, #tpu.memory_space<vmem>> -> memref<128x32xf32, #tpu.memory_space<vmem>>
    %dma_wait3A_683 = arith.constant 0 : i32
    %dma_wait3A_684 = tpu.memref_slice %arg5[%dma_wait3A_675, %dma_wait3A_676, %dma_wait3A_683] : memref<3x8x128xi32, #tpu.memory_space<vmem>> -> memref<1x1x128xi32, #tpu.memory_space<vmem>>
    %dma_wait3A_685 = tpu.memref_squeeze %dma_wait3A_684 : memref<1x1x128xi32, #tpu.memory_space<vmem>> -> memref<128xi32, #tpu.memory_space<vmem>>
    %dma_wait3A_686 = arith.constant 0 : i32
    %dma_wait3A_687 = arith.constant 0 : i32
    %dma_wait3A_688 = tpu.memref_slice %arg3[%dma_wait3A_686, %dma_wait3A_687] : memref<1000448x32xf32, #tpu.memory_space<hbm>> -> memref<1000448x32xf32, #tpu.memory_space<hbm>>
    %dma_wait3A_689 = tpu.memref_slice %arg8[%dma_wait3A_678] : memref<3x!tpu.dma_semaphore, #tpu.memory_space<semaphore_mem>> -> memref<1x!tpu.dma_semaphore, #tpu.memory_space<semaphore_mem>>
    %dma_wait3A_690 = tpu.memref_squeeze %dma_wait3A_689 : memref<1x!tpu.dma_semaphore, #tpu.memory_space<semaphore_mem>> -> memref<!tpu.dma_semaphore, #tpu.memory_space<semaphore_mem>>
    tpu.wait_indirect_dma semaphore(%dma_wait3A_690 : memref<!tpu.dma_semaphore, #tpu.memory_space<semaphore_mem>>) src(%dma_wait3A_688 : memref<1000448x32xf32, #tpu.memory_space<hbm>>) dst(%dma_wait3A_682 : memref<128x32xf32, #tpu.memory_space<vmem>>)
    %dma_wait3A_691 = arith.constant 1 : i32
    %dma_wait3A_692 = arith.constant 2 : i32
    %dma_wait3A_693 = arith.constant 1 : i32
    %dma_wait3A_694 = arith.constant 1 : i32
    %dma_wait3A_695 = arith.constant 256 : i32
    %dma_wait3A_696 = arith.constant 0 : i32
    %dma_wait3A_697 = tpu.memref_slice %arg6[%dma_wait3A_693, %dma_wait3A_695, %dma_wait3A_696] : memref<3x1024x32xf32, #tpu.memory_space<vmem>> -> memref<1x128x32xf32, #tpu.memory_space<vmem>>
    %dma_wait3A_698 = tpu.memref_squeeze %dma_wait3A_697 : memref<1x128x32xf32, #tpu.memory_space<vmem>> -> memref<128x32xf32, #tpu.memory_space<vmem>>
    %dma_wait3A_699 = arith.constant 0 : i32
    %dma_wait3A_700 = tpu.memref_slice %arg5[%dma_wait3A_691, %dma_wait3A_692, %dma_wait3A_699] : memref<3x8x128xi32, #tpu.memory_space<vmem>> -> memref<1x1x128xi32, #tpu.memory_space<vmem>>
    %dma_wait3A_701 = tpu.memref_squeeze %dma_wait3A_700 : memref<1x1x128xi32, #tpu.memory_space<vmem>> -> memref<128xi32, #tpu.memory_space<vmem>>
    %dma_wait3A_702 = arith.constant 0 : i32
    %dma_wait3A_703 = arith.constant 0 : i32
    %dma_wait3A_704 = tpu.memref_slice %arg3[%dma_wait3A_702, %dma_wait3A_703] : memref<1000448x32xf32, #tpu.memory_space<hbm>> -> memref<1000448x32xf32, #tpu.memory_space<hbm>>
    %dma_wait3A_705 = tpu.memref_slice %arg8[%dma_wait3A_694] : memref<3x!tpu.dma_semaphore, #tpu.memory_space<semaphore_mem>> -> memref<1x!tpu.dma_semaphore, #tpu.memory_space<semaphore_mem>>
    %dma_wait3A_706 = tpu.memref_squeeze %dma_wait3A_705 : memref<1x!tpu.dma_semaphore, #tpu.memory_space<semaphore_mem>> -> memref<!tpu.dma_semaphore, #tpu.memory_space<semaphore_mem>>
    tpu.wait_indirect_dma semaphore(%dma_wait3A_706 : memref<!tpu.dma_semaphore, #tpu.memory_space<semaphore_mem>>) src(%dma_wait3A_704 : memref<1000448x32xf32, #tpu.memory_space<hbm>>) dst(%dma_wait3A_698 : memref<128x32xf32, #tpu.memory_space<vmem>>)
    %dma_wait3A_707 = arith.constant 1 : i32
    %dma_wait3A_708 = arith.constant 3 : i32
    %dma_wait3A_709 = arith.constant 1 : i32
    %dma_wait3A_710 = arith.constant 1 : i32
    %dma_wait3A_711 = arith.constant 384 : i32
    %dma_wait3A_712 = arith.constant 0 : i32
    %dma_wait3A_713 = tpu.memref_slice %arg6[%dma_wait3A_709, %dma_wait3A_711, %dma_wait3A_712] : memref<3x1024x32xf32, #tpu.memory_space<vmem>> -> memref<1x128x32xf32, #tpu.memory_space<vmem>>
    %dma_wait3A_714 = tpu.memref_squeeze %dma_wait3A_713 : memref<1x128x32xf32, #tpu.memory_space<vmem>> -> memref<128x32xf32, #tpu.memory_space<vmem>>
    %dma_wait3A_715 = arith.constant 0 : i32
    %dma_wait3A_716 = tpu.memref_slice %arg5[%dma_wait3A_707, %dma_wait3A_708, %dma_wait3A_715] : memref<3x8x128xi32, #tpu.memory_space<vmem>> -> memref<1x1x128xi32, #tpu.memory_space<vmem>>
    %dma_wait3A_717 = tpu.memref_squeeze %dma_wait3A_716 : memref<1x1x128xi32, #tpu.memory_space<vmem>> -> memref<128xi32, #tpu.memory_space<vmem>>
    %dma_wait3A_718 = arith.constant 0 : i32
    %dma_wait3A_719 = arith.constant 0 : i32
    %dma_wait3A_720 = tpu.memref_slice %arg3[%dma_wait3A_718, %dma_wait3A_719] : memref<1000448x32xf32, #tpu.memory_space<hbm>> -> memref<1000448x32xf32, #tpu.memory_space<hbm>>
    %dma_wait3A_721 = tpu.memref_slice %arg8[%dma_wait3A_710] : memref<3x!tpu.dma_semaphore, #tpu.memory_space<semaphore_mem>> -> memref<1x!tpu.dma_semaphore, #tpu.memory_space<semaphore_mem>>
    %dma_wait3A_722 = tpu.memref_squeeze %dma_wait3A_721 : memref<1x!tpu.dma_semaphore, #tpu.memory_space<semaphore_mem>> -> memref<!tpu.dma_semaphore, #tpu.memory_space<semaphore_mem>>
    tpu.wait_indirect_dma semaphore(%dma_wait3A_722 : memref<!tpu.dma_semaphore, #tpu.memory_space<semaphore_mem>>) src(%dma_wait3A_720 : memref<1000448x32xf32, #tpu.memory_space<hbm>>) dst(%dma_wait3A_714 : memref<128x32xf32, #tpu.memory_space<vmem>>)
    %dma_wait3A_723 = arith.constant 1 : i32
    %dma_wait3A_724 = arith.constant 4 : i32
    %dma_wait3A_725 = arith.constant 1 : i32
    %dma_wait3A_726 = arith.constant 1 : i32
    %dma_wait3A_727 = arith.constant 512 : i32
    %dma_wait3A_728 = arith.constant 0 : i32
    %dma_wait3A_729 = tpu.memref_slice %arg6[%dma_wait3A_725, %dma_wait3A_727, %dma_wait3A_728] : memref<3x1024x32xf32, #tpu.memory_space<vmem>> -> memref<1x128x32xf32, #tpu.memory_space<vmem>>
    %dma_wait3A_730 = tpu.memref_squeeze %dma_wait3A_729 : memref<1x128x32xf32, #tpu.memory_space<vmem>> -> memref<128x32xf32, #tpu.memory_space<vmem>>
    %dma_wait3A_731 = arith.constant 0 : i32
    %dma_wait3A_732 = tpu.memref_slice %arg5[%dma_wait3A_723, %dma_wait3A_724, %dma_wait3A_731] : memref<3x8x128xi32, #tpu.memory_space<vmem>> -> memref<1x1x128xi32, #tpu.memory_space<vmem>>
    %dma_wait3A_733 = tpu.memref_squeeze %dma_wait3A_732 : memref<1x1x128xi32, #tpu.memory_space<vmem>> -> memref<128xi32, #tpu.memory_space<vmem>>
    %dma_wait3A_734 = arith.constant 0 : i32
    %dma_wait3A_735 = arith.constant 0 : i32
    %dma_wait3A_736 = tpu.memref_slice %arg3[%dma_wait3A_734, %dma_wait3A_735] : memref<1000448x32xf32, #tpu.memory_space<hbm>> -> memref<1000448x32xf32, #tpu.memory_space<hbm>>
    %dma_wait3A_737 = tpu.memref_slice %arg8[%dma_wait3A_726] : memref<3x!tpu.dma_semaphore, #tpu.memory_space<semaphore_mem>> -> memref<1x!tpu.dma_semaphore, #tpu.memory_space<semaphore_mem>>
    %dma_wait3A_738 = tpu.memref_squeeze %dma_wait3A_737 : memref<1x!tpu.dma_semaphore, #tpu.memory_space<semaphore_mem>> -> memref<!tpu.dma_semaphore, #tpu.memory_space<semaphore_mem>>
    tpu.wait_indirect_dma semaphore(%dma_wait3A_738 : memref<!tpu.dma_semaphore, #tpu.memory_space<semaphore_mem>>) src(%dma_wait3A_736 : memref<1000448x32xf32, #tpu.memory_space<hbm>>) dst(%dma_wait3A_730 : memref<128x32xf32, #tpu.memory_space<vmem>>)
    %dma_wait3A_739 = arith.constant 1 : i32
    %dma_wait3A_740 = arith.constant 5 : i32
    %dma_wait3A_741 = arith.constant 1 : i32
    %dma_wait3A_742 = arith.constant 1 : i32
    %dma_wait3A_743 = arith.constant 640 : i32
    %dma_wait3A_744 = arith.constant 0 : i32
    %dma_wait3A_745 = tpu.memref_slice %arg6[%dma_wait3A_741, %dma_wait3A_743, %dma_wait3A_744] : memref<3x1024x32xf32, #tpu.memory_space<vmem>> -> memref<1x128x32xf32, #tpu.memory_space<vmem>>
    %dma_wait3A_746 = tpu.memref_squeeze %dma_wait3A_745 : memref<1x128x32xf32, #tpu.memory_space<vmem>> -> memref<128x32xf32, #tpu.memory_space<vmem>>
    %dma_wait3A_747 = arith.constant 0 : i32
    %dma_wait3A_748 = tpu.memref_slice %arg5[%dma_wait3A_739, %dma_wait3A_740, %dma_wait3A_747] : memref<3x8x128xi32, #tpu.memory_space<vmem>> -> memref<1x1x128xi32, #tpu.memory_space<vmem>>
    %dma_wait3A_749 = tpu.memref_squeeze %dma_wait3A_748 : memref<1x1x128xi32, #tpu.memory_space<vmem>> -> memref<128xi32, #tpu.memory_space<vmem>>
    %dma_wait3A_750 = arith.constant 0 : i32
    %dma_wait3A_751 = arith.constant 0 : i32
    %dma_wait3A_752 = tpu.memref_slice %arg3[%dma_wait3A_750, %dma_wait3A_751] : memref<1000448x32xf32, #tpu.memory_space<hbm>> -> memref<1000448x32xf32, #tpu.memory_space<hbm>>
    %dma_wait3A_753 = tpu.memref_slice %arg8[%dma_wait3A_742] : memref<3x!tpu.dma_semaphore, #tpu.memory_space<semaphore_mem>> -> memref<1x!tpu.dma_semaphore, #tpu.memory_space<semaphore_mem>>
    %dma_wait3A_754 = tpu.memref_squeeze %dma_wait3A_753 : memref<1x!tpu.dma_semaphore, #tpu.memory_space<semaphore_mem>> -> memref<!tpu.dma_semaphore, #tpu.memory_space<semaphore_mem>>
    tpu.wait_indirect_dma semaphore(%dma_wait3A_754 : memref<!tpu.dma_semaphore, #tpu.memory_space<semaphore_mem>>) src(%dma_wait3A_752 : memref<1000448x32xf32, #tpu.memory_space<hbm>>) dst(%dma_wait3A_746 : memref<128x32xf32, #tpu.memory_space<vmem>>)
    %dma_wait3A_755 = arith.constant 1 : i32
    %dma_wait3A_756 = arith.constant 6 : i32
    %dma_wait3A_757 = arith.constant 1 : i32
    %dma_wait3A_758 = arith.constant 1 : i32
    %dma_wait3A_759 = arith.constant 768 : i32
    %dma_wait3A_760 = arith.constant 0 : i32
    %dma_wait3A_761 = tpu.memref_slice %arg6[%dma_wait3A_757, %dma_wait3A_759, %dma_wait3A_760] : memref<3x1024x32xf32, #tpu.memory_space<vmem>> -> memref<1x128x32xf32, #tpu.memory_space<vmem>>
    %dma_wait3A_762 = tpu.memref_squeeze %dma_wait3A_761 : memref<1x128x32xf32, #tpu.memory_space<vmem>> -> memref<128x32xf32, #tpu.memory_space<vmem>>
    %dma_wait3A_763 = arith.constant 0 : i32
    %dma_wait3A_764 = tpu.memref_slice %arg5[%dma_wait3A_755, %dma_wait3A_756, %dma_wait3A_763] : memref<3x8x128xi32, #tpu.memory_space<vmem>> -> memref<1x1x128xi32, #tpu.memory_space<vmem>>
    %dma_wait3A_765 = tpu.memref_squeeze %dma_wait3A_764 : memref<1x1x128xi32, #tpu.memory_space<vmem>> -> memref<128xi32, #tpu.memory_space<vmem>>
    %dma_wait3A_766 = arith.constant 0 : i32
    %dma_wait3A_767 = arith.constant 0 : i32
    %dma_wait3A_768 = tpu.memref_slice %arg3[%dma_wait3A_766, %dma_wait3A_767] : memref<1000448x32xf32, #tpu.memory_space<hbm>> -> memref<1000448x32xf32, #tpu.memory_space<hbm>>
    %dma_wait3A_769 = tpu.memref_slice %arg8[%dma_wait3A_758] : memref<3x!tpu.dma_semaphore, #tpu.memory_space<semaphore_mem>> -> memref<1x!tpu.dma_semaphore, #tpu.memory_space<semaphore_mem>>
    %dma_wait3A_770 = tpu.memref_squeeze %dma_wait3A_769 : memref<1x!tpu.dma_semaphore, #tpu.memory_space<semaphore_mem>> -> memref<!tpu.dma_semaphore, #tpu.memory_space<semaphore_mem>>
    tpu.wait_indirect_dma semaphore(%dma_wait3A_770 : memref<!tpu.dma_semaphore, #tpu.memory_space<semaphore_mem>>) src(%dma_wait3A_768 : memref<1000448x32xf32, #tpu.memory_space<hbm>>) dst(%dma_wait3A_762 : memref<128x32xf32, #tpu.memory_space<vmem>>)
    %dma_wait3A_771 = arith.constant 1 : i32
    %dma_wait3A_772 = arith.constant 7 : i32
    %dma_wait3A_773 = arith.constant 1 : i32
    %dma_wait3A_774 = arith.constant 1 : i32
    %dma_wait3A_775 = arith.constant 896 : i32
    %dma_wait3A_776 = arith.constant 0 : i32
    %dma_wait3A_777 = tpu.memref_slice %arg6[%dma_wait3A_773, %dma_wait3A_775, %dma_wait3A_776] : memref<3x1024x32xf32, #tpu.memory_space<vmem>> -> memref<1x128x32xf32, #tpu.memory_space<vmem>>
    %dma_wait3A_778 = tpu.memref_squeeze %dma_wait3A_777 : memref<1x128x32xf32, #tpu.memory_space<vmem>> -> memref<128x32xf32, #tpu.memory_space<vmem>>
    %dma_wait3A_779 = arith.constant 0 : i32
    %dma_wait3A_780 = tpu.memref_slice %arg5[%dma_wait3A_771, %dma_wait3A_772, %dma_wait3A_779] : memref<3x8x128xi32, #tpu.memory_space<vmem>> -> memref<1x1x128xi32, #tpu.memory_space<vmem>>
    %dma_wait3A_781 = tpu.memref_squeeze %dma_wait3A_780 : memref<1x1x128xi32, #tpu.memory_space<vmem>> -> memref<128xi32, #tpu.memory_space<vmem>>
    %dma_wait3A_782 = arith.constant 0 : i32
    %dma_wait3A_783 = arith.constant 0 : i32
    %dma_wait3A_784 = tpu.memref_slice %arg3[%dma_wait3A_782, %dma_wait3A_783] : memref<1000448x32xf32, #tpu.memory_space<hbm>> -> memref<1000448x32xf32, #tpu.memory_space<hbm>>
    %dma_wait3A_785 = tpu.memref_slice %arg8[%dma_wait3A_774] : memref<3x!tpu.dma_semaphore, #tpu.memory_space<semaphore_mem>> -> memref<1x!tpu.dma_semaphore, #tpu.memory_space<semaphore_mem>>
    %dma_wait3A_786 = tpu.memref_squeeze %dma_wait3A_785 : memref<1x!tpu.dma_semaphore, #tpu.memory_space<semaphore_mem>> -> memref<!tpu.dma_semaphore, #tpu.memory_space<semaphore_mem>>
    tpu.wait_indirect_dma semaphore(%dma_wait3A_786 : memref<!tpu.dma_semaphore, #tpu.memory_space<semaphore_mem>>) src(%dma_wait3A_784 : memref<1000448x32xf32, #tpu.memory_space<hbm>>) dst(%dma_wait3A_778 : memref<128x32xf32, #tpu.memory_space<vmem>>)
    %add3A_787 = arith.constant 1024 : i32
    %add3A_788 = arith.addi %mul3A_4, %add3A_787 : i32
    %dma_start3A_789 = arith.constant 1 : i32
    %dma_start3A_790 = arith.constant 1 : i32
    %dma_start3A_791 = arith.constant 0 : i32
    %dma_start3A_792 = arith.constant 0 : i32
    %dma_start3A_793 = tpu.memref_slice %arg6[%dma_start3A_789, %dma_start3A_791, %dma_start3A_792] : memref<3x1024x32xf32, #tpu.memory_space<vmem>> -> memref<1x1024x32xf32, #tpu.memory_space<vmem>>
    %dma_start3A_794 = tpu.memref_squeeze %dma_start3A_793 : memref<1x1024x32xf32, #tpu.memory_space<vmem>> -> memref<1024x32xf32, #tpu.memory_space<vmem>>
    %dma_start3A_795 = arith.constant 0 : i32
    %dma_start3A_796 = tpu.memref_slice %arg4[%add3A_788, %dma_start3A_795] : memref<3276800x32xf32, #tpu.memory_space<hbm>> -> memref<1024x32xf32, #tpu.memory_space<hbm>>
    %dma_start3A_797 = tpu.memref_slice %arg9[%dma_start3A_790] : memref<3x!tpu.dma_semaphore, #tpu.memory_space<semaphore_mem>> -> memref<1x!tpu.dma_semaphore, #tpu.memory_space<semaphore_mem>>
    %dma_start3A_798 = tpu.memref_squeeze %dma_start3A_797 : memref<1x!tpu.dma_semaphore, #tpu.memory_space<semaphore_mem>> -> memref<!tpu.dma_semaphore, #tpu.memory_space<semaphore_mem>>
    %dma_start3A_799 = arith.constant 0 : i32
    %dma_start3A_800 = tpu.memref_slice %arg4[%add3A_788, %dma_start3A_799] : memref<3276800x32xf32, #tpu.memory_space<hbm>> -> memref<1024x32xf32, #tpu.memory_space<hbm>>
    %dma_start3A_801 = arith.constant 0 : i32
    %dma_start3A_802 = arith.constant 0 : i32
    %dma_start3A_803 = tpu.memref_slice %arg6[%dma_start3A_789, %dma_start3A_801, %dma_start3A_802] : memref<3x1024x32xf32, #tpu.memory_space<vmem>> -> memref<1x1024x32xf32, #tpu.memory_space<vmem>>
    %dma_start3A_804 = tpu.memref_squeeze %dma_start3A_803 : memref<1x1024x32xf32, #tpu.memory_space<vmem>> -> memref<1024x32xf32, #tpu.memory_space<vmem>>
    tpu.enqueue_dma source(%dma_start3A_804 : memref<1024x32xf32, #tpu.memory_space<vmem>>) target(%dma_start3A_800 : memref<1024x32xf32, #tpu.memory_space<hbm>>) target_semaphore(%dma_start3A_798 : memref<!tpu.dma_semaphore, #tpu.memory_space<semaphore_mem>>)
    %add3A_805 = arith.constant 32 : i32
    %add3A_806 = arith.addi %mul3A_2, %add3A_805 : i32
    %dma_start3A_807 = arith.constant 1 : i32
    %dma_start3A_808 = arith.constant 1 : i32
    %dma_start3A_809 = arith.constant 0 : i32
    %dma_start3A_810 = arith.constant 0 : i32
    %dma_start3A_811 = tpu.memref_slice %arg5[%dma_start3A_807, %dma_start3A_809, %dma_start3A_810] : memref<3x8x128xi32, #tpu.memory_space<vmem>> -> memref<1x8x128xi32, #tpu.memory_space<vmem>>
    %dma_start3A_812 = tpu.memref_squeeze %dma_start3A_811 : memref<1x8x128xi32, #tpu.memory_space<vmem>> -> memref<8x128xi32, #tpu.memory_space<vmem>>
    %dma_start3A_813 = arith.constant 0 : i32
    %dma_start3A_814 = tpu.memref_slice %arg2[%add3A_806, %dma_start3A_813] : memref<25600x128xi32, #tpu.memory_space<hbm>> -> memref<8x128xi32, #tpu.memory_space<hbm>>
    %dma_start3A_815 = tpu.memref_slice %arg7[%dma_start3A_808] : memref<3x!tpu.dma_semaphore, #tpu.memory_space<semaphore_mem>> -> memref<1x!tpu.dma_semaphore, #tpu.memory_space<semaphore_mem>>
    %dma_start3A_816 = tpu.memref_squeeze %dma_start3A_815 : memref<1x!tpu.dma_semaphore, #tpu.memory_space<semaphore_mem>> -> memref<!tpu.dma_semaphore, #tpu.memory_space<semaphore_mem>>
    %dma_start3A_817 = arith.constant 0 : i32
    %dma_start3A_818 = arith.constant 0 : i32
    %dma_start3A_819 = tpu.memref_slice %arg5[%dma_start3A_807, %dma_start3A_817, %dma_start3A_818] : memref<3x8x128xi32, #tpu.memory_space<vmem>> -> memref<1x8x128xi32, #tpu.memory_space<vmem>>
    %dma_start3A_820 = tpu.memref_squeeze %dma_start3A_819 : memref<1x8x128xi32, #tpu.memory_space<vmem>> -> memref<8x128xi32, #tpu.memory_space<vmem>>
    %dma_start3A_821 = arith.constant 0 : i32
    %dma_start3A_822 = tpu.memref_slice %arg2[%add3A_806, %dma_start3A_821] : memref<25600x128xi32, #tpu.memory_space<hbm>> -> memref<8x128xi32, #tpu.memory_space<hbm>>
    tpu.enqueue_dma source(%dma_start3A_822 : memref<8x128xi32, #tpu.memory_space<hbm>>) target(%dma_start3A_820 : memref<8x128xi32, #tpu.memory_space<vmem>>) target_semaphore(%dma_start3A_816 : memref<!tpu.dma_semaphore, #tpu.memory_space<semaphore_mem>>)
    %scan3A = arith.constant 0 : i32
    %scan3A_823 = arith.constant 0 : i32
    %scan3A_824 = arith.constant 32 : i32
    %scan3A_825 = arith.addi %scan3A_823, %scan3A_824 : i32
    %scan3A_826 = arith.constant 1 : i32
    scf.for %scan3A_1356 = %scan3A_823 to %scan3A_825 step %scan3A_826  : i32 {
      %mul3A_1357 = arith.constant 3 : i32
      %mul3A_1358 = arith.muli %scan3A_1356, %mul3A_1357 : i32
      %add3A_1359 = arith.constant 3 : i32
      %add3A_1360 = arith.addi %add3A_1359, %mul3A_1358 : i32
      %add3A_1361 = arith.constant 0 : i32
      %add3A_1362 = arith.addi %add3A_1360, %add3A_1361 : i32
      %mul3A_1363 = arith.constant 8 : i32
      %mul3A_1364 = arith.muli %add3A_1362, %mul3A_1363 : i32
      %add3A_1365 = arith.addi %mul3A_2, %mul3A_1364 : i32
      %dma_wait3A_1366 = arith.constant 0 : i32
      %dma_wait3A_1367 = arith.constant 0 : i32
      %dma_wait3A_1368 = arith.constant 0 : i32
      %dma_wait3A_1369 = arith.constant 0 : i32
      %dma_wait3A_1370 = tpu.memref_slice %arg5[%dma_wait3A_1366, %dma_wait3A_1368, %dma_wait3A_1369] : memref<3x8x128xi32, #tpu.memory_space<vmem>> -> memref<1x8x128xi32, #tpu.memory_space<vmem>>
      %dma_wait3A_1371 = tpu.memref_squeeze %dma_wait3A_1370 : memref<1x8x128xi32, #tpu.memory_space<vmem>> -> memref<8x128xi32, #tpu.memory_space<vmem>>
      %dma_wait3A_1372 = arith.constant 0 : i32
      %dma_wait3A_1373 = tpu.memref_slice %arg2[%add3A_1365, %dma_wait3A_1372] : memref<25600x128xi32, #tpu.memory_space<hbm>> -> memref<8x128xi32, #tpu.memory_space<hbm>>
      %dma_wait3A_1374 = tpu.memref_slice %arg7[%dma_wait3A_1367] : memref<3x!tpu.dma_semaphore, #tpu.memory_space<semaphore_mem>> -> memref<1x!tpu.dma_semaphore, #tpu.memory_space<semaphore_mem>>
      %dma_wait3A_1375 = tpu.memref_squeeze %dma_wait3A_1374 : memref<1x!tpu.dma_semaphore, #tpu.memory_space<semaphore_mem>> -> memref<!tpu.dma_semaphore, #tpu.memory_space<semaphore_mem>>
      %dma_wait3A_1376 = arith.constant 0 : i32
      %dma_wait3A_1377 = arith.constant 0 : i32
      %dma_wait3A_1378 = tpu.memref_slice %arg5[%dma_wait3A_1366, %dma_wait3A_1376, %dma_wait3A_1377] : memref<3x8x128xi32, #tpu.memory_space<vmem>> -> memref<1x8x128xi32, #tpu.memory_space<vmem>>
      %dma_wait3A_1379 = tpu.memref_squeeze %dma_wait3A_1378 : memref<1x8x128xi32, #tpu.memory_space<vmem>> -> memref<8x128xi32, #tpu.memory_space<vmem>>
      %dma_wait3A_1380 = arith.constant 0 : i32
      %dma_wait3A_1381 = tpu.memref_slice %arg2[%add3A_1365, %dma_wait3A_1380] : memref<25600x128xi32, #tpu.memory_space<hbm>> -> memref<8x128xi32, #tpu.memory_space<hbm>>
      tpu.wait_dma2 semaphore(%dma_wait3A_1375 : memref<!tpu.dma_semaphore, #tpu.memory_space<semaphore_mem>>) src(%dma_wait3A_1381 : memref<8x128xi32, #tpu.memory_space<hbm>>) dst(%dma_wait3A_1379 : memref<8x128xi32, #tpu.memory_space<vmem>>)
      %sub3A = arith.constant 3 : i32
      %sub3A_1382 = arith.subi %add3A_1362, %sub3A : i32
      %mul3A_1383 = arith.constant 1024 : i32
      %mul3A_1384 = arith.muli %sub3A_1382, %mul3A_1383 : i32
      %add3A_1385 = arith.addi %mul3A_4, %mul3A_1384 : i32
      %dma_wait3A_1386 = arith.constant 0 : i32
      %dma_wait3A_1387 = arith.constant 0 : i32
      %dma_wait3A_1388 = arith.constant 0 : i32
      %dma_wait3A_1389 = arith.constant 0 : i32
      %dma_wait3A_1390 = tpu.memref_slice %arg6[%dma_wait3A_1386, %dma_wait3A_1388, %dma_wait3A_1389] : memref<3x1024x32xf32, #tpu.memory_space<vmem>> -> memref<1x1024x32xf32, #tpu.memory_space<vmem>>
      %dma_wait3A_1391 = tpu.memref_squeeze %dma_wait3A_1390 : memref<1x1024x32xf32, #tpu.memory_space<vmem>> -> memref<1024x32xf32, #tpu.memory_space<vmem>>
      %dma_wait3A_1392 = arith.constant 0 : i32
      %dma_wait3A_1393 = tpu.memref_slice %arg4[%add3A_1385, %dma_wait3A_1392] : memref<3276800x32xf32, #tpu.memory_space<hbm>> -> memref<1024x32xf32, #tpu.memory_space<hbm>>
      %dma_wait3A_1394 = tpu.memref_slice %arg9[%dma_wait3A_1387] : memref<3x!tpu.dma_semaphore, #tpu.memory_space<semaphore_mem>> -> memref<1x!tpu.dma_semaphore, #tpu.memory_space<semaphore_mem>>
      %dma_wait3A_1395 = tpu.memref_squeeze %dma_wait3A_1394 : memref<1x!tpu.dma_semaphore, #tpu.memory_space<semaphore_mem>> -> memref<!tpu.dma_semaphore, #tpu.memory_space<semaphore_mem>>
      %dma_wait3A_1396 = arith.constant 0 : i32
      %dma_wait3A_1397 = tpu.memref_slice %arg4[%add3A_1385, %dma_wait3A_1396] : memref<3276800x32xf32, #tpu.memory_space<hbm>> -> memref<1024x32xf32, #tpu.memory_space<hbm>>
      %dma_wait3A_1398 = arith.constant 0 : i32
      %dma_wait3A_1399 = arith.constant 0 : i32
      %dma_wait3A_1400 = tpu.memref_slice %arg6[%dma_wait3A_1386, %dma_wait3A_1398, %dma_wait3A_1399] : memref<3x1024x32xf32, #tpu.memory_space<vmem>> -> memref<1x1024x32xf32, #tpu.memory_space<vmem>>
      %dma_wait3A_1401 = tpu.memref_squeeze %dma_wait3A_1400 : memref<1x1024x32xf32, #tpu.memory_space<vmem>> -> memref<1024x32xf32, #tpu.memory_space<vmem>>
      tpu.wait_dma2 semaphore(%dma_wait3A_1395 : memref<!tpu.dma_semaphore, #tpu.memory_space<semaphore_mem>>) src(%dma_wait3A_1401 : memref<1024x32xf32, #tpu.memory_space<vmem>>) dst(%dma_wait3A_1397 : memref<1024x32xf32, #tpu.memory_space<hbm>>)
      %dma_start3A_1402 = arith.constant 0 : i32
      %dma_start3A_1403 = arith.constant 0 : i32
      %dma_start3A_1404 = arith.constant 0 : i32
      %dma_start3A_1405 = arith.constant 0 : i32
      %dma_start3A_1406 = arith.constant 0 : i32
      %dma_start3A_1407 = arith.constant 0 : i32
      %dma_start3A_1408 = tpu.memref_slice %arg6[%dma_start3A_1404, %dma_start3A_1406, %dma_start3A_1407] : memref<3x1024x32xf32, #tpu.memory_space<vmem>> -> memref<1x128x32xf32, #tpu.memory_space<vmem>>
      %dma_start3A_1409 = tpu.memref_squeeze %dma_start3A_1408 : memref<1x128x32xf32, #tpu.memory_space<vmem>> -> memref<128x32xf32, #tpu.memory_space<vmem>>
      %dma_start3A_1410 = arith.constant 0 : i32
      %dma_start3A_1411 = tpu.memref_slice %arg5[%dma_start3A_1402, %dma_start3A_1403, %dma_start3A_1410] : memref<3x8x128xi32, #tpu.memory_space<vmem>> -> memref<1x1x128xi32, #tpu.memory_space<vmem>>
      %dma_start3A_1412 = tpu.memref_squeeze %dma_start3A_1411 : memref<1x1x128xi32, #tpu.memory_space<vmem>> -> memref<128xi32, #tpu.memory_space<vmem>>
      %dma_start3A_1413 = arith.constant 0 : i32
      %dma_start3A_1414 = arith.constant 0 : i32
      %dma_start3A_1415 = tpu.memref_slice %arg3[%dma_start3A_1413, %dma_start3A_1414] : memref<1000448x32xf32, #tpu.memory_space<hbm>> -> memref<1000448x32xf32, #tpu.memory_space<hbm>>
      %dma_start3A_1416 = tpu.memref_slice %arg8[%dma_start3A_1405] : memref<3x!tpu.dma_semaphore, #tpu.memory_space<semaphore_mem>> -> memref<1x!tpu.dma_semaphore, #tpu.memory_space<semaphore_mem>>
      %dma_start3A_1417 = tpu.memref_squeeze %dma_start3A_1416 : memref<1x!tpu.dma_semaphore, #tpu.memory_space<semaphore_mem>> -> memref<!tpu.dma_semaphore, #tpu.memory_space<semaphore_mem>>
      tpu.enqueue_indirect_dma source(%dma_start3A_1415 : memref<1000448x32xf32, #tpu.memory_space<hbm>>) target(%dma_start3A_1409 : memref<128x32xf32, #tpu.memory_space<vmem>>) offsets(%dma_start3A_1412 : memref<128xi32, #tpu.memory_space<vmem>>) semaphore(%dma_start3A_1417 : memref<!tpu.dma_semaphore, #tpu.memory_space<semaphore_mem>>)
      %dma_start3A_1418 = arith.constant 0 : i32
      %dma_start3A_1419 = arith.constant 1 : i32
      %dma_start3A_1420 = arith.constant 0 : i32
      %dma_start3A_1421 = arith.constant 0 : i32
      %dma_start3A_1422 = arith.constant 128 : i32
      %dma_start3A_1423 = arith.constant 0 : i32
      %dma_start3A_1424 = tpu.memref_slice %arg6[%dma_start3A_1420, %dma_start3A_1422, %dma_start3A_1423] : memref<3x1024x32xf32, #tpu.memory_space<vmem>> -> memref<1x128x32xf32, #tpu.memory_space<vmem>>
      %dma_start3A_1425 = tpu.memref_squeeze %dma_start3A_1424 : memref<1x128x32xf32, #tpu.memory_space<vmem>> -> memref<128x32xf32, #tpu.memory_space<vmem>>
      %dma_start3A_1426 = arith.constant 0 : i32
      %dma_start3A_1427 = tpu.memref_slice %arg5[%dma_start3A_1418, %dma_start3A_1419, %dma_start3A_1426] : memref<3x8x128xi32, #tpu.memory_space<vmem>> -> memref<1x1x128xi32, #tpu.memory_space<vmem>>
      %dma_start3A_1428 = tpu.memref_squeeze %dma_start3A_1427 : memref<1x1x128xi32, #tpu.memory_space<vmem>> -> memref<128xi32, #tpu.memory_space<vmem>>
      %dma_start3A_1429 = arith.constant 0 : i32
      %dma_start3A_1430 = arith.constant 0 : i32
      %dma_start3A_1431 = tpu.memref_slice %arg3[%dma_start3A_1429, %dma_start3A_1430] : memref<1000448x32xf32, #tpu.memory_space<hbm>> -> memref<1000448x32xf32, #tpu.memory_space<hbm>>
      %dma_start3A_1432 = tpu.memref_slice %arg8[%dma_start3A_1421] : memref<3x!tpu.dma_semaphore, #tpu.memory_space<semaphore_mem>> -> memref<1x!tpu.dma_semaphore, #tpu.memory_space<semaphore_mem>>
      %dma_start3A_1433 = tpu.memref_squeeze %dma_start3A_1432 : memref<1x!tpu.dma_semaphore, #tpu.memory_space<semaphore_mem>> -> memref<!tpu.dma_semaphore, #tpu.memory_space<semaphore_mem>>
      tpu.enqueue_indirect_dma source(%dma_start3A_1431 : memref<1000448x32xf32, #tpu.memory_space<hbm>>) target(%dma_start3A_1425 : memref<128x32xf32, #tpu.memory_space<vmem>>) offsets(%dma_start3A_1428 : memref<128xi32, #tpu.memory_space<vmem>>) semaphore(%dma_start3A_1433 : memref<!tpu.dma_semaphore, #tpu.memory_space<semaphore_mem>>)
      %dma_start3A_1434 = arith.constant 0 : i32
      %dma_start3A_1435 = arith.constant 2 : i32
      %dma_start3A_1436 = arith.constant 0 : i32
      %dma_start3A_1437 = arith.constant 0 : i32
      %dma_start3A_1438 = arith.constant 256 : i32
      %dma_start3A_1439 = arith.constant 0 : i32
      %dma_start3A_1440 = tpu.memref_slice %arg6[%dma_start3A_1436, %dma_start3A_1438, %dma_start3A_1439] : memref<3x1024x32xf32, #tpu.memory_space<vmem>> -> memref<1x128x32xf32, #tpu.memory_space<vmem>>
      %dma_start3A_1441 = tpu.memref_squeeze %dma_start3A_1440 : memref<1x128x32xf32, #tpu.memory_space<vmem>> -> memref<128x32xf32, #tpu.memory_space<vmem>>
      %dma_start3A_1442 = arith.constant 0 : i32
      %dma_start3A_1443 = tpu.memref_slice %arg5[%dma_start3A_1434, %dma_start3A_1435, %dma_start3A_1442] : memref<3x8x128xi32, #tpu.memory_space<vmem>> -> memref<1x1x128xi32, #tpu.memory_space<vmem>>
      %dma_start3A_1444 = tpu.memref_squeeze %dma_start3A_1443 : memref<1x1x128xi32, #tpu.memory_space<vmem>> -> memref<128xi32, #tpu.memory_space<vmem>>
      %dma_start3A_1445 = arith.constant 0 : i32
      %dma_start3A_1446 = arith.constant 0 : i32
      %dma_start3A_1447 = tpu.memref_slice %arg3[%dma_start3A_1445, %dma_start3A_1446] : memref<1000448x32xf32, #tpu.memory_space<hbm>> -> memref<1000448x32xf32, #tpu.memory_space<hbm>>
      %dma_start3A_1448 = tpu.memref_slice %arg8[%dma_start3A_1437] : memref<3x!tpu.dma_semaphore, #tpu.memory_space<semaphore_mem>> -> memref<1x!tpu.dma_semaphore, #tpu.memory_space<semaphore_mem>>
      %dma_start3A_1449 = tpu.memref_squeeze %dma_start3A_1448 : memref<1x!tpu.dma_semaphore, #tpu.memory_space<semaphore_mem>> -> memref<!tpu.dma_semaphore, #tpu.memory_space<semaphore_mem>>
      tpu.enqueue_indirect_dma source(%dma_start3A_1447 : memref<1000448x32xf32, #tpu.memory_space<hbm>>) target(%dma_start3A_1441 : memref<128x32xf32, #tpu.memory_space<vmem>>) offsets(%dma_start3A_1444 : memref<128xi32, #tpu.memory_space<vmem>>) semaphore(%dma_start3A_1449 : memref<!tpu.dma_semaphore, #tpu.memory_space<semaphore_mem>>)
      %dma_start3A_1450 = arith.constant 0 : i32
      %dma_start3A_1451 = arith.constant 3 : i32
      %dma_start3A_1452 = arith.constant 0 : i32
      %dma_start3A_1453 = arith.constant 0 : i32
      %dma_start3A_1454 = arith.constant 384 : i32
      %dma_start3A_1455 = arith.constant 0 : i32
      %dma_start3A_1456 = tpu.memref_slice %arg6[%dma_start3A_1452, %dma_start3A_1454, %dma_start3A_1455] : memref<3x1024x32xf32, #tpu.memory_space<vmem>> -> memref<1x128x32xf32, #tpu.memory_space<vmem>>
      %dma_start3A_1457 = tpu.memref_squeeze %dma_start3A_1456 : memref<1x128x32xf32, #tpu.memory_space<vmem>> -> memref<128x32xf32, #tpu.memory_space<vmem>>
      %dma_start3A_1458 = arith.constant 0 : i32
      %dma_start3A_1459 = tpu.memref_slice %arg5[%dma_start3A_1450, %dma_start3A_1451, %dma_start3A_1458] : memref<3x8x128xi32, #tpu.memory_space<vmem>> -> memref<1x1x128xi32, #tpu.memory_space<vmem>>
      %dma_start3A_1460 = tpu.memref_squeeze %dma_start3A_1459 : memref<1x1x128xi32, #tpu.memory_space<vmem>> -> memref<128xi32, #tpu.memory_space<vmem>>
      %dma_start3A_1461 = arith.constant 0 : i32
      %dma_start3A_1462 = arith.constant 0 : i32
      %dma_start3A_1463 = tpu.memref_slice %arg3[%dma_start3A_1461, %dma_start3A_1462] : memref<1000448x32xf32, #tpu.memory_space<hbm>> -> memref<1000448x32xf32, #tpu.memory_space<hbm>>
      %dma_start3A_1464 = tpu.memref_slice %arg8[%dma_start3A_1453] : memref<3x!tpu.dma_semaphore, #tpu.memory_space<semaphore_mem>> -> memref<1x!tpu.dma_semaphore, #tpu.memory_space<semaphore_mem>>
      %dma_start3A_1465 = tpu.memref_squeeze %dma_start3A_1464 : memref<1x!tpu.dma_semaphore, #tpu.memory_space<semaphore_mem>> -> memref<!tpu.dma_semaphore, #tpu.memory_space<semaphore_mem>>
      tpu.enqueue_indirect_dma source(%dma_start3A_1463 : memref<1000448x32xf32, #tpu.memory_space<hbm>>) target(%dma_start3A_1457 : memref<128x32xf32, #tpu.memory_space<vmem>>) offsets(%dma_start3A_1460 : memref<128xi32, #tpu.memory_space<vmem>>) semaphore(%dma_start3A_1465 : memref<!tpu.dma_semaphore, #tpu.memory_space<semaphore_mem>>)
      %dma_start3A_1466 = arith.constant 0 : i32
      %dma_start3A_1467 = arith.constant 4 : i32
      %dma_start3A_1468 = arith.constant 0 : i32
      %dma_start3A_1469 = arith.constant 0 : i32
      %dma_start3A_1470 = arith.constant 512 : i32
      %dma_start3A_1471 = arith.constant 0 : i32
      %dma_start3A_1472 = tpu.memref_slice %arg6[%dma_start3A_1468, %dma_start3A_1470, %dma_start3A_1471] : memref<3x1024x32xf32, #tpu.memory_space<vmem>> -> memref<1x128x32xf32, #tpu.memory_space<vmem>>
      %dma_start3A_1473 = tpu.memref_squeeze %dma_start3A_1472 : memref<1x128x32xf32, #tpu.memory_space<vmem>> -> memref<128x32xf32, #tpu.memory_space<vmem>>
      %dma_start3A_1474 = arith.constant 0 : i32
      %dma_start3A_1475 = tpu.memref_slice %arg5[%dma_start3A_1466, %dma_start3A_1467, %dma_start3A_1474] : memref<3x8x128xi32, #tpu.memory_space<vmem>> -> memref<1x1x128xi32, #tpu.memory_space<vmem>>
      %dma_start3A_1476 = tpu.memref_squeeze %dma_start3A_1475 : memref<1x1x128xi32, #tpu.memory_space<vmem>> -> memref<128xi32, #tpu.memory_space<vmem>>
      %dma_start3A_1477 = arith.constant 0 : i32
      %dma_start3A_1478 = arith.constant 0 : i32
      %dma_start3A_1479 = tpu.memref_slice %arg3[%dma_start3A_1477, %dma_start3A_1478] : memref<1000448x32xf32, #tpu.memory_space<hbm>> -> memref<1000448x32xf32, #tpu.memory_space<hbm>>
      %dma_start3A_1480 = tpu.memref_slice %arg8[%dma_start3A_1469] : memref<3x!tpu.dma_semaphore, #tpu.memory_space<semaphore_mem>> -> memref<1x!tpu.dma_semaphore, #tpu.memory_space<semaphore_mem>>
      %dma_start3A_1481 = tpu.memref_squeeze %dma_start3A_1480 : memref<1x!tpu.dma_semaphore, #tpu.memory_space<semaphore_mem>> -> memref<!tpu.dma_semaphore, #tpu.memory_space<semaphore_mem>>
      tpu.enqueue_indirect_dma source(%dma_start3A_1479 : memref<1000448x32xf32, #tpu.memory_space<hbm>>) target(%dma_start3A_1473 : memref<128x32xf32, #tpu.memory_space<vmem>>) offsets(%dma_start3A_1476 : memref<128xi32, #tpu.memory_space<vmem>>) semaphore(%dma_start3A_1481 : memref<!tpu.dma_semaphore, #tpu.memory_space<semaphore_mem>>)
      %dma_start3A_1482 = arith.constant 0 : i32
      %dma_start3A_1483 = arith.constant 5 : i32
      %dma_start3A_1484 = arith.constant 0 : i32
      %dma_start3A_1485 = arith.constant 0 : i32
      %dma_start3A_1486 = arith.constant 640 : i32
      %dma_start3A_1487 = arith.constant 0 : i32
      %dma_start3A_1488 = tpu.memref_slice %arg6[%dma_start3A_1484, %dma_start3A_1486, %dma_start3A_1487] : memref<3x1024x32xf32, #tpu.memory_space<vmem>> -> memref<1x128x32xf32, #tpu.memory_space<vmem>>
      %dma_start3A_1489 = tpu.memref_squeeze %dma_start3A_1488 : memref<1x128x32xf32, #tpu.memory_space<vmem>> -> memref<128x32xf32, #tpu.memory_space<vmem>>
      %dma_start3A_1490 = arith.constant 0 : i32
      %dma_start3A_1491 = tpu.memref_slice %arg5[%dma_start3A_1482, %dma_start3A_1483, %dma_start3A_1490] : memref<3x8x128xi32, #tpu.memory_space<vmem>> -> memref<1x1x128xi32, #tpu.memory_space<vmem>>
      %dma_start3A_1492 = tpu.memref_squeeze %dma_start3A_1491 : memref<1x1x128xi32, #tpu.memory_space<vmem>> -> memref<128xi32, #tpu.memory_space<vmem>>
      %dma_start3A_1493 = arith.constant 0 : i32
      %dma_start3A_1494 = arith.constant 0 : i32
      %dma_start3A_1495 = tpu.memref_slice %arg3[%dma_start3A_1493, %dma_start3A_1494] : memref<1000448x32xf32, #tpu.memory_space<hbm>> -> memref<1000448x32xf32, #tpu.memory_space<hbm>>
      %dma_start3A_1496 = tpu.memref_slice %arg8[%dma_start3A_1485] : memref<3x!tpu.dma_semaphore, #tpu.memory_space<semaphore_mem>> -> memref<1x!tpu.dma_semaphore, #tpu.memory_space<semaphore_mem>>
      %dma_start3A_1497 = tpu.memref_squeeze %dma_start3A_1496 : memref<1x!tpu.dma_semaphore, #tpu.memory_space<semaphore_mem>> -> memref<!tpu.dma_semaphore, #tpu.memory_space<semaphore_mem>>
      tpu.enqueue_indirect_dma source(%dma_start3A_1495 : memref<1000448x32xf32, #tpu.memory_space<hbm>>) target(%dma_start3A_1489 : memref<128x32xf32, #tpu.memory_space<vmem>>) offsets(%dma_start3A_1492 : memref<128xi32, #tpu.memory_space<vmem>>) semaphore(%dma_start3A_1497 : memref<!tpu.dma_semaphore, #tpu.memory_space<semaphore_mem>>)
      %dma_start3A_1498 = arith.constant 0 : i32
      %dma_start3A_1499 = arith.constant 6 : i32
      %dma_start3A_1500 = arith.constant 0 : i32
      %dma_start3A_1501 = arith.constant 0 : i32
      %dma_start3A_1502 = arith.constant 768 : i32
      %dma_start3A_1503 = arith.constant 0 : i32
      %dma_start3A_1504 = tpu.memref_slice %arg6[%dma_start3A_1500, %dma_start3A_1502, %dma_start3A_1503] : memref<3x1024x32xf32, #tpu.memory_space<vmem>> -> memref<1x128x32xf32, #tpu.memory_space<vmem>>
      %dma_start3A_1505 = tpu.memref_squeeze %dma_start3A_1504 : memref<1x128x32xf32, #tpu.memory_space<vmem>> -> memref<128x32xf32, #tpu.memory_space<vmem>>
      %dma_start3A_1506 = arith.constant 0 : i32
      %dma_start3A_1507 = tpu.memref_slice %arg5[%dma_start3A_1498, %dma_start3A_1499, %dma_start3A_1506] : memref<3x8x128xi32, #tpu.memory_space<vmem>> -> memref<1x1x128xi32, #tpu.memory_space<vmem>>
      %dma_start3A_1508 = tpu.memref_squeeze %dma_start3A_1507 : memref<1x1x128xi32, #tpu.memory_space<vmem>> -> memref<128xi32, #tpu.memory_space<vmem>>
      %dma_start3A_1509 = arith.constant 0 : i32
      %dma_start3A_1510 = arith.constant 0 : i32
      %dma_start3A_1511 = tpu.memref_slice %arg3[%dma_start3A_1509, %dma_start3A_1510] : memref<1000448x32xf32, #tpu.memory_space<hbm>> -> memref<1000448x32xf32, #tpu.memory_space<hbm>>
      %dma_start3A_1512 = tpu.memref_slice %arg8[%dma_start3A_1501] : memref<3x!tpu.dma_semaphore, #tpu.memory_space<semaphore_mem>> -> memref<1x!tpu.dma_semaphore, #tpu.memory_space<semaphore_mem>>
      %dma_start3A_1513 = tpu.memref_squeeze %dma_start3A_1512 : memref<1x!tpu.dma_semaphore, #tpu.memory_space<semaphore_mem>> -> memref<!tpu.dma_semaphore, #tpu.memory_space<semaphore_mem>>
      tpu.enqueue_indirect_dma source(%dma_start3A_1511 : memref<1000448x32xf32, #tpu.memory_space<hbm>>) target(%dma_start3A_1505 : memref<128x32xf32, #tpu.memory_space<vmem>>) offsets(%dma_start3A_1508 : memref<128xi32, #tpu.memory_space<vmem>>) semaphore(%dma_start3A_1513 : memref<!tpu.dma_semaphore, #tpu.memory_space<semaphore_mem>>)
      %dma_start3A_1514 = arith.constant 0 : i32
      %dma_start3A_1515 = arith.constant 7 : i32
      %dma_start3A_1516 = arith.constant 0 : i32
      %dma_start3A_1517 = arith.constant 0 : i32
      %dma_start3A_1518 = arith.constant 896 : i32
      %dma_start3A_1519 = arith.constant 0 : i32
      %dma_start3A_1520 = tpu.memref_slice %arg6[%dma_start3A_1516, %dma_start3A_1518, %dma_start3A_1519] : memref<3x1024x32xf32, #tpu.memory_space<vmem>> -> memref<1x128x32xf32, #tpu.memory_space<vmem>>
      %dma_start3A_1521 = tpu.memref_squeeze %dma_start3A_1520 : memref<1x128x32xf32, #tpu.memory_space<vmem>> -> memref<128x32xf32, #tpu.memory_space<vmem>>
      %dma_start3A_1522 = arith.constant 0 : i32
      %dma_start3A_1523 = tpu.memref_slice %arg5[%dma_start3A_1514, %dma_start3A_1515, %dma_start3A_1522] : memref<3x8x128xi32, #tpu.memory_space<vmem>> -> memref<1x1x128xi32, #tpu.memory_space<vmem>>
      %dma_start3A_1524 = tpu.memref_squeeze %dma_start3A_1523 : memref<1x1x128xi32, #tpu.memory_space<vmem>> -> memref<128xi32, #tpu.memory_space<vmem>>
      %dma_start3A_1525 = arith.constant 0 : i32
      %dma_start3A_1526 = arith.constant 0 : i32
      %dma_start3A_1527 = tpu.memref_slice %arg3[%dma_start3A_1525, %dma_start3A_1526] : memref<1000448x32xf32, #tpu.memory_space<hbm>> -> memref<1000448x32xf32, #tpu.memory_space<hbm>>
      %dma_start3A_1528 = tpu.memref_slice %arg8[%dma_start3A_1517] : memref<3x!tpu.dma_semaphore, #tpu.memory_space<semaphore_mem>> -> memref<1x!tpu.dma_semaphore, #tpu.memory_space<semaphore_mem>>
      %dma_start3A_1529 = tpu.memref_squeeze %dma_start3A_1528 : memref<1x!tpu.dma_semaphore, #tpu.memory_space<semaphore_mem>> -> memref<!tpu.dma_semaphore, #tpu.memory_space<semaphore_mem>>
      tpu.enqueue_indirect_dma source(%dma_start3A_1527 : memref<1000448x32xf32, #tpu.memory_space<hbm>>) target(%dma_start3A_1521 : memref<128x32xf32, #tpu.memory_space<vmem>>) offsets(%dma_start3A_1524 : memref<128xi32, #tpu.memory_space<vmem>>) semaphore(%dma_start3A_1529 : memref<!tpu.dma_semaphore, #tpu.memory_space<semaphore_mem>>)
      %dma_wait3A_1530 = arith.constant 2 : i32
      %dma_wait3A_1531 = arith.constant 0 : i32
      %dma_wait3A_1532 = arith.constant 2 : i32
      %dma_wait3A_1533 = arith.constant 2 : i32
      %dma_wait3A_1534 = arith.constant 0 : i32
      %dma_wait3A_1535 = arith.constant 0 : i32
      %dma_wait3A_1536 = tpu.memref_slice %arg6[%dma_wait3A_1532, %dma_wait3A_1534, %dma_wait3A_1535] : memref<3x1024x32xf32, #tpu.memory_space<vmem>> -> memref<1x128x32xf32, #tpu.memory_space<vmem>>
      %dma_wait3A_1537 = tpu.memref_squeeze %dma_wait3A_1536 : memref<1x128x32xf32, #tpu.memory_space<vmem>> -> memref<128x32xf32, #tpu.memory_space<vmem>>
      %dma_wait3A_1538 = arith.constant 0 : i32
      %dma_wait3A_1539 = tpu.memref_slice %arg5[%dma_wait3A_1530, %dma_wait3A_1531, %dma_wait3A_1538] : memref<3x8x128xi32, #tpu.memory_space<vmem>> -> memref<1x1x128xi32, #tpu.memory_space<vmem>>
      %dma_wait3A_1540 = tpu.memref_squeeze %dma_wait3A_1539 : memref<1x1x128xi32, #tpu.memory_space<vmem>> -> memref<128xi32, #tpu.memory_space<vmem>>
      %dma_wait3A_1541 = arith.constant 0 : i32
      %dma_wait3A_1542 = arith.constant 0 : i32
      %dma_wait3A_1543 = tpu.memref_slice %arg3[%dma_wait3A_1541, %dma_wait3A_1542] : memref<1000448x32xf32, #tpu.memory_space<hbm>> -> memref<1000448x32xf32, #tpu.memory_space<hbm>>
      %dma_wait3A_1544 = tpu.memref_slice %arg8[%dma_wait3A_1533] : memref<3x!tpu.dma_semaphore, #tpu.memory_space<semaphore_mem>> -> memref<1x!tpu.dma_semaphore, #tpu.memory_space<semaphore_mem>>
      %dma_wait3A_1545 = tpu.memref_squeeze %dma_wait3A_1544 : memref<1x!tpu.dma_semaphore, #tpu.memory_space<semaphore_mem>> -> memref<!tpu.dma_semaphore, #tpu.memory_space<semaphore_mem>>
      tpu.wait_indirect_dma semaphore(%dma_wait3A_1545 : memref<!tpu.dma_semaphore, #tpu.memory_space<semaphore_mem>>) src(%dma_wait3A_1543 : memref<1000448x32xf32, #tpu.memory_space<hbm>>) dst(%dma_wait3A_1537 : memref<128x32xf32, #tpu.memory_space<vmem>>)
      %dma_wait3A_1546 = arith.constant 2 : i32
      %dma_wait3A_1547 = arith.constant 1 : i32
      %dma_wait3A_1548 = arith.constant 2 : i32
      %dma_wait3A_1549 = arith.constant 2 : i32
      %dma_wait3A_1550 = arith.constant 128 : i32
      %dma_wait3A_1551 = arith.constant 0 : i32
      %dma_wait3A_1552 = tpu.memref_slice %arg6[%dma_wait3A_1548, %dma_wait3A_1550, %dma_wait3A_1551] : memref<3x1024x32xf32, #tpu.memory_space<vmem>> -> memref<1x128x32xf32, #tpu.memory_space<vmem>>
      %dma_wait3A_1553 = tpu.memref_squeeze %dma_wait3A_1552 : memref<1x128x32xf32, #tpu.memory_space<vmem>> -> memref<128x32xf32, #tpu.memory_space<vmem>>
      %dma_wait3A_1554 = arith.constant 0 : i32
      %dma_wait3A_1555 = tpu.memref_slice %arg5[%dma_wait3A_1546, %dma_wait3A_1547, %dma_wait3A_1554] : memref<3x8x128xi32, #tpu.memory_space<vmem>> -> memref<1x1x128xi32, #tpu.memory_space<vmem>>
      %dma_wait3A_1556 = tpu.memref_squeeze %dma_wait3A_1555 : memref<1x1x128xi32, #tpu.memory_space<vmem>> -> memref<128xi32, #tpu.memory_space<vmem>>
      %dma_wait3A_1557 = arith.constant 0 : i32
      %dma_wait3A_1558 = arith.constant 0 : i32
      %dma_wait3A_1559 = tpu.memref_slice %arg3[%dma_wait3A_1557, %dma_wait3A_1558] : memref<1000448x32xf32, #tpu.memory_space<hbm>> -> memref<1000448x32xf32, #tpu.memory_space<hbm>>
      %dma_wait3A_1560 = tpu.memref_slice %arg8[%dma_wait3A_1549] : memref<3x!tpu.dma_semaphore, #tpu.memory_space<semaphore_mem>> -> memref<1x!tpu.dma_semaphore, #tpu.memory_space<semaphore_mem>>
      %dma_wait3A_1561 = tpu.memref_squeeze %dma_wait3A_1560 : memref<1x!tpu.dma_semaphore, #tpu.memory_space<semaphore_mem>> -> memref<!tpu.dma_semaphore, #tpu.memory_space<semaphore_mem>>
      tpu.wait_indirect_dma semaphore(%dma_wait3A_1561 : memref<!tpu.dma_semaphore, #tpu.memory_space<semaphore_mem>>) src(%dma_wait3A_1559 : memref<1000448x32xf32, #tpu.memory_space<hbm>>) dst(%dma_wait3A_1553 : memref<128x32xf32, #tpu.memory_space<vmem>>)
      %dma_wait3A_1562 = arith.constant 2 : i32
      %dma_wait3A_1563 = arith.constant 2 : i32
      %dma_wait3A_1564 = arith.constant 2 : i32
      %dma_wait3A_1565 = arith.constant 2 : i32
      %dma_wait3A_1566 = arith.constant 256 : i32
      %dma_wait3A_1567 = arith.constant 0 : i32
      %dma_wait3A_1568 = tpu.memref_slice %arg6[%dma_wait3A_1564, %dma_wait3A_1566, %dma_wait3A_1567] : memref<3x1024x32xf32, #tpu.memory_space<vmem>> -> memref<1x128x32xf32, #tpu.memory_space<vmem>>
      %dma_wait3A_1569 = tpu.memref_squeeze %dma_wait3A_1568 : memref<1x128x32xf32, #tpu.memory_space<vmem>> -> memref<128x32xf32, #tpu.memory_space<vmem>>
      %dma_wait3A_1570 = arith.constant 0 : i32
      %dma_wait3A_1571 = tpu.memref_slice %arg5[%dma_wait3A_1562, %dma_wait3A_1563, %dma_wait3A_1570] : memref<3x8x128xi32, #tpu.memory_space<vmem>> -> memref<1x1x128xi32, #tpu.memory_space<vmem>>
      %dma_wait3A_1572 = tpu.memref_squeeze %dma_wait3A_1571 : memref<1x1x128xi32, #tpu.memory_space<vmem>> -> memref<128xi32, #tpu.memory_space<vmem>>
      %dma_wait3A_1573 = arith.constant 0 : i32
      %dma_wait3A_1574 = arith.constant 0 : i32
      %dma_wait3A_1575 = tpu.memref_slice %arg3[%dma_wait3A_1573, %dma_wait3A_1574] : memref<1000448x32xf32, #tpu.memory_space<hbm>> -> memref<1000448x32xf32, #tpu.memory_space<hbm>>
      %dma_wait3A_1576 = tpu.memref_slice %arg8[%dma_wait3A_1565] : memref<3x!tpu.dma_semaphore, #tpu.memory_space<semaphore_mem>> -> memref<1x!tpu.dma_semaphore, #tpu.memory_space<semaphore_mem>>
      %dma_wait3A_1577 = tpu.memref_squeeze %dma_wait3A_1576 : memref<1x!tpu.dma_semaphore, #tpu.memory_space<semaphore_mem>> -> memref<!tpu.dma_semaphore, #tpu.memory_space<semaphore_mem>>
      tpu.wait_indirect_dma semaphore(%dma_wait3A_1577 : memref<!tpu.dma_semaphore, #tpu.memory_space<semaphore_mem>>) src(%dma_wait3A_1575 : memref<1000448x32xf32, #tpu.memory_space<hbm>>) dst(%dma_wait3A_1569 : memref<128x32xf32, #tpu.memory_space<vmem>>)
      %dma_wait3A_1578 = arith.constant 2 : i32
      %dma_wait3A_1579 = arith.constant 3 : i32
      %dma_wait3A_1580 = arith.constant 2 : i32
      %dma_wait3A_1581 = arith.constant 2 : i32
      %dma_wait3A_1582 = arith.constant 384 : i32
      %dma_wait3A_1583 = arith.constant 0 : i32
      %dma_wait3A_1584 = tpu.memref_slice %arg6[%dma_wait3A_1580, %dma_wait3A_1582, %dma_wait3A_1583] : memref<3x1024x32xf32, #tpu.memory_space<vmem>> -> memref<1x128x32xf32, #tpu.memory_space<vmem>>
      %dma_wait3A_1585 = tpu.memref_squeeze %dma_wait3A_1584 : memref<1x128x32xf32, #tpu.memory_space<vmem>> -> memref<128x32xf32, #tpu.memory_space<vmem>>
      %dma_wait3A_1586 = arith.constant 0 : i32
      %dma_wait3A_1587 = tpu.memref_slice %arg5[%dma_wait3A_1578, %dma_wait3A_1579, %dma_wait3A_1586] : memref<3x8x128xi32, #tpu.memory_space<vmem>> -> memref<1x1x128xi32, #tpu.memory_space<vmem>>
      %dma_wait3A_1588 = tpu.memref_squeeze %dma_wait3A_1587 : memref<1x1x128xi32, #tpu.memory_space<vmem>> -> memref<128xi32, #tpu.memory_space<vmem>>
      %dma_wait3A_1589 = arith.constant 0 : i32
      %dma_wait3A_1590 = arith.constant 0 : i32
      %dma_wait3A_1591 = tpu.memref_slice %arg3[%dma_wait3A_1589, %dma_wait3A_1590] : memref<1000448x32xf32, #tpu.memory_space<hbm>> -> memref<1000448x32xf32, #tpu.memory_space<hbm>>
      %dma_wait3A_1592 = tpu.memref_slice %arg8[%dma_wait3A_1581] : memref<3x!tpu.dma_semaphore, #tpu.memory_space<semaphore_mem>> -> memref<1x!tpu.dma_semaphore, #tpu.memory_space<semaphore_mem>>
      %dma_wait3A_1593 = tpu.memref_squeeze %dma_wait3A_1592 : memref<1x!tpu.dma_semaphore, #tpu.memory_space<semaphore_mem>> -> memref<!tpu.dma_semaphore, #tpu.memory_space<semaphore_mem>>
      tpu.wait_indirect_dma semaphore(%dma_wait3A_1593 : memref<!tpu.dma_semaphore, #tpu.memory_space<semaphore_mem>>) src(%dma_wait3A_1591 : memref<1000448x32xf32, #tpu.memory_space<hbm>>) dst(%dma_wait3A_1585 : memref<128x32xf32, #tpu.memory_space<vmem>>)
      %dma_wait3A_1594 = arith.constant 2 : i32
      %dma_wait3A_1595 = arith.constant 4 : i32
      %dma_wait3A_1596 = arith.constant 2 : i32
      %dma_wait3A_1597 = arith.constant 2 : i32
      %dma_wait3A_1598 = arith.constant 512 : i32
      %dma_wait3A_1599 = arith.constant 0 : i32
      %dma_wait3A_1600 = tpu.memref_slice %arg6[%dma_wait3A_1596, %dma_wait3A_1598, %dma_wait3A_1599] : memref<3x1024x32xf32, #tpu.memory_space<vmem>> -> memref<1x128x32xf32, #tpu.memory_space<vmem>>
      %dma_wait3A_1601 = tpu.memref_squeeze %dma_wait3A_1600 : memref<1x128x32xf32, #tpu.memory_space<vmem>> -> memref<128x32xf32, #tpu.memory_space<vmem>>
      %dma_wait3A_1602 = arith.constant 0 : i32
      %dma_wait3A_1603 = tpu.memref_slice %arg5[%dma_wait3A_1594, %dma_wait3A_1595, %dma_wait3A_1602] : memref<3x8x128xi32, #tpu.memory_space<vmem>> -> memref<1x1x128xi32, #tpu.memory_space<vmem>>
      %dma_wait3A_1604 = tpu.memref_squeeze %dma_wait3A_1603 : memref<1x1x128xi32, #tpu.memory_space<vmem>> -> memref<128xi32, #tpu.memory_space<vmem>>
      %dma_wait3A_1605 = arith.constant 0 : i32
      %dma_wait3A_1606 = arith.constant 0 : i32
      %dma_wait3A_1607 = tpu.memref_slice %arg3[%dma_wait3A_1605, %dma_wait3A_1606] : memref<1000448x32xf32, #tpu.memory_space<hbm>> -> memref<1000448x32xf32, #tpu.memory_space<hbm>>
      %dma_wait3A_1608 = tpu.memref_slice %arg8[%dma_wait3A_1597] : memref<3x!tpu.dma_semaphore, #tpu.memory_space<semaphore_mem>> -> memref<1x!tpu.dma_semaphore, #tpu.memory_space<semaphore_mem>>
      %dma_wait3A_1609 = tpu.memref_squeeze %dma_wait3A_1608 : memref<1x!tpu.dma_semaphore, #tpu.memory_space<semaphore_mem>> -> memref<!tpu.dma_semaphore, #tpu.memory_space<semaphore_mem>>
      tpu.wait_indirect_dma semaphore(%dma_wait3A_1609 : memref<!tpu.dma_semaphore, #tpu.memory_space<semaphore_mem>>) src(%dma_wait3A_1607 : memref<1000448x32xf32, #tpu.memory_space<hbm>>) dst(%dma_wait3A_1601 : memref<128x32xf32, #tpu.memory_space<vmem>>)
      %dma_wait3A_1610 = arith.constant 2 : i32
      %dma_wait3A_1611 = arith.constant 5 : i32
      %dma_wait3A_1612 = arith.constant 2 : i32
      %dma_wait3A_1613 = arith.constant 2 : i32
      %dma_wait3A_1614 = arith.constant 640 : i32
      %dma_wait3A_1615 = arith.constant 0 : i32
      %dma_wait3A_1616 = tpu.memref_slice %arg6[%dma_wait3A_1612, %dma_wait3A_1614, %dma_wait3A_1615] : memref<3x1024x32xf32, #tpu.memory_space<vmem>> -> memref<1x128x32xf32, #tpu.memory_space<vmem>>
      %dma_wait3A_1617 = tpu.memref_squeeze %dma_wait3A_1616 : memref<1x128x32xf32, #tpu.memory_space<vmem>> -> memref<128x32xf32, #tpu.memory_space<vmem>>
      %dma_wait3A_1618 = arith.constant 0 : i32
      %dma_wait3A_1619 = tpu.memref_slice %arg5[%dma_wait3A_1610, %dma_wait3A_1611, %dma_wait3A_1618] : memref<3x8x128xi32, #tpu.memory_space<vmem>> -> memref<1x1x128xi32, #tpu.memory_space<vmem>>
      %dma_wait3A_1620 = tpu.memref_squeeze %dma_wait3A_1619 : memref<1x1x128xi32, #tpu.memory_space<vmem>> -> memref<128xi32, #tpu.memory_space<vmem>>
      %dma_wait3A_1621 = arith.constant 0 : i32
      %dma_wait3A_1622 = arith.constant 0 : i32
      %dma_wait3A_1623 = tpu.memref_slice %arg3[%dma_wait3A_1621, %dma_wait3A_1622] : memref<1000448x32xf32, #tpu.memory_space<hbm>> -> memref<1000448x32xf32, #tpu.memory_space<hbm>>
      %dma_wait3A_1624 = tpu.memref_slice %arg8[%dma_wait3A_1613] : memref<3x!tpu.dma_semaphore, #tpu.memory_space<semaphore_mem>> -> memref<1x!tpu.dma_semaphore, #tpu.memory_space<semaphore_mem>>
      %dma_wait3A_1625 = tpu.memref_squeeze %dma_wait3A_1624 : memref<1x!tpu.dma_semaphore, #tpu.memory_space<semaphore_mem>> -> memref<!tpu.dma_semaphore, #tpu.memory_space<semaphore_mem>>
      tpu.wait_indirect_dma semaphore(%dma_wait3A_1625 : memref<!tpu.dma_semaphore, #tpu.memory_space<semaphore_mem>>) src(%dma_wait3A_1623 : memref<1000448x32xf32, #tpu.memory_space<hbm>>) dst(%dma_wait3A_1617 : memref<128x32xf32, #tpu.memory_space<vmem>>)
      %dma_wait3A_1626 = arith.constant 2 : i32
      %dma_wait3A_1627 = arith.constant 6 : i32
      %dma_wait3A_1628 = arith.constant 2 : i32
      %dma_wait3A_1629 = arith.constant 2 : i32
      %dma_wait3A_1630 = arith.constant 768 : i32
      %dma_wait3A_1631 = arith.constant 0 : i32
      %dma_wait3A_1632 = tpu.memref_slice %arg6[%dma_wait3A_1628, %dma_wait3A_1630, %dma_wait3A_1631] : memref<3x1024x32xf32, #tpu.memory_space<vmem>> -> memref<1x128x32xf32, #tpu.memory_space<vmem>>
      %dma_wait3A_1633 = tpu.memref_squeeze %dma_wait3A_1632 : memref<1x128x32xf32, #tpu.memory_space<vmem>> -> memref<128x32xf32, #tpu.memory_space<vmem>>
      %dma_wait3A_1634 = arith.constant 0 : i32
      %dma_wait3A_1635 = tpu.memref_slice %arg5[%dma_wait3A_1626, %dma_wait3A_1627, %dma_wait3A_1634] : memref<3x8x128xi32, #tpu.memory_space<vmem>> -> memref<1x1x128xi32, #tpu.memory_space<vmem>>
      %dma_wait3A_1636 = tpu.memref_squeeze %dma_wait3A_1635 : memref<1x1x128xi32, #tpu.memory_space<vmem>> -> memref<128xi32, #tpu.memory_space<vmem>>
      %dma_wait3A_1637 = arith.constant 0 : i32
      %dma_wait3A_1638 = arith.constant 0 : i32
      %dma_wait3A_1639 = tpu.memref_slice %arg3[%dma_wait3A_1637, %dma_wait3A_1638] : memref<1000448x32xf32, #tpu.memory_space<hbm>> -> memref<1000448x32xf32, #tpu.memory_space<hbm>>
      %dma_wait3A_1640 = tpu.memref_slice %arg8[%dma_wait3A_1629] : memref<3x!tpu.dma_semaphore, #tpu.memory_space<semaphore_mem>> -> memref<1x!tpu.dma_semaphore, #tpu.memory_space<semaphore_mem>>
      %dma_wait3A_1641 = tpu.memref_squeeze %dma_wait3A_1640 : memref<1x!tpu.dma_semaphore, #tpu.memory_space<semaphore_mem>> -> memref<!tpu.dma_semaphore, #tpu.memory_space<semaphore_mem>>
      tpu.wait_indirect_dma semaphore(%dma_wait3A_1641 : memref<!tpu.dma_semaphore, #tpu.memory_space<semaphore_mem>>) src(%dma_wait3A_1639 : memref<1000448x32xf32, #tpu.memory_space<hbm>>) dst(%dma_wait3A_1633 : memref<128x32xf32, #tpu.memory_space<vmem>>)
      %dma_wait3A_1642 = arith.constant 2 : i32
      %dma_wait3A_1643 = arith.constant 7 : i32
      %dma_wait3A_1644 = arith.constant 2 : i32
      %dma_wait3A_1645 = arith.constant 2 : i32
      %dma_wait3A_1646 = arith.constant 896 : i32
      %dma_wait3A_1647 = arith.constant 0 : i32
      %dma_wait3A_1648 = tpu.memref_slice %arg6[%dma_wait3A_1644, %dma_wait3A_1646, %dma_wait3A_1647] : memref<3x1024x32xf32, #tpu.memory_space<vmem>> -> memref<1x128x32xf32, #tpu.memory_space<vmem>>
      %dma_wait3A_1649 = tpu.memref_squeeze %dma_wait3A_1648 : memref<1x128x32xf32, #tpu.memory_space<vmem>> -> memref<128x32xf32, #tpu.memory_space<vmem>>
      %dma_wait3A_1650 = arith.constant 0 : i32
      %dma_wait3A_1651 = tpu.memref_slice %arg5[%dma_wait3A_1642, %dma_wait3A_1643, %dma_wait3A_1650] : memref<3x8x128xi32, #tpu.memory_space<vmem>> -> memref<1x1x128xi32, #tpu.memory_space<vmem>>
      %dma_wait3A_1652 = tpu.memref_squeeze %dma_wait3A_1651 : memref<1x1x128xi32, #tpu.memory_space<vmem>> -> memref<128xi32, #tpu.memory_space<vmem>>
      %dma_wait3A_1653 = arith.constant 0 : i32
      %dma_wait3A_1654 = arith.constant 0 : i32
      %dma_wait3A_1655 = tpu.memref_slice %arg3[%dma_wait3A_1653, %dma_wait3A_1654] : memref<1000448x32xf32, #tpu.memory_space<hbm>> -> memref<1000448x32xf32, #tpu.memory_space<hbm>>
      %dma_wait3A_1656 = tpu.memref_slice %arg8[%dma_wait3A_1645] : memref<3x!tpu.dma_semaphore, #tpu.memory_space<semaphore_mem>> -> memref<1x!tpu.dma_semaphore, #tpu.memory_space<semaphore_mem>>
      %dma_wait3A_1657 = tpu.memref_squeeze %dma_wait3A_1656 : memref<1x!tpu.dma_semaphore, #tpu.memory_space<semaphore_mem>> -> memref<!tpu.dma_semaphore, #tpu.memory_space<semaphore_mem>>
      tpu.wait_indirect_dma semaphore(%dma_wait3A_1657 : memref<!tpu.dma_semaphore, #tpu.memory_space<semaphore_mem>>) src(%dma_wait3A_1655 : memref<1000448x32xf32, #tpu.memory_space<hbm>>) dst(%dma_wait3A_1649 : memref<128x32xf32, #tpu.memory_space<vmem>>)
      %sub3A_1658 = arith.constant 1 : i32
      %sub3A_1659 = arith.subi %add3A_1362, %sub3A_1658 : i32
      %mul3A_1660 = arith.constant 1024 : i32
      %mul3A_1661 = arith.muli %sub3A_1659, %mul3A_1660 : i32
      %add3A_1662 = arith.addi %mul3A_4, %mul3A_1661 : i32
      %dma_start3A_1663 = arith.constant 2 : i32
      %dma_start3A_1664 = arith.constant 2 : i32
      %dma_start3A_1665 = arith.constant 0 : i32
      %dma_start3A_1666 = arith.constant 0 : i32
      %dma_start3A_1667 = tpu.memref_slice %arg6[%dma_start3A_1663, %dma_start3A_1665, %dma_start3A_1666] : memref<3x1024x32xf32, #tpu.memory_space<vmem>> -> memref<1x1024x32xf32, #tpu.memory_space<vmem>>
      %dma_start3A_1668 = tpu.memref_squeeze %dma_start3A_1667 : memref<1x1024x32xf32, #tpu.memory_space<vmem>> -> memref<1024x32xf32, #tpu.memory_space<vmem>>
      %dma_start3A_1669 = arith.constant 0 : i32
      %dma_start3A_1670 = tpu.memref_slice %arg4[%add3A_1662, %dma_start3A_1669] : memref<3276800x32xf32, #tpu.memory_space<hbm>> -> memref<1024x32xf32, #tpu.memory_space<hbm>>
      %dma_start3A_1671 = tpu.memref_slice %arg9[%dma_start3A_1664] : memref<3x!tpu.dma_semaphore, #tpu.memory_space<semaphore_mem>> -> memref<1x!tpu.dma_semaphore, #tpu.memory_space<semaphore_mem>>
      %dma_start3A_1672 = tpu.memref_squeeze %dma_start3A_1671 : memref<1x!tpu.dma_semaphore, #tpu.memory_space<semaphore_mem>> -> memref<!tpu.dma_semaphore, #tpu.memory_space<semaphore_mem>>
      %dma_start3A_1673 = arith.constant 0 : i32
      %dma_start3A_1674 = tpu.memref_slice %arg4[%add3A_1662, %dma_start3A_1673] : memref<3276800x32xf32, #tpu.memory_space<hbm>> -> memref<1024x32xf32, #tpu.memory_space<hbm>>
      %dma_start3A_1675 = arith.constant 0 : i32
      %dma_start3A_1676 = arith.constant 0 : i32
      %dma_start3A_1677 = tpu.memref_slice %arg6[%dma_start3A_1663, %dma_start3A_1675, %dma_start3A_1676] : memref<3x1024x32xf32, #tpu.memory_space<vmem>> -> memref<1x1024x32xf32, #tpu.memory_space<vmem>>
      %dma_start3A_1678 = tpu.memref_squeeze %dma_start3A_1677 : memref<1x1024x32xf32, #tpu.memory_space<vmem>> -> memref<1024x32xf32, #tpu.memory_space<vmem>>
      tpu.enqueue_dma source(%dma_start3A_1678 : memref<1024x32xf32, #tpu.memory_space<vmem>>) target(%dma_start3A_1674 : memref<1024x32xf32, #tpu.memory_space<hbm>>) target_semaphore(%dma_start3A_1672 : memref<!tpu.dma_semaphore, #tpu.memory_space<semaphore_mem>>)
      %add3A_1679 = arith.constant 2 : i32
      %add3A_1680 = arith.addi %add3A_1362, %add3A_1679 : i32
      %min3A = arith.constant 99 : i32
      %min3A_1681 = arith.minsi %add3A_1680, %min3A : i32
      %mul3A_1682 = arith.constant 8 : i32
      %mul3A_1683 = arith.muli %min3A_1681, %mul3A_1682 : i32
      %add3A_1684 = arith.addi %mul3A_2, %mul3A_1683 : i32
      %dma_start3A_1685 = arith.constant 2 : i32
      %dma_start3A_1686 = arith.constant 2 : i32
      %dma_start3A_1687 = arith.constant 0 : i32
      %dma_start3A_1688 = arith.constant 0 : i32
      %dma_start3A_1689 = tpu.memref_slice %arg5[%dma_start3A_1685, %dma_start3A_1687, %dma_start3A_1688] : memref<3x8x128xi32, #tpu.memory_space<vmem>> -> memref<1x8x128xi32, #tpu.memory_space<vmem>>
      %dma_start3A_1690 = tpu.memref_squeeze %dma_start3A_1689 : memref<1x8x128xi32, #tpu.memory_space<vmem>> -> memref<8x128xi32, #tpu.memory_space<vmem>>
      %dma_start3A_1691 = arith.constant 0 : i32
      %dma_start3A_1692 = tpu.memref_slice %arg2[%add3A_1684, %dma_start3A_1691] : memref<25600x128xi32, #tpu.memory_space<hbm>> -> memref<8x128xi32, #tpu.memory_space<hbm>>
      %dma_start3A_1693 = tpu.memref_slice %arg7[%dma_start3A_1686] : memref<3x!tpu.dma_semaphore, #tpu.memory_space<semaphore_mem>> -> memref<1x!tpu.dma_semaphore, #tpu.memory_space<semaphore_mem>>
      %dma_start3A_1694 = tpu.memref_squeeze %dma_start3A_1693 : memref<1x!tpu.dma_semaphore, #tpu.memory_space<semaphore_mem>> -> memref<!tpu.dma_semaphore, #tpu.memory_space<semaphore_mem>>
      %dma_start3A_1695 = arith.constant 0 : i32
      %dma_start3A_1696 = arith.constant 0 : i32
      %dma_start3A_1697 = tpu.memref_slice %arg5[%dma_start3A_1685, %dma_start3A_1695, %dma_start3A_1696] : memref<3x8x128xi32, #tpu.memory_space<vmem>> -> memref<1x8x128xi32, #tpu.memory_space<vmem>>
      %dma_start3A_1698 = tpu.memref_squeeze %dma_start3A_1697 : memref<1x8x128xi32, #tpu.memory_space<vmem>> -> memref<8x128xi32, #tpu.memory_space<vmem>>
      %dma_start3A_1699 = arith.constant 0 : i32
      %dma_start3A_1700 = tpu.memref_slice %arg2[%add3A_1684, %dma_start3A_1699] : memref<25600x128xi32, #tpu.memory_space<hbm>> -> memref<8x128xi32, #tpu.memory_space<hbm>>
      tpu.enqueue_dma source(%dma_start3A_1700 : memref<8x128xi32, #tpu.memory_space<hbm>>) target(%dma_start3A_1698 : memref<8x128xi32, #tpu.memory_space<vmem>>) target_semaphore(%dma_start3A_1694 : memref<!tpu.dma_semaphore, #tpu.memory_space<semaphore_mem>>)
      %mul3A_1701 = arith.constant 3 : i32
      %mul3A_1702 = arith.muli %scan3A_1356, %mul3A_1701 : i32
      %add3A_1703 = arith.constant 3 : i32
      %add3A_1704 = arith.addi %add3A_1703, %mul3A_1702 : i32
      %add3A_1705 = arith.constant 1 : i32
      %add3A_1706 = arith.addi %add3A_1704, %add3A_1705 : i32
      %mul3A_1707 = arith.constant 8 : i32
      %mul3A_1708 = arith.muli %add3A_1706, %mul3A_1707 : i32
      %add3A_1709 = arith.addi %mul3A_2, %mul3A_1708 : i32
      %dma_wait3A_1710 = arith.constant 1 : i32
      %dma_wait3A_1711 = arith.constant 1 : i32
      %dma_wait3A_1712 = arith.constant 0 : i32
      %dma_wait3A_1713 = arith.constant 0 : i32
      %dma_wait3A_1714 = tpu.memref_slice %arg5[%dma_wait3A_1710, %dma_wait3A_1712, %dma_wait3A_1713] : memref<3x8x128xi32, #tpu.memory_space<vmem>> -> memref<1x8x128xi32, #tpu.memory_space<vmem>>
      %dma_wait3A_1715 = tpu.memref_squeeze %dma_wait3A_1714 : memref<1x8x128xi32, #tpu.memory_space<vmem>> -> memref<8x128xi32, #tpu.memory_space<vmem>>
      %dma_wait3A_1716 = arith.constant 0 : i32
      %dma_wait3A_1717 = tpu.memref_slice %arg2[%add3A_1709, %dma_wait3A_1716] : memref<25600x128xi32, #tpu.memory_space<hbm>> -> memref<8x128xi32, #tpu.memory_space<hbm>>
      %dma_wait3A_1718 = tpu.memref_slice %arg7[%dma_wait3A_1711] : memref<3x!tpu.dma_semaphore, #tpu.memory_space<semaphore_mem>> -> memref<1x!tpu.dma_semaphore, #tpu.memory_space<semaphore_mem>>
      %dma_wait3A_1719 = tpu.memref_squeeze %dma_wait3A_1718 : memref<1x!tpu.dma_semaphore, #tpu.memory_space<semaphore_mem>> -> memref<!tpu.dma_semaphore, #tpu.memory_space<semaphore_mem>>
      %dma_wait3A_1720 = arith.constant 0 : i32
      %dma_wait3A_1721 = arith.constant 0 : i32
      %dma_wait3A_1722 = tpu.memref_slice %arg5[%dma_wait3A_1710, %dma_wait3A_1720, %dma_wait3A_1721] : memref<3x8x128xi32, #tpu.memory_space<vmem>> -> memref<1x8x128xi32, #tpu.memory_space<vmem>>
      %dma_wait3A_1723 = tpu.memref_squeeze %dma_wait3A_1722 : memref<1x8x128xi32, #tpu.memory_space<vmem>> -> memref<8x128xi32, #tpu.memory_space<vmem>>
      %dma_wait3A_1724 = arith.constant 0 : i32
      %dma_wait3A_1725 = tpu.memref_slice %arg2[%add3A_1709, %dma_wait3A_1724] : memref<25600x128xi32, #tpu.memory_space<hbm>> -> memref<8x128xi32, #tpu.memory_space<hbm>>
      tpu.wait_dma2 semaphore(%dma_wait3A_1719 : memref<!tpu.dma_semaphore, #tpu.memory_space<semaphore_mem>>) src(%dma_wait3A_1725 : memref<8x128xi32, #tpu.memory_space<hbm>>) dst(%dma_wait3A_1723 : memref<8x128xi32, #tpu.memory_space<vmem>>)
      %sub3A_1726 = arith.constant 3 : i32
      %sub3A_1727 = arith.subi %add3A_1706, %sub3A_1726 : i32
      %mul3A_1728 = arith.constant 1024 : i32
      %mul3A_1729 = arith.muli %sub3A_1727, %mul3A_1728 : i32
      %add3A_1730 = arith.addi %mul3A_4, %mul3A_1729 : i32
      %dma_wait3A_1731 = arith.constant 1 : i32
      %dma_wait3A_1732 = arith.constant 1 : i32
      %dma_wait3A_1733 = arith.constant 0 : i32
      %dma_wait3A_1734 = arith.constant 0 : i32
      %dma_wait3A_1735 = tpu.memref_slice %arg6[%dma_wait3A_1731, %dma_wait3A_1733, %dma_wait3A_1734] : memref<3x1024x32xf32, #tpu.memory_space<vmem>> -> memref<1x1024x32xf32, #tpu.memory_space<vmem>>
      %dma_wait3A_1736 = tpu.memref_squeeze %dma_wait3A_1735 : memref<1x1024x32xf32, #tpu.memory_space<vmem>> -> memref<1024x32xf32, #tpu.memory_space<vmem>>
      %dma_wait3A_1737 = arith.constant 0 : i32
      %dma_wait3A_1738 = tpu.memref_slice %arg4[%add3A_1730, %dma_wait3A_1737] : memref<3276800x32xf32, #tpu.memory_space<hbm>> -> memref<1024x32xf32, #tpu.memory_space<hbm>>
      %dma_wait3A_1739 = tpu.memref_slice %arg9[%dma_wait3A_1732] : memref<3x!tpu.dma_semaphore, #tpu.memory_space<semaphore_mem>> -> memref<1x!tpu.dma_semaphore, #tpu.memory_space<semaphore_mem>>
      %dma_wait3A_1740 = tpu.memref_squeeze %dma_wait3A_1739 : memref<1x!tpu.dma_semaphore, #tpu.memory_space<semaphore_mem>> -> memref<!tpu.dma_semaphore, #tpu.memory_space<semaphore_mem>>
      %dma_wait3A_1741 = arith.constant 0 : i32
      %dma_wait3A_1742 = tpu.memref_slice %arg4[%add3A_1730, %dma_wait3A_1741] : memref<3276800x32xf32, #tpu.memory_space<hbm>> -> memref<1024x32xf32, #tpu.memory_space<hbm>>
      %dma_wait3A_1743 = arith.constant 0 : i32
      %dma_wait3A_1744 = arith.constant 0 : i32
      %dma_wait3A_1745 = tpu.memref_slice %arg6[%dma_wait3A_1731, %dma_wait3A_1743, %dma_wait3A_1744] : memref<3x1024x32xf32, #tpu.memory_space<vmem>> -> memref<1x1024x32xf32, #tpu.memory_space<vmem>>
      %dma_wait3A_1746 = tpu.memref_squeeze %dma_wait3A_1745 : memref<1x1024x32xf32, #tpu.memory_space<vmem>> -> memref<1024x32xf32, #tpu.memory_space<vmem>>
      tpu.wait_dma2 semaphore(%dma_wait3A_1740 : memref<!tpu.dma_semaphore, #tpu.memory_space<semaphore_mem>>) src(%dma_wait3A_1746 : memref<1024x32xf32, #tpu.memory_space<vmem>>) dst(%dma_wait3A_1742 : memref<1024x32xf32, #tpu.memory_space<hbm>>)
      %dma_start3A_1747 = arith.constant 1 : i32
      %dma_start3A_1748 = arith.constant 0 : i32
      %dma_start3A_1749 = arith.constant 1 : i32
      %dma_start3A_1750 = arith.constant 1 : i32
      %dma_start3A_1751 = arith.constant 0 : i32
      %dma_start3A_1752 = arith.constant 0 : i32
      %dma_start3A_1753 = tpu.memref_slice %arg6[%dma_start3A_1749, %dma_start3A_1751, %dma_start3A_1752] : memref<3x1024x32xf32, #tpu.memory_space<vmem>> -> memref<1x128x32xf32, #tpu.memory_space<vmem>>
      %dma_start3A_1754 = tpu.memref_squeeze %dma_start3A_1753 : memref<1x128x32xf32, #tpu.memory_space<vmem>> -> memref<128x32xf32, #tpu.memory_space<vmem>>
      %dma_start3A_1755 = arith.constant 0 : i32
      %dma_start3A_1756 = tpu.memref_slice %arg5[%dma_start3A_1747, %dma_start3A_1748, %dma_start3A_1755] : memref<3x8x128xi32, #tpu.memory_space<vmem>> -> memref<1x1x128xi32, #tpu.memory_space<vmem>>
      %dma_start3A_1757 = tpu.memref_squeeze %dma_start3A_1756 : memref<1x1x128xi32, #tpu.memory_space<vmem>> -> memref<128xi32, #tpu.memory_space<vmem>>
      %dma_start3A_1758 = arith.constant 0 : i32
      %dma_start3A_1759 = arith.constant 0 : i32
      %dma_start3A_1760 = tpu.memref_slice %arg3[%dma_start3A_1758, %dma_start3A_1759] : memref<1000448x32xf32, #tpu.memory_space<hbm>> -> memref<1000448x32xf32, #tpu.memory_space<hbm>>
      %dma_start3A_1761 = tpu.memref_slice %arg8[%dma_start3A_1750] : memref<3x!tpu.dma_semaphore, #tpu.memory_space<semaphore_mem>> -> memref<1x!tpu.dma_semaphore, #tpu.memory_space<semaphore_mem>>
      %dma_start3A_1762 = tpu.memref_squeeze %dma_start3A_1761 : memref<1x!tpu.dma_semaphore, #tpu.memory_space<semaphore_mem>> -> memref<!tpu.dma_semaphore, #tpu.memory_space<semaphore_mem>>
      tpu.enqueue_indirect_dma source(%dma_start3A_1760 : memref<1000448x32xf32, #tpu.memory_space<hbm>>) target(%dma_start3A_1754 : memref<128x32xf32, #tpu.memory_space<vmem>>) offsets(%dma_start3A_1757 : memref<128xi32, #tpu.memory_space<vmem>>) semaphore(%dma_start3A_1762 : memref<!tpu.dma_semaphore, #tpu.memory_space<semaphore_mem>>)
      %dma_start3A_1763 = arith.constant 1 : i32
      %dma_start3A_1764 = arith.constant 1 : i32
      %dma_start3A_1765 = arith.constant 1 : i32
      %dma_start3A_1766 = arith.constant 1 : i32
      %dma_start3A_1767 = arith.constant 128 : i32
      %dma_start3A_1768 = arith.constant 0 : i32
      %dma_start3A_1769 = tpu.memref_slice %arg6[%dma_start3A_1765, %dma_start3A_1767, %dma_start3A_1768] : memref<3x1024x32xf32, #tpu.memory_space<vmem>> -> memref<1x128x32xf32, #tpu.memory_space<vmem>>
      %dma_start3A_1770 = tpu.memref_squeeze %dma_start3A_1769 : memref<1x128x32xf32, #tpu.memory_space<vmem>> -> memref<128x32xf32, #tpu.memory_space<vmem>>
      %dma_start3A_1771 = arith.constant 0 : i32
      %dma_start3A_1772 = tpu.memref_slice %arg5[%dma_start3A_1763, %dma_start3A_1764, %dma_start3A_1771] : memref<3x8x128xi32, #tpu.memory_space<vmem>> -> memref<1x1x128xi32, #tpu.memory_space<vmem>>
      %dma_start3A_1773 = tpu.memref_squeeze %dma_start3A_1772 : memref<1x1x128xi32, #tpu.memory_space<vmem>> -> memref<128xi32, #tpu.memory_space<vmem>>
      %dma_start3A_1774 = arith.constant 0 : i32
      %dma_start3A_1775 = arith.constant 0 : i32
      %dma_start3A_1776 = tpu.memref_slice %arg3[%dma_start3A_1774, %dma_start3A_1775] : memref<1000448x32xf32, #tpu.memory_space<hbm>> -> memref<1000448x32xf32, #tpu.memory_space<hbm>>
      %dma_start3A_1777 = tpu.memref_slice %arg8[%dma_start3A_1766] : memref<3x!tpu.dma_semaphore, #tpu.memory_space<semaphore_mem>> -> memref<1x!tpu.dma_semaphore, #tpu.memory_space<semaphore_mem>>
      %dma_start3A_1778 = tpu.memref_squeeze %dma_start3A_1777 : memref<1x!tpu.dma_semaphore, #tpu.memory_space<semaphore_mem>> -> memref<!tpu.dma_semaphore, #tpu.memory_space<semaphore_mem>>
      tpu.enqueue_indirect_dma source(%dma_start3A_1776 : memref<1000448x32xf32, #tpu.memory_space<hbm>>) target(%dma_start3A_1770 : memref<128x32xf32, #tpu.memory_space<vmem>>) offsets(%dma_start3A_1773 : memref<128xi32, #tpu.memory_space<vmem>>) semaphore(%dma_start3A_1778 : memref<!tpu.dma_semaphore, #tpu.memory_space<semaphore_mem>>)
      %dma_start3A_1779 = arith.constant 1 : i32
      %dma_start3A_1780 = arith.constant 2 : i32
      %dma_start3A_1781 = arith.constant 1 : i32
      %dma_start3A_1782 = arith.constant 1 : i32
      %dma_start3A_1783 = arith.constant 256 : i32
      %dma_start3A_1784 = arith.constant 0 : i32
      %dma_start3A_1785 = tpu.memref_slice %arg6[%dma_start3A_1781, %dma_start3A_1783, %dma_start3A_1784] : memref<3x1024x32xf32, #tpu.memory_space<vmem>> -> memref<1x128x32xf32, #tpu.memory_space<vmem>>
      %dma_start3A_1786 = tpu.memref_squeeze %dma_start3A_1785 : memref<1x128x32xf32, #tpu.memory_space<vmem>> -> memref<128x32xf32, #tpu.memory_space<vmem>>
      %dma_start3A_1787 = arith.constant 0 : i32
      %dma_start3A_1788 = tpu.memref_slice %arg5[%dma_start3A_1779, %dma_start3A_1780, %dma_start3A_1787] : memref<3x8x128xi32, #tpu.memory_space<vmem>> -> memref<1x1x128xi32, #tpu.memory_space<vmem>>
      %dma_start3A_1789 = tpu.memref_squeeze %dma_start3A_1788 : memref<1x1x128xi32, #tpu.memory_space<vmem>> -> memref<128xi32, #tpu.memory_space<vmem>>
      %dma_start3A_1790 = arith.constant 0 : i32
      %dma_start3A_1791 = arith.constant 0 : i32
      %dma_start3A_1792 = tpu.memref_slice %arg3[%dma_start3A_1790, %dma_start3A_1791] : memref<1000448x32xf32, #tpu.memory_space<hbm>> -> memref<1000448x32xf32, #tpu.memory_space<hbm>>
      %dma_start3A_1793 = tpu.memref_slice %arg8[%dma_start3A_1782] : memref<3x!tpu.dma_semaphore, #tpu.memory_space<semaphore_mem>> -> memref<1x!tpu.dma_semaphore, #tpu.memory_space<semaphore_mem>>
      %dma_start3A_1794 = tpu.memref_squeeze %dma_start3A_1793 : memref<1x!tpu.dma_semaphore, #tpu.memory_space<semaphore_mem>> -> memref<!tpu.dma_semaphore, #tpu.memory_space<semaphore_mem>>
      tpu.enqueue_indirect_dma source(%dma_start3A_1792 : memref<1000448x32xf32, #tpu.memory_space<hbm>>) target(%dma_start3A_1786 : memref<128x32xf32, #tpu.memory_space<vmem>>) offsets(%dma_start3A_1789 : memref<128xi32, #tpu.memory_space<vmem>>) semaphore(%dma_start3A_1794 : memref<!tpu.dma_semaphore, #tpu.memory_space<semaphore_mem>>)
      %dma_start3A_1795 = arith.constant 1 : i32
      %dma_start3A_1796 = arith.constant 3 : i32
      %dma_start3A_1797 = arith.constant 1 : i32
      %dma_start3A_1798 = arith.constant 1 : i32
      %dma_start3A_1799 = arith.constant 384 : i32
      %dma_start3A_1800 = arith.constant 0 : i32
      %dma_start3A_1801 = tpu.memref_slice %arg6[%dma_start3A_1797, %dma_start3A_1799, %dma_start3A_1800] : memref<3x1024x32xf32, #tpu.memory_space<vmem>> -> memref<1x128x32xf32, #tpu.memory_space<vmem>>
      %dma_start3A_1802 = tpu.memref_squeeze %dma_start3A_1801 : memref<1x128x32xf32, #tpu.memory_space<vmem>> -> memref<128x32xf32, #tpu.memory_space<vmem>>
      %dma_start3A_1803 = arith.constant 0 : i32
      %dma_start3A_1804 = tpu.memref_slice %arg5[%dma_start3A_1795, %dma_start3A_1796, %dma_start3A_1803] : memref<3x8x128xi32, #tpu.memory_space<vmem>> -> memref<1x1x128xi32, #tpu.memory_space<vmem>>
      %dma_start3A_1805 = tpu.memref_squeeze %dma_start3A_1804 : memref<1x1x128xi32, #tpu.memory_space<vmem>> -> memref<128xi32, #tpu.memory_space<vmem>>
      %dma_start3A_1806 = arith.constant 0 : i32
      %dma_start3A_1807 = arith.constant 0 : i32
      %dma_start3A_1808 = tpu.memref_slice %arg3[%dma_start3A_1806, %dma_start3A_1807] : memref<1000448x32xf32, #tpu.memory_space<hbm>> -> memref<1000448x32xf32, #tpu.memory_space<hbm>>
      %dma_start3A_1809 = tpu.memref_slice %arg8[%dma_start3A_1798] : memref<3x!tpu.dma_semaphore, #tpu.memory_space<semaphore_mem>> -> memref<1x!tpu.dma_semaphore, #tpu.memory_space<semaphore_mem>>
      %dma_start3A_1810 = tpu.memref_squeeze %dma_start3A_1809 : memref<1x!tpu.dma_semaphore, #tpu.memory_space<semaphore_mem>> -> memref<!tpu.dma_semaphore, #tpu.memory_space<semaphore_mem>>
      tpu.enqueue_indirect_dma source(%dma_start3A_1808 : memref<1000448x32xf32, #tpu.memory_space<hbm>>) target(%dma_start3A_1802 : memref<128x32xf32, #tpu.memory_space<vmem>>) offsets(%dma_start3A_1805 : memref<128xi32, #tpu.memory_space<vmem>>) semaphore(%dma_start3A_1810 : memref<!tpu.dma_semaphore, #tpu.memory_space<semaphore_mem>>)
      %dma_start3A_1811 = arith.constant 1 : i32
      %dma_start3A_1812 = arith.constant 4 : i32
      %dma_start3A_1813 = arith.constant 1 : i32
      %dma_start3A_1814 = arith.constant 1 : i32
      %dma_start3A_1815 = arith.constant 512 : i32
      %dma_start3A_1816 = arith.constant 0 : i32
      %dma_start3A_1817 = tpu.memref_slice %arg6[%dma_start3A_1813, %dma_start3A_1815, %dma_start3A_1816] : memref<3x1024x32xf32, #tpu.memory_space<vmem>> -> memref<1x128x32xf32, #tpu.memory_space<vmem>>
      %dma_start3A_1818 = tpu.memref_squeeze %dma_start3A_1817 : memref<1x128x32xf32, #tpu.memory_space<vmem>> -> memref<128x32xf32, #tpu.memory_space<vmem>>
      %dma_start3A_1819 = arith.constant 0 : i32
      %dma_start3A_1820 = tpu.memref_slice %arg5[%dma_start3A_1811, %dma_start3A_1812, %dma_start3A_1819] : memref<3x8x128xi32, #tpu.memory_space<vmem>> -> memref<1x1x128xi32, #tpu.memory_space<vmem>>
      %dma_start3A_1821 = tpu.memref_squeeze %dma_start3A_1820 : memref<1x1x128xi32, #tpu.memory_space<vmem>> -> memref<128xi32, #tpu.memory_space<vmem>>
      %dma_start3A_1822 = arith.constant 0 : i32
      %dma_start3A_1823 = arith.constant 0 : i32
      %dma_start3A_1824 = tpu.memref_slice %arg3[%dma_start3A_1822, %dma_start3A_1823] : memref<1000448x32xf32, #tpu.memory_space<hbm>> -> memref<1000448x32xf32, #tpu.memory_space<hbm>>
      %dma_start3A_1825 = tpu.memref_slice %arg8[%dma_start3A_1814] : memref<3x!tpu.dma_semaphore, #tpu.memory_space<semaphore_mem>> -> memref<1x!tpu.dma_semaphore, #tpu.memory_space<semaphore_mem>>
      %dma_start3A_1826 = tpu.memref_squeeze %dma_start3A_1825 : memref<1x!tpu.dma_semaphore, #tpu.memory_space<semaphore_mem>> -> memref<!tpu.dma_semaphore, #tpu.memory_space<semaphore_mem>>
      tpu.enqueue_indirect_dma source(%dma_start3A_1824 : memref<1000448x32xf32, #tpu.memory_space<hbm>>) target(%dma_start3A_1818 : memref<128x32xf32, #tpu.memory_space<vmem>>) offsets(%dma_start3A_1821 : memref<128xi32, #tpu.memory_space<vmem>>) semaphore(%dma_start3A_1826 : memref<!tpu.dma_semaphore, #tpu.memory_space<semaphore_mem>>)
      %dma_start3A_1827 = arith.constant 1 : i32
      %dma_start3A_1828 = arith.constant 5 : i32
      %dma_start3A_1829 = arith.constant 1 : i32
      %dma_start3A_1830 = arith.constant 1 : i32
      %dma_start3A_1831 = arith.constant 640 : i32
      %dma_start3A_1832 = arith.constant 0 : i32
      %dma_start3A_1833 = tpu.memref_slice %arg6[%dma_start3A_1829, %dma_start3A_1831, %dma_start3A_1832] : memref<3x1024x32xf32, #tpu.memory_space<vmem>> -> memref<1x128x32xf32, #tpu.memory_space<vmem>>
      %dma_start3A_1834 = tpu.memref_squeeze %dma_start3A_1833 : memref<1x128x32xf32, #tpu.memory_space<vmem>> -> memref<128x32xf32, #tpu.memory_space<vmem>>
      %dma_start3A_1835 = arith.constant 0 : i32
      %dma_start3A_1836 = tpu.memref_slice %arg5[%dma_start3A_1827, %dma_start3A_1828, %dma_start3A_1835] : memref<3x8x128xi32, #tpu.memory_space<vmem>> -> memref<1x1x128xi32, #tpu.memory_space<vmem>>
      %dma_start3A_1837 = tpu.memref_squeeze %dma_start3A_1836 : memref<1x1x128xi32, #tpu.memory_space<vmem>> -> memref<128xi32, #tpu.memory_space<vmem>>
      %dma_start3A_1838 = arith.constant 0 : i32
      %dma_start3A_1839 = arith.constant 0 : i32
      %dma_start3A_1840 = tpu.memref_slice %arg3[%dma_start3A_1838, %dma_start3A_1839] : memref<1000448x32xf32, #tpu.memory_space<hbm>> -> memref<1000448x32xf32, #tpu.memory_space<hbm>>
      %dma_start3A_1841 = tpu.memref_slice %arg8[%dma_start3A_1830] : memref<3x!tpu.dma_semaphore, #tpu.memory_space<semaphore_mem>> -> memref<1x!tpu.dma_semaphore, #tpu.memory_space<semaphore_mem>>
      %dma_start3A_1842 = tpu.memref_squeeze %dma_start3A_1841 : memref<1x!tpu.dma_semaphore, #tpu.memory_space<semaphore_mem>> -> memref<!tpu.dma_semaphore, #tpu.memory_space<semaphore_mem>>
      tpu.enqueue_indirect_dma source(%dma_start3A_1840 : memref<1000448x32xf32, #tpu.memory_space<hbm>>) target(%dma_start3A_1834 : memref<128x32xf32, #tpu.memory_space<vmem>>) offsets(%dma_start3A_1837 : memref<128xi32, #tpu.memory_space<vmem>>) semaphore(%dma_start3A_1842 : memref<!tpu.dma_semaphore, #tpu.memory_space<semaphore_mem>>)
      %dma_start3A_1843 = arith.constant 1 : i32
      %dma_start3A_1844 = arith.constant 6 : i32
      %dma_start3A_1845 = arith.constant 1 : i32
      %dma_start3A_1846 = arith.constant 1 : i32
      %dma_start3A_1847 = arith.constant 768 : i32
      %dma_start3A_1848 = arith.constant 0 : i32
      %dma_start3A_1849 = tpu.memref_slice %arg6[%dma_start3A_1845, %dma_start3A_1847, %dma_start3A_1848] : memref<3x1024x32xf32, #tpu.memory_space<vmem>> -> memref<1x128x32xf32, #tpu.memory_space<vmem>>
      %dma_start3A_1850 = tpu.memref_squeeze %dma_start3A_1849 : memref<1x128x32xf32, #tpu.memory_space<vmem>> -> memref<128x32xf32, #tpu.memory_space<vmem>>
      %dma_start3A_1851 = arith.constant 0 : i32
      %dma_start3A_1852 = tpu.memref_slice %arg5[%dma_start3A_1843, %dma_start3A_1844, %dma_start3A_1851] : memref<3x8x128xi32, #tpu.memory_space<vmem>> -> memref<1x1x128xi32, #tpu.memory_space<vmem>>
      %dma_start3A_1853 = tpu.memref_squeeze %dma_start3A_1852 : memref<1x1x128xi32, #tpu.memory_space<vmem>> -> memref<128xi32, #tpu.memory_space<vmem>>
      %dma_start3A_1854 = arith.constant 0 : i32
      %dma_start3A_1855 = arith.constant 0 : i32
      %dma_start3A_1856 = tpu.memref_slice %arg3[%dma_start3A_1854, %dma_start3A_1855] : memref<1000448x32xf32, #tpu.memory_space<hbm>> -> memref<1000448x32xf32, #tpu.memory_space<hbm>>
      %dma_start3A_1857 = tpu.memref_slice %arg8[%dma_start3A_1846] : memref<3x!tpu.dma_semaphore, #tpu.memory_space<semaphore_mem>> -> memref<1x!tpu.dma_semaphore, #tpu.memory_space<semaphore_mem>>
      %dma_start3A_1858 = tpu.memref_squeeze %dma_start3A_1857 : memref<1x!tpu.dma_semaphore, #tpu.memory_space<semaphore_mem>> -> memref<!tpu.dma_semaphore, #tpu.memory_space<semaphore_mem>>
      tpu.enqueue_indirect_dma source(%dma_start3A_1856 : memref<1000448x32xf32, #tpu.memory_space<hbm>>) target(%dma_start3A_1850 : memref<128x32xf32, #tpu.memory_space<vmem>>) offsets(%dma_start3A_1853 : memref<128xi32, #tpu.memory_space<vmem>>) semaphore(%dma_start3A_1858 : memref<!tpu.dma_semaphore, #tpu.memory_space<semaphore_mem>>)
      %dma_start3A_1859 = arith.constant 1 : i32
      %dma_start3A_1860 = arith.constant 7 : i32
      %dma_start3A_1861 = arith.constant 1 : i32
      %dma_start3A_1862 = arith.constant 1 : i32
      %dma_start3A_1863 = arith.constant 896 : i32
      %dma_start3A_1864 = arith.constant 0 : i32
      %dma_start3A_1865 = tpu.memref_slice %arg6[%dma_start3A_1861, %dma_start3A_1863, %dma_start3A_1864] : memref<3x1024x32xf32, #tpu.memory_space<vmem>> -> memref<1x128x32xf32, #tpu.memory_space<vmem>>
      %dma_start3A_1866 = tpu.memref_squeeze %dma_start3A_1865 : memref<1x128x32xf32, #tpu.memory_space<vmem>> -> memref<128x32xf32, #tpu.memory_space<vmem>>
      %dma_start3A_1867 = arith.constant 0 : i32
      %dma_start3A_1868 = tpu.memref_slice %arg5[%dma_start3A_1859, %dma_start3A_1860, %dma_start3A_1867] : memref<3x8x128xi32, #tpu.memory_space<vmem>> -> memref<1x1x128xi32, #tpu.memory_space<vmem>>
      %dma_start3A_1869 = tpu.memref_squeeze %dma_start3A_1868 : memref<1x1x128xi32, #tpu.memory_space<vmem>> -> memref<128xi32, #tpu.memory_space<vmem>>
      %dma_start3A_1870 = arith.constant 0 : i32
      %dma_start3A_1871 = arith.constant 0 : i32
      %dma_start3A_1872 = tpu.memref_slice %arg3[%dma_start3A_1870, %dma_start3A_1871] : memref<1000448x32xf32, #tpu.memory_space<hbm>> -> memref<1000448x32xf32, #tpu.memory_space<hbm>>
      %dma_start3A_1873 = tpu.memref_slice %arg8[%dma_start3A_1862] : memref<3x!tpu.dma_semaphore, #tpu.memory_space<semaphore_mem>> -> memref<1x!tpu.dma_semaphore, #tpu.memory_space<semaphore_mem>>
      %dma_start3A_1874 = tpu.memref_squeeze %dma_start3A_1873 : memref<1x!tpu.dma_semaphore, #tpu.memory_space<semaphore_mem>> -> memref<!tpu.dma_semaphore, #tpu.memory_space<semaphore_mem>>
      tpu.enqueue_indirect_dma source(%dma_start3A_1872 : memref<1000448x32xf32, #tpu.memory_space<hbm>>) target(%dma_start3A_1866 : memref<128x32xf32, #tpu.memory_space<vmem>>) offsets(%dma_start3A_1869 : memref<128xi32, #tpu.memory_space<vmem>>) semaphore(%dma_start3A_1874 : memref<!tpu.dma_semaphore, #tpu.memory_space<semaphore_mem>>)
      %dma_wait3A_1875 = arith.constant 0 : i32
      %dma_wait3A_1876 = arith.constant 0 : i32
      %dma_wait3A_1877 = arith.constant 0 : i32
      %dma_wait3A_1878 = arith.constant 0 : i32
      %dma_wait3A_1879 = arith.constant 0 : i32
      %dma_wait3A_1880 = arith.constant 0 : i32
      %dma_wait3A_1881 = tpu.memref_slice %arg6[%dma_wait3A_1877, %dma_wait3A_1879, %dma_wait3A_1880] : memref<3x1024x32xf32, #tpu.memory_space<vmem>> -> memref<1x128x32xf32, #tpu.memory_space<vmem>>
      %dma_wait3A_1882 = tpu.memref_squeeze %dma_wait3A_1881 : memref<1x128x32xf32, #tpu.memory_space<vmem>> -> memref<128x32xf32, #tpu.memory_space<vmem>>
      %dma_wait3A_1883 = arith.constant 0 : i32
      %dma_wait3A_1884 = tpu.memref_slice %arg5[%dma_wait3A_1875, %dma_wait3A_1876, %dma_wait3A_1883] : memref<3x8x128xi32, #tpu.memory_space<vmem>> -> memref<1x1x128xi32, #tpu.memory_space<vmem>>
      %dma_wait3A_1885 = tpu.memref_squeeze %dma_wait3A_1884 : memref<1x1x128xi32, #tpu.memory_space<vmem>> -> memref<128xi32, #tpu.memory_space<vmem>>
      %dma_wait3A_1886 = arith.constant 0 : i32
      %dma_wait3A_1887 = arith.constant 0 : i32
      %dma_wait3A_1888 = tpu.memref_slice %arg3[%dma_wait3A_1886, %dma_wait3A_1887] : memref<1000448x32xf32, #tpu.memory_space<hbm>> -> memref<1000448x32xf32, #tpu.memory_space<hbm>>
      %dma_wait3A_1889 = tpu.memref_slice %arg8[%dma_wait3A_1878] : memref<3x!tpu.dma_semaphore, #tpu.memory_space<semaphore_mem>> -> memref<1x!tpu.dma_semaphore, #tpu.memory_space<semaphore_mem>>
      %dma_wait3A_1890 = tpu.memref_squeeze %dma_wait3A_1889 : memref<1x!tpu.dma_semaphore, #tpu.memory_space<semaphore_mem>> -> memref<!tpu.dma_semaphore, #tpu.memory_space<semaphore_mem>>
      tpu.wait_indirect_dma semaphore(%dma_wait3A_1890 : memref<!tpu.dma_semaphore, #tpu.memory_space<semaphore_mem>>) src(%dma_wait3A_1888 : memref<1000448x32xf32, #tpu.memory_space<hbm>>) dst(%dma_wait3A_1882 : memref<128x32xf32, #tpu.memory_space<vmem>>)
      %dma_wait3A_1891 = arith.constant 0 : i32
      %dma_wait3A_1892 = arith.constant 1 : i32
      %dma_wait3A_1893 = arith.constant 0 : i32
      %dma_wait3A_1894 = arith.constant 0 : i32
      %dma_wait3A_1895 = arith.constant 128 : i32
      %dma_wait3A_1896 = arith.constant 0 : i32
      %dma_wait3A_1897 = tpu.memref_slice %arg6[%dma_wait3A_1893, %dma_wait3A_1895, %dma_wait3A_1896] : memref<3x1024x32xf32, #tpu.memory_space<vmem>> -> memref<1x128x32xf32, #tpu.memory_space<vmem>>
      %dma_wait3A_1898 = tpu.memref_squeeze %dma_wait3A_1897 : memref<1x128x32xf32, #tpu.memory_space<vmem>> -> memref<128x32xf32, #tpu.memory_space<vmem>>
      %dma_wait3A_1899 = arith.constant 0 : i32
      %dma_wait3A_1900 = tpu.memref_slice %arg5[%dma_wait3A_1891, %dma_wait3A_1892, %dma_wait3A_1899] : memref<3x8x128xi32, #tpu.memory_space<vmem>> -> memref<1x1x128xi32, #tpu.memory_space<vmem>>
      %dma_wait3A_1901 = tpu.memref_squeeze %dma_wait3A_1900 : memref<1x1x128xi32, #tpu.memory_space<vmem>> -> memref<128xi32, #tpu.memory_space<vmem>>
      %dma_wait3A_1902 = arith.constant 0 : i32
      %dma_wait3A_1903 = arith.constant 0 : i32
      %dma_wait3A_1904 = tpu.memref_slice %arg3[%dma_wait3A_1902, %dma_wait3A_1903] : memref<1000448x32xf32, #tpu.memory_space<hbm>> -> memref<1000448x32xf32, #tpu.memory_space<hbm>>
      %dma_wait3A_1905 = tpu.memref_slice %arg8[%dma_wait3A_1894] : memref<3x!tpu.dma_semaphore, #tpu.memory_space<semaphore_mem>> -> memref<1x!tpu.dma_semaphore, #tpu.memory_space<semaphore_mem>>
      %dma_wait3A_1906 = tpu.memref_squeeze %dma_wait3A_1905 : memref<1x!tpu.dma_semaphore, #tpu.memory_space<semaphore_mem>> -> memref<!tpu.dma_semaphore, #tpu.memory_space<semaphore_mem>>
      tpu.wait_indirect_dma semaphore(%dma_wait3A_1906 : memref<!tpu.dma_semaphore, #tpu.memory_space<semaphore_mem>>) src(%dma_wait3A_1904 : memref<1000448x32xf32, #tpu.memory_space<hbm>>) dst(%dma_wait3A_1898 : memref<128x32xf32, #tpu.memory_space<vmem>>)
      %dma_wait3A_1907 = arith.constant 0 : i32
      %dma_wait3A_1908 = arith.constant 2 : i32
      %dma_wait3A_1909 = arith.constant 0 : i32
      %dma_wait3A_1910 = arith.constant 0 : i32
      %dma_wait3A_1911 = arith.constant 256 : i32
      %dma_wait3A_1912 = arith.constant 0 : i32
      %dma_wait3A_1913 = tpu.memref_slice %arg6[%dma_wait3A_1909, %dma_wait3A_1911, %dma_wait3A_1912] : memref<3x1024x32xf32, #tpu.memory_space<vmem>> -> memref<1x128x32xf32, #tpu.memory_space<vmem>>
      %dma_wait3A_1914 = tpu.memref_squeeze %dma_wait3A_1913 : memref<1x128x32xf32, #tpu.memory_space<vmem>> -> memref<128x32xf32, #tpu.memory_space<vmem>>
      %dma_wait3A_1915 = arith.constant 0 : i32
      %dma_wait3A_1916 = tpu.memref_slice %arg5[%dma_wait3A_1907, %dma_wait3A_1908, %dma_wait3A_1915] : memref<3x8x128xi32, #tpu.memory_space<vmem>> -> memref<1x1x128xi32, #tpu.memory_space<vmem>>
      %dma_wait3A_1917 = tpu.memref_squeeze %dma_wait3A_1916 : memref<1x1x128xi32, #tpu.memory_space<vmem>> -> memref<128xi32, #tpu.memory_space<vmem>>
      %dma_wait3A_1918 = arith.constant 0 : i32
      %dma_wait3A_1919 = arith.constant 0 : i32
      %dma_wait3A_1920 = tpu.memref_slice %arg3[%dma_wait3A_1918, %dma_wait3A_1919] : memref<1000448x32xf32, #tpu.memory_space<hbm>> -> memref<1000448x32xf32, #tpu.memory_space<hbm>>
      %dma_wait3A_1921 = tpu.memref_slice %arg8[%dma_wait3A_1910] : memref<3x!tpu.dma_semaphore, #tpu.memory_space<semaphore_mem>> -> memref<1x!tpu.dma_semaphore, #tpu.memory_space<semaphore_mem>>
      %dma_wait3A_1922 = tpu.memref_squeeze %dma_wait3A_1921 : memref<1x!tpu.dma_semaphore, #tpu.memory_space<semaphore_mem>> -> memref<!tpu.dma_semaphore, #tpu.memory_space<semaphore_mem>>
      tpu.wait_indirect_dma semaphore(%dma_wait3A_1922 : memref<!tpu.dma_semaphore, #tpu.memory_space<semaphore_mem>>) src(%dma_wait3A_1920 : memref<1000448x32xf32, #tpu.memory_space<hbm>>) dst(%dma_wait3A_1914 : memref<128x32xf32, #tpu.memory_space<vmem>>)
      %dma_wait3A_1923 = arith.constant 0 : i32
      %dma_wait3A_1924 = arith.constant 3 : i32
      %dma_wait3A_1925 = arith.constant 0 : i32
      %dma_wait3A_1926 = arith.constant 0 : i32
      %dma_wait3A_1927 = arith.constant 384 : i32
      %dma_wait3A_1928 = arith.constant 0 : i32
      %dma_wait3A_1929 = tpu.memref_slice %arg6[%dma_wait3A_1925, %dma_wait3A_1927, %dma_wait3A_1928] : memref<3x1024x32xf32, #tpu.memory_space<vmem>> -> memref<1x128x32xf32, #tpu.memory_space<vmem>>
      %dma_wait3A_1930 = tpu.memref_squeeze %dma_wait3A_1929 : memref<1x128x32xf32, #tpu.memory_space<vmem>> -> memref<128x32xf32, #tpu.memory_space<vmem>>
      %dma_wait3A_1931 = arith.constant 0 : i32
      %dma_wait3A_1932 = tpu.memref_slice %arg5[%dma_wait3A_1923, %dma_wait3A_1924, %dma_wait3A_1931] : memref<3x8x128xi32, #tpu.memory_space<vmem>> -> memref<1x1x128xi32, #tpu.memory_space<vmem>>
      %dma_wait3A_1933 = tpu.memref_squeeze %dma_wait3A_1932 : memref<1x1x128xi32, #tpu.memory_space<vmem>> -> memref<128xi32, #tpu.memory_space<vmem>>
      %dma_wait3A_1934 = arith.constant 0 : i32
      %dma_wait3A_1935 = arith.constant 0 : i32
      %dma_wait3A_1936 = tpu.memref_slice %arg3[%dma_wait3A_1934, %dma_wait3A_1935] : memref<1000448x32xf32, #tpu.memory_space<hbm>> -> memref<1000448x32xf32, #tpu.memory_space<hbm>>
      %dma_wait3A_1937 = tpu.memref_slice %arg8[%dma_wait3A_1926] : memref<3x!tpu.dma_semaphore, #tpu.memory_space<semaphore_mem>> -> memref<1x!tpu.dma_semaphore, #tpu.memory_space<semaphore_mem>>
      %dma_wait3A_1938 = tpu.memref_squeeze %dma_wait3A_1937 : memref<1x!tpu.dma_semaphore, #tpu.memory_space<semaphore_mem>> -> memref<!tpu.dma_semaphore, #tpu.memory_space<semaphore_mem>>
      tpu.wait_indirect_dma semaphore(%dma_wait3A_1938 : memref<!tpu.dma_semaphore, #tpu.memory_space<semaphore_mem>>) src(%dma_wait3A_1936 : memref<1000448x32xf32, #tpu.memory_space<hbm>>) dst(%dma_wait3A_1930 : memref<128x32xf32, #tpu.memory_space<vmem>>)
      %dma_wait3A_1939 = arith.constant 0 : i32
      %dma_wait3A_1940 = arith.constant 4 : i32
      %dma_wait3A_1941 = arith.constant 0 : i32
      %dma_wait3A_1942 = arith.constant 0 : i32
      %dma_wait3A_1943 = arith.constant 512 : i32
      %dma_wait3A_1944 = arith.constant 0 : i32
      %dma_wait3A_1945 = tpu.memref_slice %arg6[%dma_wait3A_1941, %dma_wait3A_1943, %dma_wait3A_1944] : memref<3x1024x32xf32, #tpu.memory_space<vmem>> -> memref<1x128x32xf32, #tpu.memory_space<vmem>>
      %dma_wait3A_1946 = tpu.memref_squeeze %dma_wait3A_1945 : memref<1x128x32xf32, #tpu.memory_space<vmem>> -> memref<128x32xf32, #tpu.memory_space<vmem>>
      %dma_wait3A_1947 = arith.constant 0 : i32
      %dma_wait3A_1948 = tpu.memref_slice %arg5[%dma_wait3A_1939, %dma_wait3A_1940, %dma_wait3A_1947] : memref<3x8x128xi32, #tpu.memory_space<vmem>> -> memref<1x1x128xi32, #tpu.memory_space<vmem>>
      %dma_wait3A_1949 = tpu.memref_squeeze %dma_wait3A_1948 : memref<1x1x128xi32, #tpu.memory_space<vmem>> -> memref<128xi32, #tpu.memory_space<vmem>>
      %dma_wait3A_1950 = arith.constant 0 : i32
      %dma_wait3A_1951 = arith.constant 0 : i32
      %dma_wait3A_1952 = tpu.memref_slice %arg3[%dma_wait3A_1950, %dma_wait3A_1951] : memref<1000448x32xf32, #tpu.memory_space<hbm>> -> memref<1000448x32xf32, #tpu.memory_space<hbm>>
      %dma_wait3A_1953 = tpu.memref_slice %arg8[%dma_wait3A_1942] : memref<3x!tpu.dma_semaphore, #tpu.memory_space<semaphore_mem>> -> memref<1x!tpu.dma_semaphore, #tpu.memory_space<semaphore_mem>>
      %dma_wait3A_1954 = tpu.memref_squeeze %dma_wait3A_1953 : memref<1x!tpu.dma_semaphore, #tpu.memory_space<semaphore_mem>> -> memref<!tpu.dma_semaphore, #tpu.memory_space<semaphore_mem>>
      tpu.wait_indirect_dma semaphore(%dma_wait3A_1954 : memref<!tpu.dma_semaphore, #tpu.memory_space<semaphore_mem>>) src(%dma_wait3A_1952 : memref<1000448x32xf32, #tpu.memory_space<hbm>>) dst(%dma_wait3A_1946 : memref<128x32xf32, #tpu.memory_space<vmem>>)
      %dma_wait3A_1955 = arith.constant 0 : i32
      %dma_wait3A_1956 = arith.constant 5 : i32
      %dma_wait3A_1957 = arith.constant 0 : i32
      %dma_wait3A_1958 = arith.constant 0 : i32
      %dma_wait3A_1959 = arith.constant 640 : i32
      %dma_wait3A_1960 = arith.constant 0 : i32
      %dma_wait3A_1961 = tpu.memref_slice %arg6[%dma_wait3A_1957, %dma_wait3A_1959, %dma_wait3A_1960] : memref<3x1024x32xf32, #tpu.memory_space<vmem>> -> memref<1x128x32xf32, #tpu.memory_space<vmem>>
      %dma_wait3A_1962 = tpu.memref_squeeze %dma_wait3A_1961 : memref<1x128x32xf32, #tpu.memory_space<vmem>> -> memref<128x32xf32, #tpu.memory_space<vmem>>
      %dma_wait3A_1963 = arith.constant 0 : i32
      %dma_wait3A_1964 = tpu.memref_slice %arg5[%dma_wait3A_1955, %dma_wait3A_1956, %dma_wait3A_1963] : memref<3x8x128xi32, #tpu.memory_space<vmem>> -> memref<1x1x128xi32, #tpu.memory_space<vmem>>
      %dma_wait3A_1965 = tpu.memref_squeeze %dma_wait3A_1964 : memref<1x1x128xi32, #tpu.memory_space<vmem>> -> memref<128xi32, #tpu.memory_space<vmem>>
      %dma_wait3A_1966 = arith.constant 0 : i32
      %dma_wait3A_1967 = arith.constant 0 : i32
      %dma_wait3A_1968 = tpu.memref_slice %arg3[%dma_wait3A_1966, %dma_wait3A_1967] : memref<1000448x32xf32, #tpu.memory_space<hbm>> -> memref<1000448x32xf32, #tpu.memory_space<hbm>>
      %dma_wait3A_1969 = tpu.memref_slice %arg8[%dma_wait3A_1958] : memref<3x!tpu.dma_semaphore, #tpu.memory_space<semaphore_mem>> -> memref<1x!tpu.dma_semaphore, #tpu.memory_space<semaphore_mem>>
      %dma_wait3A_1970 = tpu.memref_squeeze %dma_wait3A_1969 : memref<1x!tpu.dma_semaphore, #tpu.memory_space<semaphore_mem>> -> memref<!tpu.dma_semaphore, #tpu.memory_space<semaphore_mem>>
      tpu.wait_indirect_dma semaphore(%dma_wait3A_1970 : memref<!tpu.dma_semaphore, #tpu.memory_space<semaphore_mem>>) src(%dma_wait3A_1968 : memref<1000448x32xf32, #tpu.memory_space<hbm>>) dst(%dma_wait3A_1962 : memref<128x32xf32, #tpu.memory_space<vmem>>)
      %dma_wait3A_1971 = arith.constant 0 : i32
      %dma_wait3A_1972 = arith.constant 6 : i32
      %dma_wait3A_1973 = arith.constant 0 : i32
      %dma_wait3A_1974 = arith.constant 0 : i32
      %dma_wait3A_1975 = arith.constant 768 : i32
      %dma_wait3A_1976 = arith.constant 0 : i32
      %dma_wait3A_1977 = tpu.memref_slice %arg6[%dma_wait3A_1973, %dma_wait3A_1975, %dma_wait3A_1976] : memref<3x1024x32xf32, #tpu.memory_space<vmem>> -> memref<1x128x32xf32, #tpu.memory_space<vmem>>
      %dma_wait3A_1978 = tpu.memref_squeeze %dma_wait3A_1977 : memref<1x128x32xf32, #tpu.memory_space<vmem>> -> memref<128x32xf32, #tpu.memory_space<vmem>>
      %dma_wait3A_1979 = arith.constant 0 : i32
      %dma_wait3A_1980 = tpu.memref_slice %arg5[%dma_wait3A_1971, %dma_wait3A_1972, %dma_wait3A_1979] : memref<3x8x128xi32, #tpu.memory_space<vmem>> -> memref<1x1x128xi32, #tpu.memory_space<vmem>>
      %dma_wait3A_1981 = tpu.memref_squeeze %dma_wait3A_1980 : memref<1x1x128xi32, #tpu.memory_space<vmem>> -> memref<128xi32, #tpu.memory_space<vmem>>
      %dma_wait3A_1982 = arith.constant 0 : i32
      %dma_wait3A_1983 = arith.constant 0 : i32
      %dma_wait3A_1984 = tpu.memref_slice %arg3[%dma_wait3A_1982, %dma_wait3A_1983] : memref<1000448x32xf32, #tpu.memory_space<hbm>> -> memref<1000448x32xf32, #tpu.memory_space<hbm>>
      %dma_wait3A_1985 = tpu.memref_slice %arg8[%dma_wait3A_1974] : memref<3x!tpu.dma_semaphore, #tpu.memory_space<semaphore_mem>> -> memref<1x!tpu.dma_semaphore, #tpu.memory_space<semaphore_mem>>
      %dma_wait3A_1986 = tpu.memref_squeeze %dma_wait3A_1985 : memref<1x!tpu.dma_semaphore, #tpu.memory_space<semaphore_mem>> -> memref<!tpu.dma_semaphore, #tpu.memory_space<semaphore_mem>>
      tpu.wait_indirect_dma semaphore(%dma_wait3A_1986 : memref<!tpu.dma_semaphore, #tpu.memory_space<semaphore_mem>>) src(%dma_wait3A_1984 : memref<1000448x32xf32, #tpu.memory_space<hbm>>) dst(%dma_wait3A_1978 : memref<128x32xf32, #tpu.memory_space<vmem>>)
      %dma_wait3A_1987 = arith.constant 0 : i32
      %dma_wait3A_1988 = arith.constant 7 : i32
      %dma_wait3A_1989 = arith.constant 0 : i32
      %dma_wait3A_1990 = arith.constant 0 : i32
      %dma_wait3A_1991 = arith.constant 896 : i32
      %dma_wait3A_1992 = arith.constant 0 : i32
      %dma_wait3A_1993 = tpu.memref_slice %arg6[%dma_wait3A_1989, %dma_wait3A_1991, %dma_wait3A_1992] : memref<3x1024x32xf32, #tpu.memory_space<vmem>> -> memref<1x128x32xf32, #tpu.memory_space<vmem>>
      %dma_wait3A_1994 = tpu.memref_squeeze %dma_wait3A_1993 : memref<1x128x32xf32, #tpu.memory_space<vmem>> -> memref<128x32xf32, #tpu.memory_space<vmem>>
      %dma_wait3A_1995 = arith.constant 0 : i32
      %dma_wait3A_1996 = tpu.memref_slice %arg5[%dma_wait3A_1987, %dma_wait3A_1988, %dma_wait3A_1995] : memref<3x8x128xi32, #tpu.memory_space<vmem>> -> memref<1x1x128xi32, #tpu.memory_space<vmem>>
      %dma_wait3A_1997 = tpu.memref_squeeze %dma_wait3A_1996 : memref<1x1x128xi32, #tpu.memory_space<vmem>> -> memref<128xi32, #tpu.memory_space<vmem>>
      %dma_wait3A_1998 = arith.constant 0 : i32
      %dma_wait3A_1999 = arith.constant 0 : i32
      %dma_wait3A_2000 = tpu.memref_slice %arg3[%dma_wait3A_1998, %dma_wait3A_1999] : memref<1000448x32xf32, #tpu.memory_space<hbm>> -> memref<1000448x32xf32, #tpu.memory_space<hbm>>
      %dma_wait3A_2001 = tpu.memref_slice %arg8[%dma_wait3A_1990] : memref<3x!tpu.dma_semaphore, #tpu.memory_space<semaphore_mem>> -> memref<1x!tpu.dma_semaphore, #tpu.memory_space<semaphore_mem>>
      %dma_wait3A_2002 = tpu.memref_squeeze %dma_wait3A_2001 : memref<1x!tpu.dma_semaphore, #tpu.memory_space<semaphore_mem>> -> memref<!tpu.dma_semaphore, #tpu.memory_space<semaphore_mem>>
      tpu.wait_indirect_dma semaphore(%dma_wait3A_2002 : memref<!tpu.dma_semaphore, #tpu.memory_space<semaphore_mem>>) src(%dma_wait3A_2000 : memref<1000448x32xf32, #tpu.memory_space<hbm>>) dst(%dma_wait3A_1994 : memref<128x32xf32, #tpu.memory_space<vmem>>)
      %sub3A_2003 = arith.constant 1 : i32
      %sub3A_2004 = arith.subi %add3A_1706, %sub3A_2003 : i32
      %mul3A_2005 = arith.constant 1024 : i32
      %mul3A_2006 = arith.muli %sub3A_2004, %mul3A_2005 : i32
      %add3A_2007 = arith.addi %mul3A_4, %mul3A_2006 : i32
      %dma_start3A_2008 = arith.constant 0 : i32
      %dma_start3A_2009 = arith.constant 0 : i32
      %dma_start3A_2010 = arith.constant 0 : i32
      %dma_start3A_2011 = arith.constant 0 : i32
      %dma_start3A_2012 = tpu.memref_slice %arg6[%dma_start3A_2008, %dma_start3A_2010, %dma_start3A_2011] : memref<3x1024x32xf32, #tpu.memory_space<vmem>> -> memref<1x1024x32xf32, #tpu.memory_space<vmem>>
      %dma_start3A_2013 = tpu.memref_squeeze %dma_start3A_2012 : memref<1x1024x32xf32, #tpu.memory_space<vmem>> -> memref<1024x32xf32, #tpu.memory_space<vmem>>
      %dma_start3A_2014 = arith.constant 0 : i32
      %dma_start3A_2015 = tpu.memref_slice %arg4[%add3A_2007, %dma_start3A_2014] : memref<3276800x32xf32, #tpu.memory_space<hbm>> -> memref<1024x32xf32, #tpu.memory_space<hbm>>
      %dma_start3A_2016 = tpu.memref_slice %arg9[%dma_start3A_2009] : memref<3x!tpu.dma_semaphore, #tpu.memory_space<semaphore_mem>> -> memref<1x!tpu.dma_semaphore, #tpu.memory_space<semaphore_mem>>
      %dma_start3A_2017 = tpu.memref_squeeze %dma_start3A_2016 : memref<1x!tpu.dma_semaphore, #tpu.memory_space<semaphore_mem>> -> memref<!tpu.dma_semaphore, #tpu.memory_space<semaphore_mem>>
      %dma_start3A_2018 = arith.constant 0 : i32
      %dma_start3A_2019 = tpu.memref_slice %arg4[%add3A_2007, %dma_start3A_2018] : memref<3276800x32xf32, #tpu.memory_space<hbm>> -> memref<1024x32xf32, #tpu.memory_space<hbm>>
      %dma_start3A_2020 = arith.constant 0 : i32
      %dma_start3A_2021 = arith.constant 0 : i32
      %dma_start3A_2022 = tpu.memref_slice %arg6[%dma_start3A_2008, %dma_start3A_2020, %dma_start3A_2021] : memref<3x1024x32xf32, #tpu.memory_space<vmem>> -> memref<1x1024x32xf32, #tpu.memory_space<vmem>>
      %dma_start3A_2023 = tpu.memref_squeeze %dma_start3A_2022 : memref<1x1024x32xf32, #tpu.memory_space<vmem>> -> memref<1024x32xf32, #tpu.memory_space<vmem>>
      tpu.enqueue_dma source(%dma_start3A_2023 : memref<1024x32xf32, #tpu.memory_space<vmem>>) target(%dma_start3A_2019 : memref<1024x32xf32, #tpu.memory_space<hbm>>) target_semaphore(%dma_start3A_2017 : memref<!tpu.dma_semaphore, #tpu.memory_space<semaphore_mem>>)
      %add3A_2024 = arith.constant 2 : i32
      %add3A_2025 = arith.addi %add3A_1706, %add3A_2024 : i32
      %min3A_2026 = arith.constant 99 : i32
      %min3A_2027 = arith.minsi %add3A_2025, %min3A_2026 : i32
      %mul3A_2028 = arith.constant 8 : i32
      %mul3A_2029 = arith.muli %min3A_2027, %mul3A_2028 : i32
      %add3A_2030 = arith.addi %mul3A_2, %mul3A_2029 : i32
      %dma_start3A_2031 = arith.constant 0 : i32
      %dma_start3A_2032 = arith.constant 0 : i32
      %dma_start3A_2033 = arith.constant 0 : i32
      %dma_start3A_2034 = arith.constant 0 : i32
      %dma_start3A_2035 = tpu.memref_slice %arg5[%dma_start3A_2031, %dma_start3A_2033, %dma_start3A_2034] : memref<3x8x128xi32, #tpu.memory_space<vmem>> -> memref<1x8x128xi32, #tpu.memory_space<vmem>>
      %dma_start3A_2036 = tpu.memref_squeeze %dma_start3A_2035 : memref<1x8x128xi32, #tpu.memory_space<vmem>> -> memref<8x128xi32, #tpu.memory_space<vmem>>
      %dma_start3A_2037 = arith.constant 0 : i32
      %dma_start3A_2038 = tpu.memref_slice %arg2[%add3A_2030, %dma_start3A_2037] : memref<25600x128xi32, #tpu.memory_space<hbm>> -> memref<8x128xi32, #tpu.memory_space<hbm>>
      %dma_start3A_2039 = tpu.memref_slice %arg7[%dma_start3A_2032] : memref<3x!tpu.dma_semaphore, #tpu.memory_space<semaphore_mem>> -> memref<1x!tpu.dma_semaphore, #tpu.memory_space<semaphore_mem>>
      %dma_start3A_2040 = tpu.memref_squeeze %dma_start3A_2039 : memref<1x!tpu.dma_semaphore, #tpu.memory_space<semaphore_mem>> -> memref<!tpu.dma_semaphore, #tpu.memory_space<semaphore_mem>>
      %dma_start3A_2041 = arith.constant 0 : i32
      %dma_start3A_2042 = arith.constant 0 : i32
      %dma_start3A_2043 = tpu.memref_slice %arg5[%dma_start3A_2031, %dma_start3A_2041, %dma_start3A_2042] : memref<3x8x128xi32, #tpu.memory_space<vmem>> -> memref<1x8x128xi32, #tpu.memory_space<vmem>>
      %dma_start3A_2044 = tpu.memref_squeeze %dma_start3A_2043 : memref<1x8x128xi32, #tpu.memory_space<vmem>> -> memref<8x128xi32, #tpu.memory_space<vmem>>
      %dma_start3A_2045 = arith.constant 0 : i32
      %dma_start3A_2046 = tpu.memref_slice %arg2[%add3A_2030, %dma_start3A_2045] : memref<25600x128xi32, #tpu.memory_space<hbm>> -> memref<8x128xi32, #tpu.memory_space<hbm>>
      tpu.enqueue_dma source(%dma_start3A_2046 : memref<8x128xi32, #tpu.memory_space<hbm>>) target(%dma_start3A_2044 : memref<8x128xi32, #tpu.memory_space<vmem>>) target_semaphore(%dma_start3A_2040 : memref<!tpu.dma_semaphore, #tpu.memory_space<semaphore_mem>>)
      %mul3A_2047 = arith.constant 3 : i32
      %mul3A_2048 = arith.muli %scan3A_1356, %mul3A_2047 : i32
      %add3A_2049 = arith.constant 3 : i32
      %add3A_2050 = arith.addi %add3A_2049, %mul3A_2048 : i32
      %add3A_2051 = arith.constant 2 : i32
      %add3A_2052 = arith.addi %add3A_2050, %add3A_2051 : i32
      %mul3A_2053 = arith.constant 8 : i32
      %mul3A_2054 = arith.muli %add3A_2052, %mul3A_2053 : i32
      %add3A_2055 = arith.addi %mul3A_2, %mul3A_2054 : i32
      %dma_wait3A_2056 = arith.constant 2 : i32
      %dma_wait3A_2057 = arith.constant 2 : i32
      %dma_wait3A_2058 = arith.constant 0 : i32
      %dma_wait3A_2059 = arith.constant 0 : i32
      %dma_wait3A_2060 = tpu.memref_slice %arg5[%dma_wait3A_2056, %dma_wait3A_2058, %dma_wait3A_2059] : memref<3x8x128xi32, #tpu.memory_space<vmem>> -> memref<1x8x128xi32, #tpu.memory_space<vmem>>
      %dma_wait3A_2061 = tpu.memref_squeeze %dma_wait3A_2060 : memref<1x8x128xi32, #tpu.memory_space<vmem>> -> memref<8x128xi32, #tpu.memory_space<vmem>>
      %dma_wait3A_2062 = arith.constant 0 : i32
      %dma_wait3A_2063 = tpu.memref_slice %arg2[%add3A_2055, %dma_wait3A_2062] : memref<25600x128xi32, #tpu.memory_space<hbm>> -> memref<8x128xi32, #tpu.memory_space<hbm>>
      %dma_wait3A_2064 = tpu.memref_slice %arg7[%dma_wait3A_2057] : memref<3x!tpu.dma_semaphore, #tpu.memory_space<semaphore_mem>> -> memref<1x!tpu.dma_semaphore, #tpu.memory_space<semaphore_mem>>
      %dma_wait3A_2065 = tpu.memref_squeeze %dma_wait3A_2064 : memref<1x!tpu.dma_semaphore, #tpu.memory_space<semaphore_mem>> -> memref<!tpu.dma_semaphore, #tpu.memory_space<semaphore_mem>>
      %dma_wait3A_2066 = arith.constant 0 : i32
      %dma_wait3A_2067 = arith.constant 0 : i32
      %dma_wait3A_2068 = tpu.memref_slice %arg5[%dma_wait3A_2056, %dma_wait3A_2066, %dma_wait3A_2067] : memref<3x8x128xi32, #tpu.memory_space<vmem>> -> memref<1x8x128xi32, #tpu.memory_space<vmem>>
      %dma_wait3A_2069 = tpu.memref_squeeze %dma_wait3A_2068 : memref<1x8x128xi32, #tpu.memory_space<vmem>> -> memref<8x128xi32, #tpu.memory_space<vmem>>
      %dma_wait3A_2070 = arith.constant 0 : i32
      %dma_wait3A_2071 = tpu.memref_slice %arg2[%add3A_2055, %dma_wait3A_2070] : memref<25600x128xi32, #tpu.memory_space<hbm>> -> memref<8x128xi32, #tpu.memory_space<hbm>>
      tpu.wait_dma2 semaphore(%dma_wait3A_2065 : memref<!tpu.dma_semaphore, #tpu.memory_space<semaphore_mem>>) src(%dma_wait3A_2071 : memref<8x128xi32, #tpu.memory_space<hbm>>) dst(%dma_wait3A_2069 : memref<8x128xi32, #tpu.memory_space<vmem>>)
      %sub3A_2072 = arith.constant 3 : i32
      %sub3A_2073 = arith.subi %add3A_2052, %sub3A_2072 : i32
      %mul3A_2074 = arith.constant 1024 : i32
      %mul3A_2075 = arith.muli %sub3A_2073, %mul3A_2074 : i32
      %add3A_2076 = arith.addi %mul3A_4, %mul3A_2075 : i32
      %dma_wait3A_2077 = arith.constant 2 : i32
      %dma_wait3A_2078 = arith.constant 2 : i32
      %dma_wait3A_2079 = arith.constant 0 : i32
      %dma_wait3A_2080 = arith.constant 0 : i32
      %dma_wait3A_2081 = tpu.memref_slice %arg6[%dma_wait3A_2077, %dma_wait3A_2079, %dma_wait3A_2080] : memref<3x1024x32xf32, #tpu.memory_space<vmem>> -> memref<1x1024x32xf32, #tpu.memory_space<vmem>>
      %dma_wait3A_2082 = tpu.memref_squeeze %dma_wait3A_2081 : memref<1x1024x32xf32, #tpu.memory_space<vmem>> -> memref<1024x32xf32, #tpu.memory_space<vmem>>
      %dma_wait3A_2083 = arith.constant 0 : i32
      %dma_wait3A_2084 = tpu.memref_slice %arg4[%add3A_2076, %dma_wait3A_2083] : memref<3276800x32xf32, #tpu.memory_space<hbm>> -> memref<1024x32xf32, #tpu.memory_space<hbm>>
      %dma_wait3A_2085 = tpu.memref_slice %arg9[%dma_wait3A_2078] : memref<3x!tpu.dma_semaphore, #tpu.memory_space<semaphore_mem>> -> memref<1x!tpu.dma_semaphore, #tpu.memory_space<semaphore_mem>>
      %dma_wait3A_2086 = tpu.memref_squeeze %dma_wait3A_2085 : memref<1x!tpu.dma_semaphore, #tpu.memory_space<semaphore_mem>> -> memref<!tpu.dma_semaphore, #tpu.memory_space<semaphore_mem>>
      %dma_wait3A_2087 = arith.constant 0 : i32
      %dma_wait3A_2088 = tpu.memref_slice %arg4[%add3A_2076, %dma_wait3A_2087] : memref<3276800x32xf32, #tpu.memory_space<hbm>> -> memref<1024x32xf32, #tpu.memory_space<hbm>>
      %dma_wait3A_2089 = arith.constant 0 : i32
      %dma_wait3A_2090 = arith.constant 0 : i32
      %dma_wait3A_2091 = tpu.memref_slice %arg6[%dma_wait3A_2077, %dma_wait3A_2089, %dma_wait3A_2090] : memref<3x1024x32xf32, #tpu.memory_space<vmem>> -> memref<1x1024x32xf32, #tpu.memory_space<vmem>>
      %dma_wait3A_2092 = tpu.memref_squeeze %dma_wait3A_2091 : memref<1x1024x32xf32, #tpu.memory_space<vmem>> -> memref<1024x32xf32, #tpu.memory_space<vmem>>
      tpu.wait_dma2 semaphore(%dma_wait3A_2086 : memref<!tpu.dma_semaphore, #tpu.memory_space<semaphore_mem>>) src(%dma_wait3A_2092 : memref<1024x32xf32, #tpu.memory_space<vmem>>) dst(%dma_wait3A_2088 : memref<1024x32xf32, #tpu.memory_space<hbm>>)
      %dma_start3A_2093 = arith.constant 2 : i32
      %dma_start3A_2094 = arith.constant 0 : i32
      %dma_start3A_2095 = arith.constant 2 : i32
      %dma_start3A_2096 = arith.constant 2 : i32
      %dma_start3A_2097 = arith.constant 0 : i32
      %dma_start3A_2098 = arith.constant 0 : i32
      %dma_start3A_2099 = tpu.memref_slice %arg6[%dma_start3A_2095, %dma_start3A_2097, %dma_start3A_2098] : memref<3x1024x32xf32, #tpu.memory_space<vmem>> -> memref<1x128x32xf32, #tpu.memory_space<vmem>>
      %dma_start3A_2100 = tpu.memref_squeeze %dma_start3A_2099 : memref<1x128x32xf32, #tpu.memory_space<vmem>> -> memref<128x32xf32, #tpu.memory_space<vmem>>
      %dma_start3A_2101 = arith.constant 0 : i32
      %dma_start3A_2102 = tpu.memref_slice %arg5[%dma_start3A_2093, %dma_start3A_2094, %dma_start3A_2101] : memref<3x8x128xi32, #tpu.memory_space<vmem>> -> memref<1x1x128xi32, #tpu.memory_space<vmem>>
      %dma_start3A_2103 = tpu.memref_squeeze %dma_start3A_2102 : memref<1x1x128xi32, #tpu.memory_space<vmem>> -> memref<128xi32, #tpu.memory_space<vmem>>
      %dma_start3A_2104 = arith.constant 0 : i32
      %dma_start3A_2105 = arith.constant 0 : i32
      %dma_start3A_2106 = tpu.memref_slice %arg3[%dma_start3A_2104, %dma_start3A_2105] : memref<1000448x32xf32, #tpu.memory_space<hbm>> -> memref<1000448x32xf32, #tpu.memory_space<hbm>>
      %dma_start3A_2107 = tpu.memref_slice %arg8[%dma_start3A_2096] : memref<3x!tpu.dma_semaphore, #tpu.memory_space<semaphore_mem>> -> memref<1x!tpu.dma_semaphore, #tpu.memory_space<semaphore_mem>>
      %dma_start3A_2108 = tpu.memref_squeeze %dma_start3A_2107 : memref<1x!tpu.dma_semaphore, #tpu.memory_space<semaphore_mem>> -> memref<!tpu.dma_semaphore, #tpu.memory_space<semaphore_mem>>
      tpu.enqueue_indirect_dma source(%dma_start3A_2106 : memref<1000448x32xf32, #tpu.memory_space<hbm>>) target(%dma_start3A_2100 : memref<128x32xf32, #tpu.memory_space<vmem>>) offsets(%dma_start3A_2103 : memref<128xi32, #tpu.memory_space<vmem>>) semaphore(%dma_start3A_2108 : memref<!tpu.dma_semaphore, #tpu.memory_space<semaphore_mem>>)
      %dma_start3A_2109 = arith.constant 2 : i32
      %dma_start3A_2110 = arith.constant 1 : i32
      %dma_start3A_2111 = arith.constant 2 : i32
      %dma_start3A_2112 = arith.constant 2 : i32
      %dma_start3A_2113 = arith.constant 128 : i32
      %dma_start3A_2114 = arith.constant 0 : i32
      %dma_start3A_2115 = tpu.memref_slice %arg6[%dma_start3A_2111, %dma_start3A_2113, %dma_start3A_2114] : memref<3x1024x32xf32, #tpu.memory_space<vmem>> -> memref<1x128x32xf32, #tpu.memory_space<vmem>>
      %dma_start3A_2116 = tpu.memref_squeeze %dma_start3A_2115 : memref<1x128x32xf32, #tpu.memory_space<vmem>> -> memref<128x32xf32, #tpu.memory_space<vmem>>
      %dma_start3A_2117 = arith.constant 0 : i32
      %dma_start3A_2118 = tpu.memref_slice %arg5[%dma_start3A_2109, %dma_start3A_2110, %dma_start3A_2117] : memref<3x8x128xi32, #tpu.memory_space<vmem>> -> memref<1x1x128xi32, #tpu.memory_space<vmem>>
      %dma_start3A_2119 = tpu.memref_squeeze %dma_start3A_2118 : memref<1x1x128xi32, #tpu.memory_space<vmem>> -> memref<128xi32, #tpu.memory_space<vmem>>
      %dma_start3A_2120 = arith.constant 0 : i32
      %dma_start3A_2121 = arith.constant 0 : i32
      %dma_start3A_2122 = tpu.memref_slice %arg3[%dma_start3A_2120, %dma_start3A_2121] : memref<1000448x32xf32, #tpu.memory_space<hbm>> -> memref<1000448x32xf32, #tpu.memory_space<hbm>>
      %dma_start3A_2123 = tpu.memref_slice %arg8[%dma_start3A_2112] : memref<3x!tpu.dma_semaphore, #tpu.memory_space<semaphore_mem>> -> memref<1x!tpu.dma_semaphore, #tpu.memory_space<semaphore_mem>>
      %dma_start3A_2124 = tpu.memref_squeeze %dma_start3A_2123 : memref<1x!tpu.dma_semaphore, #tpu.memory_space<semaphore_mem>> -> memref<!tpu.dma_semaphore, #tpu.memory_space<semaphore_mem>>
      tpu.enqueue_indirect_dma source(%dma_start3A_2122 : memref<1000448x32xf32, #tpu.memory_space<hbm>>) target(%dma_start3A_2116 : memref<128x32xf32, #tpu.memory_space<vmem>>) offsets(%dma_start3A_2119 : memref<128xi32, #tpu.memory_space<vmem>>) semaphore(%dma_start3A_2124 : memref<!tpu.dma_semaphore, #tpu.memory_space<semaphore_mem>>)
      %dma_start3A_2125 = arith.constant 2 : i32
      %dma_start3A_2126 = arith.constant 2 : i32
      %dma_start3A_2127 = arith.constant 2 : i32
      %dma_start3A_2128 = arith.constant 2 : i32
      %dma_start3A_2129 = arith.constant 256 : i32
      %dma_start3A_2130 = arith.constant 0 : i32
      %dma_start3A_2131 = tpu.memref_slice %arg6[%dma_start3A_2127, %dma_start3A_2129, %dma_start3A_2130] : memref<3x1024x32xf32, #tpu.memory_space<vmem>> -> memref<1x128x32xf32, #tpu.memory_space<vmem>>
      %dma_start3A_2132 = tpu.memref_squeeze %dma_start3A_2131 : memref<1x128x32xf32, #tpu.memory_space<vmem>> -> memref<128x32xf32, #tpu.memory_space<vmem>>
      %dma_start3A_2133 = arith.constant 0 : i32
      %dma_start3A_2134 = tpu.memref_slice %arg5[%dma_start3A_2125, %dma_start3A_2126, %dma_start3A_2133] : memref<3x8x128xi32, #tpu.memory_space<vmem>> -> memref<1x1x128xi32, #tpu.memory_space<vmem>>
      %dma_start3A_2135 = tpu.memref_squeeze %dma_start3A_2134 : memref<1x1x128xi32, #tpu.memory_space<vmem>> -> memref<128xi32, #tpu.memory_space<vmem>>
      %dma_start3A_2136 = arith.constant 0 : i32
      %dma_start3A_2137 = arith.constant 0 : i32
      %dma_start3A_2138 = tpu.memref_slice %arg3[%dma_start3A_2136, %dma_start3A_2137] : memref<1000448x32xf32, #tpu.memory_space<hbm>> -> memref<1000448x32xf32, #tpu.memory_space<hbm>>
      %dma_start3A_2139 = tpu.memref_slice %arg8[%dma_start3A_2128] : memref<3x!tpu.dma_semaphore, #tpu.memory_space<semaphore_mem>> -> memref<1x!tpu.dma_semaphore, #tpu.memory_space<semaphore_mem>>
      %dma_start3A_2140 = tpu.memref_squeeze %dma_start3A_2139 : memref<1x!tpu.dma_semaphore, #tpu.memory_space<semaphore_mem>> -> memref<!tpu.dma_semaphore, #tpu.memory_space<semaphore_mem>>
      tpu.enqueue_indirect_dma source(%dma_start3A_2138 : memref<1000448x32xf32, #tpu.memory_space<hbm>>) target(%dma_start3A_2132 : memref<128x32xf32, #tpu.memory_space<vmem>>) offsets(%dma_start3A_2135 : memref<128xi32, #tpu.memory_space<vmem>>) semaphore(%dma_start3A_2140 : memref<!tpu.dma_semaphore, #tpu.memory_space<semaphore_mem>>)
      %dma_start3A_2141 = arith.constant 2 : i32
      %dma_start3A_2142 = arith.constant 3 : i32
      %dma_start3A_2143 = arith.constant 2 : i32
      %dma_start3A_2144 = arith.constant 2 : i32
      %dma_start3A_2145 = arith.constant 384 : i32
      %dma_start3A_2146 = arith.constant 0 : i32
      %dma_start3A_2147 = tpu.memref_slice %arg6[%dma_start3A_2143, %dma_start3A_2145, %dma_start3A_2146] : memref<3x1024x32xf32, #tpu.memory_space<vmem>> -> memref<1x128x32xf32, #tpu.memory_space<vmem>>
      %dma_start3A_2148 = tpu.memref_squeeze %dma_start3A_2147 : memref<1x128x32xf32, #tpu.memory_space<vmem>> -> memref<128x32xf32, #tpu.memory_space<vmem>>
      %dma_start3A_2149 = arith.constant 0 : i32
      %dma_start3A_2150 = tpu.memref_slice %arg5[%dma_start3A_2141, %dma_start3A_2142, %dma_start3A_2149] : memref<3x8x128xi32, #tpu.memory_space<vmem>> -> memref<1x1x128xi32, #tpu.memory_space<vmem>>
      %dma_start3A_2151 = tpu.memref_squeeze %dma_start3A_2150 : memref<1x1x128xi32, #tpu.memory_space<vmem>> -> memref<128xi32, #tpu.memory_space<vmem>>
      %dma_start3A_2152 = arith.constant 0 : i32
      %dma_start3A_2153 = arith.constant 0 : i32
      %dma_start3A_2154 = tpu.memref_slice %arg3[%dma_start3A_2152, %dma_start3A_2153] : memref<1000448x32xf32, #tpu.memory_space<hbm>> -> memref<1000448x32xf32, #tpu.memory_space<hbm>>
      %dma_start3A_2155 = tpu.memref_slice %arg8[%dma_start3A_2144] : memref<3x!tpu.dma_semaphore, #tpu.memory_space<semaphore_mem>> -> memref<1x!tpu.dma_semaphore, #tpu.memory_space<semaphore_mem>>
      %dma_start3A_2156 = tpu.memref_squeeze %dma_start3A_2155 : memref<1x!tpu.dma_semaphore, #tpu.memory_space<semaphore_mem>> -> memref<!tpu.dma_semaphore, #tpu.memory_space<semaphore_mem>>
      tpu.enqueue_indirect_dma source(%dma_start3A_2154 : memref<1000448x32xf32, #tpu.memory_space<hbm>>) target(%dma_start3A_2148 : memref<128x32xf32, #tpu.memory_space<vmem>>) offsets(%dma_start3A_2151 : memref<128xi32, #tpu.memory_space<vmem>>) semaphore(%dma_start3A_2156 : memref<!tpu.dma_semaphore, #tpu.memory_space<semaphore_mem>>)
      %dma_start3A_2157 = arith.constant 2 : i32
      %dma_start3A_2158 = arith.constant 4 : i32
      %dma_start3A_2159 = arith.constant 2 : i32
      %dma_start3A_2160 = arith.constant 2 : i32
      %dma_start3A_2161 = arith.constant 512 : i32
      %dma_start3A_2162 = arith.constant 0 : i32
      %dma_start3A_2163 = tpu.memref_slice %arg6[%dma_start3A_2159, %dma_start3A_2161, %dma_start3A_2162] : memref<3x1024x32xf32, #tpu.memory_space<vmem>> -> memref<1x128x32xf32, #tpu.memory_space<vmem>>
      %dma_start3A_2164 = tpu.memref_squeeze %dma_start3A_2163 : memref<1x128x32xf32, #tpu.memory_space<vmem>> -> memref<128x32xf32, #tpu.memory_space<vmem>>
      %dma_start3A_2165 = arith.constant 0 : i32
      %dma_start3A_2166 = tpu.memref_slice %arg5[%dma_start3A_2157, %dma_start3A_2158, %dma_start3A_2165] : memref<3x8x128xi32, #tpu.memory_space<vmem>> -> memref<1x1x128xi32, #tpu.memory_space<vmem>>
      %dma_start3A_2167 = tpu.memref_squeeze %dma_start3A_2166 : memref<1x1x128xi32, #tpu.memory_space<vmem>> -> memref<128xi32, #tpu.memory_space<vmem>>
      %dma_start3A_2168 = arith.constant 0 : i32
      %dma_start3A_2169 = arith.constant 0 : i32
      %dma_start3A_2170 = tpu.memref_slice %arg3[%dma_start3A_2168, %dma_start3A_2169] : memref<1000448x32xf32, #tpu.memory_space<hbm>> -> memref<1000448x32xf32, #tpu.memory_space<hbm>>
      %dma_start3A_2171 = tpu.memref_slice %arg8[%dma_start3A_2160] : memref<3x!tpu.dma_semaphore, #tpu.memory_space<semaphore_mem>> -> memref<1x!tpu.dma_semaphore, #tpu.memory_space<semaphore_mem>>
      %dma_start3A_2172 = tpu.memref_squeeze %dma_start3A_2171 : memref<1x!tpu.dma_semaphore, #tpu.memory_space<semaphore_mem>> -> memref<!tpu.dma_semaphore, #tpu.memory_space<semaphore_mem>>
      tpu.enqueue_indirect_dma source(%dma_start3A_2170 : memref<1000448x32xf32, #tpu.memory_space<hbm>>) target(%dma_start3A_2164 : memref<128x32xf32, #tpu.memory_space<vmem>>) offsets(%dma_start3A_2167 : memref<128xi32, #tpu.memory_space<vmem>>) semaphore(%dma_start3A_2172 : memref<!tpu.dma_semaphore, #tpu.memory_space<semaphore_mem>>)
      %dma_start3A_2173 = arith.constant 2 : i32
      %dma_start3A_2174 = arith.constant 5 : i32
      %dma_start3A_2175 = arith.constant 2 : i32
      %dma_start3A_2176 = arith.constant 2 : i32
      %dma_start3A_2177 = arith.constant 640 : i32
      %dma_start3A_2178 = arith.constant 0 : i32
      %dma_start3A_2179 = tpu.memref_slice %arg6[%dma_start3A_2175, %dma_start3A_2177, %dma_start3A_2178] : memref<3x1024x32xf32, #tpu.memory_space<vmem>> -> memref<1x128x32xf32, #tpu.memory_space<vmem>>
      %dma_start3A_2180 = tpu.memref_squeeze %dma_start3A_2179 : memref<1x128x32xf32, #tpu.memory_space<vmem>> -> memref<128x32xf32, #tpu.memory_space<vmem>>
      %dma_start3A_2181 = arith.constant 0 : i32
      %dma_start3A_2182 = tpu.memref_slice %arg5[%dma_start3A_2173, %dma_start3A_2174, %dma_start3A_2181] : memref<3x8x128xi32, #tpu.memory_space<vmem>> -> memref<1x1x128xi32, #tpu.memory_space<vmem>>
      %dma_start3A_2183 = tpu.memref_squeeze %dma_start3A_2182 : memref<1x1x128xi32, #tpu.memory_space<vmem>> -> memref<128xi32, #tpu.memory_space<vmem>>
      %dma_start3A_2184 = arith.constant 0 : i32
      %dma_start3A_2185 = arith.constant 0 : i32
      %dma_start3A_2186 = tpu.memref_slice %arg3[%dma_start3A_2184, %dma_start3A_2185] : memref<1000448x32xf32, #tpu.memory_space<hbm>> -> memref<1000448x32xf32, #tpu.memory_space<hbm>>
      %dma_start3A_2187 = tpu.memref_slice %arg8[%dma_start3A_2176] : memref<3x!tpu.dma_semaphore, #tpu.memory_space<semaphore_mem>> -> memref<1x!tpu.dma_semaphore, #tpu.memory_space<semaphore_mem>>
      %dma_start3A_2188 = tpu.memref_squeeze %dma_start3A_2187 : memref<1x!tpu.dma_semaphore, #tpu.memory_space<semaphore_mem>> -> memref<!tpu.dma_semaphore, #tpu.memory_space<semaphore_mem>>
      tpu.enqueue_indirect_dma source(%dma_start3A_2186 : memref<1000448x32xf32, #tpu.memory_space<hbm>>) target(%dma_start3A_2180 : memref<128x32xf32, #tpu.memory_space<vmem>>) offsets(%dma_start3A_2183 : memref<128xi32, #tpu.memory_space<vmem>>) semaphore(%dma_start3A_2188 : memref<!tpu.dma_semaphore, #tpu.memory_space<semaphore_mem>>)
      %dma_start3A_2189 = arith.constant 2 : i32
      %dma_start3A_2190 = arith.constant 6 : i32
      %dma_start3A_2191 = arith.constant 2 : i32
      %dma_start3A_2192 = arith.constant 2 : i32
      %dma_start3A_2193 = arith.constant 768 : i32
      %dma_start3A_2194 = arith.constant 0 : i32
      %dma_start3A_2195 = tpu.memref_slice %arg6[%dma_start3A_2191, %dma_start3A_2193, %dma_start3A_2194] : memref<3x1024x32xf32, #tpu.memory_space<vmem>> -> memref<1x128x32xf32, #tpu.memory_space<vmem>>
      %dma_start3A_2196 = tpu.memref_squeeze %dma_start3A_2195 : memref<1x128x32xf32, #tpu.memory_space<vmem>> -> memref<128x32xf32, #tpu.memory_space<vmem>>
      %dma_start3A_2197 = arith.constant 0 : i32
      %dma_start3A_2198 = tpu.memref_slice %arg5[%dma_start3A_2189, %dma_start3A_2190, %dma_start3A_2197] : memref<3x8x128xi32, #tpu.memory_space<vmem>> -> memref<1x1x128xi32, #tpu.memory_space<vmem>>
      %dma_start3A_2199 = tpu.memref_squeeze %dma_start3A_2198 : memref<1x1x128xi32, #tpu.memory_space<vmem>> -> memref<128xi32, #tpu.memory_space<vmem>>
      %dma_start3A_2200 = arith.constant 0 : i32
      %dma_start3A_2201 = arith.constant 0 : i32
      %dma_start3A_2202 = tpu.memref_slice %arg3[%dma_start3A_2200, %dma_start3A_2201] : memref<1000448x32xf32, #tpu.memory_space<hbm>> -> memref<1000448x32xf32, #tpu.memory_space<hbm>>
      %dma_start3A_2203 = tpu.memref_slice %arg8[%dma_start3A_2192] : memref<3x!tpu.dma_semaphore, #tpu.memory_space<semaphore_mem>> -> memref<1x!tpu.dma_semaphore, #tpu.memory_space<semaphore_mem>>
      %dma_start3A_2204 = tpu.memref_squeeze %dma_start3A_2203 : memref<1x!tpu.dma_semaphore, #tpu.memory_space<semaphore_mem>> -> memref<!tpu.dma_semaphore, #tpu.memory_space<semaphore_mem>>
      tpu.enqueue_indirect_dma source(%dma_start3A_2202 : memref<1000448x32xf32, #tpu.memory_space<hbm>>) target(%dma_start3A_2196 : memref<128x32xf32, #tpu.memory_space<vmem>>) offsets(%dma_start3A_2199 : memref<128xi32, #tpu.memory_space<vmem>>) semaphore(%dma_start3A_2204 : memref<!tpu.dma_semaphore, #tpu.memory_space<semaphore_mem>>)
      %dma_start3A_2205 = arith.constant 2 : i32
      %dma_start3A_2206 = arith.constant 7 : i32
      %dma_start3A_2207 = arith.constant 2 : i32
      %dma_start3A_2208 = arith.constant 2 : i32
      %dma_start3A_2209 = arith.constant 896 : i32
      %dma_start3A_2210 = arith.constant 0 : i32
      %dma_start3A_2211 = tpu.memref_slice %arg6[%dma_start3A_2207, %dma_start3A_2209, %dma_start3A_2210] : memref<3x1024x32xf32, #tpu.memory_space<vmem>> -> memref<1x128x32xf32, #tpu.memory_space<vmem>>
      %dma_start3A_2212 = tpu.memref_squeeze %dma_start3A_2211 : memref<1x128x32xf32, #tpu.memory_space<vmem>> -> memref<128x32xf32, #tpu.memory_space<vmem>>
      %dma_start3A_2213 = arith.constant 0 : i32
      %dma_start3A_2214 = tpu.memref_slice %arg5[%dma_start3A_2205, %dma_start3A_2206, %dma_start3A_2213] : memref<3x8x128xi32, #tpu.memory_space<vmem>> -> memref<1x1x128xi32, #tpu.memory_space<vmem>>
      %dma_start3A_2215 = tpu.memref_squeeze %dma_start3A_2214 : memref<1x1x128xi32, #tpu.memory_space<vmem>> -> memref<128xi32, #tpu.memory_space<vmem>>
      %dma_start3A_2216 = arith.constant 0 : i32
      %dma_start3A_2217 = arith.constant 0 : i32
      %dma_start3A_2218 = tpu.memref_slice %arg3[%dma_start3A_2216, %dma_start3A_2217] : memref<1000448x32xf32, #tpu.memory_space<hbm>> -> memref<1000448x32xf32, #tpu.memory_space<hbm>>
      %dma_start3A_2219 = tpu.memref_slice %arg8[%dma_start3A_2208] : memref<3x!tpu.dma_semaphore, #tpu.memory_space<semaphore_mem>> -> memref<1x!tpu.dma_semaphore, #tpu.memory_space<semaphore_mem>>
      %dma_start3A_2220 = tpu.memref_squeeze %dma_start3A_2219 : memref<1x!tpu.dma_semaphore, #tpu.memory_space<semaphore_mem>> -> memref<!tpu.dma_semaphore, #tpu.memory_space<semaphore_mem>>
      tpu.enqueue_indirect_dma source(%dma_start3A_2218 : memref<1000448x32xf32, #tpu.memory_space<hbm>>) target(%dma_start3A_2212 : memref<128x32xf32, #tpu.memory_space<vmem>>) offsets(%dma_start3A_2215 : memref<128xi32, #tpu.memory_space<vmem>>) semaphore(%dma_start3A_2220 : memref<!tpu.dma_semaphore, #tpu.memory_space<semaphore_mem>>)
      %dma_wait3A_2221 = arith.constant 1 : i32
      %dma_wait3A_2222 = arith.constant 0 : i32
      %dma_wait3A_2223 = arith.constant 1 : i32
      %dma_wait3A_2224 = arith.constant 1 : i32
      %dma_wait3A_2225 = arith.constant 0 : i32
      %dma_wait3A_2226 = arith.constant 0 : i32
      %dma_wait3A_2227 = tpu.memref_slice %arg6[%dma_wait3A_2223, %dma_wait3A_2225, %dma_wait3A_2226] : memref<3x1024x32xf32, #tpu.memory_space<vmem>> -> memref<1x128x32xf32, #tpu.memory_space<vmem>>
      %dma_wait3A_2228 = tpu.memref_squeeze %dma_wait3A_2227 : memref<1x128x32xf32, #tpu.memory_space<vmem>> -> memref<128x32xf32, #tpu.memory_space<vmem>>
      %dma_wait3A_2229 = arith.constant 0 : i32
      %dma_wait3A_2230 = tpu.memref_slice %arg5[%dma_wait3A_2221, %dma_wait3A_2222, %dma_wait3A_2229] : memref<3x8x128xi32, #tpu.memory_space<vmem>> -> memref<1x1x128xi32, #tpu.memory_space<vmem>>
      %dma_wait3A_2231 = tpu.memref_squeeze %dma_wait3A_2230 : memref<1x1x128xi32, #tpu.memory_space<vmem>> -> memref<128xi32, #tpu.memory_space<vmem>>
      %dma_wait3A_2232 = arith.constant 0 : i32
      %dma_wait3A_2233 = arith.constant 0 : i32
      %dma_wait3A_2234 = tpu.memref_slice %arg3[%dma_wait3A_2232, %dma_wait3A_2233] : memref<1000448x32xf32, #tpu.memory_space<hbm>> -> memref<1000448x32xf32, #tpu.memory_space<hbm>>
      %dma_wait3A_2235 = tpu.memref_slice %arg8[%dma_wait3A_2224] : memref<3x!tpu.dma_semaphore, #tpu.memory_space<semaphore_mem>> -> memref<1x!tpu.dma_semaphore, #tpu.memory_space<semaphore_mem>>
      %dma_wait3A_2236 = tpu.memref_squeeze %dma_wait3A_2235 : memref<1x!tpu.dma_semaphore, #tpu.memory_space<semaphore_mem>> -> memref<!tpu.dma_semaphore, #tpu.memory_space<semaphore_mem>>
      tpu.wait_indirect_dma semaphore(%dma_wait3A_2236 : memref<!tpu.dma_semaphore, #tpu.memory_space<semaphore_mem>>) src(%dma_wait3A_2234 : memref<1000448x32xf32, #tpu.memory_space<hbm>>) dst(%dma_wait3A_2228 : memref<128x32xf32, #tpu.memory_space<vmem>>)
      %dma_wait3A_2237 = arith.constant 1 : i32
      %dma_wait3A_2238 = arith.constant 1 : i32
      %dma_wait3A_2239 = arith.constant 1 : i32
      %dma_wait3A_2240 = arith.constant 1 : i32
      %dma_wait3A_2241 = arith.constant 128 : i32
      %dma_wait3A_2242 = arith.constant 0 : i32
      %dma_wait3A_2243 = tpu.memref_slice %arg6[%dma_wait3A_2239, %dma_wait3A_2241, %dma_wait3A_2242] : memref<3x1024x32xf32, #tpu.memory_space<vmem>> -> memref<1x128x32xf32, #tpu.memory_space<vmem>>
      %dma_wait3A_2244 = tpu.memref_squeeze %dma_wait3A_2243 : memref<1x128x32xf32, #tpu.memory_space<vmem>> -> memref<128x32xf32, #tpu.memory_space<vmem>>
      %dma_wait3A_2245 = arith.constant 0 : i32
      %dma_wait3A_2246 = tpu.memref_slice %arg5[%dma_wait3A_2237, %dma_wait3A_2238, %dma_wait3A_2245] : memref<3x8x128xi32, #tpu.memory_space<vmem>> -> memref<1x1x128xi32, #tpu.memory_space<vmem>>
      %dma_wait3A_2247 = tpu.memref_squeeze %dma_wait3A_2246 : memref<1x1x128xi32, #tpu.memory_space<vmem>> -> memref<128xi32, #tpu.memory_space<vmem>>
      %dma_wait3A_2248 = arith.constant 0 : i32
      %dma_wait3A_2249 = arith.constant 0 : i32
      %dma_wait3A_2250 = tpu.memref_slice %arg3[%dma_wait3A_2248, %dma_wait3A_2249] : memref<1000448x32xf32, #tpu.memory_space<hbm>> -> memref<1000448x32xf32, #tpu.memory_space<hbm>>
      %dma_wait3A_2251 = tpu.memref_slice %arg8[%dma_wait3A_2240] : memref<3x!tpu.dma_semaphore, #tpu.memory_space<semaphore_mem>> -> memref<1x!tpu.dma_semaphore, #tpu.memory_space<semaphore_mem>>
      %dma_wait3A_2252 = tpu.memref_squeeze %dma_wait3A_2251 : memref<1x!tpu.dma_semaphore, #tpu.memory_space<semaphore_mem>> -> memref<!tpu.dma_semaphore, #tpu.memory_space<semaphore_mem>>
      tpu.wait_indirect_dma semaphore(%dma_wait3A_2252 : memref<!tpu.dma_semaphore, #tpu.memory_space<semaphore_mem>>) src(%dma_wait3A_2250 : memref<1000448x32xf32, #tpu.memory_space<hbm>>) dst(%dma_wait3A_2244 : memref<128x32xf32, #tpu.memory_space<vmem>>)
      %dma_wait3A_2253 = arith.constant 1 : i32
      %dma_wait3A_2254 = arith.constant 2 : i32
      %dma_wait3A_2255 = arith.constant 1 : i32
      %dma_wait3A_2256 = arith.constant 1 : i32
      %dma_wait3A_2257 = arith.constant 256 : i32
      %dma_wait3A_2258 = arith.constant 0 : i32
      %dma_wait3A_2259 = tpu.memref_slice %arg6[%dma_wait3A_2255, %dma_wait3A_2257, %dma_wait3A_2258] : memref<3x1024x32xf32, #tpu.memory_space<vmem>> -> memref<1x128x32xf32, #tpu.memory_space<vmem>>
      %dma_wait3A_2260 = tpu.memref_squeeze %dma_wait3A_2259 : memref<1x128x32xf32, #tpu.memory_space<vmem>> -> memref<128x32xf32, #tpu.memory_space<vmem>>
      %dma_wait3A_2261 = arith.constant 0 : i32
      %dma_wait3A_2262 = tpu.memref_slice %arg5[%dma_wait3A_2253, %dma_wait3A_2254, %dma_wait3A_2261] : memref<3x8x128xi32, #tpu.memory_space<vmem>> -> memref<1x1x128xi32, #tpu.memory_space<vmem>>
      %dma_wait3A_2263 = tpu.memref_squeeze %dma_wait3A_2262 : memref<1x1x128xi32, #tpu.memory_space<vmem>> -> memref<128xi32, #tpu.memory_space<vmem>>
      %dma_wait3A_2264 = arith.constant 0 : i32
      %dma_wait3A_2265 = arith.constant 0 : i32
      %dma_wait3A_2266 = tpu.memref_slice %arg3[%dma_wait3A_2264, %dma_wait3A_2265] : memref<1000448x32xf32, #tpu.memory_space<hbm>> -> memref<1000448x32xf32, #tpu.memory_space<hbm>>
      %dma_wait3A_2267 = tpu.memref_slice %arg8[%dma_wait3A_2256] : memref<3x!tpu.dma_semaphore, #tpu.memory_space<semaphore_mem>> -> memref<1x!tpu.dma_semaphore, #tpu.memory_space<semaphore_mem>>
      %dma_wait3A_2268 = tpu.memref_squeeze %dma_wait3A_2267 : memref<1x!tpu.dma_semaphore, #tpu.memory_space<semaphore_mem>> -> memref<!tpu.dma_semaphore, #tpu.memory_space<semaphore_mem>>
      tpu.wait_indirect_dma semaphore(%dma_wait3A_2268 : memref<!tpu.dma_semaphore, #tpu.memory_space<semaphore_mem>>) src(%dma_wait3A_2266 : memref<1000448x32xf32, #tpu.memory_space<hbm>>) dst(%dma_wait3A_2260 : memref<128x32xf32, #tpu.memory_space<vmem>>)
      %dma_wait3A_2269 = arith.constant 1 : i32
      %dma_wait3A_2270 = arith.constant 3 : i32
      %dma_wait3A_2271 = arith.constant 1 : i32
      %dma_wait3A_2272 = arith.constant 1 : i32
      %dma_wait3A_2273 = arith.constant 384 : i32
      %dma_wait3A_2274 = arith.constant 0 : i32
      %dma_wait3A_2275 = tpu.memref_slice %arg6[%dma_wait3A_2271, %dma_wait3A_2273, %dma_wait3A_2274] : memref<3x1024x32xf32, #tpu.memory_space<vmem>> -> memref<1x128x32xf32, #tpu.memory_space<vmem>>
      %dma_wait3A_2276 = tpu.memref_squeeze %dma_wait3A_2275 : memref<1x128x32xf32, #tpu.memory_space<vmem>> -> memref<128x32xf32, #tpu.memory_space<vmem>>
      %dma_wait3A_2277 = arith.constant 0 : i32
      %dma_wait3A_2278 = tpu.memref_slice %arg5[%dma_wait3A_2269, %dma_wait3A_2270, %dma_wait3A_2277] : memref<3x8x128xi32, #tpu.memory_space<vmem>> -> memref<1x1x128xi32, #tpu.memory_space<vmem>>
      %dma_wait3A_2279 = tpu.memref_squeeze %dma_wait3A_2278 : memref<1x1x128xi32, #tpu.memory_space<vmem>> -> memref<128xi32, #tpu.memory_space<vmem>>
      %dma_wait3A_2280 = arith.constant 0 : i32
      %dma_wait3A_2281 = arith.constant 0 : i32
      %dma_wait3A_2282 = tpu.memref_slice %arg3[%dma_wait3A_2280, %dma_wait3A_2281] : memref<1000448x32xf32, #tpu.memory_space<hbm>> -> memref<1000448x32xf32, #tpu.memory_space<hbm>>
      %dma_wait3A_2283 = tpu.memref_slice %arg8[%dma_wait3A_2272] : memref<3x!tpu.dma_semaphore, #tpu.memory_space<semaphore_mem>> -> memref<1x!tpu.dma_semaphore, #tpu.memory_space<semaphore_mem>>
      %dma_wait3A_2284 = tpu.memref_squeeze %dma_wait3A_2283 : memref<1x!tpu.dma_semaphore, #tpu.memory_space<semaphore_mem>> -> memref<!tpu.dma_semaphore, #tpu.memory_space<semaphore_mem>>
      tpu.wait_indirect_dma semaphore(%dma_wait3A_2284 : memref<!tpu.dma_semaphore, #tpu.memory_space<semaphore_mem>>) src(%dma_wait3A_2282 : memref<1000448x32xf32, #tpu.memory_space<hbm>>) dst(%dma_wait3A_2276 : memref<128x32xf32, #tpu.memory_space<vmem>>)
      %dma_wait3A_2285 = arith.constant 1 : i32
      %dma_wait3A_2286 = arith.constant 4 : i32
      %dma_wait3A_2287 = arith.constant 1 : i32
      %dma_wait3A_2288 = arith.constant 1 : i32
      %dma_wait3A_2289 = arith.constant 512 : i32
      %dma_wait3A_2290 = arith.constant 0 : i32
      %dma_wait3A_2291 = tpu.memref_slice %arg6[%dma_wait3A_2287, %dma_wait3A_2289, %dma_wait3A_2290] : memref<3x1024x32xf32, #tpu.memory_space<vmem>> -> memref<1x128x32xf32, #tpu.memory_space<vmem>>
      %dma_wait3A_2292 = tpu.memref_squeeze %dma_wait3A_2291 : memref<1x128x32xf32, #tpu.memory_space<vmem>> -> memref<128x32xf32, #tpu.memory_space<vmem>>
      %dma_wait3A_2293 = arith.constant 0 : i32
      %dma_wait3A_2294 = tpu.memref_slice %arg5[%dma_wait3A_2285, %dma_wait3A_2286, %dma_wait3A_2293] : memref<3x8x128xi32, #tpu.memory_space<vmem>> -> memref<1x1x128xi32, #tpu.memory_space<vmem>>
      %dma_wait3A_2295 = tpu.memref_squeeze %dma_wait3A_2294 : memref<1x1x128xi32, #tpu.memory_space<vmem>> -> memref<128xi32, #tpu.memory_space<vmem>>
      %dma_wait3A_2296 = arith.constant 0 : i32
      %dma_wait3A_2297 = arith.constant 0 : i32
      %dma_wait3A_2298 = tpu.memref_slice %arg3[%dma_wait3A_2296, %dma_wait3A_2297] : memref<1000448x32xf32, #tpu.memory_space<hbm>> -> memref<1000448x32xf32, #tpu.memory_space<hbm>>
      %dma_wait3A_2299 = tpu.memref_slice %arg8[%dma_wait3A_2288] : memref<3x!tpu.dma_semaphore, #tpu.memory_space<semaphore_mem>> -> memref<1x!tpu.dma_semaphore, #tpu.memory_space<semaphore_mem>>
      %dma_wait3A_2300 = tpu.memref_squeeze %dma_wait3A_2299 : memref<1x!tpu.dma_semaphore, #tpu.memory_space<semaphore_mem>> -> memref<!tpu.dma_semaphore, #tpu.memory_space<semaphore_mem>>
      tpu.wait_indirect_dma semaphore(%dma_wait3A_2300 : memref<!tpu.dma_semaphore, #tpu.memory_space<semaphore_mem>>) src(%dma_wait3A_2298 : memref<1000448x32xf32, #tpu.memory_space<hbm>>) dst(%dma_wait3A_2292 : memref<128x32xf32, #tpu.memory_space<vmem>>)
      %dma_wait3A_2301 = arith.constant 1 : i32
      %dma_wait3A_2302 = arith.constant 5 : i32
      %dma_wait3A_2303 = arith.constant 1 : i32
      %dma_wait3A_2304 = arith.constant 1 : i32
      %dma_wait3A_2305 = arith.constant 640 : i32
      %dma_wait3A_2306 = arith.constant 0 : i32
      %dma_wait3A_2307 = tpu.memref_slice %arg6[%dma_wait3A_2303, %dma_wait3A_2305, %dma_wait3A_2306] : memref<3x1024x32xf32, #tpu.memory_space<vmem>> -> memref<1x128x32xf32, #tpu.memory_space<vmem>>
      %dma_wait3A_2308 = tpu.memref_squeeze %dma_wait3A_2307 : memref<1x128x32xf32, #tpu.memory_space<vmem>> -> memref<128x32xf32, #tpu.memory_space<vmem>>
      %dma_wait3A_2309 = arith.constant 0 : i32
      %dma_wait3A_2310 = tpu.memref_slice %arg5[%dma_wait3A_2301, %dma_wait3A_2302, %dma_wait3A_2309] : memref<3x8x128xi32, #tpu.memory_space<vmem>> -> memref<1x1x128xi32, #tpu.memory_space<vmem>>
      %dma_wait3A_2311 = tpu.memref_squeeze %dma_wait3A_2310 : memref<1x1x128xi32, #tpu.memory_space<vmem>> -> memref<128xi32, #tpu.memory_space<vmem>>
      %dma_wait3A_2312 = arith.constant 0 : i32
      %dma_wait3A_2313 = arith.constant 0 : i32
      %dma_wait3A_2314 = tpu.memref_slice %arg3[%dma_wait3A_2312, %dma_wait3A_2313] : memref<1000448x32xf32, #tpu.memory_space<hbm>> -> memref<1000448x32xf32, #tpu.memory_space<hbm>>
      %dma_wait3A_2315 = tpu.memref_slice %arg8[%dma_wait3A_2304] : memref<3x!tpu.dma_semaphore, #tpu.memory_space<semaphore_mem>> -> memref<1x!tpu.dma_semaphore, #tpu.memory_space<semaphore_mem>>
      %dma_wait3A_2316 = tpu.memref_squeeze %dma_wait3A_2315 : memref<1x!tpu.dma_semaphore, #tpu.memory_space<semaphore_mem>> -> memref<!tpu.dma_semaphore, #tpu.memory_space<semaphore_mem>>
      tpu.wait_indirect_dma semaphore(%dma_wait3A_2316 : memref<!tpu.dma_semaphore, #tpu.memory_space<semaphore_mem>>) src(%dma_wait3A_2314 : memref<1000448x32xf32, #tpu.memory_space<hbm>>) dst(%dma_wait3A_2308 : memref<128x32xf32, #tpu.memory_space<vmem>>)
      %dma_wait3A_2317 = arith.constant 1 : i32
      %dma_wait3A_2318 = arith.constant 6 : i32
      %dma_wait3A_2319 = arith.constant 1 : i32
      %dma_wait3A_2320 = arith.constant 1 : i32
      %dma_wait3A_2321 = arith.constant 768 : i32
      %dma_wait3A_2322 = arith.constant 0 : i32
      %dma_wait3A_2323 = tpu.memref_slice %arg6[%dma_wait3A_2319, %dma_wait3A_2321, %dma_wait3A_2322] : memref<3x1024x32xf32, #tpu.memory_space<vmem>> -> memref<1x128x32xf32, #tpu.memory_space<vmem>>
      %dma_wait3A_2324 = tpu.memref_squeeze %dma_wait3A_2323 : memref<1x128x32xf32, #tpu.memory_space<vmem>> -> memref<128x32xf32, #tpu.memory_space<vmem>>
      %dma_wait3A_2325 = arith.constant 0 : i32
      %dma_wait3A_2326 = tpu.memref_slice %arg5[%dma_wait3A_2317, %dma_wait3A_2318, %dma_wait3A_2325] : memref<3x8x128xi32, #tpu.memory_space<vmem>> -> memref<1x1x128xi32, #tpu.memory_space<vmem>>
      %dma_wait3A_2327 = tpu.memref_squeeze %dma_wait3A_2326 : memref<1x1x128xi32, #tpu.memory_space<vmem>> -> memref<128xi32, #tpu.memory_space<vmem>>
      %dma_wait3A_2328 = arith.constant 0 : i32
      %dma_wait3A_2329 = arith.constant 0 : i32
      %dma_wait3A_2330 = tpu.memref_slice %arg3[%dma_wait3A_2328, %dma_wait3A_2329] : memref<1000448x32xf32, #tpu.memory_space<hbm>> -> memref<1000448x32xf32, #tpu.memory_space<hbm>>
      %dma_wait3A_2331 = tpu.memref_slice %arg8[%dma_wait3A_2320] : memref<3x!tpu.dma_semaphore, #tpu.memory_space<semaphore_mem>> -> memref<1x!tpu.dma_semaphore, #tpu.memory_space<semaphore_mem>>
      %dma_wait3A_2332 = tpu.memref_squeeze %dma_wait3A_2331 : memref<1x!tpu.dma_semaphore, #tpu.memory_space<semaphore_mem>> -> memref<!tpu.dma_semaphore, #tpu.memory_space<semaphore_mem>>
      tpu.wait_indirect_dma semaphore(%dma_wait3A_2332 : memref<!tpu.dma_semaphore, #tpu.memory_space<semaphore_mem>>) src(%dma_wait3A_2330 : memref<1000448x32xf32, #tpu.memory_space<hbm>>) dst(%dma_wait3A_2324 : memref<128x32xf32, #tpu.memory_space<vmem>>)
      %dma_wait3A_2333 = arith.constant 1 : i32
      %dma_wait3A_2334 = arith.constant 7 : i32
      %dma_wait3A_2335 = arith.constant 1 : i32
      %dma_wait3A_2336 = arith.constant 1 : i32
      %dma_wait3A_2337 = arith.constant 896 : i32
      %dma_wait3A_2338 = arith.constant 0 : i32
      %dma_wait3A_2339 = tpu.memref_slice %arg6[%dma_wait3A_2335, %dma_wait3A_2337, %dma_wait3A_2338] : memref<3x1024x32xf32, #tpu.memory_space<vmem>> -> memref<1x128x32xf32, #tpu.memory_space<vmem>>
      %dma_wait3A_2340 = tpu.memref_squeeze %dma_wait3A_2339 : memref<1x128x32xf32, #tpu.memory_space<vmem>> -> memref<128x32xf32, #tpu.memory_space<vmem>>
      %dma_wait3A_2341 = arith.constant 0 : i32
      %dma_wait3A_2342 = tpu.memref_slice %arg5[%dma_wait3A_2333, %dma_wait3A_2334, %dma_wait3A_2341] : memref<3x8x128xi32, #tpu.memory_space<vmem>> -> memref<1x1x128xi32, #tpu.memory_space<vmem>>
      %dma_wait3A_2343 = tpu.memref_squeeze %dma_wait3A_2342 : memref<1x1x128xi32, #tpu.memory_space<vmem>> -> memref<128xi32, #tpu.memory_space<vmem>>
      %dma_wait3A_2344 = arith.constant 0 : i32
      %dma_wait3A_2345 = arith.constant 0 : i32
      %dma_wait3A_2346 = tpu.memref_slice %arg3[%dma_wait3A_2344, %dma_wait3A_2345] : memref<1000448x32xf32, #tpu.memory_space<hbm>> -> memref<1000448x32xf32, #tpu.memory_space<hbm>>
      %dma_wait3A_2347 = tpu.memref_slice %arg8[%dma_wait3A_2336] : memref<3x!tpu.dma_semaphore, #tpu.memory_space<semaphore_mem>> -> memref<1x!tpu.dma_semaphore, #tpu.memory_space<semaphore_mem>>
      %dma_wait3A_2348 = tpu.memref_squeeze %dma_wait3A_2347 : memref<1x!tpu.dma_semaphore, #tpu.memory_space<semaphore_mem>> -> memref<!tpu.dma_semaphore, #tpu.memory_space<semaphore_mem>>
      tpu.wait_indirect_dma semaphore(%dma_wait3A_2348 : memref<!tpu.dma_semaphore, #tpu.memory_space<semaphore_mem>>) src(%dma_wait3A_2346 : memref<1000448x32xf32, #tpu.memory_space<hbm>>) dst(%dma_wait3A_2340 : memref<128x32xf32, #tpu.memory_space<vmem>>)
      %sub3A_2349 = arith.constant 1 : i32
      %sub3A_2350 = arith.subi %add3A_2052, %sub3A_2349 : i32
      %mul3A_2351 = arith.constant 1024 : i32
      %mul3A_2352 = arith.muli %sub3A_2350, %mul3A_2351 : i32
      %add3A_2353 = arith.addi %mul3A_4, %mul3A_2352 : i32
      %dma_start3A_2354 = arith.constant 1 : i32
      %dma_start3A_2355 = arith.constant 1 : i32
      %dma_start3A_2356 = arith.constant 0 : i32
      %dma_start3A_2357 = arith.constant 0 : i32
      %dma_start3A_2358 = tpu.memref_slice %arg6[%dma_start3A_2354, %dma_start3A_2356, %dma_start3A_2357] : memref<3x1024x32xf32, #tpu.memory_space<vmem>> -> memref<1x1024x32xf32, #tpu.memory_space<vmem>>
      %dma_start3A_2359 = tpu.memref_squeeze %dma_start3A_2358 : memref<1x1024x32xf32, #tpu.memory_space<vmem>> -> memref<1024x32xf32, #tpu.memory_space<vmem>>
      %dma_start3A_2360 = arith.constant 0 : i32
      %dma_start3A_2361 = tpu.memref_slice %arg4[%add3A_2353, %dma_start3A_2360] : memref<3276800x32xf32, #tpu.memory_space<hbm>> -> memref<1024x32xf32, #tpu.memory_space<hbm>>
      %dma_start3A_2362 = tpu.memref_slice %arg9[%dma_start3A_2355] : memref<3x!tpu.dma_semaphore, #tpu.memory_space<semaphore_mem>> -> memref<1x!tpu.dma_semaphore, #tpu.memory_space<semaphore_mem>>
      %dma_start3A_2363 = tpu.memref_squeeze %dma_start3A_2362 : memref<1x!tpu.dma_semaphore, #tpu.memory_space<semaphore_mem>> -> memref<!tpu.dma_semaphore, #tpu.memory_space<semaphore_mem>>
      %dma_start3A_2364 = arith.constant 0 : i32
      %dma_start3A_2365 = tpu.memref_slice %arg4[%add3A_2353, %dma_start3A_2364] : memref<3276800x32xf32, #tpu.memory_space<hbm>> -> memref<1024x32xf32, #tpu.memory_space<hbm>>
      %dma_start3A_2366 = arith.constant 0 : i32
      %dma_start3A_2367 = arith.constant 0 : i32
      %dma_start3A_2368 = tpu.memref_slice %arg6[%dma_start3A_2354, %dma_start3A_2366, %dma_start3A_2367] : memref<3x1024x32xf32, #tpu.memory_space<vmem>> -> memref<1x1024x32xf32, #tpu.memory_space<vmem>>
      %dma_start3A_2369 = tpu.memref_squeeze %dma_start3A_2368 : memref<1x1024x32xf32, #tpu.memory_space<vmem>> -> memref<1024x32xf32, #tpu.memory_space<vmem>>
      tpu.enqueue_dma source(%dma_start3A_2369 : memref<1024x32xf32, #tpu.memory_space<vmem>>) target(%dma_start3A_2365 : memref<1024x32xf32, #tpu.memory_space<hbm>>) target_semaphore(%dma_start3A_2363 : memref<!tpu.dma_semaphore, #tpu.memory_space<semaphore_mem>>)
      %add3A_2370 = arith.constant 2 : i32
      %add3A_2371 = arith.addi %add3A_2052, %add3A_2370 : i32
      %min3A_2372 = arith.constant 99 : i32
      %min3A_2373 = arith.minsi %add3A_2371, %min3A_2372 : i32
      %mul3A_2374 = arith.constant 8 : i32
      %mul3A_2375 = arith.muli %min3A_2373, %mul3A_2374 : i32
      %add3A_2376 = arith.addi %mul3A_2, %mul3A_2375 : i32
      %dma_start3A_2377 = arith.constant 1 : i32
      %dma_start3A_2378 = arith.constant 1 : i32
      %dma_start3A_2379 = arith.constant 0 : i32
      %dma_start3A_2380 = arith.constant 0 : i32
      %dma_start3A_2381 = tpu.memref_slice %arg5[%dma_start3A_2377, %dma_start3A_2379, %dma_start3A_2380] : memref<3x8x128xi32, #tpu.memory_space<vmem>> -> memref<1x8x128xi32, #tpu.memory_space<vmem>>
      %dma_start3A_2382 = tpu.memref_squeeze %dma_start3A_2381 : memref<1x8x128xi32, #tpu.memory_space<vmem>> -> memref<8x128xi32, #tpu.memory_space<vmem>>
      %dma_start3A_2383 = arith.constant 0 : i32
      %dma_start3A_2384 = tpu.memref_slice %arg2[%add3A_2376, %dma_start3A_2383] : memref<25600x128xi32, #tpu.memory_space<hbm>> -> memref<8x128xi32, #tpu.memory_space<hbm>>
      %dma_start3A_2385 = tpu.memref_slice %arg7[%dma_start3A_2378] : memref<3x!tpu.dma_semaphore, #tpu.memory_space<semaphore_mem>> -> memref<1x!tpu.dma_semaphore, #tpu.memory_space<semaphore_mem>>
      %dma_start3A_2386 = tpu.memref_squeeze %dma_start3A_2385 : memref<1x!tpu.dma_semaphore, #tpu.memory_space<semaphore_mem>> -> memref<!tpu.dma_semaphore, #tpu.memory_space<semaphore_mem>>
      %dma_start3A_2387 = arith.constant 0 : i32
      %dma_start3A_2388 = arith.constant 0 : i32
      %dma_start3A_2389 = tpu.memref_slice %arg5[%dma_start3A_2377, %dma_start3A_2387, %dma_start3A_2388] : memref<3x8x128xi32, #tpu.memory_space<vmem>> -> memref<1x8x128xi32, #tpu.memory_space<vmem>>
      %dma_start3A_2390 = tpu.memref_squeeze %dma_start3A_2389 : memref<1x8x128xi32, #tpu.memory_space<vmem>> -> memref<8x128xi32, #tpu.memory_space<vmem>>
      %dma_start3A_2391 = arith.constant 0 : i32
      %dma_start3A_2392 = tpu.memref_slice %arg2[%add3A_2376, %dma_start3A_2391] : memref<25600x128xi32, #tpu.memory_space<hbm>> -> memref<8x128xi32, #tpu.memory_space<hbm>>
      tpu.enqueue_dma source(%dma_start3A_2392 : memref<8x128xi32, #tpu.memory_space<hbm>>) target(%dma_start3A_2390 : memref<8x128xi32, #tpu.memory_space<vmem>>) target_semaphore(%dma_start3A_2386 : memref<!tpu.dma_semaphore, #tpu.memory_space<semaphore_mem>>)
    }
    %scan3A_827 = arith.constant 32 : i32
    %add3A_828 = arith.constant 792 : i32
    %add3A_829 = arith.addi %mul3A_2, %add3A_828 : i32
    %dma_wait3A_830 = arith.constant 0 : i32
    %dma_wait3A_831 = arith.constant 0 : i32
    %dma_wait3A_832 = arith.constant 0 : i32
    %dma_wait3A_833 = arith.constant 0 : i32
    %dma_wait3A_834 = tpu.memref_slice %arg5[%dma_wait3A_830, %dma_wait3A_832, %dma_wait3A_833] : memref<3x8x128xi32, #tpu.memory_space<vmem>> -> memref<1x8x128xi32, #tpu.memory_space<vmem>>
    %dma_wait3A_835 = tpu.memref_squeeze %dma_wait3A_834 : memref<1x8x128xi32, #tpu.memory_space<vmem>> -> memref<8x128xi32, #tpu.memory_space<vmem>>
    %dma_wait3A_836 = arith.constant 0 : i32
    %dma_wait3A_837 = tpu.memref_slice %arg2[%add3A_829, %dma_wait3A_836] : memref<25600x128xi32, #tpu.memory_space<hbm>> -> memref<8x128xi32, #tpu.memory_space<hbm>>
    %dma_wait3A_838 = tpu.memref_slice %arg7[%dma_wait3A_831] : memref<3x!tpu.dma_semaphore, #tpu.memory_space<semaphore_mem>> -> memref<1x!tpu.dma_semaphore, #tpu.memory_space<semaphore_mem>>
    %dma_wait3A_839 = tpu.memref_squeeze %dma_wait3A_838 : memref<1x!tpu.dma_semaphore, #tpu.memory_space<semaphore_mem>> -> memref<!tpu.dma_semaphore, #tpu.memory_space<semaphore_mem>>
    %dma_wait3A_840 = arith.constant 0 : i32
    %dma_wait3A_841 = arith.constant 0 : i32
    %dma_wait3A_842 = tpu.memref_slice %arg5[%dma_wait3A_830, %dma_wait3A_840, %dma_wait3A_841] : memref<3x8x128xi32, #tpu.memory_space<vmem>> -> memref<1x8x128xi32, #tpu.memory_space<vmem>>
    %dma_wait3A_843 = tpu.memref_squeeze %dma_wait3A_842 : memref<1x8x128xi32, #tpu.memory_space<vmem>> -> memref<8x128xi32, #tpu.memory_space<vmem>>
    %dma_wait3A_844 = arith.constant 0 : i32
    %dma_wait3A_845 = tpu.memref_slice %arg2[%add3A_829, %dma_wait3A_844] : memref<25600x128xi32, #tpu.memory_space<hbm>> -> memref<8x128xi32, #tpu.memory_space<hbm>>
    tpu.wait_dma2 semaphore(%dma_wait3A_839 : memref<!tpu.dma_semaphore, #tpu.memory_space<semaphore_mem>>) src(%dma_wait3A_845 : memref<8x128xi32, #tpu.memory_space<hbm>>) dst(%dma_wait3A_843 : memref<8x128xi32, #tpu.memory_space<vmem>>)
    %add3A_846 = arith.constant 98304 : i32
    %add3A_847 = arith.addi %mul3A_4, %add3A_846 : i32
    %dma_wait3A_848 = arith.constant 0 : i32
    %dma_wait3A_849 = arith.constant 0 : i32
    %dma_wait3A_850 = arith.constant 0 : i32
    %dma_wait3A_851 = arith.constant 0 : i32
    %dma_wait3A_852 = tpu.memref_slice %arg6[%dma_wait3A_848, %dma_wait3A_850, %dma_wait3A_851] : memref<3x1024x32xf32, #tpu.memory_space<vmem>> -> memref<1x1024x32xf32, #tpu.memory_space<vmem>>
    %dma_wait3A_853 = tpu.memref_squeeze %dma_wait3A_852 : memref<1x1024x32xf32, #tpu.memory_space<vmem>> -> memref<1024x32xf32, #tpu.memory_space<vmem>>
    %dma_wait3A_854 = arith.constant 0 : i32
    %dma_wait3A_855 = tpu.memref_slice %arg4[%add3A_847, %dma_wait3A_854] : memref<3276800x32xf32, #tpu.memory_space<hbm>> -> memref<1024x32xf32, #tpu.memory_space<hbm>>
    %dma_wait3A_856 = tpu.memref_slice %arg9[%dma_wait3A_849] : memref<3x!tpu.dma_semaphore, #tpu.memory_space<semaphore_mem>> -> memref<1x!tpu.dma_semaphore, #tpu.memory_space<semaphore_mem>>
    %dma_wait3A_857 = tpu.memref_squeeze %dma_wait3A_856 : memref<1x!tpu.dma_semaphore, #tpu.memory_space<semaphore_mem>> -> memref<!tpu.dma_semaphore, #tpu.memory_space<semaphore_mem>>
    %dma_wait3A_858 = arith.constant 0 : i32
    %dma_wait3A_859 = tpu.memref_slice %arg4[%add3A_847, %dma_wait3A_858] : memref<3276800x32xf32, #tpu.memory_space<hbm>> -> memref<1024x32xf32, #tpu.memory_space<hbm>>
    %dma_wait3A_860 = arith.constant 0 : i32
    %dma_wait3A_861 = arith.constant 0 : i32
    %dma_wait3A_862 = tpu.memref_slice %arg6[%dma_wait3A_848, %dma_wait3A_860, %dma_wait3A_861] : memref<3x1024x32xf32, #tpu.memory_space<vmem>> -> memref<1x1024x32xf32, #tpu.memory_space<vmem>>
    %dma_wait3A_863 = tpu.memref_squeeze %dma_wait3A_862 : memref<1x1024x32xf32, #tpu.memory_space<vmem>> -> memref<1024x32xf32, #tpu.memory_space<vmem>>
    tpu.wait_dma2 semaphore(%dma_wait3A_857 : memref<!tpu.dma_semaphore, #tpu.memory_space<semaphore_mem>>) src(%dma_wait3A_863 : memref<1024x32xf32, #tpu.memory_space<vmem>>) dst(%dma_wait3A_859 : memref<1024x32xf32, #tpu.memory_space<hbm>>)
    %dma_start3A_864 = arith.constant 0 : i32
    %dma_start3A_865 = arith.constant 0 : i32
    %dma_start3A_866 = arith.constant 0 : i32
    %dma_start3A_867 = arith.constant 0 : i32
    %dma_start3A_868 = arith.constant 0 : i32
    %dma_start3A_869 = arith.constant 0 : i32
    %dma_start3A_870 = tpu.memref_slice %arg6[%dma_start3A_866, %dma_start3A_868, %dma_start3A_869] : memref<3x1024x32xf32, #tpu.memory_space<vmem>> -> memref<1x128x32xf32, #tpu.memory_space<vmem>>
    %dma_start3A_871 = tpu.memref_squeeze %dma_start3A_870 : memref<1x128x32xf32, #tpu.memory_space<vmem>> -> memref<128x32xf32, #tpu.memory_space<vmem>>
    %dma_start3A_872 = arith.constant 0 : i32
    %dma_start3A_873 = tpu.memref_slice %arg5[%dma_start3A_864, %dma_start3A_865, %dma_start3A_872] : memref<3x8x128xi32, #tpu.memory_space<vmem>> -> memref<1x1x128xi32, #tpu.memory_space<vmem>>
    %dma_start3A_874 = tpu.memref_squeeze %dma_start3A_873 : memref<1x1x128xi32, #tpu.memory_space<vmem>> -> memref<128xi32, #tpu.memory_space<vmem>>
    %dma_start3A_875 = arith.constant 0 : i32
    %dma_start3A_876 = arith.constant 0 : i32
    %dma_start3A_877 = tpu.memref_slice %arg3[%dma_start3A_875, %dma_start3A_876] : memref<1000448x32xf32, #tpu.memory_space<hbm>> -> memref<1000448x32xf32, #tpu.memory_space<hbm>>
    %dma_start3A_878 = tpu.memref_slice %arg8[%dma_start3A_867] : memref<3x!tpu.dma_semaphore, #tpu.memory_space<semaphore_mem>> -> memref<1x!tpu.dma_semaphore, #tpu.memory_space<semaphore_mem>>
    %dma_start3A_879 = tpu.memref_squeeze %dma_start3A_878 : memref<1x!tpu.dma_semaphore, #tpu.memory_space<semaphore_mem>> -> memref<!tpu.dma_semaphore, #tpu.memory_space<semaphore_mem>>
    tpu.enqueue_indirect_dma source(%dma_start3A_877 : memref<1000448x32xf32, #tpu.memory_space<hbm>>) target(%dma_start3A_871 : memref<128x32xf32, #tpu.memory_space<vmem>>) offsets(%dma_start3A_874 : memref<128xi32, #tpu.memory_space<vmem>>) semaphore(%dma_start3A_879 : memref<!tpu.dma_semaphore, #tpu.memory_space<semaphore_mem>>)
    %dma_start3A_880 = arith.constant 0 : i32
    %dma_start3A_881 = arith.constant 1 : i32
    %dma_start3A_882 = arith.constant 0 : i32
    %dma_start3A_883 = arith.constant 0 : i32
    %dma_start3A_884 = arith.constant 128 : i32
    %dma_start3A_885 = arith.constant 0 : i32
    %dma_start3A_886 = tpu.memref_slice %arg6[%dma_start3A_882, %dma_start3A_884, %dma_start3A_885] : memref<3x1024x32xf32, #tpu.memory_space<vmem>> -> memref<1x128x32xf32, #tpu.memory_space<vmem>>
    %dma_start3A_887 = tpu.memref_squeeze %dma_start3A_886 : memref<1x128x32xf32, #tpu.memory_space<vmem>> -> memref<128x32xf32, #tpu.memory_space<vmem>>
    %dma_start3A_888 = arith.constant 0 : i32
    %dma_start3A_889 = tpu.memref_slice %arg5[%dma_start3A_880, %dma_start3A_881, %dma_start3A_888] : memref<3x8x128xi32, #tpu.memory_space<vmem>> -> memref<1x1x128xi32, #tpu.memory_space<vmem>>
    %dma_start3A_890 = tpu.memref_squeeze %dma_start3A_889 : memref<1x1x128xi32, #tpu.memory_space<vmem>> -> memref<128xi32, #tpu.memory_space<vmem>>
    %dma_start3A_891 = arith.constant 0 : i32
    %dma_start3A_892 = arith.constant 0 : i32
    %dma_start3A_893 = tpu.memref_slice %arg3[%dma_start3A_891, %dma_start3A_892] : memref<1000448x32xf32, #tpu.memory_space<hbm>> -> memref<1000448x32xf32, #tpu.memory_space<hbm>>
    %dma_start3A_894 = tpu.memref_slice %arg8[%dma_start3A_883] : memref<3x!tpu.dma_semaphore, #tpu.memory_space<semaphore_mem>> -> memref<1x!tpu.dma_semaphore, #tpu.memory_space<semaphore_mem>>
    %dma_start3A_895 = tpu.memref_squeeze %dma_start3A_894 : memref<1x!tpu.dma_semaphore, #tpu.memory_space<semaphore_mem>> -> memref<!tpu.dma_semaphore, #tpu.memory_space<semaphore_mem>>
    tpu.enqueue_indirect_dma source(%dma_start3A_893 : memref<1000448x32xf32, #tpu.memory_space<hbm>>) target(%dma_start3A_887 : memref<128x32xf32, #tpu.memory_space<vmem>>) offsets(%dma_start3A_890 : memref<128xi32, #tpu.memory_space<vmem>>) semaphore(%dma_start3A_895 : memref<!tpu.dma_semaphore, #tpu.memory_space<semaphore_mem>>)
    %dma_start3A_896 = arith.constant 0 : i32
    %dma_start3A_897 = arith.constant 2 : i32
    %dma_start3A_898 = arith.constant 0 : i32
    %dma_start3A_899 = arith.constant 0 : i32
    %dma_start3A_900 = arith.constant 256 : i32
    %dma_start3A_901 = arith.constant 0 : i32
    %dma_start3A_902 = tpu.memref_slice %arg6[%dma_start3A_898, %dma_start3A_900, %dma_start3A_901] : memref<3x1024x32xf32, #tpu.memory_space<vmem>> -> memref<1x128x32xf32, #tpu.memory_space<vmem>>
    %dma_start3A_903 = tpu.memref_squeeze %dma_start3A_902 : memref<1x128x32xf32, #tpu.memory_space<vmem>> -> memref<128x32xf32, #tpu.memory_space<vmem>>
    %dma_start3A_904 = arith.constant 0 : i32
    %dma_start3A_905 = tpu.memref_slice %arg5[%dma_start3A_896, %dma_start3A_897, %dma_start3A_904] : memref<3x8x128xi32, #tpu.memory_space<vmem>> -> memref<1x1x128xi32, #tpu.memory_space<vmem>>
    %dma_start3A_906 = tpu.memref_squeeze %dma_start3A_905 : memref<1x1x128xi32, #tpu.memory_space<vmem>> -> memref<128xi32, #tpu.memory_space<vmem>>
    %dma_start3A_907 = arith.constant 0 : i32
    %dma_start3A_908 = arith.constant 0 : i32
    %dma_start3A_909 = tpu.memref_slice %arg3[%dma_start3A_907, %dma_start3A_908] : memref<1000448x32xf32, #tpu.memory_space<hbm>> -> memref<1000448x32xf32, #tpu.memory_space<hbm>>
    %dma_start3A_910 = tpu.memref_slice %arg8[%dma_start3A_899] : memref<3x!tpu.dma_semaphore, #tpu.memory_space<semaphore_mem>> -> memref<1x!tpu.dma_semaphore, #tpu.memory_space<semaphore_mem>>
    %dma_start3A_911 = tpu.memref_squeeze %dma_start3A_910 : memref<1x!tpu.dma_semaphore, #tpu.memory_space<semaphore_mem>> -> memref<!tpu.dma_semaphore, #tpu.memory_space<semaphore_mem>>
    tpu.enqueue_indirect_dma source(%dma_start3A_909 : memref<1000448x32xf32, #tpu.memory_space<hbm>>) target(%dma_start3A_903 : memref<128x32xf32, #tpu.memory_space<vmem>>) offsets(%dma_start3A_906 : memref<128xi32, #tpu.memory_space<vmem>>) semaphore(%dma_start3A_911 : memref<!tpu.dma_semaphore, #tpu.memory_space<semaphore_mem>>)
    %dma_start3A_912 = arith.constant 0 : i32
    %dma_start3A_913 = arith.constant 3 : i32
    %dma_start3A_914 = arith.constant 0 : i32
    %dma_start3A_915 = arith.constant 0 : i32
    %dma_start3A_916 = arith.constant 384 : i32
    %dma_start3A_917 = arith.constant 0 : i32
    %dma_start3A_918 = tpu.memref_slice %arg6[%dma_start3A_914, %dma_start3A_916, %dma_start3A_917] : memref<3x1024x32xf32, #tpu.memory_space<vmem>> -> memref<1x128x32xf32, #tpu.memory_space<vmem>>
    %dma_start3A_919 = tpu.memref_squeeze %dma_start3A_918 : memref<1x128x32xf32, #tpu.memory_space<vmem>> -> memref<128x32xf32, #tpu.memory_space<vmem>>
    %dma_start3A_920 = arith.constant 0 : i32
    %dma_start3A_921 = tpu.memref_slice %arg5[%dma_start3A_912, %dma_start3A_913, %dma_start3A_920] : memref<3x8x128xi32, #tpu.memory_space<vmem>> -> memref<1x1x128xi32, #tpu.memory_space<vmem>>
    %dma_start3A_922 = tpu.memref_squeeze %dma_start3A_921 : memref<1x1x128xi32, #tpu.memory_space<vmem>> -> memref<128xi32, #tpu.memory_space<vmem>>
    %dma_start3A_923 = arith.constant 0 : i32
    %dma_start3A_924 = arith.constant 0 : i32
    %dma_start3A_925 = tpu.memref_slice %arg3[%dma_start3A_923, %dma_start3A_924] : memref<1000448x32xf32, #tpu.memory_space<hbm>> -> memref<1000448x32xf32, #tpu.memory_space<hbm>>
    %dma_start3A_926 = tpu.memref_slice %arg8[%dma_start3A_915] : memref<3x!tpu.dma_semaphore, #tpu.memory_space<semaphore_mem>> -> memref<1x!tpu.dma_semaphore, #tpu.memory_space<semaphore_mem>>
    %dma_start3A_927 = tpu.memref_squeeze %dma_start3A_926 : memref<1x!tpu.dma_semaphore, #tpu.memory_space<semaphore_mem>> -> memref<!tpu.dma_semaphore, #tpu.memory_space<semaphore_mem>>
    tpu.enqueue_indirect_dma source(%dma_start3A_925 : memref<1000448x32xf32, #tpu.memory_space<hbm>>) target(%dma_start3A_919 : memref<128x32xf32, #tpu.memory_space<vmem>>) offsets(%dma_start3A_922 : memref<128xi32, #tpu.memory_space<vmem>>) semaphore(%dma_start3A_927 : memref<!tpu.dma_semaphore, #tpu.memory_space<semaphore_mem>>)
    %dma_start3A_928 = arith.constant 0 : i32
    %dma_start3A_929 = arith.constant 4 : i32
    %dma_start3A_930 = arith.constant 0 : i32
    %dma_start3A_931 = arith.constant 0 : i32
    %dma_start3A_932 = arith.constant 512 : i32
    %dma_start3A_933 = arith.constant 0 : i32
    %dma_start3A_934 = tpu.memref_slice %arg6[%dma_start3A_930, %dma_start3A_932, %dma_start3A_933] : memref<3x1024x32xf32, #tpu.memory_space<vmem>> -> memref<1x128x32xf32, #tpu.memory_space<vmem>>
    %dma_start3A_935 = tpu.memref_squeeze %dma_start3A_934 : memref<1x128x32xf32, #tpu.memory_space<vmem>> -> memref<128x32xf32, #tpu.memory_space<vmem>>
    %dma_start3A_936 = arith.constant 0 : i32
    %dma_start3A_937 = tpu.memref_slice %arg5[%dma_start3A_928, %dma_start3A_929, %dma_start3A_936] : memref<3x8x128xi32, #tpu.memory_space<vmem>> -> memref<1x1x128xi32, #tpu.memory_space<vmem>>
    %dma_start3A_938 = tpu.memref_squeeze %dma_start3A_937 : memref<1x1x128xi32, #tpu.memory_space<vmem>> -> memref<128xi32, #tpu.memory_space<vmem>>
    %dma_start3A_939 = arith.constant 0 : i32
    %dma_start3A_940 = arith.constant 0 : i32
    %dma_start3A_941 = tpu.memref_slice %arg3[%dma_start3A_939, %dma_start3A_940] : memref<1000448x32xf32, #tpu.memory_space<hbm>> -> memref<1000448x32xf32, #tpu.memory_space<hbm>>
    %dma_start3A_942 = tpu.memref_slice %arg8[%dma_start3A_931] : memref<3x!tpu.dma_semaphore, #tpu.memory_space<semaphore_mem>> -> memref<1x!tpu.dma_semaphore, #tpu.memory_space<semaphore_mem>>
    %dma_start3A_943 = tpu.memref_squeeze %dma_start3A_942 : memref<1x!tpu.dma_semaphore, #tpu.memory_space<semaphore_mem>> -> memref<!tpu.dma_semaphore, #tpu.memory_space<semaphore_mem>>
    tpu.enqueue_indirect_dma source(%dma_start3A_941 : memref<1000448x32xf32, #tpu.memory_space<hbm>>) target(%dma_start3A_935 : memref<128x32xf32, #tpu.memory_space<vmem>>) offsets(%dma_start3A_938 : memref<128xi32, #tpu.memory_space<vmem>>) semaphore(%dma_start3A_943 : memref<!tpu.dma_semaphore, #tpu.memory_space<semaphore_mem>>)
    %dma_start3A_944 = arith.constant 0 : i32
    %dma_start3A_945 = arith.constant 5 : i32
    %dma_start3A_946 = arith.constant 0 : i32
    %dma_start3A_947 = arith.constant 0 : i32
    %dma_start3A_948 = arith.constant 640 : i32
    %dma_start3A_949 = arith.constant 0 : i32
    %dma_start3A_950 = tpu.memref_slice %arg6[%dma_start3A_946, %dma_start3A_948, %dma_start3A_949] : memref<3x1024x32xf32, #tpu.memory_space<vmem>> -> memref<1x128x32xf32, #tpu.memory_space<vmem>>
    %dma_start3A_951 = tpu.memref_squeeze %dma_start3A_950 : memref<1x128x32xf32, #tpu.memory_space<vmem>> -> memref<128x32xf32, #tpu.memory_space<vmem>>
    %dma_start3A_952 = arith.constant 0 : i32
    %dma_start3A_953 = tpu.memref_slice %arg5[%dma_start3A_944, %dma_start3A_945, %dma_start3A_952] : memref<3x8x128xi32, #tpu.memory_space<vmem>> -> memref<1x1x128xi32, #tpu.memory_space<vmem>>
    %dma_start3A_954 = tpu.memref_squeeze %dma_start3A_953 : memref<1x1x128xi32, #tpu.memory_space<vmem>> -> memref<128xi32, #tpu.memory_space<vmem>>
    %dma_start3A_955 = arith.constant 0 : i32
    %dma_start3A_956 = arith.constant 0 : i32
    %dma_start3A_957 = tpu.memref_slice %arg3[%dma_start3A_955, %dma_start3A_956] : memref<1000448x32xf32, #tpu.memory_space<hbm>> -> memref<1000448x32xf32, #tpu.memory_space<hbm>>
    %dma_start3A_958 = tpu.memref_slice %arg8[%dma_start3A_947] : memref<3x!tpu.dma_semaphore, #tpu.memory_space<semaphore_mem>> -> memref<1x!tpu.dma_semaphore, #tpu.memory_space<semaphore_mem>>
    %dma_start3A_959 = tpu.memref_squeeze %dma_start3A_958 : memref<1x!tpu.dma_semaphore, #tpu.memory_space<semaphore_mem>> -> memref<!tpu.dma_semaphore, #tpu.memory_space<semaphore_mem>>
    tpu.enqueue_indirect_dma source(%dma_start3A_957 : memref<1000448x32xf32, #tpu.memory_space<hbm>>) target(%dma_start3A_951 : memref<128x32xf32, #tpu.memory_space<vmem>>) offsets(%dma_start3A_954 : memref<128xi32, #tpu.memory_space<vmem>>) semaphore(%dma_start3A_959 : memref<!tpu.dma_semaphore, #tpu.memory_space<semaphore_mem>>)
    %dma_start3A_960 = arith.constant 0 : i32
    %dma_start3A_961 = arith.constant 6 : i32
    %dma_start3A_962 = arith.constant 0 : i32
    %dma_start3A_963 = arith.constant 0 : i32
    %dma_start3A_964 = arith.constant 768 : i32
    %dma_start3A_965 = arith.constant 0 : i32
    %dma_start3A_966 = tpu.memref_slice %arg6[%dma_start3A_962, %dma_start3A_964, %dma_start3A_965] : memref<3x1024x32xf32, #tpu.memory_space<vmem>> -> memref<1x128x32xf32, #tpu.memory_space<vmem>>
    %dma_start3A_967 = tpu.memref_squeeze %dma_start3A_966 : memref<1x128x32xf32, #tpu.memory_space<vmem>> -> memref<128x32xf32, #tpu.memory_space<vmem>>
    %dma_start3A_968 = arith.constant 0 : i32
    %dma_start3A_969 = tpu.memref_slice %arg5[%dma_start3A_960, %dma_start3A_961, %dma_start3A_968] : memref<3x8x128xi32, #tpu.memory_space<vmem>> -> memref<1x1x128xi32, #tpu.memory_space<vmem>>
    %dma_start3A_970 = tpu.memref_squeeze %dma_start3A_969 : memref<1x1x128xi32, #tpu.memory_space<vmem>> -> memref<128xi32, #tpu.memory_space<vmem>>
    %dma_start3A_971 = arith.constant 0 : i32
    %dma_start3A_972 = arith.constant 0 : i32
    %dma_start3A_973 = tpu.memref_slice %arg3[%dma_start3A_971, %dma_start3A_972] : memref<1000448x32xf32, #tpu.memory_space<hbm>> -> memref<1000448x32xf32, #tpu.memory_space<hbm>>
    %dma_start3A_974 = tpu.memref_slice %arg8[%dma_start3A_963] : memref<3x!tpu.dma_semaphore, #tpu.memory_space<semaphore_mem>> -> memref<1x!tpu.dma_semaphore, #tpu.memory_space<semaphore_mem>>
    %dma_start3A_975 = tpu.memref_squeeze %dma_start3A_974 : memref<1x!tpu.dma_semaphore, #tpu.memory_space<semaphore_mem>> -> memref<!tpu.dma_semaphore, #tpu.memory_space<semaphore_mem>>
    tpu.enqueue_indirect_dma source(%dma_start3A_973 : memref<1000448x32xf32, #tpu.memory_space<hbm>>) target(%dma_start3A_967 : memref<128x32xf32, #tpu.memory_space<vmem>>) offsets(%dma_start3A_970 : memref<128xi32, #tpu.memory_space<vmem>>) semaphore(%dma_start3A_975 : memref<!tpu.dma_semaphore, #tpu.memory_space<semaphore_mem>>)
    %dma_start3A_976 = arith.constant 0 : i32
    %dma_start3A_977 = arith.constant 7 : i32
    %dma_start3A_978 = arith.constant 0 : i32
    %dma_start3A_979 = arith.constant 0 : i32
    %dma_start3A_980 = arith.constant 896 : i32
    %dma_start3A_981 = arith.constant 0 : i32
    %dma_start3A_982 = tpu.memref_slice %arg6[%dma_start3A_978, %dma_start3A_980, %dma_start3A_981] : memref<3x1024x32xf32, #tpu.memory_space<vmem>> -> memref<1x128x32xf32, #tpu.memory_space<vmem>>
    %dma_start3A_983 = tpu.memref_squeeze %dma_start3A_982 : memref<1x128x32xf32, #tpu.memory_space<vmem>> -> memref<128x32xf32, #tpu.memory_space<vmem>>
    %dma_start3A_984 = arith.constant 0 : i32
    %dma_start3A_985 = tpu.memref_slice %arg5[%dma_start3A_976, %dma_start3A_977, %dma_start3A_984] : memref<3x8x128xi32, #tpu.memory_space<vmem>> -> memref<1x1x128xi32, #tpu.memory_space<vmem>>
    %dma_start3A_986 = tpu.memref_squeeze %dma_start3A_985 : memref<1x1x128xi32, #tpu.memory_space<vmem>> -> memref<128xi32, #tpu.memory_space<vmem>>
    %dma_start3A_987 = arith.constant 0 : i32
    %dma_start3A_988 = arith.constant 0 : i32
    %dma_start3A_989 = tpu.memref_slice %arg3[%dma_start3A_987, %dma_start3A_988] : memref<1000448x32xf32, #tpu.memory_space<hbm>> -> memref<1000448x32xf32, #tpu.memory_space<hbm>>
    %dma_start3A_990 = tpu.memref_slice %arg8[%dma_start3A_979] : memref<3x!tpu.dma_semaphore, #tpu.memory_space<semaphore_mem>> -> memref<1x!tpu.dma_semaphore, #tpu.memory_space<semaphore_mem>>
    %dma_start3A_991 = tpu.memref_squeeze %dma_start3A_990 : memref<1x!tpu.dma_semaphore, #tpu.memory_space<semaphore_mem>> -> memref<!tpu.dma_semaphore, #tpu.memory_space<semaphore_mem>>
    tpu.enqueue_indirect_dma source(%dma_start3A_989 : memref<1000448x32xf32, #tpu.memory_space<hbm>>) target(%dma_start3A_983 : memref<128x32xf32, #tpu.memory_space<vmem>>) offsets(%dma_start3A_986 : memref<128xi32, #tpu.memory_space<vmem>>) semaphore(%dma_start3A_991 : memref<!tpu.dma_semaphore, #tpu.memory_space<semaphore_mem>>)
    %dma_wait3A_992 = arith.constant 2 : i32
    %dma_wait3A_993 = arith.constant 0 : i32
    %dma_wait3A_994 = arith.constant 2 : i32
    %dma_wait3A_995 = arith.constant 2 : i32
    %dma_wait3A_996 = arith.constant 0 : i32
    %dma_wait3A_997 = arith.constant 0 : i32
    %dma_wait3A_998 = tpu.memref_slice %arg6[%dma_wait3A_994, %dma_wait3A_996, %dma_wait3A_997] : memref<3x1024x32xf32, #tpu.memory_space<vmem>> -> memref<1x128x32xf32, #tpu.memory_space<vmem>>
    %dma_wait3A_999 = tpu.memref_squeeze %dma_wait3A_998 : memref<1x128x32xf32, #tpu.memory_space<vmem>> -> memref<128x32xf32, #tpu.memory_space<vmem>>
    %dma_wait3A_1000 = arith.constant 0 : i32
    %dma_wait3A_1001 = tpu.memref_slice %arg5[%dma_wait3A_992, %dma_wait3A_993, %dma_wait3A_1000] : memref<3x8x128xi32, #tpu.memory_space<vmem>> -> memref<1x1x128xi32, #tpu.memory_space<vmem>>
    %dma_wait3A_1002 = tpu.memref_squeeze %dma_wait3A_1001 : memref<1x1x128xi32, #tpu.memory_space<vmem>> -> memref<128xi32, #tpu.memory_space<vmem>>
    %dma_wait3A_1003 = arith.constant 0 : i32
    %dma_wait3A_1004 = arith.constant 0 : i32
    %dma_wait3A_1005 = tpu.memref_slice %arg3[%dma_wait3A_1003, %dma_wait3A_1004] : memref<1000448x32xf32, #tpu.memory_space<hbm>> -> memref<1000448x32xf32, #tpu.memory_space<hbm>>
    %dma_wait3A_1006 = tpu.memref_slice %arg8[%dma_wait3A_995] : memref<3x!tpu.dma_semaphore, #tpu.memory_space<semaphore_mem>> -> memref<1x!tpu.dma_semaphore, #tpu.memory_space<semaphore_mem>>
    %dma_wait3A_1007 = tpu.memref_squeeze %dma_wait3A_1006 : memref<1x!tpu.dma_semaphore, #tpu.memory_space<semaphore_mem>> -> memref<!tpu.dma_semaphore, #tpu.memory_space<semaphore_mem>>
    tpu.wait_indirect_dma semaphore(%dma_wait3A_1007 : memref<!tpu.dma_semaphore, #tpu.memory_space<semaphore_mem>>) src(%dma_wait3A_1005 : memref<1000448x32xf32, #tpu.memory_space<hbm>>) dst(%dma_wait3A_999 : memref<128x32xf32, #tpu.memory_space<vmem>>)
    %dma_wait3A_1008 = arith.constant 2 : i32
    %dma_wait3A_1009 = arith.constant 1 : i32
    %dma_wait3A_1010 = arith.constant 2 : i32
    %dma_wait3A_1011 = arith.constant 2 : i32
    %dma_wait3A_1012 = arith.constant 128 : i32
    %dma_wait3A_1013 = arith.constant 0 : i32
    %dma_wait3A_1014 = tpu.memref_slice %arg6[%dma_wait3A_1010, %dma_wait3A_1012, %dma_wait3A_1013] : memref<3x1024x32xf32, #tpu.memory_space<vmem>> -> memref<1x128x32xf32, #tpu.memory_space<vmem>>
    %dma_wait3A_1015 = tpu.memref_squeeze %dma_wait3A_1014 : memref<1x128x32xf32, #tpu.memory_space<vmem>> -> memref<128x32xf32, #tpu.memory_space<vmem>>
    %dma_wait3A_1016 = arith.constant 0 : i32
    %dma_wait3A_1017 = tpu.memref_slice %arg5[%dma_wait3A_1008, %dma_wait3A_1009, %dma_wait3A_1016] : memref<3x8x128xi32, #tpu.memory_space<vmem>> -> memref<1x1x128xi32, #tpu.memory_space<vmem>>
    %dma_wait3A_1018 = tpu.memref_squeeze %dma_wait3A_1017 : memref<1x1x128xi32, #tpu.memory_space<vmem>> -> memref<128xi32, #tpu.memory_space<vmem>>
    %dma_wait3A_1019 = arith.constant 0 : i32
    %dma_wait3A_1020 = arith.constant 0 : i32
    %dma_wait3A_1021 = tpu.memref_slice %arg3[%dma_wait3A_1019, %dma_wait3A_1020] : memref<1000448x32xf32, #tpu.memory_space<hbm>> -> memref<1000448x32xf32, #tpu.memory_space<hbm>>
    %dma_wait3A_1022 = tpu.memref_slice %arg8[%dma_wait3A_1011] : memref<3x!tpu.dma_semaphore, #tpu.memory_space<semaphore_mem>> -> memref<1x!tpu.dma_semaphore, #tpu.memory_space<semaphore_mem>>
    %dma_wait3A_1023 = tpu.memref_squeeze %dma_wait3A_1022 : memref<1x!tpu.dma_semaphore, #tpu.memory_space<semaphore_mem>> -> memref<!tpu.dma_semaphore, #tpu.memory_space<semaphore_mem>>
    tpu.wait_indirect_dma semaphore(%dma_wait3A_1023 : memref<!tpu.dma_semaphore, #tpu.memory_space<semaphore_mem>>) src(%dma_wait3A_1021 : memref<1000448x32xf32, #tpu.memory_space<hbm>>) dst(%dma_wait3A_1015 : memref<128x32xf32, #tpu.memory_space<vmem>>)
    %dma_wait3A_1024 = arith.constant 2 : i32
    %dma_wait3A_1025 = arith.constant 2 : i32
    %dma_wait3A_1026 = arith.constant 2 : i32
    %dma_wait3A_1027 = arith.constant 2 : i32
    %dma_wait3A_1028 = arith.constant 256 : i32
    %dma_wait3A_1029 = arith.constant 0 : i32
    %dma_wait3A_1030 = tpu.memref_slice %arg6[%dma_wait3A_1026, %dma_wait3A_1028, %dma_wait3A_1029] : memref<3x1024x32xf32, #tpu.memory_space<vmem>> -> memref<1x128x32xf32, #tpu.memory_space<vmem>>
    %dma_wait3A_1031 = tpu.memref_squeeze %dma_wait3A_1030 : memref<1x128x32xf32, #tpu.memory_space<vmem>> -> memref<128x32xf32, #tpu.memory_space<vmem>>
    %dma_wait3A_1032 = arith.constant 0 : i32
    %dma_wait3A_1033 = tpu.memref_slice %arg5[%dma_wait3A_1024, %dma_wait3A_1025, %dma_wait3A_1032] : memref<3x8x128xi32, #tpu.memory_space<vmem>> -> memref<1x1x128xi32, #tpu.memory_space<vmem>>
    %dma_wait3A_1034 = tpu.memref_squeeze %dma_wait3A_1033 : memref<1x1x128xi32, #tpu.memory_space<vmem>> -> memref<128xi32, #tpu.memory_space<vmem>>
    %dma_wait3A_1035 = arith.constant 0 : i32
    %dma_wait3A_1036 = arith.constant 0 : i32
    %dma_wait3A_1037 = tpu.memref_slice %arg3[%dma_wait3A_1035, %dma_wait3A_1036] : memref<1000448x32xf32, #tpu.memory_space<hbm>> -> memref<1000448x32xf32, #tpu.memory_space<hbm>>
    %dma_wait3A_1038 = tpu.memref_slice %arg8[%dma_wait3A_1027] : memref<3x!tpu.dma_semaphore, #tpu.memory_space<semaphore_mem>> -> memref<1x!tpu.dma_semaphore, #tpu.memory_space<semaphore_mem>>
    %dma_wait3A_1039 = tpu.memref_squeeze %dma_wait3A_1038 : memref<1x!tpu.dma_semaphore, #tpu.memory_space<semaphore_mem>> -> memref<!tpu.dma_semaphore, #tpu.memory_space<semaphore_mem>>
    tpu.wait_indirect_dma semaphore(%dma_wait3A_1039 : memref<!tpu.dma_semaphore, #tpu.memory_space<semaphore_mem>>) src(%dma_wait3A_1037 : memref<1000448x32xf32, #tpu.memory_space<hbm>>) dst(%dma_wait3A_1031 : memref<128x32xf32, #tpu.memory_space<vmem>>)
    %dma_wait3A_1040 = arith.constant 2 : i32
    %dma_wait3A_1041 = arith.constant 3 : i32
    %dma_wait3A_1042 = arith.constant 2 : i32
    %dma_wait3A_1043 = arith.constant 2 : i32
    %dma_wait3A_1044 = arith.constant 384 : i32
    %dma_wait3A_1045 = arith.constant 0 : i32
    %dma_wait3A_1046 = tpu.memref_slice %arg6[%dma_wait3A_1042, %dma_wait3A_1044, %dma_wait3A_1045] : memref<3x1024x32xf32, #tpu.memory_space<vmem>> -> memref<1x128x32xf32, #tpu.memory_space<vmem>>
    %dma_wait3A_1047 = tpu.memref_squeeze %dma_wait3A_1046 : memref<1x128x32xf32, #tpu.memory_space<vmem>> -> memref<128x32xf32, #tpu.memory_space<vmem>>
    %dma_wait3A_1048 = arith.constant 0 : i32
    %dma_wait3A_1049 = tpu.memref_slice %arg5[%dma_wait3A_1040, %dma_wait3A_1041, %dma_wait3A_1048] : memref<3x8x128xi32, #tpu.memory_space<vmem>> -> memref<1x1x128xi32, #tpu.memory_space<vmem>>
    %dma_wait3A_1050 = tpu.memref_squeeze %dma_wait3A_1049 : memref<1x1x128xi32, #tpu.memory_space<vmem>> -> memref<128xi32, #tpu.memory_space<vmem>>
    %dma_wait3A_1051 = arith.constant 0 : i32
    %dma_wait3A_1052 = arith.constant 0 : i32
    %dma_wait3A_1053 = tpu.memref_slice %arg3[%dma_wait3A_1051, %dma_wait3A_1052] : memref<1000448x32xf32, #tpu.memory_space<hbm>> -> memref<1000448x32xf32, #tpu.memory_space<hbm>>
    %dma_wait3A_1054 = tpu.memref_slice %arg8[%dma_wait3A_1043] : memref<3x!tpu.dma_semaphore, #tpu.memory_space<semaphore_mem>> -> memref<1x!tpu.dma_semaphore, #tpu.memory_space<semaphore_mem>>
    %dma_wait3A_1055 = tpu.memref_squeeze %dma_wait3A_1054 : memref<1x!tpu.dma_semaphore, #tpu.memory_space<semaphore_mem>> -> memref<!tpu.dma_semaphore, #tpu.memory_space<semaphore_mem>>
    tpu.wait_indirect_dma semaphore(%dma_wait3A_1055 : memref<!tpu.dma_semaphore, #tpu.memory_space<semaphore_mem>>) src(%dma_wait3A_1053 : memref<1000448x32xf32, #tpu.memory_space<hbm>>) dst(%dma_wait3A_1047 : memref<128x32xf32, #tpu.memory_space<vmem>>)
    %dma_wait3A_1056 = arith.constant 2 : i32
    %dma_wait3A_1057 = arith.constant 4 : i32
    %dma_wait3A_1058 = arith.constant 2 : i32
    %dma_wait3A_1059 = arith.constant 2 : i32
    %dma_wait3A_1060 = arith.constant 512 : i32
    %dma_wait3A_1061 = arith.constant 0 : i32
    %dma_wait3A_1062 = tpu.memref_slice %arg6[%dma_wait3A_1058, %dma_wait3A_1060, %dma_wait3A_1061] : memref<3x1024x32xf32, #tpu.memory_space<vmem>> -> memref<1x128x32xf32, #tpu.memory_space<vmem>>
    %dma_wait3A_1063 = tpu.memref_squeeze %dma_wait3A_1062 : memref<1x128x32xf32, #tpu.memory_space<vmem>> -> memref<128x32xf32, #tpu.memory_space<vmem>>
    %dma_wait3A_1064 = arith.constant 0 : i32
    %dma_wait3A_1065 = tpu.memref_slice %arg5[%dma_wait3A_1056, %dma_wait3A_1057, %dma_wait3A_1064] : memref<3x8x128xi32, #tpu.memory_space<vmem>> -> memref<1x1x128xi32, #tpu.memory_space<vmem>>
    %dma_wait3A_1066 = tpu.memref_squeeze %dma_wait3A_1065 : memref<1x1x128xi32, #tpu.memory_space<vmem>> -> memref<128xi32, #tpu.memory_space<vmem>>
    %dma_wait3A_1067 = arith.constant 0 : i32
    %dma_wait3A_1068 = arith.constant 0 : i32
    %dma_wait3A_1069 = tpu.memref_slice %arg3[%dma_wait3A_1067, %dma_wait3A_1068] : memref<1000448x32xf32, #tpu.memory_space<hbm>> -> memref<1000448x32xf32, #tpu.memory_space<hbm>>
    %dma_wait3A_1070 = tpu.memref_slice %arg8[%dma_wait3A_1059] : memref<3x!tpu.dma_semaphore, #tpu.memory_space<semaphore_mem>> -> memref<1x!tpu.dma_semaphore, #tpu.memory_space<semaphore_mem>>
    %dma_wait3A_1071 = tpu.memref_squeeze %dma_wait3A_1070 : memref<1x!tpu.dma_semaphore, #tpu.memory_space<semaphore_mem>> -> memref<!tpu.dma_semaphore, #tpu.memory_space<semaphore_mem>>
    tpu.wait_indirect_dma semaphore(%dma_wait3A_1071 : memref<!tpu.dma_semaphore, #tpu.memory_space<semaphore_mem>>) src(%dma_wait3A_1069 : memref<1000448x32xf32, #tpu.memory_space<hbm>>) dst(%dma_wait3A_1063 : memref<128x32xf32, #tpu.memory_space<vmem>>)
    %dma_wait3A_1072 = arith.constant 2 : i32
    %dma_wait3A_1073 = arith.constant 5 : i32
    %dma_wait3A_1074 = arith.constant 2 : i32
    %dma_wait3A_1075 = arith.constant 2 : i32
    %dma_wait3A_1076 = arith.constant 640 : i32
    %dma_wait3A_1077 = arith.constant 0 : i32
    %dma_wait3A_1078 = tpu.memref_slice %arg6[%dma_wait3A_1074, %dma_wait3A_1076, %dma_wait3A_1077] : memref<3x1024x32xf32, #tpu.memory_space<vmem>> -> memref<1x128x32xf32, #tpu.memory_space<vmem>>
    %dma_wait3A_1079 = tpu.memref_squeeze %dma_wait3A_1078 : memref<1x128x32xf32, #tpu.memory_space<vmem>> -> memref<128x32xf32, #tpu.memory_space<vmem>>
    %dma_wait3A_1080 = arith.constant 0 : i32
    %dma_wait3A_1081 = tpu.memref_slice %arg5[%dma_wait3A_1072, %dma_wait3A_1073, %dma_wait3A_1080] : memref<3x8x128xi32, #tpu.memory_space<vmem>> -> memref<1x1x128xi32, #tpu.memory_space<vmem>>
    %dma_wait3A_1082 = tpu.memref_squeeze %dma_wait3A_1081 : memref<1x1x128xi32, #tpu.memory_space<vmem>> -> memref<128xi32, #tpu.memory_space<vmem>>
    %dma_wait3A_1083 = arith.constant 0 : i32
    %dma_wait3A_1084 = arith.constant 0 : i32
    %dma_wait3A_1085 = tpu.memref_slice %arg3[%dma_wait3A_1083, %dma_wait3A_1084] : memref<1000448x32xf32, #tpu.memory_space<hbm>> -> memref<1000448x32xf32, #tpu.memory_space<hbm>>
    %dma_wait3A_1086 = tpu.memref_slice %arg8[%dma_wait3A_1075] : memref<3x!tpu.dma_semaphore, #tpu.memory_space<semaphore_mem>> -> memref<1x!tpu.dma_semaphore, #tpu.memory_space<semaphore_mem>>
    %dma_wait3A_1087 = tpu.memref_squeeze %dma_wait3A_1086 : memref<1x!tpu.dma_semaphore, #tpu.memory_space<semaphore_mem>> -> memref<!tpu.dma_semaphore, #tpu.memory_space<semaphore_mem>>
    tpu.wait_indirect_dma semaphore(%dma_wait3A_1087 : memref<!tpu.dma_semaphore, #tpu.memory_space<semaphore_mem>>) src(%dma_wait3A_1085 : memref<1000448x32xf32, #tpu.memory_space<hbm>>) dst(%dma_wait3A_1079 : memref<128x32xf32, #tpu.memory_space<vmem>>)
    %dma_wait3A_1088 = arith.constant 2 : i32
    %dma_wait3A_1089 = arith.constant 6 : i32
    %dma_wait3A_1090 = arith.constant 2 : i32
    %dma_wait3A_1091 = arith.constant 2 : i32
    %dma_wait3A_1092 = arith.constant 768 : i32
    %dma_wait3A_1093 = arith.constant 0 : i32
    %dma_wait3A_1094 = tpu.memref_slice %arg6[%dma_wait3A_1090, %dma_wait3A_1092, %dma_wait3A_1093] : memref<3x1024x32xf32, #tpu.memory_space<vmem>> -> memref<1x128x32xf32, #tpu.memory_space<vmem>>
    %dma_wait3A_1095 = tpu.memref_squeeze %dma_wait3A_1094 : memref<1x128x32xf32, #tpu.memory_space<vmem>> -> memref<128x32xf32, #tpu.memory_space<vmem>>
    %dma_wait3A_1096 = arith.constant 0 : i32
    %dma_wait3A_1097 = tpu.memref_slice %arg5[%dma_wait3A_1088, %dma_wait3A_1089, %dma_wait3A_1096] : memref<3x8x128xi32, #tpu.memory_space<vmem>> -> memref<1x1x128xi32, #tpu.memory_space<vmem>>
    %dma_wait3A_1098 = tpu.memref_squeeze %dma_wait3A_1097 : memref<1x1x128xi32, #tpu.memory_space<vmem>> -> memref<128xi32, #tpu.memory_space<vmem>>
    %dma_wait3A_1099 = arith.constant 0 : i32
    %dma_wait3A_1100 = arith.constant 0 : i32
    %dma_wait3A_1101 = tpu.memref_slice %arg3[%dma_wait3A_1099, %dma_wait3A_1100] : memref<1000448x32xf32, #tpu.memory_space<hbm>> -> memref<1000448x32xf32, #tpu.memory_space<hbm>>
    %dma_wait3A_1102 = tpu.memref_slice %arg8[%dma_wait3A_1091] : memref<3x!tpu.dma_semaphore, #tpu.memory_space<semaphore_mem>> -> memref<1x!tpu.dma_semaphore, #tpu.memory_space<semaphore_mem>>
    %dma_wait3A_1103 = tpu.memref_squeeze %dma_wait3A_1102 : memref<1x!tpu.dma_semaphore, #tpu.memory_space<semaphore_mem>> -> memref<!tpu.dma_semaphore, #tpu.memory_space<semaphore_mem>>
    tpu.wait_indirect_dma semaphore(%dma_wait3A_1103 : memref<!tpu.dma_semaphore, #tpu.memory_space<semaphore_mem>>) src(%dma_wait3A_1101 : memref<1000448x32xf32, #tpu.memory_space<hbm>>) dst(%dma_wait3A_1095 : memref<128x32xf32, #tpu.memory_space<vmem>>)
    %dma_wait3A_1104 = arith.constant 2 : i32
    %dma_wait3A_1105 = arith.constant 7 : i32
    %dma_wait3A_1106 = arith.constant 2 : i32
    %dma_wait3A_1107 = arith.constant 2 : i32
    %dma_wait3A_1108 = arith.constant 896 : i32
    %dma_wait3A_1109 = arith.constant 0 : i32
    %dma_wait3A_1110 = tpu.memref_slice %arg6[%dma_wait3A_1106, %dma_wait3A_1108, %dma_wait3A_1109] : memref<3x1024x32xf32, #tpu.memory_space<vmem>> -> memref<1x128x32xf32, #tpu.memory_space<vmem>>
    %dma_wait3A_1111 = tpu.memref_squeeze %dma_wait3A_1110 : memref<1x128x32xf32, #tpu.memory_space<vmem>> -> memref<128x32xf32, #tpu.memory_space<vmem>>
    %dma_wait3A_1112 = arith.constant 0 : i32
    %dma_wait3A_1113 = tpu.memref_slice %arg5[%dma_wait3A_1104, %dma_wait3A_1105, %dma_wait3A_1112] : memref<3x8x128xi32, #tpu.memory_space<vmem>> -> memref<1x1x128xi32, #tpu.memory_space<vmem>>
    %dma_wait3A_1114 = tpu.memref_squeeze %dma_wait3A_1113 : memref<1x1x128xi32, #tpu.memory_space<vmem>> -> memref<128xi32, #tpu.memory_space<vmem>>
    %dma_wait3A_1115 = arith.constant 0 : i32
    %dma_wait3A_1116 = arith.constant 0 : i32
    %dma_wait3A_1117 = tpu.memref_slice %arg3[%dma_wait3A_1115, %dma_wait3A_1116] : memref<1000448x32xf32, #tpu.memory_space<hbm>> -> memref<1000448x32xf32, #tpu.memory_space<hbm>>
    %dma_wait3A_1118 = tpu.memref_slice %arg8[%dma_wait3A_1107] : memref<3x!tpu.dma_semaphore, #tpu.memory_space<semaphore_mem>> -> memref<1x!tpu.dma_semaphore, #tpu.memory_space<semaphore_mem>>
    %dma_wait3A_1119 = tpu.memref_squeeze %dma_wait3A_1118 : memref<1x!tpu.dma_semaphore, #tpu.memory_space<semaphore_mem>> -> memref<!tpu.dma_semaphore, #tpu.memory_space<semaphore_mem>>
    tpu.wait_indirect_dma semaphore(%dma_wait3A_1119 : memref<!tpu.dma_semaphore, #tpu.memory_space<semaphore_mem>>) src(%dma_wait3A_1117 : memref<1000448x32xf32, #tpu.memory_space<hbm>>) dst(%dma_wait3A_1111 : memref<128x32xf32, #tpu.memory_space<vmem>>)
    %add3A_1120 = arith.constant 100352 : i32
    %add3A_1121 = arith.addi %mul3A_4, %add3A_1120 : i32
    %dma_start3A_1122 = arith.constant 2 : i32
    %dma_start3A_1123 = arith.constant 2 : i32
    %dma_start3A_1124 = arith.constant 0 : i32
    %dma_start3A_1125 = arith.constant 0 : i32
    %dma_start3A_1126 = tpu.memref_slice %arg6[%dma_start3A_1122, %dma_start3A_1124, %dma_start3A_1125] : memref<3x1024x32xf32, #tpu.memory_space<vmem>> -> memref<1x1024x32xf32, #tpu.memory_space<vmem>>
    %dma_start3A_1127 = tpu.memref_squeeze %dma_start3A_1126 : memref<1x1024x32xf32, #tpu.memory_space<vmem>> -> memref<1024x32xf32, #tpu.memory_space<vmem>>
    %dma_start3A_1128 = arith.constant 0 : i32
    %dma_start3A_1129 = tpu.memref_slice %arg4[%add3A_1121, %dma_start3A_1128] : memref<3276800x32xf32, #tpu.memory_space<hbm>> -> memref<1024x32xf32, #tpu.memory_space<hbm>>
    %dma_start3A_1130 = tpu.memref_slice %arg9[%dma_start3A_1123] : memref<3x!tpu.dma_semaphore, #tpu.memory_space<semaphore_mem>> -> memref<1x!tpu.dma_semaphore, #tpu.memory_space<semaphore_mem>>
    %dma_start3A_1131 = tpu.memref_squeeze %dma_start3A_1130 : memref<1x!tpu.dma_semaphore, #tpu.memory_space<semaphore_mem>> -> memref<!tpu.dma_semaphore, #tpu.memory_space<semaphore_mem>>
    %dma_start3A_1132 = arith.constant 0 : i32
    %dma_start3A_1133 = tpu.memref_slice %arg4[%add3A_1121, %dma_start3A_1132] : memref<3276800x32xf32, #tpu.memory_space<hbm>> -> memref<1024x32xf32, #tpu.memory_space<hbm>>
    %dma_start3A_1134 = arith.constant 0 : i32
    %dma_start3A_1135 = arith.constant 0 : i32
    %dma_start3A_1136 = tpu.memref_slice %arg6[%dma_start3A_1122, %dma_start3A_1134, %dma_start3A_1135] : memref<3x1024x32xf32, #tpu.memory_space<vmem>> -> memref<1x1024x32xf32, #tpu.memory_space<vmem>>
    %dma_start3A_1137 = tpu.memref_squeeze %dma_start3A_1136 : memref<1x1024x32xf32, #tpu.memory_space<vmem>> -> memref<1024x32xf32, #tpu.memory_space<vmem>>
    tpu.enqueue_dma source(%dma_start3A_1137 : memref<1024x32xf32, #tpu.memory_space<vmem>>) target(%dma_start3A_1133 : memref<1024x32xf32, #tpu.memory_space<hbm>>) target_semaphore(%dma_start3A_1131 : memref<!tpu.dma_semaphore, #tpu.memory_space<semaphore_mem>>)
    %dma_wait3A_1138 = arith.constant 0 : i32
    %dma_wait3A_1139 = arith.constant 0 : i32
    %dma_wait3A_1140 = arith.constant 0 : i32
    %dma_wait3A_1141 = arith.constant 0 : i32
    %dma_wait3A_1142 = arith.constant 0 : i32
    %dma_wait3A_1143 = arith.constant 0 : i32
    %dma_wait3A_1144 = tpu.memref_slice %arg6[%dma_wait3A_1140, %dma_wait3A_1142, %dma_wait3A_1143] : memref<3x1024x32xf32, #tpu.memory_space<vmem>> -> memref<1x128x32xf32, #tpu.memory_space<vmem>>
    %dma_wait3A_1145 = tpu.memref_squeeze %dma_wait3A_1144 : memref<1x128x32xf32, #tpu.memory_space<vmem>> -> memref<128x32xf32, #tpu.memory_space<vmem>>
    %dma_wait3A_1146 = arith.constant 0 : i32
    %dma_wait3A_1147 = tpu.memref_slice %arg5[%dma_wait3A_1138, %dma_wait3A_1139, %dma_wait3A_1146] : memref<3x8x128xi32, #tpu.memory_space<vmem>> -> memref<1x1x128xi32, #tpu.memory_space<vmem>>
    %dma_wait3A_1148 = tpu.memref_squeeze %dma_wait3A_1147 : memref<1x1x128xi32, #tpu.memory_space<vmem>> -> memref<128xi32, #tpu.memory_space<vmem>>
    %dma_wait3A_1149 = arith.constant 0 : i32
    %dma_wait3A_1150 = arith.constant 0 : i32
    %dma_wait3A_1151 = tpu.memref_slice %arg3[%dma_wait3A_1149, %dma_wait3A_1150] : memref<1000448x32xf32, #tpu.memory_space<hbm>> -> memref<1000448x32xf32, #tpu.memory_space<hbm>>
    %dma_wait3A_1152 = tpu.memref_slice %arg8[%dma_wait3A_1141] : memref<3x!tpu.dma_semaphore, #tpu.memory_space<semaphore_mem>> -> memref<1x!tpu.dma_semaphore, #tpu.memory_space<semaphore_mem>>
    %dma_wait3A_1153 = tpu.memref_squeeze %dma_wait3A_1152 : memref<1x!tpu.dma_semaphore, #tpu.memory_space<semaphore_mem>> -> memref<!tpu.dma_semaphore, #tpu.memory_space<semaphore_mem>>
    tpu.wait_indirect_dma semaphore(%dma_wait3A_1153 : memref<!tpu.dma_semaphore, #tpu.memory_space<semaphore_mem>>) src(%dma_wait3A_1151 : memref<1000448x32xf32, #tpu.memory_space<hbm>>) dst(%dma_wait3A_1145 : memref<128x32xf32, #tpu.memory_space<vmem>>)
    %dma_wait3A_1154 = arith.constant 0 : i32
    %dma_wait3A_1155 = arith.constant 1 : i32
    %dma_wait3A_1156 = arith.constant 0 : i32
    %dma_wait3A_1157 = arith.constant 0 : i32
    %dma_wait3A_1158 = arith.constant 128 : i32
    %dma_wait3A_1159 = arith.constant 0 : i32
    %dma_wait3A_1160 = tpu.memref_slice %arg6[%dma_wait3A_1156, %dma_wait3A_1158, %dma_wait3A_1159] : memref<3x1024x32xf32, #tpu.memory_space<vmem>> -> memref<1x128x32xf32, #tpu.memory_space<vmem>>
    %dma_wait3A_1161 = tpu.memref_squeeze %dma_wait3A_1160 : memref<1x128x32xf32, #tpu.memory_space<vmem>> -> memref<128x32xf32, #tpu.memory_space<vmem>>
    %dma_wait3A_1162 = arith.constant 0 : i32
    %dma_wait3A_1163 = tpu.memref_slice %arg5[%dma_wait3A_1154, %dma_wait3A_1155, %dma_wait3A_1162] : memref<3x8x128xi32, #tpu.memory_space<vmem>> -> memref<1x1x128xi32, #tpu.memory_space<vmem>>
    %dma_wait3A_1164 = tpu.memref_squeeze %dma_wait3A_1163 : memref<1x1x128xi32, #tpu.memory_space<vmem>> -> memref<128xi32, #tpu.memory_space<vmem>>
    %dma_wait3A_1165 = arith.constant 0 : i32
    %dma_wait3A_1166 = arith.constant 0 : i32
    %dma_wait3A_1167 = tpu.memref_slice %arg3[%dma_wait3A_1165, %dma_wait3A_1166] : memref<1000448x32xf32, #tpu.memory_space<hbm>> -> memref<1000448x32xf32, #tpu.memory_space<hbm>>
    %dma_wait3A_1168 = tpu.memref_slice %arg8[%dma_wait3A_1157] : memref<3x!tpu.dma_semaphore, #tpu.memory_space<semaphore_mem>> -> memref<1x!tpu.dma_semaphore, #tpu.memory_space<semaphore_mem>>
    %dma_wait3A_1169 = tpu.memref_squeeze %dma_wait3A_1168 : memref<1x!tpu.dma_semaphore, #tpu.memory_space<semaphore_mem>> -> memref<!tpu.dma_semaphore, #tpu.memory_space<semaphore_mem>>
    tpu.wait_indirect_dma semaphore(%dma_wait3A_1169 : memref<!tpu.dma_semaphore, #tpu.memory_space<semaphore_mem>>) src(%dma_wait3A_1167 : memref<1000448x32xf32, #tpu.memory_space<hbm>>) dst(%dma_wait3A_1161 : memref<128x32xf32, #tpu.memory_space<vmem>>)
    %dma_wait3A_1170 = arith.constant 0 : i32
    %dma_wait3A_1171 = arith.constant 2 : i32
    %dma_wait3A_1172 = arith.constant 0 : i32
    %dma_wait3A_1173 = arith.constant 0 : i32
    %dma_wait3A_1174 = arith.constant 256 : i32
    %dma_wait3A_1175 = arith.constant 0 : i32
    %dma_wait3A_1176 = tpu.memref_slice %arg6[%dma_wait3A_1172, %dma_wait3A_1174, %dma_wait3A_1175] : memref<3x1024x32xf32, #tpu.memory_space<vmem>> -> memref<1x128x32xf32, #tpu.memory_space<vmem>>
    %dma_wait3A_1177 = tpu.memref_squeeze %dma_wait3A_1176 : memref<1x128x32xf32, #tpu.memory_space<vmem>> -> memref<128x32xf32, #tpu.memory_space<vmem>>
    %dma_wait3A_1178 = arith.constant 0 : i32
    %dma_wait3A_1179 = tpu.memref_slice %arg5[%dma_wait3A_1170, %dma_wait3A_1171, %dma_wait3A_1178] : memref<3x8x128xi32, #tpu.memory_space<vmem>> -> memref<1x1x128xi32, #tpu.memory_space<vmem>>
    %dma_wait3A_1180 = tpu.memref_squeeze %dma_wait3A_1179 : memref<1x1x128xi32, #tpu.memory_space<vmem>> -> memref<128xi32, #tpu.memory_space<vmem>>
    %dma_wait3A_1181 = arith.constant 0 : i32
    %dma_wait3A_1182 = arith.constant 0 : i32
    %dma_wait3A_1183 = tpu.memref_slice %arg3[%dma_wait3A_1181, %dma_wait3A_1182] : memref<1000448x32xf32, #tpu.memory_space<hbm>> -> memref<1000448x32xf32, #tpu.memory_space<hbm>>
    %dma_wait3A_1184 = tpu.memref_slice %arg8[%dma_wait3A_1173] : memref<3x!tpu.dma_semaphore, #tpu.memory_space<semaphore_mem>> -> memref<1x!tpu.dma_semaphore, #tpu.memory_space<semaphore_mem>>
    %dma_wait3A_1185 = tpu.memref_squeeze %dma_wait3A_1184 : memref<1x!tpu.dma_semaphore, #tpu.memory_space<semaphore_mem>> -> memref<!tpu.dma_semaphore, #tpu.memory_space<semaphore_mem>>
    tpu.wait_indirect_dma semaphore(%dma_wait3A_1185 : memref<!tpu.dma_semaphore, #tpu.memory_space<semaphore_mem>>) src(%dma_wait3A_1183 : memref<1000448x32xf32, #tpu.memory_space<hbm>>) dst(%dma_wait3A_1177 : memref<128x32xf32, #tpu.memory_space<vmem>>)
    %dma_wait3A_1186 = arith.constant 0 : i32
    %dma_wait3A_1187 = arith.constant 3 : i32
    %dma_wait3A_1188 = arith.constant 0 : i32
    %dma_wait3A_1189 = arith.constant 0 : i32
    %dma_wait3A_1190 = arith.constant 384 : i32
    %dma_wait3A_1191 = arith.constant 0 : i32
    %dma_wait3A_1192 = tpu.memref_slice %arg6[%dma_wait3A_1188, %dma_wait3A_1190, %dma_wait3A_1191] : memref<3x1024x32xf32, #tpu.memory_space<vmem>> -> memref<1x128x32xf32, #tpu.memory_space<vmem>>
    %dma_wait3A_1193 = tpu.memref_squeeze %dma_wait3A_1192 : memref<1x128x32xf32, #tpu.memory_space<vmem>> -> memref<128x32xf32, #tpu.memory_space<vmem>>
    %dma_wait3A_1194 = arith.constant 0 : i32
    %dma_wait3A_1195 = tpu.memref_slice %arg5[%dma_wait3A_1186, %dma_wait3A_1187, %dma_wait3A_1194] : memref<3x8x128xi32, #tpu.memory_space<vmem>> -> memref<1x1x128xi32, #tpu.memory_space<vmem>>
    %dma_wait3A_1196 = tpu.memref_squeeze %dma_wait3A_1195 : memref<1x1x128xi32, #tpu.memory_space<vmem>> -> memref<128xi32, #tpu.memory_space<vmem>>
    %dma_wait3A_1197 = arith.constant 0 : i32
    %dma_wait3A_1198 = arith.constant 0 : i32
    %dma_wait3A_1199 = tpu.memref_slice %arg3[%dma_wait3A_1197, %dma_wait3A_1198] : memref<1000448x32xf32, #tpu.memory_space<hbm>> -> memref<1000448x32xf32, #tpu.memory_space<hbm>>
    %dma_wait3A_1200 = tpu.memref_slice %arg8[%dma_wait3A_1189] : memref<3x!tpu.dma_semaphore, #tpu.memory_space<semaphore_mem>> -> memref<1x!tpu.dma_semaphore, #tpu.memory_space<semaphore_mem>>
    %dma_wait3A_1201 = tpu.memref_squeeze %dma_wait3A_1200 : memref<1x!tpu.dma_semaphore, #tpu.memory_space<semaphore_mem>> -> memref<!tpu.dma_semaphore, #tpu.memory_space<semaphore_mem>>
    tpu.wait_indirect_dma semaphore(%dma_wait3A_1201 : memref<!tpu.dma_semaphore, #tpu.memory_space<semaphore_mem>>) src(%dma_wait3A_1199 : memref<1000448x32xf32, #tpu.memory_space<hbm>>) dst(%dma_wait3A_1193 : memref<128x32xf32, #tpu.memory_space<vmem>>)
    %dma_wait3A_1202 = arith.constant 0 : i32
    %dma_wait3A_1203 = arith.constant 4 : i32
    %dma_wait3A_1204 = arith.constant 0 : i32
    %dma_wait3A_1205 = arith.constant 0 : i32
    %dma_wait3A_1206 = arith.constant 512 : i32
    %dma_wait3A_1207 = arith.constant 0 : i32
    %dma_wait3A_1208 = tpu.memref_slice %arg6[%dma_wait3A_1204, %dma_wait3A_1206, %dma_wait3A_1207] : memref<3x1024x32xf32, #tpu.memory_space<vmem>> -> memref<1x128x32xf32, #tpu.memory_space<vmem>>
    %dma_wait3A_1209 = tpu.memref_squeeze %dma_wait3A_1208 : memref<1x128x32xf32, #tpu.memory_space<vmem>> -> memref<128x32xf32, #tpu.memory_space<vmem>>
    %dma_wait3A_1210 = arith.constant 0 : i32
    %dma_wait3A_1211 = tpu.memref_slice %arg5[%dma_wait3A_1202, %dma_wait3A_1203, %dma_wait3A_1210] : memref<3x8x128xi32, #tpu.memory_space<vmem>> -> memref<1x1x128xi32, #tpu.memory_space<vmem>>
    %dma_wait3A_1212 = tpu.memref_squeeze %dma_wait3A_1211 : memref<1x1x128xi32, #tpu.memory_space<vmem>> -> memref<128xi32, #tpu.memory_space<vmem>>
    %dma_wait3A_1213 = arith.constant 0 : i32
    %dma_wait3A_1214 = arith.constant 0 : i32
    %dma_wait3A_1215 = tpu.memref_slice %arg3[%dma_wait3A_1213, %dma_wait3A_1214] : memref<1000448x32xf32, #tpu.memory_space<hbm>> -> memref<1000448x32xf32, #tpu.memory_space<hbm>>
    %dma_wait3A_1216 = tpu.memref_slice %arg8[%dma_wait3A_1205] : memref<3x!tpu.dma_semaphore, #tpu.memory_space<semaphore_mem>> -> memref<1x!tpu.dma_semaphore, #tpu.memory_space<semaphore_mem>>
    %dma_wait3A_1217 = tpu.memref_squeeze %dma_wait3A_1216 : memref<1x!tpu.dma_semaphore, #tpu.memory_space<semaphore_mem>> -> memref<!tpu.dma_semaphore, #tpu.memory_space<semaphore_mem>>
    tpu.wait_indirect_dma semaphore(%dma_wait3A_1217 : memref<!tpu.dma_semaphore, #tpu.memory_space<semaphore_mem>>) src(%dma_wait3A_1215 : memref<1000448x32xf32, #tpu.memory_space<hbm>>) dst(%dma_wait3A_1209 : memref<128x32xf32, #tpu.memory_space<vmem>>)
    %dma_wait3A_1218 = arith.constant 0 : i32
    %dma_wait3A_1219 = arith.constant 5 : i32
    %dma_wait3A_1220 = arith.constant 0 : i32
    %dma_wait3A_1221 = arith.constant 0 : i32
    %dma_wait3A_1222 = arith.constant 640 : i32
    %dma_wait3A_1223 = arith.constant 0 : i32
    %dma_wait3A_1224 = tpu.memref_slice %arg6[%dma_wait3A_1220, %dma_wait3A_1222, %dma_wait3A_1223] : memref<3x1024x32xf32, #tpu.memory_space<vmem>> -> memref<1x128x32xf32, #tpu.memory_space<vmem>>
    %dma_wait3A_1225 = tpu.memref_squeeze %dma_wait3A_1224 : memref<1x128x32xf32, #tpu.memory_space<vmem>> -> memref<128x32xf32, #tpu.memory_space<vmem>>
    %dma_wait3A_1226 = arith.constant 0 : i32
    %dma_wait3A_1227 = tpu.memref_slice %arg5[%dma_wait3A_1218, %dma_wait3A_1219, %dma_wait3A_1226] : memref<3x8x128xi32, #tpu.memory_space<vmem>> -> memref<1x1x128xi32, #tpu.memory_space<vmem>>
    %dma_wait3A_1228 = tpu.memref_squeeze %dma_wait3A_1227 : memref<1x1x128xi32, #tpu.memory_space<vmem>> -> memref<128xi32, #tpu.memory_space<vmem>>
    %dma_wait3A_1229 = arith.constant 0 : i32
    %dma_wait3A_1230 = arith.constant 0 : i32
    %dma_wait3A_1231 = tpu.memref_slice %arg3[%dma_wait3A_1229, %dma_wait3A_1230] : memref<1000448x32xf32, #tpu.memory_space<hbm>> -> memref<1000448x32xf32, #tpu.memory_space<hbm>>
    %dma_wait3A_1232 = tpu.memref_slice %arg8[%dma_wait3A_1221] : memref<3x!tpu.dma_semaphore, #tpu.memory_space<semaphore_mem>> -> memref<1x!tpu.dma_semaphore, #tpu.memory_space<semaphore_mem>>
    %dma_wait3A_1233 = tpu.memref_squeeze %dma_wait3A_1232 : memref<1x!tpu.dma_semaphore, #tpu.memory_space<semaphore_mem>> -> memref<!tpu.dma_semaphore, #tpu.memory_space<semaphore_mem>>
    tpu.wait_indirect_dma semaphore(%dma_wait3A_1233 : memref<!tpu.dma_semaphore, #tpu.memory_space<semaphore_mem>>) src(%dma_wait3A_1231 : memref<1000448x32xf32, #tpu.memory_space<hbm>>) dst(%dma_wait3A_1225 : memref<128x32xf32, #tpu.memory_space<vmem>>)
    %dma_wait3A_1234 = arith.constant 0 : i32
    %dma_wait3A_1235 = arith.constant 6 : i32
    %dma_wait3A_1236 = arith.constant 0 : i32
    %dma_wait3A_1237 = arith.constant 0 : i32
    %dma_wait3A_1238 = arith.constant 768 : i32
    %dma_wait3A_1239 = arith.constant 0 : i32
    %dma_wait3A_1240 = tpu.memref_slice %arg6[%dma_wait3A_1236, %dma_wait3A_1238, %dma_wait3A_1239] : memref<3x1024x32xf32, #tpu.memory_space<vmem>> -> memref<1x128x32xf32, #tpu.memory_space<vmem>>
    %dma_wait3A_1241 = tpu.memref_squeeze %dma_wait3A_1240 : memref<1x128x32xf32, #tpu.memory_space<vmem>> -> memref<128x32xf32, #tpu.memory_space<vmem>>
    %dma_wait3A_1242 = arith.constant 0 : i32
    %dma_wait3A_1243 = tpu.memref_slice %arg5[%dma_wait3A_1234, %dma_wait3A_1235, %dma_wait3A_1242] : memref<3x8x128xi32, #tpu.memory_space<vmem>> -> memref<1x1x128xi32, #tpu.memory_space<vmem>>
    %dma_wait3A_1244 = tpu.memref_squeeze %dma_wait3A_1243 : memref<1x1x128xi32, #tpu.memory_space<vmem>> -> memref<128xi32, #tpu.memory_space<vmem>>
    %dma_wait3A_1245 = arith.constant 0 : i32
    %dma_wait3A_1246 = arith.constant 0 : i32
    %dma_wait3A_1247 = tpu.memref_slice %arg3[%dma_wait3A_1245, %dma_wait3A_1246] : memref<1000448x32xf32, #tpu.memory_space<hbm>> -> memref<1000448x32xf32, #tpu.memory_space<hbm>>
    %dma_wait3A_1248 = tpu.memref_slice %arg8[%dma_wait3A_1237] : memref<3x!tpu.dma_semaphore, #tpu.memory_space<semaphore_mem>> -> memref<1x!tpu.dma_semaphore, #tpu.memory_space<semaphore_mem>>
    %dma_wait3A_1249 = tpu.memref_squeeze %dma_wait3A_1248 : memref<1x!tpu.dma_semaphore, #tpu.memory_space<semaphore_mem>> -> memref<!tpu.dma_semaphore, #tpu.memory_space<semaphore_mem>>
    tpu.wait_indirect_dma semaphore(%dma_wait3A_1249 : memref<!tpu.dma_semaphore, #tpu.memory_space<semaphore_mem>>) src(%dma_wait3A_1247 : memref<1000448x32xf32, #tpu.memory_space<hbm>>) dst(%dma_wait3A_1241 : memref<128x32xf32, #tpu.memory_space<vmem>>)
    %dma_wait3A_1250 = arith.constant 0 : i32
    %dma_wait3A_1251 = arith.constant 7 : i32
    %dma_wait3A_1252 = arith.constant 0 : i32
    %dma_wait3A_1253 = arith.constant 0 : i32
    %dma_wait3A_1254 = arith.constant 896 : i32
    %dma_wait3A_1255 = arith.constant 0 : i32
    %dma_wait3A_1256 = tpu.memref_slice %arg6[%dma_wait3A_1252, %dma_wait3A_1254, %dma_wait3A_1255] : memref<3x1024x32xf32, #tpu.memory_space<vmem>> -> memref<1x128x32xf32, #tpu.memory_space<vmem>>
    %dma_wait3A_1257 = tpu.memref_squeeze %dma_wait3A_1256 : memref<1x128x32xf32, #tpu.memory_space<vmem>> -> memref<128x32xf32, #tpu.memory_space<vmem>>
    %dma_wait3A_1258 = arith.constant 0 : i32
    %dma_wait3A_1259 = tpu.memref_slice %arg5[%dma_wait3A_1250, %dma_wait3A_1251, %dma_wait3A_1258] : memref<3x8x128xi32, #tpu.memory_space<vmem>> -> memref<1x1x128xi32, #tpu.memory_space<vmem>>
    %dma_wait3A_1260 = tpu.memref_squeeze %dma_wait3A_1259 : memref<1x1x128xi32, #tpu.memory_space<vmem>> -> memref<128xi32, #tpu.memory_space<vmem>>
    %dma_wait3A_1261 = arith.constant 0 : i32
    %dma_wait3A_1262 = arith.constant 0 : i32
    %dma_wait3A_1263 = tpu.memref_slice %arg3[%dma_wait3A_1261, %dma_wait3A_1262] : memref<1000448x32xf32, #tpu.memory_space<hbm>> -> memref<1000448x32xf32, #tpu.memory_space<hbm>>
    %dma_wait3A_1264 = tpu.memref_slice %arg8[%dma_wait3A_1253] : memref<3x!tpu.dma_semaphore, #tpu.memory_space<semaphore_mem>> -> memref<1x!tpu.dma_semaphore, #tpu.memory_space<semaphore_mem>>
    %dma_wait3A_1265 = tpu.memref_squeeze %dma_wait3A_1264 : memref<1x!tpu.dma_semaphore, #tpu.memory_space<semaphore_mem>> -> memref<!tpu.dma_semaphore, #tpu.memory_space<semaphore_mem>>
    tpu.wait_indirect_dma semaphore(%dma_wait3A_1265 : memref<!tpu.dma_semaphore, #tpu.memory_space<semaphore_mem>>) src(%dma_wait3A_1263 : memref<1000448x32xf32, #tpu.memory_space<hbm>>) dst(%dma_wait3A_1257 : memref<128x32xf32, #tpu.memory_space<vmem>>)
    %add3A_1266 = arith.constant 101376 : i32
    %add3A_1267 = arith.addi %mul3A_4, %add3A_1266 : i32
    %dma_start3A_1268 = arith.constant 0 : i32
    %dma_start3A_1269 = arith.constant 0 : i32
    %dma_start3A_1270 = arith.constant 0 : i32
    %dma_start3A_1271 = arith.constant 0 : i32
    %dma_start3A_1272 = tpu.memref_slice %arg6[%dma_start3A_1268, %dma_start3A_1270, %dma_start3A_1271] : memref<3x1024x32xf32, #tpu.memory_space<vmem>> -> memref<1x1024x32xf32, #tpu.memory_space<vmem>>
    %dma_start3A_1273 = tpu.memref_squeeze %dma_start3A_1272 : memref<1x1024x32xf32, #tpu.memory_space<vmem>> -> memref<1024x32xf32, #tpu.memory_space<vmem>>
    %dma_start3A_1274 = arith.constant 0 : i32
    %dma_start3A_1275 = tpu.memref_slice %arg4[%add3A_1267, %dma_start3A_1274] : memref<3276800x32xf32, #tpu.memory_space<hbm>> -> memref<1024x32xf32, #tpu.memory_space<hbm>>
    %dma_start3A_1276 = tpu.memref_slice %arg9[%dma_start3A_1269] : memref<3x!tpu.dma_semaphore, #tpu.memory_space<semaphore_mem>> -> memref<1x!tpu.dma_semaphore, #tpu.memory_space<semaphore_mem>>
    %dma_start3A_1277 = tpu.memref_squeeze %dma_start3A_1276 : memref<1x!tpu.dma_semaphore, #tpu.memory_space<semaphore_mem>> -> memref<!tpu.dma_semaphore, #tpu.memory_space<semaphore_mem>>
    %dma_start3A_1278 = arith.constant 0 : i32
    %dma_start3A_1279 = tpu.memref_slice %arg4[%add3A_1267, %dma_start3A_1278] : memref<3276800x32xf32, #tpu.memory_space<hbm>> -> memref<1024x32xf32, #tpu.memory_space<hbm>>
    %dma_start3A_1280 = arith.constant 0 : i32
    %dma_start3A_1281 = arith.constant 0 : i32
    %dma_start3A_1282 = tpu.memref_slice %arg6[%dma_start3A_1268, %dma_start3A_1280, %dma_start3A_1281] : memref<3x1024x32xf32, #tpu.memory_space<vmem>> -> memref<1x1024x32xf32, #tpu.memory_space<vmem>>
    %dma_start3A_1283 = tpu.memref_squeeze %dma_start3A_1282 : memref<1x1024x32xf32, #tpu.memory_space<vmem>> -> memref<1024x32xf32, #tpu.memory_space<vmem>>
    tpu.enqueue_dma source(%dma_start3A_1283 : memref<1024x32xf32, #tpu.memory_space<vmem>>) target(%dma_start3A_1279 : memref<1024x32xf32, #tpu.memory_space<hbm>>) target_semaphore(%dma_start3A_1277 : memref<!tpu.dma_semaphore, #tpu.memory_space<semaphore_mem>>)
    %add3A_1284 = arith.constant 99328 : i32
    %add3A_1285 = arith.addi %mul3A_4, %add3A_1284 : i32
    %dma_wait3A_1286 = arith.constant 1 : i32
    %dma_wait3A_1287 = arith.constant 1 : i32
    %dma_wait3A_1288 = arith.constant 0 : i32
    %dma_wait3A_1289 = arith.constant 0 : i32
    %dma_wait3A_1290 = tpu.memref_slice %arg6[%dma_wait3A_1286, %dma_wait3A_1288, %dma_wait3A_1289] : memref<3x1024x32xf32, #tpu.memory_space<vmem>> -> memref<1x1024x32xf32, #tpu.memory_space<vmem>>
    %dma_wait3A_1291 = tpu.memref_squeeze %dma_wait3A_1290 : memref<1x1024x32xf32, #tpu.memory_space<vmem>> -> memref<1024x32xf32, #tpu.memory_space<vmem>>
    %dma_wait3A_1292 = arith.constant 0 : i32
    %dma_wait3A_1293 = tpu.memref_slice %arg4[%add3A_1285, %dma_wait3A_1292] : memref<3276800x32xf32, #tpu.memory_space<hbm>> -> memref<1024x32xf32, #tpu.memory_space<hbm>>
    %dma_wait3A_1294 = tpu.memref_slice %arg9[%dma_wait3A_1287] : memref<3x!tpu.dma_semaphore, #tpu.memory_space<semaphore_mem>> -> memref<1x!tpu.dma_semaphore, #tpu.memory_space<semaphore_mem>>
    %dma_wait3A_1295 = tpu.memref_squeeze %dma_wait3A_1294 : memref<1x!tpu.dma_semaphore, #tpu.memory_space<semaphore_mem>> -> memref<!tpu.dma_semaphore, #tpu.memory_space<semaphore_mem>>
    %dma_wait3A_1296 = arith.constant 0 : i32
    %dma_wait3A_1297 = tpu.memref_slice %arg4[%add3A_1285, %dma_wait3A_1296] : memref<3276800x32xf32, #tpu.memory_space<hbm>> -> memref<1024x32xf32, #tpu.memory_space<hbm>>
    %dma_wait3A_1298 = arith.constant 0 : i32
    %dma_wait3A_1299 = arith.constant 0 : i32
    %dma_wait3A_1300 = tpu.memref_slice %arg6[%dma_wait3A_1286, %dma_wait3A_1298, %dma_wait3A_1299] : memref<3x1024x32xf32, #tpu.memory_space<vmem>> -> memref<1x1024x32xf32, #tpu.memory_space<vmem>>
    %dma_wait3A_1301 = tpu.memref_squeeze %dma_wait3A_1300 : memref<1x1024x32xf32, #tpu.memory_space<vmem>> -> memref<1024x32xf32, #tpu.memory_space<vmem>>
    tpu.wait_dma2 semaphore(%dma_wait3A_1295 : memref<!tpu.dma_semaphore, #tpu.memory_space<semaphore_mem>>) src(%dma_wait3A_1301 : memref<1024x32xf32, #tpu.memory_space<vmem>>) dst(%dma_wait3A_1297 : memref<1024x32xf32, #tpu.memory_space<hbm>>)
    %add3A_1302 = arith.constant 100352 : i32
    %add3A_1303 = arith.addi %mul3A_4, %add3A_1302 : i32
    %dma_wait3A_1304 = arith.constant 2 : i32
    %dma_wait3A_1305 = arith.constant 2 : i32
    %dma_wait3A_1306 = arith.constant 0 : i32
    %dma_wait3A_1307 = arith.constant 0 : i32
    %dma_wait3A_1308 = tpu.memref_slice %arg6[%dma_wait3A_1304, %dma_wait3A_1306, %dma_wait3A_1307] : memref<3x1024x32xf32, #tpu.memory_space<vmem>> -> memref<1x1024x32xf32, #tpu.memory_space<vmem>>
    %dma_wait3A_1309 = tpu.memref_squeeze %dma_wait3A_1308 : memref<1x1024x32xf32, #tpu.memory_space<vmem>> -> memref<1024x32xf32, #tpu.memory_space<vmem>>
    %dma_wait3A_1310 = arith.constant 0 : i32
    %dma_wait3A_1311 = tpu.memref_slice %arg4[%add3A_1303, %dma_wait3A_1310] : memref<3276800x32xf32, #tpu.memory_space<hbm>> -> memref<1024x32xf32, #tpu.memory_space<hbm>>
    %dma_wait3A_1312 = tpu.memref_slice %arg9[%dma_wait3A_1305] : memref<3x!tpu.dma_semaphore, #tpu.memory_space<semaphore_mem>> -> memref<1x!tpu.dma_semaphore, #tpu.memory_space<semaphore_mem>>
    %dma_wait3A_1313 = tpu.memref_squeeze %dma_wait3A_1312 : memref<1x!tpu.dma_semaphore, #tpu.memory_space<semaphore_mem>> -> memref<!tpu.dma_semaphore, #tpu.memory_space<semaphore_mem>>
    %dma_wait3A_1314 = arith.constant 0 : i32
    %dma_wait3A_1315 = tpu.memref_slice %arg4[%add3A_1303, %dma_wait3A_1314] : memref<3276800x32xf32, #tpu.memory_space<hbm>> -> memref<1024x32xf32, #tpu.memory_space<hbm>>
    %dma_wait3A_1316 = arith.constant 0 : i32
    %dma_wait3A_1317 = arith.constant 0 : i32
    %dma_wait3A_1318 = tpu.memref_slice %arg6[%dma_wait3A_1304, %dma_wait3A_1316, %dma_wait3A_1317] : memref<3x1024x32xf32, #tpu.memory_space<vmem>> -> memref<1x1024x32xf32, #tpu.memory_space<vmem>>
    %dma_wait3A_1319 = tpu.memref_squeeze %dma_wait3A_1318 : memref<1x1024x32xf32, #tpu.memory_space<vmem>> -> memref<1024x32xf32, #tpu.memory_space<vmem>>
    tpu.wait_dma2 semaphore(%dma_wait3A_1313 : memref<!tpu.dma_semaphore, #tpu.memory_space<semaphore_mem>>) src(%dma_wait3A_1319 : memref<1024x32xf32, #tpu.memory_space<vmem>>) dst(%dma_wait3A_1315 : memref<1024x32xf32, #tpu.memory_space<hbm>>)
    %add3A_1320 = arith.constant 101376 : i32
    %add3A_1321 = arith.addi %mul3A_4, %add3A_1320 : i32
    %dma_wait3A_1322 = arith.constant 0 : i32
    %dma_wait3A_1323 = arith.constant 0 : i32
    %dma_wait3A_1324 = arith.constant 0 : i32
    %dma_wait3A_1325 = arith.constant 0 : i32
    %dma_wait3A_1326 = tpu.memref_slice %arg6[%dma_wait3A_1322, %dma_wait3A_1324, %dma_wait3A_1325] : memref<3x1024x32xf32, #tpu.memory_space<vmem>> -> memref<1x1024x32xf32, #tpu.memory_space<vmem>>
    %dma_wait3A_1327 = tpu.memref_squeeze %dma_wait3A_1326 : memref<1x1024x32xf32, #tpu.memory_space<vmem>> -> memref<1024x32xf32, #tpu.memory_space<vmem>>
    %dma_wait3A_1328 = arith.constant 0 : i32
    %dma_wait3A_1329 = tpu.memref_slice %arg4[%add3A_1321, %dma_wait3A_1328] : memref<3276800x32xf32, #tpu.memory_space<hbm>> -> memref<1024x32xf32, #tpu.memory_space<hbm>>
    %dma_wait3A_1330 = tpu.memref_slice %arg9[%dma_wait3A_1323] : memref<3x!tpu.dma_semaphore, #tpu.memory_space<semaphore_mem>> -> memref<1x!tpu.dma_semaphore, #tpu.memory_space<semaphore_mem>>
    %dma_wait3A_1331 = tpu.memref_squeeze %dma_wait3A_1330 : memref<1x!tpu.dma_semaphore, #tpu.memory_space<semaphore_mem>> -> memref<!tpu.dma_semaphore, #tpu.memory_space<semaphore_mem>>
    %dma_wait3A_1332 = arith.constant 0 : i32
    %dma_wait3A_1333 = tpu.memref_slice %arg4[%add3A_1321, %dma_wait3A_1332] : memref<3276800x32xf32, #tpu.memory_space<hbm>> -> memref<1024x32xf32, #tpu.memory_space<hbm>>
    %dma_wait3A_1334 = arith.constant 0 : i32
    %dma_wait3A_1335 = arith.constant 0 : i32
    %dma_wait3A_1336 = tpu.memref_slice %arg6[%dma_wait3A_1322, %dma_wait3A_1334, %dma_wait3A_1335] : memref<3x1024x32xf32, #tpu.memory_space<vmem>> -> memref<1x1024x32xf32, #tpu.memory_space<vmem>>
    %dma_wait3A_1337 = tpu.memref_squeeze %dma_wait3A_1336 : memref<1x1024x32xf32, #tpu.memory_space<vmem>> -> memref<1024x32xf32, #tpu.memory_space<vmem>>
    tpu.wait_dma2 semaphore(%dma_wait3A_1331 : memref<!tpu.dma_semaphore, #tpu.memory_space<semaphore_mem>>) src(%dma_wait3A_1337 : memref<1024x32xf32, #tpu.memory_space<vmem>>) dst(%dma_wait3A_1333 : memref<1024x32xf32, #tpu.memory_space<hbm>>)
    %add3A_1338 = arith.constant 792 : i32
    %add3A_1339 = arith.addi %mul3A_2, %add3A_1338 : i32
    %dma_wait3A_1340 = arith.constant 1 : i32
    %dma_wait3A_1341 = arith.constant 1 : i32
    %dma_wait3A_1342 = arith.constant 0 : i32
    %dma_wait3A_1343 = arith.constant 0 : i32
    %dma_wait3A_1344 = tpu.memref_slice %arg5[%dma_wait3A_1340, %dma_wait3A_1342, %dma_wait3A_1343] : memref<3x8x128xi32, #tpu.memory_space<vmem>> -> memref<1x8x128xi32, #tpu.memory_space<vmem>>
    %dma_wait3A_1345 = tpu.memref_squeeze %dma_wait3A_1344 : memref<1x8x128xi32, #tpu.memory_space<vmem>> -> memref<8x128xi32, #tpu.memory_space<vmem>>
    %dma_wait3A_1346 = arith.constant 0 : i32
    %dma_wait3A_1347 = tpu.memref_slice %arg2[%add3A_1339, %dma_wait3A_1346] : memref<25600x128xi32, #tpu.memory_space<hbm>> -> memref<8x128xi32, #tpu.memory_space<hbm>>
    %dma_wait3A_1348 = tpu.memref_slice %arg7[%dma_wait3A_1341] : memref<3x!tpu.dma_semaphore, #tpu.memory_space<semaphore_mem>> -> memref<1x!tpu.dma_semaphore, #tpu.memory_space<semaphore_mem>>
    %dma_wait3A_1349 = tpu.memref_squeeze %dma_wait3A_1348 : memref<1x!tpu.dma_semaphore, #tpu.memory_space<semaphore_mem>> -> memref<!tpu.dma_semaphore, #tpu.memory_space<semaphore_mem>>
    %dma_wait3A_1350 = arith.constant 0 : i32
    %dma_wait3A_1351 = arith.constant 0 : i32
    %dma_wait3A_1352 = tpu.memref_slice %arg5[%dma_wait3A_1340, %dma_wait3A_1350, %dma_wait3A_1351] : memref<3x8x128xi32, #tpu.memory_space<vmem>> -> memref<1x8x128xi32, #tpu.memory_space<vmem>>
    %dma_wait3A_1353 = tpu.memref_squeeze %dma_wait3A_1352 : memref<1x8x128xi32, #tpu.memory_space<vmem>> -> memref<8x128xi32, #tpu.memory_space<vmem>>
    %dma_wait3A_1354 = arith.constant 0 : i32
    %dma_wait3A_1355 = tpu.memref_slice %arg2[%add3A_1339, %dma_wait3A_1354] : memref<25600x128xi32, #tpu.memory_space<hbm>> -> memref<8x128xi32, #tpu.memory_space<hbm>>
    tpu.wait_dma2 semaphore(%dma_wait3A_1349 : memref<!tpu.dma_semaphore, #tpu.memory_space<semaphore_mem>>) src(%dma_wait3A_1355 : memref<8x128xi32, #tpu.memory_space<hbm>>) dst(%dma_wait3A_1353 : memref<8x128xi32, #tpu.memory_space<vmem>>)
    return
  }
}

module attributes {stable_mosaic.version = 14 : i64} {
  func.func @_tc_transpose_body(%arg0: i32, %arg1: memref<32x256xf32, #tpu.memory_space<vmem>>, %arg2: memref<32x256xf32, #tpu.memory_space<vmem>>, %arg3: memref<32x256xf32, #tpu.memory_space<vmem>>, %arg4: memref<32x256xf32, #tpu.memory_space<vmem>>, %arg5: memref<256x128xf32, #tpu.memory_space<vmem>>) attributes {dimension_semantics = [#tpu.dimension_semantics<arbitrary>], iteration_bounds = array<i64: 977>, scalar_prefetch = 0 : i64, scratch_operands = 0 : i64, tpu.core_type = #tpu.core_type<tc>, window_params = [{transform_indices = @transform_0, window_bounds = array<i64: 32, 256>}, {transform_indices = @transform_1, window_bounds = array<i64: 32, 256>}, {transform_indices = @transform_2, window_bounds = array<i64: 32, 256>}, {transform_indices = @transform_3, window_bounds = array<i64: 32, 256>}, {transform_indices = @transform_4, window_bounds = array<i64: 256, 128>}]} {
    %get3A = arith.constant 0 : index
    %get3A_0 = arith.constant 0 : index
    %get3A_1 = vector.load %arg1[%get3A, %get3A_0] : memref<32x256xf32, #tpu.memory_space<vmem>>, vector<32x256xf32>
    %transpose3A = tpu.transpose %get3A_1, [1, 0] : vector<32x256xf32> -> vector<256x32xf32>
    %get3A_2 = arith.constant 0 : index
    %get3A_3 = arith.constant 0 : index
    %get3A_4 = vector.load %arg2[%get3A_2, %get3A_3] : memref<32x256xf32, #tpu.memory_space<vmem>>, vector<32x256xf32>
    %transpose3A_5 = tpu.transpose %get3A_4, [1, 0] : vector<32x256xf32> -> vector<256x32xf32>
    %get3A_6 = arith.constant 0 : index
    %get3A_7 = arith.constant 0 : index
    %get3A_8 = vector.load %arg3[%get3A_6, %get3A_7] : memref<32x256xf32, #tpu.memory_space<vmem>>, vector<32x256xf32>
    %transpose3A_9 = tpu.transpose %get3A_8, [1, 0] : vector<32x256xf32> -> vector<256x32xf32>
    %get3A_10 = arith.constant 0 : index
    %get3A_11 = arith.constant 0 : index
    %get3A_12 = vector.load %arg4[%get3A_10, %get3A_11] : memref<32x256xf32, #tpu.memory_space<vmem>>, vector<32x256xf32>
    %transpose3A_13 = tpu.transpose %get3A_12, [1, 0] : vector<32x256xf32> -> vector<256x32xf32>
    %concatenate3A = tpu.concatenate %transpose3A, %transpose3A_5, %transpose3A_9, %transpose3A_13 in 1 : vector<256x32xf32>, vector<256x32xf32>, vector<256x32xf32>, vector<256x32xf32> -> vector<256x128xf32>
    %swap3A = arith.constant 0 : index
    %swap3A_14 = arith.constant 0 : index
    %swap3A_15 = vector.load %arg5[%swap3A, %swap3A_14] : memref<256x128xf32, #tpu.memory_space<vmem>>, vector<256x128xf32>
    tpu.vector_store %arg5[%swap3A, %swap3A_14], %concatenate3A {strides = array<i32>} : memref<256x128xf32, #tpu.memory_space<vmem>>, vector<256x128xf32>,
    return
  }
  func.func @transform_0(%arg0: i32) -> (i32, i32) {
    %add3A = arith.constant 0 : i32
    %add3A_0 = arith.addi %add3A, %arg0 : i32
    %c0_i32 = arith.constant 0 : i32
    %c0_i32_1 = arith.constant 0 : i32
    return %c0_i32, %add3A_0 : i32, i32
  }
  func.func @transform_1(%arg0: i32) -> (i32, i32) {
    %add3A = arith.constant 977 : i32
    %add3A_0 = arith.addi %add3A, %arg0 : i32
    %c0_i32 = arith.constant 0 : i32
    %c0_i32_1 = arith.constant 0 : i32
    return %c0_i32, %add3A_0 : i32, i32
  }
  func.func @transform_2(%arg0: i32) -> (i32, i32) {
    %add3A = arith.constant 1954 : i32
    %add3A_0 = arith.addi %add3A, %arg0 : i32
    %c0_i32 = arith.constant 0 : i32
    %c0_i32_1 = arith.constant 0 : i32
    return %c0_i32, %add3A_0 : i32, i32
  }
  func.func @transform_3(%arg0: i32) -> (i32, i32) {
    %min3A = arith.constant 975 : i32
    %min3A_0 = arith.minsi %arg0, %min3A : i32
    %add3A = arith.constant 2931 : i32
    %add3A_1 = arith.addi %add3A, %min3A_0 : i32
    %c0_i32 = arith.constant 0 : i32
    %c0_i32_2 = arith.constant 0 : i32
    return %c0_i32, %add3A_1 : i32, i32
  }
  func.func @transform_4(%arg0: i32) -> (i32, i32) {
    %c0_i32 = arith.constant 0 : i32
    %c0_i32_0 = arith.constant 0 : i32
    return %arg0, %c0_i32 : i32, i32
  }
}

</mosaic_0001>

<sc_bundles>
// kernel: kernel.4.cloned.1.call-start
scs
__scs_entry_jumppad:
0x0: {  	(pc) =	sbr.rel $0x88, $3  }
0x1: {  	(tag) =	ssettag $0x0;
	lr =	simm.s32 $0x1  }
0x2: {  	[smem:$0x3F9F] =	sst lr;
	_ =	strace $0xD0000000  }
0x3: {  	_ = 	snop  }
0x4: {  	_ = 	snop  }
0x5: {  	_ = 	snop  }
0x6: {  	_ = 	snop  }
0x7: {  	_ = 	snop  }
__scs_overlays_trampoline_lowered:
0x8: {  	[smem:$0x3FAE] =	sst s0  }
0x9: {  	[smem:$0x3FAF] =	sst s1  }
0xa: {  	[smem:$0x3FB0] =	sst s2  }
0xb: {  	[smem:$0x3FB1] =	sst s3  }
0xc: {  	[smem:$0x3FB2] =	sst s4  }
0xd: {  	[smem:$0x3FB3] =	sst s5  }
0xe: {  	[smem:$0x3FB4] =	sst s6  }
0xf: {  	[smem:$0x3FB5] =	sst s7  }
0x10: {  	[smem:$0x3FB6] =	sst s8  }
0x11: {  	[smem:$0x3FB7] =	sst s9;
	s0 =	simm.s32 @!p0 $0x0  }
0x12: {  	s1 =	sld [smem:$0x3F9D];
	s0 =	simm.s32 @p0 $0x1  }
0x13: {  	[smem:$0x3FB8] =	sst s0;
	s0 =	simm.s32 @!p1 $0x0  }
0x14: {  	s2 =	sld [smem:$0x3F9C];
	s0 =	simm.s32 @p1 $0x1  }
0x15: {  	[smem:$0x3FB9] =	sst s0;
	s0 =	simm.s32 @!p2 $0x0  }
0x16: {  	s3 =	sld [smem:$0x3FDB];
	s0 =	simm.s32 @p2 $0x1  }
0x17: {  	s4 =	simm.s32 $0x1BF5;
	[smem:$0x3FBB] =	sst s0  }
0x18: {  	s0 =	sld [smem:$0x3F9E];
	_ =	swait.ge [sflag:s4], $0x0  }
0x19: {  	s7 =	sld [smem:$0x3F9F]  }
0x1a: {  	s8 =	sadd.s32 $0xFFFFE003, lr  }
0x1b: {  	s9 =	sadd.s32 $0xFFFFFEF7, lr;
	s5 =	simm.s32 $0xFFFFFFFF;
	p2 =	slt.u32 s8, $0xFFFFF086  }
0x1c: {  	p1 =	slt.u32 s9, $0xF7A;
	s5 =	simm.s32 @!p2 $0x0  }
0x1d: {  	s5 =	simm.s32 @p1 $0x1;
	p0 =	seq.s32 s7, s2  }
0x1e: {  	s7 =	smul.u32 @!p0 $0xF7A, s2;
	p2 =	seq.s32 @!p0 s5, $0x0  }
0x1f: {  	s9 =	smul.u32 $0xF7A, s1;
	s8 =	simm.s32 @!p0 $0x1BF5;
	p2 =	por !p2, p0  }
0x20: {  	[sflag:s8] =	ssyncset.s32 @!p0 $0xFFFFF086;
	s6 =	sadd.s32 @!p0 s3, s7;
	s7 =	simm.s32 @!p0 $0x108  }
0x21: {  	s3 =	sadd.s32 s3, s9;
	s6 =	sadd.s32 @!p0 $0x88, s6;
	s7 =	simm.s32 @p2 $0x1082  }
0x22: {  	[simem:s7], [sflag:s8] =	dma.local @!p0 [hbm:s6], $0xF7A  }
0x23: {  	s9 =	sor.u32 $0xD0000000, s2;
	s6 =	simm.s32 $0x108;
	_ =	swait.ge @!p0 [sflag:s8], $0x0  }
0x24: {  	s3 =	sadd.s32 $0x88, s3;
	s6 =	simm.s32 @!p1 $0x1082;
	[sflag:s4] =	ssyncset.s32 $0xFFFFF086  }
0x25: {  	[simem:s6], [sflag:s4] =	dma.local [hbm:s3], $0xF7A  }
0x26: {  	[smem:$0x3F9F] =	sst s1;
	(tag) =	ssettag s2;
	_ =	strace s9  }
0x27: {  	s1 =	sld [smem:$0x3FAF]  }
0x28: {  	s2 =	sld [smem:$0x3FB0]  }
0x29: {  	s4 =	sld [smem:$0x3FB2]  }
0x2a: {  	p0 =	seq.s32 s5, $0x0;
	s5 =	sld [smem:$0x3FB3]  }
0x2b: {  	s6 =	sld [smem:$0x3FB4]  }
0x2c: {  	s7 =	sld [smem:$0x3FB5]  }
0x2d: {  	s3 =	simm.s32 $0x108;
	s8 =	sld [smem:$0x3FB6]  }
0x2e: {  	s3 =	simm.s32 @!p0 $0x1082;
	s9 =	sld [smem:$0x3FB7]  }
0x2f: {  	lr =	sadd.s32 s0, s3;
	s0 =	sld [smem:$0x3FAE]  }
0x30: {  	s3 =	sld [smem:$0x3FB1]  }
0x31: {  	[smem:$0x3FBA] =	sst s10  }
0x32: {  	s10 =	sld [smem:$0x3FB8];
	_ =	sdelay $0x3  }
0x33: {  	p0 =	seq.s32 s10, $0x1;
	s10 =	sld [smem:$0x3FBA];
	_ =	sdelay $0x3  }
0x34: {  	[smem:$0x3FBA] =	sst s10  }
0x35: {  	s10 =	sld [smem:$0x3FB9];
	_ =	sdelay $0x3  }
0x36: {  	p1 =	seq.s32 s10, $0x1;
	s10 =	sld [smem:$0x3FBA];
	_ =	sdelay $0x3  }
0x37: {  	[smem:$0x3FBA] =	sst s10  }
0x38: {  	s10 =	sld [smem:$0x3FBB]  }
0x39: {  	_ = 	snop;
	(pc) =	sbr.ind lr, $3  }
0x3a: {  	_ = 	snop  }
0x3b: {  	_ = 	snop  }
0x3c: {  	p2 =	seq.s32 s10, $0x1;
	s10 =	sld [smem:$0x3FBA]  }
0x3d: {  	_ =	shalt  }
0x3e: {  	_ =	shalt  }
0x3f: {  	_ =	shalt  }
0x40: {  	_ =	shalt  }
0x41: {  	_ =	shalt  }
0x42: {  	_ =	shalt  }
0x43: {  	_ =	shalt  }
0x44: {  	_ =	shalt  }
0x45: {  	_ =	shalt  }
0x46: {  	_ =	shalt  }
0x47: {  	_ =	shalt  }
0x48: {  	_ =	shalt  }
0x49: {  	_ =	shalt  }
0x4a: {  	_ =	shalt  }
0x4b: {  	_ =	shalt  }
0x4c: {  	_ =	shalt  }
0x4d: {  	_ =	shalt  }
0x4e: {  	_ =	shalt  }
0x4f: {  	_ =	shalt  }
0x50: {  	_ =	shalt  }
0x51: {  	_ =	shalt  }
0x52: {  	_ =	shalt  }
0x53: {  	_ =	shalt  }
0x54: {  	_ =	shalt  }
0x55: {  	_ =	shalt  }
0x56: {  	_ =	shalt  }
0x57: {  	_ =	shalt  }
0x58: {  	_ =	shalt  }
0x59: {  	_ =	shalt  }
0x5a: {  	_ =	shalt  }
0x5b: {  	_ =	shalt  }
0x5c: {  	_ =	shalt  }
0x5d: {  	_ =	shalt  }
0x5e: {  	_ =	shalt  }
0x5f: {  	_ =	shalt  }
0x60: {  	_ =	shalt  }
0x61: {  	_ =	shalt  }
0x62: {  	_ =	shalt  }
0x63: {  	_ =	shalt  }
0x64: {  	_ =	shalt  }
0x65: {  	_ =	shalt  }
0x66: {  	_ =	shalt  }
0x67: {  	_ =	shalt  }
0x68: {  	_ =	shalt  }
0x69: {  	_ =	shalt  }
0x6a: {  	_ =	shalt  }
0x6b: {  	_ =	shalt  }
0x6c: {  	_ =	shalt  }
0x6d: {  	_ =	shalt  }
0x6e: {  	_ =	shalt  }
0x6f: {  	_ =	shalt  }
0x70: {  	_ =	shalt  }
0x71: {  	_ =	shalt  }
0x72: {  	_ =	shalt  }
0x73: {  	_ =	shalt  }
0x74: {  	_ =	shalt  }
0x75: {  	_ =	shalt  }
0x76: {  	_ =	shalt  }
0x77: {  	_ =	shalt  }
0x78: {  	_ =	shalt  }
0x79: {  	_ =	shalt  }
0x7a: {  	_ =	shalt  }
0x7b: {  	_ =	shalt  }
0x7c: {  	_ =	shalt  }
0x7d: {  	_ =	shalt  }
0x7e: {  	_ =	shalt  }
0x7f: {  	_ =	shalt  }
0x80: {  	_ =	shalt  }
0x81: {  	_ =	shalt  }
0x82: {  	_ =	shalt  }
0x83: {  	_ =	shalt  }
0x84: {  	_ =	shalt  }
0x85: {  	_ =	shalt  }
0x86: {  	_ =	shalt  }
0x87: {  	_ =	shalt  }
.Lfunc_end0:
.L_simem_size_0:
called_computation.1_lowered:
.L_overlay_start_0:
0x88: {  	s2 =	sld [smem:$0x3FD9]  }
0x89: {  	s3 =	sld [smem:$0x3FFE];
	_ =	sdelay $0x1  }
0x8a: {  	s1 =	srdreg.scid  }
0x8b: {  	s0 =	sand.u32 $0x1, s1  }
0x8c: {  	s17 =	sshll.u32 s0, $0xA;
	s2 =	sadd.s32 s3, s2  }
0x8d: {  	s2 =	sadd.s32 s2, s17  }
0x8e: {  	[smem:$0x3FC6] =	sst s2  }
0x8f: {  	_ = 	snop  }
0x90: {  	s2 =	sld [smem:$0x3FD0];
	(tm) =	ssettm $0x1  }
0x91: {  	s18 =	sld [smem:$0x3FFB];
	_ =	sdelay $0x3  }
0x92: {  	_ =	strace s18  }
0x93: {  	s3 =	sld [smem:$0x3FFC];
	_ =	sdelay $0x3  }
0x94: {  	_ =	strace s3  }
0x95: {  	s3 =	sld [smem:$0x3FFD];
	_ =	sdelay $0x3  }
0x96: {  	_ =	strace s3  }
0x97: {  	_ =	strace $0x8FFFFFFF  }
0x98: {  	s19 =	sld [smem:$0x3FDB];
	_ =	sdelay $0x1  }
0x99: {  	s4 =	simm.s32 $_scs_section_size  }
0x9a: {  	s5 =	simm.s32 $_size__tile_overlayer_lowered;
	s6 =	simm.s32 $_tile_overlayer_lowered  }
0x9b: {  	s22 =	simm.s32 $0x1BFF;
	s21 =	sshll.u32 s6, $0x1;
	s3 =	sadd.s32 s4, s19  }
0x9c: {  	s7 =	simm.s32 $0x0;
	s20 =	sshll.u32 s5, $0x1;
	s5 =	sadd.s32 s21, s3  }
0x9d: {  	[timem:s7], [sflag:s22] =	dma.local [hbm:s5], s20  }
0x9e: {  	_ =	swait.ge [sflag:s22], s20  }
0x9f: {  	s4 =	ssub.s32 $0x0, s20;
	[sflag:s22] =	ssyncset.done $0x0  }
0xa0: {  	[sflag:s22] =	ssyncadd.s32 s4;
	_ =	sdelay $0x1  }
0xa1: {  	s23 =	simm.s32 $0x1B8B  }
0xa2: {  	_ =	swait.ge [sflag:s23], $0x1  }
0xa3: {  	[sflag:s23] =	ssyncset.done $0x0  }
0xa4: {  	s25 =	simm.s32 $0x1B8E;
	s24 =	sld [smem:$0x3FFE];
	[sflag:s23] =	ssyncadd.s32 $0xFFFFFFFF  }
0xa5: {  	s26 =	simm.s32 $execute0_lowered;
	[smem:$0x3FD2] =	sst s25  }
0xa6: {  	s5 =	sshll.u32 s26, $0x1;
	_ =	strace $0x80000046;
	[dreg:$0x1] =	wrdreg $0xFFFFFFFF  }
0xa7: {  	s28 =	simm.s32 $_size_execute0_lowered;
	s3 =	sadd.s32 s3, s5;
	[dreg:$0x0] =	wrdreg $0x0  }
0xa8: {  	s5 =	sshll.u32 s28, $0x1;
	[dreg:$0x2] =	wrdreg s3  }
0xa9: {  	[dreg:$0x3] =	wrdreg s5  }
0xaa: {  	[dreg:$0x4] =	wrdreg $0xC0  }
0xab: {  	_ =	task [dreg:s7], $0x5FFFF  }
0xac: {  	[dreg:$0x1] =	wrdreg $0xFFFFFFFF  }
0xad: {  	[dreg:$0x0] =	wrdreg $0x60  }
0xae: {  	[dreg:$0x2] =	wrdreg s24  }
0xaf: {  	[dreg:$0x3] =	wrdreg s2  }
0xb0: {  	[dreg:$0x4] =	wrdreg $0x9  }
0xb1: {  	_ =	task.clear_ibuf [dreg:s7], $0x5FFFF;
	_ =	strace $0x90000046  }
0xb2: {  	s29 =	simm.s32 $0x9;
	_ =	strace $0x80000048  }
0xb3: {  	_ =	swait.ge [sflag:s29], $0x1  }
0xb4: {  	[sflag:s29] =	ssyncadd.s32 $0xFFFFFFFF  }
0xb5: {  	_ =	strace $0x90000048  }
0xb6: {  	_ =	sfence  }
0xb7: {  	s30 =	sld [smem:$0x0];
	_ =	sdelay $0x2  }
0xb8: {  	s31 =	sshll.u32 s1, $0xD;
	s1 =	sshrl.u32 s1, $0x2  }
0xb9: {  	s3 =	sand.u32 $0x4000, s31;
	s1 =	sadd.s32 s1, s30  }
0xba: {  	s0 =	sor.u32 s3, s0;
	s1 =	sshll.u32 s1, $0x11  }
0xbb: {  	s0 =	sor.u32 s1, s0  }
0xbc: {  	s0 =	sadd.s32 $0x8F2B, s0  }
0xbd: {  	[sflag:s0] =	ssyncadd.remote.s32 $0x1  }
0xbe: {  	_ =	sfence.sel $0xFFFF  }
0xbf: {  	[dreg:$0x0] =	wrdreg $0xFFFFFFFF;
	(pc) =	sbr.abs _section_cstart, $3  }
0xc0: {  	[dreg:$0x1] =	wrdreg $0xFFFFFFFF  }
0xc1: {  	_ =	task.clear_ibuf [dreg:s7], $0x2FFFF;
	_ =	strace $0x9FFFFFFF  }
0xc2: {  	(tm) =	ssettm $0x7FFFFFFF  }
0xc3: {  	_ =	shalt  }
tec
execute0_lowered:
.L_overlay_start_1:
0x0: {  	(tag) =	ssettag $0x1  }
0x1: {  	s0 =	rddreg [dreg:$0x0]  }
0x2: {  	s1 =	rddreg [dreg:$0x1];
	s11 =	stileid.u32  }
0x3: {  	s3 =	srdreg.scid;
	s2 =	simm.s32 $0x0;
	s17 =	smul.u32 $0x32000, s11  }
0x4: {  	s28 =	simm.s32 $0x4;
	s4 =	sand.u32 $0x1, s3;
	s19 =	smul.u32 $0xC8000, s11  }
0x5: {  	s29 =	simm.s32 $0x3;
	s26 =	sshll.u32 s11, $0x1;
	s18 =	smul.u32 $0x19000, s4  }
0x6: {  	s6 =	sor.u32 s4, s26;
	s7 =	ssub.s32 $0x2, s4;
	s4 =	smul.u32 $0x64000, s4  }
0x7: {  	s30 =	simm.s32 $0x10C00;
	s31 =	simm.s32 $0x9;
	s5 =	smul.u32 $0x3200, s6  }
0x8: {  	[smem:$0x7FF] =	sst s2;
	s22 =	sadd.s32 $0x800, s0;
	s8 =	smul.u32 $0x19000, s6  }
0x9: {  	_ =	strace $0x80000047;
	s9 =	sshrl.u32 s7, $0x1;
	s10 =	smul.u32 $0x64000, s6  }
0xa: {  	s6 =	smul.u32 $0x320000, s6;
	s23 =	sadd.s32 s19, s1;
	s19 =	simm.s32 $0x80  }
0xb: {  	s3 =	ssub.s32 s7, s9;
	s21 =	sadd.s32 s18, s17;
	s4 =	sadd.s32 s4, s23  }
0xc: {  	s17 =	simm.s32 $0x400;
	s18 =	simm.s32 $0x1;
	s23 =	simm.s32 $0x5  }
0xd: {  	s12 =	sadd.s32 s22, s5;
	s5 =	sadd.s32 $0x64800, s0;
	s14 =	sadd.s32 s1, s10  }
0xe: {  	s15 =	sshrl.u32 s8, $0x3;
	s8 =	sadd.s32 $0x1C00, s8;
	[dreg:$0x7] =	wrdreg s12  }
0xf: {  	s6 =	sshrl.u32 s6, $0x3;
	s0 =	smax.u32 s3, $0x1;
	[dreg:$0xa] =	wrdreg s14  }
0x10: {  	s24 =	sshll.u32 s21, $0x2;
	s4 =	sadd.s32 $0x4000, s4;
	[dreg:$0x3] =	wrdreg s8  }
0x11: {  	s10 =	simm.s32 $0x8C00;
	s3 =	simm.s32 $0x500;
	[dreg:$0x10] =	wrdreg s0  }
0x12: {  	s9 =	sadd.s32 $0x80, s12;
	s13 =	sadd.s32 $0x100, s12;
	[dreg:$0x4] =	wrdreg s4  }
0x13: {  	s16 =	sadd.s32 $0x180, s12;
	s7 =	sadd.s32 s22, s15;
	[dreg:$0x8] =	wrdreg s9  }
0x14: {  	s6 =	sadd.s32 s1, s6;
	s1 =	sadd.s32 s24, s1;
	[dreg:$0x9] =	wrdreg s13  }
0x15: {  	s0 =	sadd.s32 $0x1400, s21;
	[dreg:$0xb] =	wrdreg s16;
	s9 =	sadd.s32 $0x1000, s14  }
0x16: {  	s4 =	simm.s32 $0x480;
	s7 =	sadd.s32 $0x200, s7;
	[dreg:$0xc] =	wrdreg s9  }
0x17: {  	s24 =	simm.s32 $0x7;
	s20 =	sadd.s32 $0x62000, s6;
	[dreg:$0xd] =	wrdreg s7  }
0x18: {  	s6 =	sadd.s32 $0x63000, s6;
	s25 =	sadd.s32 $0x3000, s1;
	[dreg:$0xe] =	wrdreg s20  }
0x19: {  	s0 =	sshrl.u32 s0, $0x3;
	s1 =	sadd.s32 $0x2000, s1;
	[dreg:$0xf] =	wrdreg s6  }
0x1a: {  	s16 =	simm.s32 $0x9C00;
	s7 =	sadd.s32 $0x1800, s21;
	[dreg:$0x5] =	wrdreg s25  }
0x1b: {  	s0 =	sadd.s32 s0, s22;
	[dreg:$0x6] =	wrdreg s1;
	s20 =	simm.s32 $0xC00  }
0x1c: {  	s9 =	simm.s32 $0x2;
	s25 =	simm.s32 $0x6;
	s7 =	sshrl.u32 s7, $0x3  }
0x1d: {  	s1 =	simm.s32 $0x0;
	[dreg:$0x12] =	wrdreg s0;
	s26 =	sadd.s32 s7, s22  }
0x1e: {  	s7 =	simm.s32 $0x800;
	[dreg:$0x11] =	wrdreg s26;
	s26 =	simm.s32 $0x8  }
.LBB2_1:
0x1f: {  	[dreg:$0x13] =	wrdreg s1  }
0x20: {  	s0 =	rddreg [dreg:$0x7]  }
0x21: {  	[tilespmem:s2], [sflag:$0x1] =	stream.linear.gather [hbm4b:s0+s2], $0x400, $0x38;
	[tilespmem:$0x18C00] =	vst v63  }
0x22: {  	s21 =	rddreg [dreg:$0x8]  }
0x23: {  	[tilespmem:s17], [sflag:$0x2] =	stream.linear.gather [hbm4b:s21+s2], $0x400, $0x38;
	[tilespmem:$0x18C00] =	vst v63  }
0x24: {  	_ =	swait.ge [sflag:s18], $0x400  }
0x25: {  	[sflag:s18] =	ssyncset.done $0x0  }
0x26: {  	[sflag:s18] =	ssyncadd.s32 $0xFFFFFC00  }
0x27: {  	[tilespmem:s20], [sflag:$0x4] =	stream.indirect.gather [hbm4b:s5+s19], $0x20, s2, s19, $0xb8;
	[tilespmem:$0x18C00] =	vst v63  }
0x28: {  	s15 =	simm.s32 $0x1C00  }
0x29: {  	[tilespmem:s15], [sflag:$0x4] =	stream.indirect.gather [hbm4b:s5+s19], $0x20, s19, s19, $0xb8;
	[tilespmem:$0x18C00] =	vst v63  }
0x2a: {  	s8 =	simm.s32 $0x2C00;
	s21 =	simm.s32 $0x100  }
0x2b: {  	[tilespmem:s8], [sflag:$0x4] =	stream.indirect.gather [hbm4b:s5+s19], $0x20, s21, s19, $0xb8;
	[tilespmem:$0x18C00] =	vst v63  }
0x2c: {  	s1 =	simm.s32 $0x180;
	s12 =	simm.s32 $0x3C00  }
0x2d: {  	[tilespmem:s12], [sflag:$0x4] =	stream.indirect.gather [hbm4b:s5+s19], $0x20, s1, s19, $0xb8;
	[tilespmem:$0x18C00] =	vst v63  }
0x2e: {  	s13 =	simm.s32 $0x200;
	s14 =	simm.s32 $0x4C00  }
0x2f: {  	[tilespmem:s14], [sflag:$0x4] =	stream.indirect.gather [hbm4b:s5+s19], $0x20, s13, s19, $0xb8;
	[tilespmem:$0x18C00] =	vst v63  }
0x30: {  	s6 =	simm.s32 $0x280;
	s1 =	simm.s32 $0x5C00  }
0x31: {  	[tilespmem:s1], [sflag:$0x4] =	stream.indirect.gather [hbm4b:s5+s19], $0x20, s6, s19, $0xb8;
	[tilespmem:$0x18C00] =	vst v63  }
0x32: {  	s11 =	simm.s32 $0x300;
	s6 =	simm.s32 $0x6C00  }
0x33: {  	[tilespmem:s6], [sflag:$0x4] =	stream.indirect.gather [hbm4b:s5+s19], $0x20, s11, s19, $0xb8;
	[tilespmem:$0x18C00] =	vst v63  }
0x34: {  	s0 =	simm.s32 $0x380;
	s11 =	simm.s32 $0x7C00  }
0x35: {  	[tilespmem:s11], [sflag:$0x4] =	stream.indirect.gather [hbm4b:s5+s19], $0x20, s0, s19, $0xb8;
	[tilespmem:$0x18C00] =	vst v63  }
0x36: {  	s0 =	rddreg [dreg:$0x9]  }
0x37: {  	[tilespmem:s7], [sflag:$0x3] =	stream.linear.gather [hbm4b:s0+s2], $0x400, $0x38;
	[tilespmem:$0x18C00] =	vst v63  }
0x38: {  	_ =	swait.ge [sflag:s9], $0x400  }
0x39: {  	[sflag:s9] =	ssyncset.done $0x0  }
0x3a: {  	[sflag:s9] =	ssyncadd.s32 $0xFFFFFC00  }
0x3b: {  	[tilespmem:s10], [sflag:$0x5] =	stream.indirect.gather [hbm4b:s5+s19], $0x20, s17, s19, $0xb8;
	[tilespmem:$0x18C00] =	vst v63  }
0x3c: {  	_ = 	snop  }
0x3d: {  	[tilespmem:s16], [sflag:$0x5] =	stream.indirect.gather [hbm4b:s5+s19], $0x20, s4, s19, $0xb8;
	[tilespmem:$0x18C00] =	vst v63  }
0x3e: {  	s16 =	simm.s32 $0xAC00  }
0x3f: {  	[tilespmem:s16], [sflag:$0x5] =	stream.indirect.gather [hbm4b:s5+s19], $0x20, s3, s19, $0xb8;
	[tilespmem:$0x18C00] =	vst v63  }
0x40: {  	s4 =	simm.s32 $0x580;
	s16 =	simm.s32 $0xBC00  }
0x41: {  	[tilespmem:s16], [sflag:$0x5] =	stream.indirect.gather [hbm4b:s5+s19], $0x20, s4, s19, $0xb8;
	[tilespmem:$0x18C00] =	vst v63  }
0x42: {  	s4 =	simm.s32 $0x600;
	s16 =	simm.s32 $0xCC00  }
0x43: {  	[tilespmem:s16], [sflag:$0x5] =	stream.indirect.gather [hbm4b:s5+s19], $0x20, s4, s19, $0xb8;
	[tilespmem:$0x18C00] =	vst v63  }
0x44: {  	s4 =	simm.s32 $0x680;
	s16 =	simm.s32 $0xDC00  }
0x45: {  	[tilespmem:s16], [sflag:$0x5] =	stream.indirect.gather [hbm4b:s5+s19], $0x20, s4, s19, $0xb8;
	[tilespmem:$0x18C00] =	vst v63  }
0x46: {  	s4 =	simm.s32 $0x700;
	s16 =	simm.s32 $0xEC00  }
0x47: {  	[tilespmem:s16], [sflag:$0x5] =	stream.indirect.gather [hbm4b:s5+s19], $0x20, s4, s19, $0xb8;
	[tilespmem:$0x18C00] =	vst v63  }
0x48: {  	s3 =	simm.s32 $0x780;
	s4 =	simm.s32 $0xFC00  }
0x49: {  	[tilespmem:s4], [sflag:$0x5] =	stream.indirect.gather [hbm4b:s5+s19], $0x20, s3, s19, $0xb8;
	[tilespmem:$0x18C00] =	vst v63  }
0x4a: {  	_ =	swait.ge [sflag:s28], $0x1000  }
0x4b: {  	[sflag:s28] =	ssyncset.done $0x0  }
0x4c: {  	[sflag:s28] =	ssyncadd.s32 $0xFFFFF000  }
0x4d: {  	_ =	swait.ge [sflag:s28], $0x1000  }
0x4e: {  	[sflag:s28] =	ssyncset.done $0x0  }
0x4f: {  	[sflag:s28] =	ssyncadd.s32 $0xFFFFF000  }
0x50: {  	_ =	swait.ge [sflag:s28], $0x1000  }
0x51: {  	[sflag:s28] =	ssyncset.done $0x0  }
0x52: {  	[sflag:s28] =	ssyncadd.s32 $0xFFFFF000  }
0x53: {  	_ =	swait.ge [sflag:s28], $0x1000  }
0x54: {  	[sflag:s28] =	ssyncset.done $0x0  }
0x55: {  	[sflag:s28] =	ssyncadd.s32 $0xFFFFF000  }
0x56: {  	_ =	swait.ge [sflag:s28], $0x1000  }
0x57: {  	[sflag:s28] =	ssyncset.done $0x0  }
0x58: {  	[sflag:s28] =	ssyncadd.s32 $0xFFFFF000  }
0x59: {  	_ =	swait.ge [sflag:s28], $0x1000  }
0x5a: {  	[sflag:s28] =	ssyncset.done $0x0  }
0x5b: {  	[sflag:s28] =	ssyncadd.s32 $0xFFFFF000  }
0x5c: {  	_ =	swait.ge [sflag:s28], $0x1000  }
0x5d: {  	[sflag:s28] =	ssyncset.done $0x0  }
0x5e: {  	[sflag:s28] =	ssyncadd.s32 $0xFFFFF000  }
0x5f: {  	_ =	swait.ge [sflag:s28], $0x1000  }
0x60: {  	[sflag:s28] =	ssyncset.done $0x0  }
0x61: {  	s16 =	rddreg [dreg:$0xa];
	[sflag:s28] =	ssyncadd.s32 $0xFFFFF000  }
0x62: {  	[hbm4b:s16+s2] =	stream.linear.scatter [tilespmem:s20], [sflag:$0x7], $0x8000, $0x38;
	[tilespmem:$0x18C00] =	vst v63  }
0x63: {  	s3 =	rddreg [dreg:$0xb]  }
0x64: {  	[tilespmem:s2], [sflag:$0x1] =	stream.linear.gather [hbm4b:s3+s2], $0x400, $0x38;
	[tilespmem:$0x18C00] =	vst v63  }
0x65: {  	_ =	swait.ge [sflag:s29], $0x400  }
0x66: {  	[sflag:s29] =	ssyncset.done $0x0  }
0x67: {  	[sflag:s29] =	ssyncadd.s32 $0xFFFFFC00  }
0x68: {  	[tilespmem:s30], [sflag:$0x6] =	stream.indirect.gather [hbm4b:s5+s19], $0x20, s7, s19, $0xb8;
	[tilespmem:$0x18C00] =	vst v63  }
0x69: {  	s4 =	simm.s32 $0x880;
	s16 =	simm.s32 $0x11C00  }
0x6a: {  	[tilespmem:s16], [sflag:$0x6] =	stream.indirect.gather [hbm4b:s5+s19], $0x20, s4, s19, $0xb8;
	[tilespmem:$0x18C00] =	vst v63  }
0x6b: {  	s4 =	simm.s32 $0x900;
	s16 =	simm.s32 $0x12C00  }
0x6c: {  	[tilespmem:s16], [sflag:$0x6] =	stream.indirect.gather [hbm4b:s5+s19], $0x20, s4, s19, $0xb8;
	[tilespmem:$0x18C00] =	vst v63  }
0x6d: {  	s4 =	simm.s32 $0x980;
	s16 =	simm.s32 $0x13C00  }
0x6e: {  	[tilespmem:s16], [sflag:$0x6] =	stream.indirect.gather [hbm4b:s5+s19], $0x20, s4, s19, $0xb8;
	[tilespmem:$0x18C00] =	vst v63  }
0x6f: {  	s4 =	simm.s32 $0xA00;
	s16 =	simm.s32 $0x14C00  }
0x70: {  	[tilespmem:s16], [sflag:$0x6] =	stream.indirect.gather [hbm4b:s5+s19], $0x20, s4, s19, $0xb8;
	[tilespmem:$0x18C00] =	vst v63  }
0x71: {  	s0 =	simm.s32 $0xA80;
	s4 =	simm.s32 $0x15C00  }
0x72: {  	[tilespmem:s4], [sflag:$0x6] =	stream.indirect.gather [hbm4b:s5+s19], $0x20, s0, s19, $0xb8;
	[tilespmem:$0x18C00] =	vst v63  }
0x73: {  	s0 =	simm.s32 $0xB00;
	s4 =	simm.s32 $0x16C00  }
0x74: {  	[tilespmem:s4], [sflag:$0x6] =	stream.indirect.gather [hbm4b:s5+s19], $0x20, s0, s19, $0xb8;
	[tilespmem:$0x18C00] =	vst v63  }
0x75: {  	s0 =	simm.s32 $0xB80;
	s4 =	simm.s32 $0x17C00  }
0x76: {  	[tilespmem:s4], [sflag:$0x6] =	stream.indirect.gather [hbm4b:s5+s19], $0x20, s0, s19, $0xb8;
	[tilespmem:$0x18C00] =	vst v63  }
0x77: {  	_ =	swait.ge [sflag:s23], $0x1000  }
0x78: {  	[sflag:s23] =	ssyncset.done $0x0  }
0x79: {  	[sflag:s23] =	ssyncadd.s32 $0xFFFFF000  }
0x7a: {  	_ =	swait.ge [sflag:s23], $0x1000  }
0x7b: {  	[sflag:s23] =	ssyncset.done $0x0  }
0x7c: {  	[sflag:s23] =	ssyncadd.s32 $0xFFFFF000  }
0x7d: {  	_ =	swait.ge [sflag:s23], $0x1000  }
0x7e: {  	[sflag:s23] =	ssyncset.done $0x0  }
0x7f: {  	[sflag:s23] =	ssyncadd.s32 $0xFFFFF000  }
0x80: {  	_ =	swait.ge [sflag:s23], $0x1000  }
0x81: {  	[sflag:s23] =	ssyncset.done $0x0  }
0x82: {  	[sflag:s23] =	ssyncadd.s32 $0xFFFFF000  }
0x83: {  	_ =	swait.ge [sflag:s23], $0x1000  }
0x84: {  	[sflag:s23] =	ssyncset.done $0x0  }
0x85: {  	[sflag:s23] =	ssyncadd.s32 $0xFFFFF000  }
0x86: {  	_ =	swait.ge [sflag:s23], $0x1000  }
0x87: {  	[sflag:s23] =	ssyncset.done $0x0  }
0x88: {  	[sflag:s23] =	ssyncadd.s32 $0xFFFFF000  }
0x89: {  	_ =	swait.ge [sflag:s23], $0x1000  }
0x8a: {  	[sflag:s23] =	ssyncset.done $0x0  }
0x8b: {  	[sflag:s23] =	ssyncadd.s32 $0xFFFFF000  }
0x8c: {  	_ =	swait.ge [sflag:s23], $0x1000  }
0x8d: {  	[sflag:s23] =	ssyncset.done $0x0  }
0x8e: {  	s3 =	rddreg [dreg:$0xc];
	[sflag:s23] =	ssyncadd.s32 $0xFFFFF000  }
0x8f: {  	[hbm4b:s3+s2] =	stream.linear.scatter [tilespmem:s10], [sflag:$0x8], $0x8000, $0x38;
	[tilespmem:$0x18C00] =	vst v63  }
0x90: {  	s4 =	rddreg [dreg:$0xd]  }
0x91: {  	[tilespmem:s17], [sflag:$0x2] =	stream.linear.gather [hbm4b:s4+s2], $0x400, $0x38;
	[tilespmem:$0x18C00] =	vst v63  }
0x92: {  	_ =	swait.ge [sflag:s18], $0x400  }
0x93: {  	[sflag:s18] =	ssyncset.done $0x0  }
0x94: {  	[sflag:s18] =	ssyncadd.s32 $0xFFFFFC00  }
0x95: {  	_ =	swait.ge [sflag:s24], $0x8000  }
0x96: {  	[sflag:s24] =	ssyncset.done $0x0  }
0x97: {  	[sflag:s24] =	ssyncadd.s32 $0xFFFF8000  }
0x98: {  	[tilespmem:s20], [sflag:$0x4] =	stream.indirect.gather [hbm4b:s5+s19], $0x20, s2, s19, $0xb8;
	[tilespmem:$0x18C00] =	vst v63  }
0x99: {  	_ = 	snop  }
0x9a: {  	[tilespmem:s15], [sflag:$0x4] =	stream.indirect.gather [hbm4b:s5+s19], $0x20, s19, s19, $0xb8;
	[tilespmem:$0x18C00] =	vst v63  }
0x9b: {  	_ = 	snop  }
0x9c: {  	[tilespmem:s8], [sflag:$0x4] =	stream.indirect.gather [hbm4b:s5+s19], $0x20, s21, s19, $0xb8;
	[tilespmem:$0x18C00] =	vst v63  }
0x9d: {  	s15 =	simm.s32 $0x180  }
0x9e: {  	[tilespmem:s12], [sflag:$0x4] =	stream.indirect.gather [hbm4b:s5+s19], $0x20, s15, s19, $0xb8;
	[tilespmem:$0x18C00] =	vst v63  }
0x9f: {  	_ = 	snop  }
0xa0: {  	[tilespmem:s14], [sflag:$0x4] =	stream.indirect.gather [hbm4b:s5+s19], $0x20, s13, s19, $0xb8;
	[tilespmem:$0x18C00] =	vst v63  }
0xa1: {  	s21 =	simm.s32 $0x280  }
0xa2: {  	[tilespmem:s1], [sflag:$0x4] =	stream.indirect.gather [hbm4b:s5+s19], $0x20, s21, s19, $0xb8;
	[tilespmem:$0x18C00] =	vst v63  }
0xa3: {  	s1 =	simm.s32 $0x300  }
0xa4: {  	[tilespmem:s6], [sflag:$0x4] =	stream.indirect.gather [hbm4b:s5+s19], $0x20, s1, s19, $0xb8;
	[tilespmem:$0x18C00] =	vst v63  }
0xa5: {  	s6 =	simm.s32 $0x380  }
0xa6: {  	[tilespmem:s11], [sflag:$0x4] =	stream.indirect.gather [hbm4b:s5+s19], $0x20, s6, s19, $0xb8;
	[tilespmem:$0x18C00] =	vst v63  }
0xa7: {  	_ =	swait.ge [sflag:s25], $0x1000  }
0xa8: {  	[sflag:s25] =	ssyncset.done $0x0  }
0xa9: {  	[sflag:s25] =	ssyncadd.s32 $0xFFFFF000  }
0xaa: {  	_ =	swait.ge [sflag:s25], $0x1000  }
0xab: {  	[sflag:s25] =	ssyncset.done $0x0  }
0xac: {  	[sflag:s25] =	ssyncadd.s32 $0xFFFFF000  }
0xad: {  	_ =	swait.ge [sflag:s25], $0x1000  }
0xae: {  	[sflag:s25] =	ssyncset.done $0x0  }
0xaf: {  	[sflag:s25] =	ssyncadd.s32 $0xFFFFF000  }
0xb0: {  	_ =	swait.ge [sflag:s25], $0x1000  }
0xb1: {  	[sflag:s25] =	ssyncset.done $0x0  }
0xb2: {  	[sflag:s25] =	ssyncadd.s32 $0xFFFFF000  }
0xb3: {  	_ =	swait.ge [sflag:s25], $0x1000  }
0xb4: {  	[sflag:s25] =	ssyncset.done $0x0  }
0xb5: {  	[sflag:s25] =	ssyncadd.s32 $0xFFFFF000  }
0xb6: {  	_ =	swait.ge [sflag:s25], $0x1000  }
0xb7: {  	[sflag:s25] =	ssyncset.done $0x0  }
0xb8: {  	[sflag:s25] =	ssyncadd.s32 $0xFFFFF000  }
0xb9: {  	_ =	swait.ge [sflag:s25], $0x1000  }
0xba: {  	[sflag:s25] =	ssyncset.done $0x0  }
0xbb: {  	[sflag:s25] =	ssyncadd.s32 $0xFFFFF000  }
0xbc: {  	_ =	swait.ge [sflag:s25], $0x1000  }
0xbd: {  	s11 =	rddreg [dreg:$0x6];
	[sflag:s25] =	ssyncset.done $0x0  }
0xbe: {  	[sflag:s25] =	ssyncadd.s32 $0xFFFFF000;
	s0 =	sadd.s32 $0x0, s11  }
0xbf: {  	[hbm4b:s0+s2] =	stream.linear.scatter [tilespmem:s30], [sflag:$0x9], $0x8000, $0x38;
	[tilespmem:$0x18C00] =	vst v63  }
0xc0: {  	s11 =	rddreg [dreg:$0x12]  }
0xc1: {  	[tilespmem:s7], [sflag:$0x3] =	stream.linear.gather [hbm4b:s11+s2], $0x400, $0x38;
	[tilespmem:$0x18C00] =	vst v63  }
0xc2: {  	_ =	swait.ge [sflag:s9], $0x400  }
0xc3: {  	[sflag:s9] =	ssyncset.done $0x0  }
0xc4: {  	[sflag:s9] =	ssyncadd.s32 $0xFFFFFC00  }
0xc5: {  	_ =	swait.ge [sflag:s26], $0x8000  }
0xc6: {  	[sflag:s26] =	ssyncset.done $0x0  }
0xc7: {  	[sflag:s26] =	ssyncadd.s32 $0xFFFF8000  }
0xc8: {  	[tilespmem:s10], [sflag:$0x5] =	stream.indirect.gather [hbm4b:s5+s19], $0x20, s17, s19, $0xb8;
	[tilespmem:$0x18C00] =	vst v63  }
0xc9: {  	s3 =	simm.s32 $0x480;
	s4 =	simm.s32 $0x9C00  }
0xca: {  	[tilespmem:s4], [sflag:$0x5] =	stream.indirect.gather [hbm4b:s5+s19], $0x20, s3, s19, $0xb8;
	[tilespmem:$0x18C00] =	vst v63  }
0xcb: {  	s8 =	simm.s32 $0x500;
	s12 =	simm.s32 $0xAC00  }
0xcc: {  	[tilespmem:s12], [sflag:$0x5] =	stream.indirect.gather [hbm4b:s5+s19], $0x20, s8, s19, $0xb8;
	[tilespmem:$0x18C00] =	vst v63  }
0xcd: {  	s13 =	simm.s32 $0x580;
	s14 =	simm.s32 $0xBC00  }
0xce: {  	[tilespmem:s14], [sflag:$0x5] =	stream.indirect.gather [hbm4b:s5+s19], $0x20, s13, s19, $0xb8;
	[tilespmem:$0x18C00] =	vst v63  }
0xcf: {  	s15 =	simm.s32 $0x600;
	s21 =	simm.s32 $0xCC00  }
0xd0: {  	[tilespmem:s21], [sflag:$0x5] =	stream.indirect.gather [hbm4b:s5+s19], $0x20, s15, s19, $0xb8;
	[tilespmem:$0x18C00] =	vst v63  }
0xd1: {  	s3 =	simm.s32 $0x680;
	s4 =	simm.s32 $0xDC00  }
0xd2: {  	[tilespmem:s4], [sflag:$0x5] =	stream.indirect.gather [hbm4b:s5+s19], $0x20, s3, s19, $0xb8;
	[tilespmem:$0x18C00] =	vst v63  }
0xd3: {  	s6 =	simm.s32 $0x700;
	s8 =	simm.s32 $0xEC00  }
0xd4: {  	[tilespmem:s8], [sflag:$0x5] =	stream.indirect.gather [hbm4b:s5+s19], $0x20, s6, s19, $0xb8;
	[tilespmem:$0x18C00] =	vst v63  }
0xd5: {  	s12 =	simm.s32 $0x780;
	s13 =	simm.s32 $0xFC00  }
0xd6: {  	[tilespmem:s13], [sflag:$0x5] =	stream.indirect.gather [hbm4b:s5+s19], $0x20, s12, s19, $0xb8;
	[tilespmem:$0x18C00] =	vst v63  }
0xd7: {  	_ =	swait.ge [sflag:s28], $0x1000  }
0xd8: {  	[sflag:s28] =	ssyncset.done $0x0  }
0xd9: {  	[sflag:s28] =	ssyncadd.s32 $0xFFFFF000  }
0xda: {  	_ =	swait.ge [sflag:s28], $0x1000  }
0xdb: {  	[sflag:s28] =	ssyncset.done $0x0  }
0xdc: {  	[sflag:s28] =	ssyncadd.s32 $0xFFFFF000  }
0xdd: {  	_ =	swait.ge [sflag:s28], $0x1000  }
0xde: {  	[sflag:s28] =	ssyncset.done $0x0  }
0xdf: {  	[sflag:s28] =	ssyncadd.s32 $0xFFFFF000  }
0xe0: {  	_ =	swait.ge [sflag:s28], $0x1000  }
0xe1: {  	[sflag:s28] =	ssyncset.done $0x0  }
0xe2: {  	[sflag:s28] =	ssyncadd.s32 $0xFFFFF000  }
0xe3: {  	_ =	swait.ge [sflag:s28], $0x1000  }
0xe4: {  	[sflag:s28] =	ssyncset.done $0x0  }
0xe5: {  	[sflag:s28] =	ssyncadd.s32 $0xFFFFF000  }
0xe6: {  	_ =	swait.ge [sflag:s28], $0x1000  }
0xe7: {  	[sflag:s28] =	ssyncset.done $0x0  }
0xe8: {  	[sflag:s28] =	ssyncadd.s32 $0xFFFFF000  }
0xe9: {  	_ =	swait.ge [sflag:s28], $0x1000  }
0xea: {  	[sflag:s28] =	ssyncset.done $0x0  }
0xeb: {  	[sflag:s28] =	ssyncadd.s32 $0xFFFFF000  }
0xec: {  	_ =	swait.ge [sflag:s28], $0x1000  }
0xed: {  	s14 =	rddreg [dreg:$0x5];
	[sflag:s28] =	ssyncset.done $0x0  }
0xee: {  	[sflag:s28] =	ssyncadd.s32 $0xFFFFF000;
	s0 =	sadd.s32 $0x0, s14  }
0xef: {  	[hbm4b:s0+s2] =	stream.linear.scatter [tilespmem:s20], [sflag:$0x7], $0x8000, $0x38;
	[tilespmem:$0x18C00] =	vst v63  }
0xf0: {  	s8 =	rddreg [dreg:$0x11]  }
0xf1: {  	[tilespmem:s2], [sflag:$0x1] =	stream.linear.gather [hbm4b:s8+s2], $0x400, $0x38;
	[tilespmem:$0x18C00] =	vst v63  }
0xf2: {  	_ =	swait.ge [sflag:s29], $0x400  }
0xf3: {  	[sflag:s29] =	ssyncset.done $0x0  }
0xf4: {  	[sflag:s29] =	ssyncadd.s32 $0xFFFFFC00  }
0xf5: {  	_ =	swait.ge [sflag:s31], $0x8000  }
0xf6: {  	[sflag:s31] =	ssyncset.done $0x0  }
0xf7: {  	[sflag:s31] =	ssyncadd.s32 $0xFFFF8000  }
0xf8: {  	[tilespmem:s30], [sflag:$0x6] =	stream.indirect.gather [hbm4b:s5+s19], $0x20, s7, s19, $0xb8;
	[tilespmem:$0x18C00] =	vst v63  }
0xf9: {  	s15 =	simm.s32 $0x880;
	s21 =	simm.s32 $0x11C00  }
0xfa: {  	[tilespmem:s21], [sflag:$0x6] =	stream.indirect.gather [hbm4b:s5+s19], $0x20, s15, s19, $0xb8;
	[tilespmem:$0x18C00] =	vst v63  }
0xfb: {  	s1 =	simm.s32 $0x900;
	s3 =	simm.s32 $0x12C00  }
0xfc: {  	[tilespmem:s3], [sflag:$0x6] =	stream.indirect.gather [hbm4b:s5+s19], $0x20, s1, s19, $0xb8;
	[tilespmem:$0x18C00] =	vst v63  }
0xfd: {  	s4 =	simm.s32 $0x980;
	s6 =	simm.s32 $0x13C00  }
0xfe: {  	[tilespmem:s6], [sflag:$0x6] =	stream.indirect.gather [hbm4b:s5+s19], $0x20, s4, s19, $0xb8;
	[tilespmem:$0x18C00] =	vst v63  }
0xff: {  	s12 =	simm.s32 $0xA00  }
0x100: {  	[tilespmem:s16], [sflag:$0x6] =	stream.indirect.gather [hbm4b:s5+s19], $0x20, s12, s19, $0xb8;
	[tilespmem:$0x18C00] =	vst v63  }
0x101: {  	s13 =	simm.s32 $0x15C00;
	s14 =	simm.s32 $0xA80  }
0x102: {  	[tilespmem:s13], [sflag:$0x6] =	stream.indirect.gather [hbm4b:s5+s19], $0x20, s14, s19, $0xb8;
	[tilespmem:$0x18C00] =	vst v63  }
0x103: {  	s15 =	simm.s32 $0x16C00;
	s21 =	simm.s32 $0xB00  }
0x104: {  	[tilespmem:s15], [sflag:$0x6] =	stream.indirect.gather [hbm4b:s5+s19], $0x20, s21, s19, $0xb8;
	[tilespmem:$0x18C00] =	vst v63  }
0x105: {  	s1 =	simm.s32 $0xB80;
	s6 =	simm.s32 $0x17C00  }
0x106: {  	[tilespmem:s6], [sflag:$0x6] =	stream.indirect.gather [hbm4b:s5+s19], $0x20, s1, s19, $0xb8;
	[tilespmem:$0x18C00] =	vst v63  }
0x107: {  	_ =	swait.ge [sflag:s23], $0x1000  }
0x108: {  	[sflag:s23] =	ssyncset.done $0x0  }
0x109: {  	[sflag:s23] =	ssyncadd.s32 $0xFFFFF000  }
0x10a: {  	_ =	swait.ge [sflag:s23], $0x1000  }
0x10b: {  	[sflag:s23] =	ssyncset.done $0x0  }
0x10c: {  	[sflag:s23] =	ssyncadd.s32 $0xFFFFF000  }
0x10d: {  	_ =	swait.ge [sflag:s23], $0x1000  }
0x10e: {  	[sflag:s23] =	ssyncset.done $0x0  }
0x10f: {  	[sflag:s23] =	ssyncadd.s32 $0xFFFFF000  }
0x110: {  	_ =	swait.ge [sflag:s23], $0x1000  }
0x111: {  	[sflag:s23] =	ssyncset.done $0x0  }
0x112: {  	[sflag:s23] =	ssyncadd.s32 $0xFFFFF000  }
0x113: {  	_ =	swait.ge [sflag:s23], $0x1000  }
0x114: {  	[sflag:s23] =	ssyncset.done $0x0  }
0x115: {  	[sflag:s23] =	ssyncadd.s32 $0xFFFFF000  }
0x116: {  	_ =	swait.ge [sflag:s23], $0x1000  }
0x117: {  	[sflag:s23] =	ssyncset.done $0x0  }
0x118: {  	[sflag:s23] =	ssyncadd.s32 $0xFFFFF000  }
0x119: {  	s3 =	simm.s32 $0xB00;
	_ =	swait.ge [sflag:s23], $0x1000  }
0x11a: {  	s4 =	simm.s32 $0x16C00;
	s16 =	simm.s32 $0x15C00;
	[sflag:s23] =	ssyncset.done $0x0  }
0x11b: {  	s14 =	smin.u32 s2, $0x5C;
	s15 =	simm.s32 $0xB80;
	[sflag:s23] =	ssyncadd.s32 $0xFFFFF000  }
0x11c: {  	s21 =	simm.s32 $0x17C00;
	s6 =	sshll.u32 s14, $0xA;
	_ =	swait.ge [sflag:s23], $0x1000  }
0x11d: {  	s1 =	simm.s32 $0x3;
	s12 =	rddreg [dreg:$0x4];
	[sflag:s23] =	ssyncset.done $0x0  }
0x11e: {  	s13 =	rddreg [dreg:$0x3];
	[sflag:s23] =	ssyncadd.s32 $0xFFFFF000;
	s0 =	sadd.s32 $0x0, s12  }
0x11f: {  	[hbm4b:s0+s2] =	stream.linear.scatter [tilespmem:s10], [sflag:$0x8], $0x8000, $0x38;
	[tilespmem:$0x18C00] =	vst v63  }
0x120: {  	s12 =	sadd.s32 s6, s13;
	s6 =	smov.u32 s8;
	s0 =	simm.s32 $0x3000  }
.LBB2_2:
0x121: {  	s13 =	sshrl.u32 s12, $0x3  }
0x122: {  	s13 =	sadd.s32 s22, s13  }
0x123: {  	[tilespmem:s17], [sflag:$0x2] =	stream.linear.gather [hbm4b:s13+s2], $0x400, $0x38;
	[tilespmem:$0x18C00] =	vst v63  }
0x124: {  	_ =	swait.ge [sflag:s18], $0x400  }
0x125: {  	[sflag:s18] =	ssyncset.done $0x0  }
0x126: {  	[sflag:s18] =	ssyncadd.s32 $0xFFFFFC00  }
0x127: {  	_ =	swait.ge [sflag:s24], $0x8000  }
0x128: {  	[sflag:s24] =	ssyncset.done $0x0  }
0x129: {  	[sflag:s24] =	ssyncadd.s32 $0xFFFF8000  }
0x12a: {  	[tilespmem:s20], [sflag:$0x4] =	stream.indirect.gather [hbm4b:s5+s19], $0x20, s2, s19, $0xb8;
	[tilespmem:$0x18C00] =	vst v63  }
0x12b: {  	s8 =	simm.s32 $0x1C00  }
0x12c: {  	[tilespmem:s8], [sflag:$0x4] =	stream.indirect.gather [hbm4b:s5+s19], $0x20, s19, s19, $0xb8;
	[tilespmem:$0x18C00] =	vst v63  }
0x12d: {  	s14 =	simm.s32 $0x2C00;
	s13 =	simm.s32 $0x100  }
0x12e: {  	[tilespmem:s14], [sflag:$0x4] =	stream.indirect.gather [hbm4b:s5+s19], $0x20, s13, s19, $0xb8;
	[tilespmem:$0x18C00] =	vst v63  }
0x12f: {  	s13 =	simm.s32 $0x180;
	s14 =	simm.s32 $0x3C00  }
0x130: {  	[tilespmem:s14], [sflag:$0x4] =	stream.indirect.gather [hbm4b:s5+s19], $0x20, s13, s19, $0xb8;
	[tilespmem:$0x18C00] =	vst v63  }
0x131: {  	s13 =	simm.s32 $0x200;
	s14 =	simm.s32 $0x4C00  }
0x132: {  	[tilespmem:s14], [sflag:$0x4] =	stream.indirect.gather [hbm4b:s5+s19], $0x20, s13, s19, $0xb8;
	[tilespmem:$0x18C00] =	vst v63  }
0x133: {  	s13 =	simm.s32 $0x280;
	s14 =	simm.s32 $0x5C00  }
0x134: {  	[tilespmem:s14], [sflag:$0x4] =	stream.indirect.gather [hbm4b:s5+s19], $0x20, s13, s19, $0xb8;
	[tilespmem:$0x18C00] =	vst v63  }
0x135: {  	s13 =	simm.s32 $0x300;
	s14 =	simm.s32 $0x6C00  }
0x136: {  	[tilespmem:s14], [sflag:$0x4] =	stream.indirect.gather [hbm4b:s5+s19], $0x20, s13, s19, $0xb8;
	[tilespmem:$0x18C00] =	vst v63  }
0x137: {  	s13 =	simm.s32 $0x380;
	s14 =	simm.s32 $0x7C00  }
0x138: {  	[tilespmem:s14], [sflag:$0x4] =	stream.indirect.gather [hbm4b:s5+s19], $0x20, s13, s19, $0xb8;
	[tilespmem:$0x18C00] =	vst v63  }
0x139: {  	_ =	swait.ge [sflag:s25], $0x1000  }
0x13a: {  	[sflag:s25] =	ssyncset.done $0x0  }
0x13b: {  	[sflag:s25] =	ssyncadd.s32 $0xFFFFF000  }
0x13c: {  	_ =	swait.ge [sflag:s25], $0x1000  }
0x13d: {  	[sflag:s25] =	ssyncset.done $0x0  }
0x13e: {  	[sflag:s25] =	ssyncadd.s32 $0xFFFFF000  }
0x13f: {  	_ =	swait.ge [sflag:s25], $0x1000  }
0x140: {  	[sflag:s25] =	ssyncset.done $0x0  }
0x141: {  	[sflag:s25] =	ssyncadd.s32 $0xFFFFF000  }
0x142: {  	_ =	swait.ge [sflag:s25], $0x1000  }
0x143: {  	[sflag:s25] =	ssyncset.done $0x0  }
0x144: {  	[sflag:s25] =	ssyncadd.s32 $0xFFFFF000  }
0x145: {  	_ =	swait.ge [sflag:s25], $0x1000  }
0x146: {  	[sflag:s25] =	ssyncset.done $0x0  }
0x147: {  	[sflag:s25] =	ssyncadd.s32 $0xFFFFF000  }
0x148: {  	_ =	swait.ge [sflag:s25], $0x1000  }
0x149: {  	[sflag:s25] =	ssyncset.done $0x0  }
0x14a: {  	[sflag:s25] =	ssyncadd.s32 $0xFFFFF000  }
0x14b: {  	_ =	swait.ge [sflag:s25], $0x1000  }
0x14c: {  	[sflag:s25] =	ssyncset.done $0x0  }
0x14d: {  	[sflag:s25] =	ssyncadd.s32 $0xFFFFF000  }
0x14e: {  	_ =	swait.ge [sflag:s25], $0x1000  }
0x14f: {  	s12 =	smov.u32 s0;
	s8 =	rddreg [dreg:$0x6];
	[sflag:s25] =	ssyncset.done $0x0  }
0x150: {  	[sflag:s25] =	ssyncadd.s32 $0xFFFFF000;
	s13 =	sadd.s32 s12, s8  }
0x151: {  	[hbm4b:s13+s2] =	stream.linear.scatter [tilespmem:s30], [sflag:$0x9], $0x8000, $0x38;
	[tilespmem:$0x18C00] =	vst v63  }
0x152: {  	s11 =	sadd.s32 $0x180, s11  }
0x153: {  	[tilespmem:s7], [sflag:$0x3] =	stream.linear.gather [hbm4b:s11+s2], $0x400, $0x38;
	[tilespmem:$0x18C00] =	vst v63  }
0x154: {  	_ =	swait.ge [sflag:s9], $0x400  }
0x155: {  	[sflag:s9] =	ssyncset.done $0x0  }
0x156: {  	[sflag:s9] =	ssyncadd.s32 $0xFFFFFC00  }
0x157: {  	_ =	swait.ge [sflag:s26], $0x8000  }
0x158: {  	[sflag:s26] =	ssyncset.done $0x0  }
0x159: {  	[sflag:s26] =	ssyncadd.s32 $0xFFFF8000  }
0x15a: {  	[tilespmem:s10], [sflag:$0x5] =	stream.indirect.gather [hbm4b:s5+s19], $0x20, s17, s19, $0xb8;
	[tilespmem:$0x18C00] =	vst v63  }
0x15b: {  	s14 =	simm.s32 $0x9C00;
	s13 =	simm.s32 $0x480  }
0x15c: {  	[tilespmem:s14], [sflag:$0x5] =	stream.indirect.gather [hbm4b:s5+s19], $0x20, s13, s19, $0xb8;
	[tilespmem:$0x18C00] =	vst v63  }
0x15d: {  	s13 =	simm.s32 $0xAC00;
	s14 =	simm.s32 $0x500  }
0x15e: {  	[tilespmem:s13], [sflag:$0x5] =	stream.indirect.gather [hbm4b:s5+s19], $0x20, s14, s19, $0xb8;
	[tilespmem:$0x18C00] =	vst v63  }
0x15f: {  	s13 =	simm.s32 $0x580;
	s14 =	simm.s32 $0xBC00  }
0x160: {  	[tilespmem:s14], [sflag:$0x5] =	stream.indirect.gather [hbm4b:s5+s19], $0x20, s13, s19, $0xb8;
	[tilespmem:$0x18C00] =	vst v63  }
0x161: {  	s13 =	simm.s32 $0x600;
	s14 =	simm.s32 $0xCC00  }
0x162: {  	[tilespmem:s14], [sflag:$0x5] =	stream.indirect.gather [hbm4b:s5+s19], $0x20, s13, s19, $0xb8;
	[tilespmem:$0x18C00] =	vst v63  }
0x163: {  	s13 =	simm.s32 $0x680;
	s14 =	simm.s32 $0xDC00  }
0x164: {  	[tilespmem:s14], [sflag:$0x5] =	stream.indirect.gather [hbm4b:s5+s19], $0x20, s13, s19, $0xb8;
	[tilespmem:$0x18C00] =	vst v63  }
0x165: {  	s13 =	simm.s32 $0x700;
	s14 =	simm.s32 $0xEC00  }
0x166: {  	[tilespmem:s14], [sflag:$0x5] =	stream.indirect.gather [hbm4b:s5+s19], $0x20, s13, s19, $0xb8;
	[tilespmem:$0x18C00] =	vst v63  }
0x167: {  	s13 =	simm.s32 $0x780;
	s14 =	simm.s32 $0xFC00  }
0x168: {  	[tilespmem:s14], [sflag:$0x5] =	stream.indirect.gather [hbm4b:s5+s19], $0x20, s13, s19, $0xb8;
	[tilespmem:$0x18C00] =	vst v63  }
0x169: {  	_ =	swait.ge [sflag:s28], $0x1000  }
0x16a: {  	[sflag:s28] =	ssyncset.done $0x0  }
0x16b: {  	[sflag:s28] =	ssyncadd.s32 $0xFFFFF000  }
0x16c: {  	_ =	swait.ge [sflag:s28], $0x1000  }
0x16d: {  	[sflag:s28] =	ssyncset.done $0x0  }
0x16e: {  	[sflag:s28] =	ssyncadd.s32 $0xFFFFF000  }
0x16f: {  	_ =	swait.ge [sflag:s28], $0x1000  }
0x170: {  	[sflag:s28] =	ssyncset.done $0x0  }
0x171: {  	[sflag:s28] =	ssyncadd.s32 $0xFFFFF000  }
0x172: {  	_ =	swait.ge [sflag:s28], $0x1000  }
0x173: {  	[sflag:s28] =	ssyncset.done $0x0  }
0x174: {  	[sflag:s28] =	ssyncadd.s32 $0xFFFFF000  }
0x175: {  	_ =	swait.ge [sflag:s28], $0x1000  }
0x176: {  	[sflag:s28] =	ssyncset.done $0x0  }
0x177: {  	[sflag:s28] =	ssyncadd.s32 $0xFFFFF000  }
0x178: {  	_ =	swait.ge [sflag:s28], $0x1000  }
0x179: {  	[sflag:s28] =	ssyncset.done $0x0  }
0x17a: {  	[sflag:s28] =	ssyncadd.s32 $0xFFFFF000  }
0x17b: {  	_ =	swait.ge [sflag:s28], $0x1000  }
0x17c: {  	[sflag:s28] =	ssyncset.done $0x0  }
0x17d: {  	[sflag:s28] =	ssyncadd.s32 $0xFFFFF000  }
0x17e: {  	_ =	swait.ge [sflag:s28], $0x1000  }
0x17f: {  	s8 =	rddreg [dreg:$0x5];
	[sflag:s28] =	ssyncset.done $0x0  }
0x180: {  	[sflag:s28] =	ssyncadd.s32 $0xFFFFF000;
	s13 =	sadd.s32 s12, s8  }
0x181: {  	[hbm4b:s13+s2] =	stream.linear.scatter [tilespmem:s20], [sflag:$0x7], $0x8000, $0x38;
	[tilespmem:$0x18C00] =	vst v63  }
0x182: {  	s6 =	sadd.s32 $0x180, s6  }
0x183: {  	[tilespmem:s2], [sflag:$0x1] =	stream.linear.gather [hbm4b:s6+s2], $0x400, $0x38;
	[tilespmem:$0x18C00] =	vst v63  }
0x184: {  	_ =	swait.ge [sflag:s29], $0x400  }
0x185: {  	[sflag:s29] =	ssyncset.done $0x0  }
0x186: {  	[sflag:s29] =	ssyncadd.s32 $0xFFFFFC00  }
0x187: {  	_ =	swait.ge [sflag:s31], $0x8000  }
0x188: {  	[sflag:s31] =	ssyncset.done $0x0  }
0x189: {  	[sflag:s31] =	ssyncadd.s32 $0xFFFF8000  }
0x18a: {  	[tilespmem:s30], [sflag:$0x6] =	stream.indirect.gather [hbm4b:s5+s19], $0x20, s7, s19, $0xb8;
	[tilespmem:$0x18C00] =	vst v63  }
0x18b: {  	s14 =	simm.s32 $0x11C00;
	s13 =	simm.s32 $0x880  }
0x18c: {  	[tilespmem:s14], [sflag:$0x6] =	stream.indirect.gather [hbm4b:s5+s19], $0x20, s13, s19, $0xb8;
	[tilespmem:$0x18C00] =	vst v63  }
0x18d: {  	s13 =	simm.s32 $0x900;
	s14 =	simm.s32 $0x12C00  }
0x18e: {  	[tilespmem:s14], [sflag:$0x6] =	stream.indirect.gather [hbm4b:s5+s19], $0x20, s13, s19, $0xb8;
	[tilespmem:$0x18C00] =	vst v63  }
0x18f: {  	s13 =	simm.s32 $0x980;
	s14 =	simm.s32 $0x13C00  }
0x190: {  	[tilespmem:s14], [sflag:$0x6] =	stream.indirect.gather [hbm4b:s5+s19], $0x20, s13, s19, $0xb8;
	[tilespmem:$0x18C00] =	vst v63  }
0x191: {  	s13 =	simm.s32 $0xA00;
	s14 =	simm.s32 $0x14C00  }
0x192: {  	[tilespmem:s14], [sflag:$0x6] =	stream.indirect.gather [hbm4b:s5+s19], $0x20, s13, s19, $0xb8;
	[tilespmem:$0x18C00] =	vst v63  }
0x193: {  	s14 =	simm.s32 $0xA80  }
0x194: {  	[tilespmem:s16], [sflag:$0x6] =	stream.indirect.gather [hbm4b:s5+s19], $0x20, s14, s19, $0xb8;
	[tilespmem:$0x18C00] =	vst v63  }
0x195: {  	_ = 	snop  }
0x196: {  	[tilespmem:s4], [sflag:$0x6] =	stream.indirect.gather [hbm4b:s5+s19], $0x20, s3, s19, $0xb8;
	[tilespmem:$0x18C00] =	vst v63  }
0x197: {  	_ = 	snop  }
0x198: {  	[tilespmem:s21], [sflag:$0x6] =	stream.indirect.gather [hbm4b:s5+s19], $0x20, s15, s19, $0xb8;
	[tilespmem:$0x18C00] =	vst v63  }
0x199: {  	_ =	swait.ge [sflag:s23], $0x1000  }
0x19a: {  	[sflag:s23] =	ssyncset.done $0x0  }
0x19b: {  	[sflag:s23] =	ssyncadd.s32 $0xFFFFF000  }
0x19c: {  	_ =	swait.ge [sflag:s23], $0x1000  }
0x19d: {  	[sflag:s23] =	ssyncset.done $0x0  }
0x19e: {  	[sflag:s23] =	ssyncadd.s32 $0xFFFFF000  }
0x19f: {  	_ =	swait.ge [sflag:s23], $0x1000  }
0x1a0: {  	[sflag:s23] =	ssyncset.done $0x0  }
0x1a1: {  	[sflag:s23] =	ssyncadd.s32 $0xFFFFF000  }
0x1a2: {  	_ =	swait.ge [sflag:s23], $0x1000  }
0x1a3: {  	[sflag:s23] =	ssyncset.done $0x0  }
0x1a4: {  	[sflag:s23] =	ssyncadd.s32 $0xFFFFF000  }
0x1a5: {  	_ =	swait.ge [sflag:s23], $0x1000  }
0x1a6: {  	[sflag:s23] =	ssyncset.done $0x0  }
0x1a7: {  	[sflag:s23] =	ssyncadd.s32 $0xFFFFF000  }
0x1a8: {  	_ =	swait.ge [sflag:s23], $0x1000  }
0x1a9: {  	[sflag:s23] =	ssyncset.done $0x0  }
0x1aa: {  	[sflag:s23] =	ssyncadd.s32 $0xFFFFF000  }
0x1ab: {  	_ =	swait.ge [sflag:s23], $0x1000  }
0x1ac: {  	[sflag:s23] =	ssyncset.done $0x0  }
0x1ad: {  	p0 =	sne.s32 s0, $0x5D000;
	[sflag:s23] =	ssyncadd.s32 $0xFFFFF000  }
.Ltmp0:
0x1ae: {  	s8 =	smin.u32 s1, $0x5C;
	_ =	swait.ge [sflag:s23], $0x1000;
	(pc) =	sbr.rel @p0 .LBB2_2-.Ltmp0, $4  }
0x1af: {  	s8 =	sshll.u32 s8, $0xA;
	s13 =	rddreg [dreg:$0x4];
	[sflag:s23] =	ssyncset.done $0x0  }
0x1b0: {  	s14 =	rddreg [dreg:$0x3];
	[sflag:s23] =	ssyncadd.s32 $0xFFFFF000;
	s12 =	sadd.s32 s12, s13  }
0x1b1: {  	[hbm4b:s12+s2] =	stream.linear.scatter [tilespmem:s10], [sflag:$0x8], $0x8000, $0x38;
	[tilespmem:$0x18C00] =	vst v63  }
0x1b2: {  	s0 =	sadd.s32 $0x3000, s0;
	s1 =	sadd.s32 $0x3, s1;
	s12 =	sadd.s32 s8, s14  }
0x1b3: {  	s0 =	sshrl.u32 s12, $0x3  }
0x1b4: {  	s0 =	sadd.s32 s22, s0  }
0x1b5: {  	[tilespmem:s17], [sflag:$0x2] =	stream.linear.gather [hbm4b:s0+s2], $0x400, $0x38;
	[tilespmem:$0x18C00] =	vst v63  }
0x1b6: {  	_ =	swait.ge [sflag:s18], $0x400  }
0x1b7: {  	[sflag:s18] =	ssyncset.done $0x0  }
0x1b8: {  	[sflag:s18] =	ssyncadd.s32 $0xFFFFFC00  }
0x1b9: {  	_ =	swait.ge [sflag:s24], $0x8000  }
0x1ba: {  	[sflag:s24] =	ssyncset.done $0x0  }
0x1bb: {  	[sflag:s24] =	ssyncadd.s32 $0xFFFF8000  }
0x1bc: {  	[tilespmem:s20], [sflag:$0x4] =	stream.indirect.gather [hbm4b:s5+s19], $0x20, s2, s19, $0xb8;
	[tilespmem:$0x18C00] =	vst v63  }
0x1bd: {  	s14 =	simm.s32 $0x1C00  }
0x1be: {  	[tilespmem:s14], [sflag:$0x4] =	stream.indirect.gather [hbm4b:s5+s19], $0x20, s19, s19, $0xb8;
	[tilespmem:$0x18C00] =	vst v63  }
0x1bf: {  	s15 =	simm.s32 $0x100;
	s1 =	simm.s32 $0x2C00  }
0x1c0: {  	[tilespmem:s1], [sflag:$0x4] =	stream.indirect.gather [hbm4b:s5+s19], $0x20, s15, s19, $0xb8;
	[tilespmem:$0x18C00] =	vst v63  }
0x1c1: {  	s16 =	simm.s32 $0x180;
	s21 =	simm.s32 $0x3C00  }
0x1c2: {  	[tilespmem:s21], [sflag:$0x4] =	stream.indirect.gather [hbm4b:s5+s19], $0x20, s16, s19, $0xb8;
	[tilespmem:$0x18C00] =	vst v63  }
0x1c3: {  	s3 =	simm.s32 $0x4C00;
	s1 =	simm.s32 $0x200  }
0x1c4: {  	[tilespmem:s3], [sflag:$0x4] =	stream.indirect.gather [hbm4b:s5+s19], $0x20, s1, s19, $0xb8;
	[tilespmem:$0x18C00] =	vst v63  }
0x1c5: {  	s4 =	simm.s32 $0x280;
	s6 =	simm.s32 $0x5C00  }
0x1c6: {  	[tilespmem:s6], [sflag:$0x4] =	stream.indirect.gather [hbm4b:s5+s19], $0x20, s4, s19, $0xb8;
	[tilespmem:$0x18C00] =	vst v63  }
0x1c7: {  	s8 =	simm.s32 $0x300;
	s11 =	simm.s32 $0x6C00  }
0x1c8: {  	[tilespmem:s11], [sflag:$0x4] =	stream.indirect.gather [hbm4b:s5+s19], $0x20, s8, s19, $0xb8;
	[tilespmem:$0x18C00] =	vst v63  }
0x1c9: {  	s12 =	simm.s32 $0x380;
	s13 =	simm.s32 $0x7C00  }
0x1ca: {  	[tilespmem:s13], [sflag:$0x4] =	stream.indirect.gather [hbm4b:s5+s19], $0x20, s12, s19, $0xb8;
	[tilespmem:$0x18C00] =	vst v63  }
0x1cb: {  	_ =	swait.ge [sflag:s25], $0x1000  }
0x1cc: {  	[sflag:s25] =	ssyncset.done $0x0  }
0x1cd: {  	[sflag:s25] =	ssyncadd.s32 $0xFFFFF000  }
0x1ce: {  	_ =	swait.ge [sflag:s25], $0x1000  }
0x1cf: {  	[sflag:s25] =	ssyncset.done $0x0  }
0x1d0: {  	[sflag:s25] =	ssyncadd.s32 $0xFFFFF000  }
0x1d1: {  	_ =	swait.ge [sflag:s25], $0x1000  }
0x1d2: {  	[sflag:s25] =	ssyncset.done $0x0  }
0x1d3: {  	[sflag:s25] =	ssyncadd.s32 $0xFFFFF000  }
0x1d4: {  	_ =	swait.ge [sflag:s25], $0x1000  }
0x1d5: {  	[sflag:s25] =	ssyncset.done $0x0  }
0x1d6: {  	[sflag:s25] =	ssyncadd.s32 $0xFFFFF000  }
0x1d7: {  	_ =	swait.ge [sflag:s25], $0x1000  }
0x1d8: {  	[sflag:s25] =	ssyncset.done $0x0  }
0x1d9: {  	[sflag:s25] =	ssyncadd.s32 $0xFFFFF000  }
0x1da: {  	_ =	swait.ge [sflag:s25], $0x1000  }
0x1db: {  	[sflag:s25] =	ssyncset.done $0x0  }
0x1dc: {  	[sflag:s25] =	ssyncadd.s32 $0xFFFFF000  }
0x1dd: {  	_ =	swait.ge [sflag:s25], $0x1000  }
0x1de: {  	[sflag:s25] =	ssyncset.done $0x0  }
0x1df: {  	[sflag:s25] =	ssyncadd.s32 $0xFFFFF000  }
0x1e0: {  	_ =	swait.ge [sflag:s25], $0x1000  }
0x1e1: {  	[sflag:s25] =	ssyncset.done $0x0  }
0x1e2: {  	s14 =	rddreg [dreg:$0xe];
	[sflag:s25] =	ssyncadd.s32 $0xFFFFF000  }
0x1e3: {  	[hbm4b:s14+s2] =	stream.linear.scatter [tilespmem:s30], [sflag:$0x9], $0x8000, $0x38;
	[tilespmem:$0x18C00] =	vst v63  }
0x1e4: {  	_ =	swait.ge [sflag:s28], $0x1000  }
0x1e5: {  	[sflag:s28] =	ssyncset.done $0x0  }
0x1e6: {  	[sflag:s28] =	ssyncadd.s32 $0xFFFFF000  }
0x1e7: {  	_ =	swait.ge [sflag:s28], $0x1000  }
0x1e8: {  	[sflag:s28] =	ssyncset.done $0x0  }
0x1e9: {  	[sflag:s28] =	ssyncadd.s32 $0xFFFFF000  }
0x1ea: {  	_ =	swait.ge [sflag:s28], $0x1000  }
0x1eb: {  	[sflag:s28] =	ssyncset.done $0x0  }
0x1ec: {  	[sflag:s28] =	ssyncadd.s32 $0xFFFFF000  }
0x1ed: {  	_ =	swait.ge [sflag:s28], $0x1000  }
0x1ee: {  	[sflag:s28] =	ssyncset.done $0x0  }
0x1ef: {  	[sflag:s28] =	ssyncadd.s32 $0xFFFFF000  }
0x1f0: {  	_ =	swait.ge [sflag:s28], $0x1000  }
0x1f1: {  	[sflag:s28] =	ssyncset.done $0x0  }
0x1f2: {  	[sflag:s28] =	ssyncadd.s32 $0xFFFFF000  }
0x1f3: {  	_ =	swait.ge [sflag:s28], $0x1000  }
0x1f4: {  	[sflag:s28] =	ssyncset.done $0x0  }
0x1f5: {  	[sflag:s28] =	ssyncadd.s32 $0xFFFFF000  }
0x1f6: {  	_ =	swait.ge [sflag:s28], $0x1000  }
0x1f7: {  	[sflag:s28] =	ssyncset.done $0x0  }
0x1f8: {  	[sflag:s28] =	ssyncadd.s32 $0xFFFFF000  }
0x1f9: {  	_ =	swait.ge [sflag:s28], $0x1000  }
0x1fa: {  	[sflag:s28] =	ssyncset.done $0x0  }
0x1fb: {  	s15 =	rddreg [dreg:$0xf];
	[sflag:s28] =	ssyncadd.s32 $0xFFFFF000  }
0x1fc: {  	[hbm4b:s15+s2] =	stream.linear.scatter [tilespmem:s20], [sflag:$0x7], $0x8000, $0x38;
	[tilespmem:$0x18C00] =	vst v63  }
0x1fd: {  	_ =	swait.ge [sflag:s26], $0x8000  }
0x1fe: {  	[sflag:s26] =	ssyncset.done $0x0  }
0x1ff: {  	[sflag:s26] =	ssyncadd.s32 $0xFFFF8000  }
0x200: {  	_ =	swait.ge [sflag:s31], $0x8000  }
0x201: {  	[sflag:s31] =	ssyncset.done $0x0  }
0x202: {  	[sflag:s31] =	ssyncadd.s32 $0xFFFF8000  }
0x203: {  	_ =	swait.ge [sflag:s24], $0x8000  }
0x204: {  	[sflag:s24] =	ssyncset.done $0x0  }
0x205: {  	[sflag:s24] =	ssyncadd.s32 $0xFFFF8000  }
0x206: {  	_ =	swait.ge [sflag:s9], $0x400  }
0x207: {  	s16 =	rddreg [dreg:$0x13]  }
0x208: {  	s21 =	rddreg [dreg:$0x10];
	s1 =	sadd.s32 $0x1, s16  }
0x209: {  	p0 =	sne.s32 s1, s21  }
.Ltmp1:
0x20a: {  	_ = 	snop;
	(pc) =	sbr.rel @p0 .LBB2_1-.Ltmp1, $3  }
0x20b: {  	_ =	sdelay $0x1  }
0x20c: {  	s3 =	simm.s32 $0x500;
	[sflag:s9] =	ssyncset.done $0x0  }
0x20d: {  	s4 =	simm.s32 $0x480;
	[sflag:s9] =	ssyncadd.s32 $0xFFFFFC00;
	s16 =	simm.s32 $0x9C00  }
0x20e: {  	_ =	sfence.sel $0x180000  }
0x20f: {  	[bflag:$0x0] =	sbarrier.arrive $0xFFFF  }
0x210: {  	_ =	strace $0x90000047  }
0x211: {  	s0 =	stileid.u32;
	[bflag:$0x2] =	sbarrier.arrive $0xFFFF  }
0x212: {  	p0 =	sne.s32 s0, $0x0;
	s0 =	rddreg [dreg:$0x2]  }
0x213: {  	s0 =	sadd.s32 @!p0 $0x100000, s0  }
0x214: {  	[sflag:s0] =	ssyncadd.tile.s32 @!p0 $0x1;
	_ =	shalt  }
.Lfunc_end2:
_tile_overlayer_lowered:
.L_overlay_start_2:
0x215: {  	(tag) =	ssettag $0x2  }
0x216: {  	s0 =	rddreg [dreg:$0x0];
	s2 =	stileid.u32  }
0x217: {  	s1 =	rddreg [dreg:$0x1];
	p0 =	sne.s32 s2, $0x0  }
0x218: {  	s3 =	rddreg [dreg:$0x2];
	[bflag:$0x3] =	sbarrier.arrive $0xFFFF;
	s2 =	simm.s32 @!p0 $0x1C0A  }
0x219: {  	[timem:s3], [sflag:s2] =	dma.local @!p0 [hbm:s0], s1  }
0x21a: {  	s0 =	simm.s32 @!p0 $0xA  }
0x21b: {  	_ =	swait.ge @!p0 [sflag:s0], s1  }
0x21c: {  	s1 =	ssub.s32 @!p0 $0x0, s1;
	[sflag:s0] =	ssyncset.done @!p0 $0x0  }
0x21d: {  	[sflag:s0] =	ssyncadd.s32 @!p0 s1  }
0x21e: {  	[bflag:$0x3] =	sbarrier.arrive $0xFFFF  }
0x21f: {  	_ =	shalt  }

// kernel: sparse-core-data-format-call.cloned.1.call-start
scs
called_computation_lowered:
.L_overlay_start_0:
0x0: {  	s1 =	sld [smem:$0x3FD9]  }
0x1: {  	s2 =	sld [smem:$0x3FFE];
	_ =	sdelay $0x1  }
0x2: {  	s3 =	srdreg.scid  }
0x3: {  	s0 =	sand.u32 $0x1, s3  }
0x4: {  	s17 =	sshll.u32 s0, $0xA;
	s1 =	sadd.s32 s2, s1  }
0x5: {  	s1 =	sadd.s32 s1, s17  }
0x6: {  	[smem:$0x3FC6] =	sst s1  }
0x7: {  	_ = 	snop  }
0x8: {  	(tm) =	ssettm $0x1  }
0x9: {  	s18 =	sld [smem:$0x3FFB];
	_ =	sdelay $0x3  }
0xa: {  	_ =	strace s18  }
0xb: {  	s1 =	sld [smem:$0x3FFC];
	_ =	sdelay $0x3  }
0xc: {  	_ =	strace s1  }
0xd: {  	s1 =	sld [smem:$0x3FFD];
	_ =	sdelay $0x3  }
0xe: {  	_ =	strace s1  }
0xf: {  	_ =	strace $0x8FFFFFFF  }
0x10: {  	s19 =	sld [smem:$0x3FDB];
	_ =	sdelay $0x1  }
0x11: {  	s20 =	simm.s32 $_scs_section_size  }
0x12: {  	s4 =	simm.s32 $_size__tile_overlayer_lowered;
	s5 =	simm.s32 $_tile_overlayer_lowered  }
0x13: {  	s23 =	simm.s32 $0x1BFF;
	s22 =	sshll.u32 s5, $0x1;
	s1 =	sadd.s32 s20, s19  }
0x14: {  	s6 =	simm.s32 $0x0;
	s21 =	sshll.u32 s4, $0x1;
	s4 =	sadd.s32 s22, s1  }
0x15: {  	[timem:s6], [sflag:s23] =	dma.local [hbm:s4], s21  }
0x16: {  	_ =	swait.ge [sflag:s23], s21  }
0x17: {  	s2 =	ssub.s32 $0x0, s21;
	[sflag:s23] =	ssyncset.done $0x0  }
0x18: {  	[sflag:s23] =	ssyncadd.s32 s2;
	_ =	sdelay $0x1  }
0x19: {  	s24 =	simm.s32 $0x1B8B  }
0x1a: {  	_ =	swait.ge [sflag:s24], $0x1  }
0x1b: {  	[sflag:s24] =	ssyncset.done $0x0  }
0x1c: {  	s26 =	simm.s32 $0x1B8E;
	s25 =	sld [smem:$0x3FFE];
	[sflag:s24] =	ssyncadd.s32 $0xFFFFFFFF  }
0x1d: {  	s27 =	simm.s32 $execute0_lowered;
	[smem:$0x3FD2] =	sst s26  }
0x1e: {  	s4 =	sshll.u32 s27, $0x1;
	_ =	strace $0x80000049;
	[dreg:$0x1] =	wrdreg $0xFFFFFFFF  }
0x1f: {  	s28 =	simm.s32 $_size_execute0_lowered;
	s1 =	sadd.s32 s1, s4;
	[dreg:$0x0] =	wrdreg $0x0  }
0x20: {  	s4 =	sshll.u32 s28, $0x1;
	[dreg:$0x2] =	wrdreg s1  }
0x21: {  	[dreg:$0x3] =	wrdreg s4  }
0x22: {  	[dreg:$0x4] =	wrdreg $0xC0  }
0x23: {  	_ =	task [dreg:s6], $0x5FFFF  }
0x24: {  	[dreg:$0x1] =	wrdreg $0xFFFFFFFF  }
0x25: {  	[dreg:$0x0] =	wrdreg $0x60  }
0x26: {  	[dreg:$0x2] =	wrdreg s25  }
0x27: {  	[dreg:$0x3] =	wrdreg $0x9  }
0x28: {  	_ =	task.clear_ibuf [dreg:s6], $0x4FFFF;
	_ =	strace $0x90000049  }
0x29: {  	s29 =	simm.s32 $0x9;
	_ =	strace $0x8000004B  }
0x2a: {  	_ =	swait.ge [sflag:s29], $0x1  }
0x2b: {  	[sflag:s29] =	ssyncadd.s32 $0xFFFFFFFF  }
0x2c: {  	_ =	strace $0x9000004B  }
0x2d: {  	_ =	sfence  }
0x2e: {  	s30 =	sld [smem:$0x0];
	_ =	sdelay $0x2  }
0x2f: {  	s31 =	sshll.u32 s3, $0xD;
	s3 =	sshrl.u32 s3, $0x2  }
0x30: {  	s2 =	sand.u32 $0x4000, s31;
	s1 =	sadd.s32 s3, s30  }
0x31: {  	s0 =	sor.u32 s2, s0;
	s1 =	sshll.u32 s1, $0x11  }
0x32: {  	s0 =	sor.u32 s1, s0  }
0x33: {  	s0 =	sadd.s32 $0x8F2B, s0  }
0x34: {  	[sflag:s0] =	ssyncadd.remote.s32 $0x1  }
0x35: {  	_ =	sfence.sel $0xFFFF  }
0x36: {  	[dreg:$0x0] =	wrdreg $0xFFFFFFFF;
	(pc) =	sbr.abs _section_cstart, $3  }
0x37: {  	[dreg:$0x1] =	wrdreg $0xFFFFFFFF  }
0x38: {  	_ =	task.clear_ibuf [dreg:s6], $0x2FFFF;
	_ =	strace $0x9FFFFFFF  }
0x39: {  	(tm) =	ssettm $0x7FFFFFFF  }
tec
execute0_lowered:
.L_overlay_start_1:
0x0: {  	(tag) =	ssettag $0x1  }
0x1: {  	s4 =	rddreg [dreg:$0x0]  }
0x2: {  	s0 =	rddreg [dreg:$0x1];
	_ =	strace $0x8000004A;
	s3 =	srdreg.scid  }
0x3: {  	s1 =	stileid.u32;
	s6 =	simm.s32 $0x2;
	s12 =	simm.s32 $0x0  }
0x4: {  	p0 =	por $0x0, $0x0;
	s7 =	simm.s32 $0x4000;
	s13 =	simm.s32 $0x0  }
.Ltmp0:
0x5: {  	s14 =	simm.s32 $0x0;
	s9 =	simm.s32 $0x0;
	(pc) =	sbr.rel .LBB1_1-.Ltmp0, $4  }
0x6: {  	s11 =	simm.s32 $0x0;
	s8 =	simm.s32 $0x0;
	s5 =	sshll.u32 s3, $0x4  }
0x7: {  	s2 =	sadd.s32 $0x800, s4;
	s3 =	simm.s32 $0x1;
	s5 =	sand.u32 $0x10, s5  }
0x8: {  	s4 =	sadd.s32 $0x3200800, s4;
	[sflag:s3] =	ssyncpa.u1 $0x0;
	s5 =	sor.u32 s1, s5  }
0x9: {  	[sflag:s6] =	ssyncpa.u1 $0x0;
	s6 =	simm.s32 $0x80;
	s10 =	smov.u32 s5  }
.LBB1_7:
0xa: {  	s15 =	sadd.s32 $0x4, s9  }
0xb: {  	s12 =	sadd.s32 $0x20, s10;
	s16 =	smov.u32 s10;
	p2 =	sgt.s32 s15, $0x7  }
0xc: {  	s16 =	smov.u32 @p2 s12  }
0xd: {  	s12 =	simm.s32 $0x1;
	p3 =	sgt.s32 s16, $0x7F  }
0xe: {  	s12 =	simm.s32 @!p3 $0x0  }
0xf: {  	p1 =	slt.u32 s8, $0x2;
	s18 =	sadd.s32 s12, s11  }
0x10: {  	s8 =	sadd.s32 $0x1, s8;
	s15 =	simm.s32 @p2 $0x0;
	p2 =	sgt.s32 s18, $0x18  }
0x11: {  	s18 =	simm.s32 @p2 $0x0;
	p2 =	sne.s32 s8, $0xCA  }
.Ltmp1:
0x12: {  	s17 =	simm.s32 @!p1 $0x2;
	(pc) =	sbr.rel @!p2 .LBB1_8-.Ltmp1, $4  }
0x13: {  	s13 =	smov.u32 s10;
	_ =	swait.ge @!p1 [sflag:s17], $0x4000  }
0x14: {  	s14 =	smov.u32 s11;
	p0 =	por !p0, !p0;
	[sflag:s17] =	ssyncset.done @!p1 $0x0  }
0x15: {  	s16 =	smov.u32 @p3 s5;
	[sflag:s17] =	ssyncadd.s32 @!p1 $0xFFFFC000;
	s12 =	smov.u32 s9  }
0x16: {  	s9 =	smov.u32 s15;
	s10 =	smov.u32 s16;
	s11 =	smov.u32 s18  }
.LBB1_1:
0x17: {  	p1 =	sgt.u32 s8, $0xC7  }
0x18: {  	s15 =	sxor.u32 @!p1 $0xFFFFFFFF, s8;
	s16 =	sshll.u32 @!p1 s11, $0x15  }
0x19: {  	s17 =	sshll.u32 @!p1 s10, $0xE;
	s15 =	sshll.u32 @!p1 s15, $0xE;
	s16 =	sadd.s32 @!p1 s2, s16  }
0x1a: {  	s18 =	sshll.u32 @!p1 s9, $0xB;
	s15 =	sand.u32 @!p1 $0x4000, s15;
	s16 =	sadd.s32 @!p1 s17, s16  }
0x1b: {  	s17 =	simm.s32 @!p1 $0x20;
	s16 =	sadd.s32 @!p1 s18, s16;
	s18 =	simm.s32 @!p1 $0x80  }
0x1c: {  	[tilespmem:s15], [sflag:$0x1] =	stream.strided.gather @!p1 [hbm4b:s16+s17], $0x4000, s18, s17, $0x38;
	[tilespmem:$0x10100] =	vst v63  }
0x1d: {  	p1 =	seq.s32 s8, $0x0  }
0x1e: {  	p2 =	seq.s32 @!p1 s8, $0xC9  }
0x1f: {  	p1 =	por p1, p2  }
.Ltmp2:
0x20: {  	_ = 	snop;
	(pc) =	sbr.rel @p1 .LBB1_7-.Ltmp2, $1  }
0x21: {  	_ =	sdelay $0x3  }
0x22: {  	s15 =	simm.s32 $0x1;
	s17 =	sand.u32 $0x1, s8  }
0x23: {  	_ =	swait.ge [sflag:s3], $0x4000;
	s15 =	simm.s32 @!p0 $0x0;
	s18 =	smul.u32 $0x10200, s17  }
0x24: {  	[sflag:s3] =	ssyncset.done $0x0;
	s16 =	smul.u32 $0x10200, s15  }
0x25: {  	s15 =	sshll.u32 s15, $0xE;
	[sflag:s3] =	ssyncadd.s32 $0xFFFFC000  }
0x26: {  	s17 =	sor.u32 $0x10, s15;
	s31 =	sshrl.u32 s18, $0x2;
	s16 =	sshrl.u32 s16, $0x2  }
0x27: {  	s18 =	simm.s32 $0x0;
	s15 =	sor.u32 $0x8000, s31;
	s16 =	sor.u32 $0x8000, s16  }
.LBB1_3:
0x28: {  	v1 =	vld [tilespmem:s17+$0x0]  }
0x29: {  	v0 =	vld [tilespmem:s17+$0xFFFFFFF0];
	_ =	sdelay $0x2  }
0x2a: {  	s21 =	sadd.s32 $0x0, s16  }
0x2b: {  	s19 =	simm.s32 $0x4;
	s20 =	sadd.s32 $0x20, s17;
	[tilespmem:s21+$0x810 ss:$0x81] =	vst.msk $0xffff, v1  }
.LBB1_4:
0x2c: {  	v1 =	vld [tilespmem:s20+$0x0];
	p1 =	sne.s32 s19, $0x1FC;
	[tilespmem:s21+$0x0 ss:$0x81] =	vst.msk $0xffff, v0;
	s21 =	smov.u32 s19;
	s19 =	sadd.s32 $0x4, s19  }
.Ltmp3:
0x2d: {  	v0 =	vld [tilespmem:s20+$0xFFFFFFF0];
	(pc) =	sbr.rel @p1 .LBB1_4-.Ltmp3, $4  }
0x2e: {  	_ = 	snop  }
0x2f: {  	s21 =	sshra.s32 s21, $0x2  }
0x30: {  	s21 =	sadd.s32 s21, s16  }
0x31: {  	s20 =	sadd.s32 $0x20, s20;
	[tilespmem:s21+$0x810 ss:$0x81] =	vst.msk $0xffff, v1  }
0x32: {  	s18 =	sadd.s32 $0x1, s18  }
0x33: {  	p1 =	sne.s32 s18, $0x4  }
.Ltmp4:
0x34: {  	_ = 	snop;
	(pc) =	sbr.rel @p1 .LBB1_3-.Ltmp4, $2  }
0x35: {  	_ =	sdelay $0x2  }
0x36: {  	[tilespmem:s21+$0x0 ss:$0x81] =	vst.msk $0xffff, v0;
	s16 =	sadd.s32 $0x1020, s16;
	s17 =	sadd.s32 $0x1000, s17  }
.Ltmp5:
0x37: {  	s14 =	sshll.u32 s14, $0x13;
	(pc) =	sbr.rel .LBB1_7-.Ltmp5, $4  }
0x38: {  	s12 =	sshll.u32 s12, $0x10;
	s13 =	sshll.u32 s13, $0x4;
	s14 =	sadd.s32 s4, s14  }
0x39: {  	s13 =	sand.u32 $0x7F0, s13;
	s12 =	sadd.s32 s12, s14  }
0x3a: {  	s12 =	sadd.s32 s13, s12  }
0x3b: {  	[hbm4b:s12+s6] =	stream.strided.scatter [tilespmem:s15], [sflag:$0x2], $0x4000, s7, s6, $0x20;
	[tilespmem:$0x10100] =	vst v63  }
.LBB1_8:
0x3c: {  	_ =	sfence.sel $0x180000  }
0x3d: {  	s2 =	simm.s32 $0x1;
	[bflag:$0x0] =	sbarrier.arrive $0xFFFF  }
0x3e: {  	s31 =	simm.s32 $0x2;
	[sflag:s2] =	ssyncpa.u1 $0x1  }
0x3f: {  	[sflag:s31] =	ssyncpa.u1 $0x1  }
0x40: {  	p0 =	sne.s32 s1, $0x0;
	_ =	strace $0x9000004A  }
0x41: {  	s0 =	sadd.s32 @!p0 $0x100000, s0;
	[bflag:$0x2] =	sbarrier.arrive $0xFFFF  }
0x42: {  	[sflag:s0] =	ssyncadd.tile.s32 @!p0 $0x1;
	_ =	shalt  }
.Lfunc_end1:
_tile_overlayer_lowered:
.L_overlay_start_2:
0x43: {  	(tag) =	ssettag $0x2  }
0x44: {  	s0 =	rddreg [dreg:$0x0];
	s2 =	stileid.u32  }
0x45: {  	s1 =	rddreg [dreg:$0x1];
	p0 =	sne.s32 s2, $0x0  }
0x46: {  	s3 =	rddreg [dreg:$0x2];
	[bflag:$0x3] =	sbarrier.arrive $0xFFFF;
	s2 =	simm.s32 @!p0 $0x1C01  }
0x47: {  	[timem:s3], [sflag:s2] =	dma.local @!p0 [hbm:s0], s1  }
0x48: {  	s0 =	simm.s32 @!p0 $0x1  }
0x49: {  	_ =	swait.ge @!p0 [sflag:s0], s1  }
0x4a: {  	s1 =	ssub.s32 @!p0 $0x0, s1;
	[sflag:s0] =	ssyncset.done @!p0 $0x0  }
0x4b: {  	[sflag:s0] =	ssyncadd.s32 @!p0 s1  }
0x4c: {  	[bflag:$0x3] =	sbarrier.arrive $0xFFFF  }
0x4d: {  	_ =	shalt  }

</sc_bundles>
